<compile_context>
chip_gen: v7x
topology: tpu7x:2x2x1
jax: 0.10.2.dev20260603
libtpu: 0.0.44.dev20260713+nightly
codegen_flags: <defaults>
</compile_context>

<pallas_src>
import functools
from math import pi as PI

import jax
import jax.numpy as jnp
from jax import lax
from jax.experimental import pallas as pl
from jax.experimental.pallas import tpu as pltpu
from jax.experimental.pallas import tpu_sc as plsc

CUTOFF = 10.0
LOG2 = 0.6931471805599453

N = 10000
E = 160000
H = 256
G = 50
GP = 64
FNUM = 256
NC = 4
HH = H // 2

BE = 3200
BN = 2000

NUM_TILES = 16
EP = E // NUM_TILES
KCH = 80
NPAD = 10240
NP = NPAD // NUM_TILES
SB = 32


def _ssp(v):
    return jax.nn.softplus(v) - LOG2


def _filters_body(ea_ref, cf_ref, ew_ref, w1_ref, b1_ref, w2_ref, b2_ref,
                  o0_ref, o1_ref):
    ea = ea_ref[...]
    cf = cf_ref[...]
    c_env = 0.5 * (jnp.cos(ew_ref[...] * (PI / CUTOFF)) + 1.0)
    acc = jnp.zeros((BE, FNUM), jnp.float32)
    for c in range(NC):
        h1 = _ssp(jnp.dot(ea, w1_ref[c], preferred_element_type=jnp.float32)
                  + b1_ref[0, c])
        f = jnp.dot(h1, w2_ref[c], preferred_element_type=jnp.float32) + b2_ref[0, c]
        acc = jnp.where(cf == float(c), f, acc)
    acc = acc * c_env
    o0_ref[...] = acc[:, :HH]
    o1_ref[...] = acc[:, HH:]


def _filters(ea_pad, colors_f, ew_col, w1, b1, w2, b2):
    grid = (E // BE,)
    return pl.pallas_call(
        _filters_body,
        grid=grid,
        in_specs=[
            pl.BlockSpec((BE, GP), lambda i: (i, 0)),
            pl.BlockSpec((BE, 1), lambda i: (i, 0)),
            pl.BlockSpec((BE, 1), lambda i: (i, 0)),
            pl.BlockSpec((NC, GP, FNUM), lambda i: (0, 0, 0)),
            pl.BlockSpec((1, NC, FNUM), lambda i: (0, 0, 0)),
            pl.BlockSpec((NC, FNUM, FNUM), lambda i: (0, 0, 0)),
            pl.BlockSpec((1, NC, FNUM), lambda i: (0, 0, 0)),
        ],
        out_specs=[
            pl.BlockSpec((BE, HH), lambda i: (i, 0)),
            pl.BlockSpec((BE, HH), lambda i: (i, 0)),
        ],
        out_shape=[
            jax.ShapeDtypeStruct((E, HH), jnp.float32),
            jax.ShapeDtypeStruct((E, HH), jnp.float32),
        ],
    )(ea_pad, colors_f, ew_col, w1, b1, w2, b2)


def _lin1_body(x_ref, w_ref, o0_ref, o1_ref):
    h = jnp.dot(x_ref[...], w_ref[...], preferred_element_type=jnp.float32)
    o0_ref[...] = h[:, :HH]
    o1_ref[...] = h[:, HH:]


def _lin1(x, lin1_W):
    return pl.pallas_call(
        _lin1_body,
        grid=(N // BN,),
        in_specs=[
            pl.BlockSpec((BN, H), lambda i: (i, 0)),
            pl.BlockSpec((H, FNUM), lambda i: (0, 0)),
        ],
        out_specs=[
            pl.BlockSpec((BN, HH), lambda i: (i, 0)),
            pl.BlockSpec((BN, HH), lambda i: (i, 0)),
        ],
        out_shape=[
            jax.ShapeDtypeStruct((N, HH), jnp.float32),
            jax.ShapeDtypeStruct((N, HH), jnp.float32),
        ],
    )(x, lin1_W)


def _zero_rows(buf, rows):
    z = jnp.zeros((16,), jnp.float32)

    def zrow(r, carry):
        for c8 in range(HH // 16):
            buf[r, pl.ds(c8 * 16, 16)] = z
        return carry

    lax.fori_loop(0, rows, zrow, 0)


def _msg_half(h_hbm, w_hbm, src_hbm, dst_hbm, agg_hbm,
              srcbufs, dstbufs, hrowss, wrowss, sbuf, acc, semh, semw, sid):
    base = sid * EP
    nch = EP // KCH

    def issue(k, b):
        off = base + k * KCH
        pltpu.sync_copy(src_hbm.at[pl.ds(off, KCH)], srcbufs[b])
        pltpu.sync_copy(dst_hbm.at[pl.ds(off, KCH)], dstbufs[b])
        pltpu.async_copy(h_hbm.at[srcbufs[b]], hrowss[b], semh[b])
        pltpu.async_copy(w_hbm.at[pl.ds(off, KCH)], wrowss[b], semw[b])

    def process(b):
        pltpu.make_async_copy(h_hbm.at[srcbufs[b]], hrowss[b], semh[b]).wait()
        pltpu.make_async_copy(w_hbm.at[pl.ds(0, KCH)], wrowss[b], semw[b]).wait()

        def mrow(r, c2):
            for c8 in range(HH // 16):
                sl = pl.ds(c8 * 16, 16)
                wrowss[b][r, sl] = wrowss[b][r, sl] * hrowss[b][r, sl]
            return c2

        lax.fori_loop(0, KCH, mrow, 0)
        pltpu.sync_copy(wrowss[b], acc.at[dstbufs[b]], add=True)

    issue(0, 0)
    issue(1, 1)

    def pair(k2, carry):
        k = k2 * 2
        for b in range(2):
            process(b)

            @pl.when(k + 2 + b < nch)
            def _(b=b):
                issue(k + 2 + b, b)
        return carry

    lax.fori_loop(0, nch // 2, pair, 0)
    if nch % 2 == 1:
        process(0)
    plsc.subcore_barrier()
    for r in range(NP // SB):
        sl = pl.ds(sid * NP + r * SB, SB)
        cp = pltpu.async_copy(acc.at[sl], sbuf, semh[0])
        cp.wait()
        pltpu.sync_copy(sbuf, agg_hbm.at[sl])


def _msg_kernel_body(h0, h1, w0, w1, src_hbm, dst_hbm, agg0, agg1,
                     srcbuf0, srcbuf1, dstbuf0, dstbuf1,
                     hrows0, hrows1, wrows0, wrows1, sbuf, acc,
                     semh0, semh1, semw0, semw1):
    cid = lax.axis_index("c")
    sid = lax.axis_index("s")
    z = jnp.zeros((16,), jnp.float32)

    def zrow(r, carry):
        for c8 in range(HH // 16):
            sbuf[r, pl.ds(c8 * 16, 16)] = z
        return carry

    lax.fori_loop(0, SB, zrow, 0)
    for r in range(NP // SB):
        pltpu.sync_copy(sbuf, acc.at[pl.ds(sid * NP + r * SB, SB)])
    plsc.subcore_barrier()

    srcbufs = (srcbuf0, srcbuf1)
    dstbufs = (dstbuf0, dstbuf1)
    hrowss = (hrows0, hrows1)
    wrowss = (wrows0, wrows1)
    semh = (semh0, semh1)
    semw = (semw0, semw1)

    @pl.when(cid == 0)
    def _():
        _msg_half(h0, w0, src_hbm, dst_hbm, agg0,
                  srcbufs, dstbufs, hrowss, wrowss, sbuf, acc, semh, semw, sid)

    @pl.when(cid == 1)
    def _():
        _msg_half(h1, w1, src_hbm, dst_hbm, agg1,
                  srcbufs, dstbufs, hrowss, wrowss, sbuf, acc, semh, semw, sid)


def _msg_agg(h0, h1, w0, w1, src, dst):
    mesh = plsc.VectorSubcoreMesh(core_axis_name="c", subcore_axis_name="s", num_cores=2, num_subcores=16)
    f = pl.kernel(
        _msg_kernel_body,
        out_type=[
            jax.ShapeDtypeStruct((NPAD, HH), jnp.float32),
            jax.ShapeDtypeStruct((NPAD, HH), jnp.float32),
        ],
        mesh=mesh,
        scratch_types=[
            pltpu.VMEM((KCH,), jnp.int32),
            pltpu.VMEM((KCH,), jnp.int32),
            pltpu.VMEM((KCH,), jnp.int32),
            pltpu.VMEM((KCH,), jnp.int32),
            pltpu.VMEM((KCH, HH), jnp.float32),
            pltpu.VMEM((KCH, HH), jnp.float32),
            pltpu.VMEM((KCH, HH), jnp.float32),
            pltpu.VMEM((KCH, HH), jnp.float32),
            pltpu.VMEM((SB, HH), jnp.float32),
            pltpu.VMEM_SHARED((NPAD, HH), jnp.float32),
            pltpu.SemaphoreType.DMA,
            pltpu.SemaphoreType.DMA,
            pltpu.SemaphoreType.DMA,
            pltpu.SemaphoreType.DMA,
        ],
    )
    return f(h0, h1, w0, w1, src, dst)


def _tail_body(a0_ref, a1_ref, w2a_ref, w2b_ref, b2_ref, w_ref, b_ref, o_ref):
    t = (jnp.dot(a0_ref[...], w2a_ref[...], preferred_element_type=jnp.float32)
         + jnp.dot(a1_ref[...], w2b_ref[...], preferred_element_type=jnp.float32)
         + b2_ref[...])
    t = _ssp(t)
    o_ref[...] = jnp.dot(t, w_ref[...], preferred_element_type=jnp.float32) + b_ref[...]


def _tail(a0, a1, lin2_Wa, lin2_Wb, lin2_b, lin_W, lin_b):
    return pl.pallas_call(
        _tail_body,
        grid=(N // BN,),
        in_specs=[
            pl.BlockSpec((BN, HH), lambda i: (i, 0)),
            pl.BlockSpec((BN, HH), lambda i: (i, 0)),
            pl.BlockSpec((HH, H), lambda i: (0, 0)),
            pl.BlockSpec((HH, H), lambda i: (0, 0)),
            pl.BlockSpec((1, H), lambda i: (0, 0)),
            pl.BlockSpec((H, H), lambda i: (0, 0)),
            pl.BlockSpec((1, H), lambda i: (0, 0)),
        ],
        out_specs=pl.BlockSpec((BN, H), lambda i: (i, 0)),
        out_shape=jax.ShapeDtypeStruct((N, H), jnp.float32),
    )(a0, a1, lin2_Wa, lin2_Wb, lin2_b, lin_W, lin_b)


def kernel(x, edge_index, edge_weight, edge_attr, colors,
           mlp_W1, mlp_b1, mlp_W2, mlp_b2,
           lin1_W, lin2_W, lin2_b, lin_W, lin_b):
    assert x.shape == (N, H) and edge_attr.shape == (E, G)
    src = edge_index[0]
    dst = edge_index[1]
    ea_pad = jnp.pad(edge_attr, ((0, 0), (0, GP - G)))
    w1_pad = jnp.pad(mlp_W1, ((0, 0), (0, GP - G), (0, 0)))
    colors_f = colors.astype(jnp.float32)[:, None]
    ew_col = edge_weight[:, None]

    w0, wf1 = _filters(ea_pad, colors_f, ew_col,
                       w1_pad, mlp_b1[None], mlp_W2, mlp_b2[None])
    h0, h1 = _lin1(x, lin1_W)
    a0, a1 = _msg_agg(h0, h1, w0, wf1, src, dst)
    out = _tail(a0, a1, lin2_W[:HH], lin2_W[HH:], lin2_b[None],
                lin_W, lin_b[None])
    return out

# --- scband reference (transcript-rebuilt; emitter-appended) ---
"""Pipeline reference for scband-interaction-block-1451698946131 (READ-ONLY COPY).

The authoritative reference and input builder live on the scoring server;
editing this copy changes nothing except your own understanding.
"""

import jax, jax.numpy as jnp
import numpy as np
from math import pi as PI

N = 10000
E = 160000
H = 256      # hidden_channels
G = 50       # num_gaussians
FNUM = 256   # num_filters
NC = 4       # number of colors
CUTOFF = 10.0


def shifted_softplus(v):
    return jax.nn.softplus(v) - jnp.log(2.0)


def setup_inputs(seed: int = 0) -> dict:
    key = jax.random.key(seed)
    ks = jax.random.split(key, 12)
    x = jax.random.normal(ks[0], (N, H), dtype=jnp.float32)
    edge_index = jax.random.randint(ks[1], (2, E), 0, N, dtype=jnp.int32)
    edge_weight = jax.random.uniform(ks[2], (E,), dtype=jnp.float32)
    edge_attr = jax.random.normal(ks[3], (E, G), dtype=jnp.float32)
    colors = jax.random.randint(ks[4], (E,), 0, NC, dtype=jnp.int32)
    # ColoredMLP params: one 2-layer MLP per color, stacked on leading axis
    mlp_W1 = jax.random.normal(ks[5], (NC, G, FNUM), dtype=jnp.float32) * (1.0 / np.sqrt(G))
    mlp_b1 = jnp.zeros((NC, FNUM), dtype=jnp.float32)
    mlp_W2 = jax.random.normal(ks[6], (NC, FNUM, FNUM), dtype=jnp.float32) * (1.0 / np.sqrt(FNUM))
    mlp_b2 = jnp.zeros((NC, FNUM), dtype=jnp.float32)
    # CFConv linear layers (stored as (in, out) so forward is v @ W)
    lin1_W = jax.random.normal(ks[7], (H, FNUM), dtype=jnp.float32) * (1.0 / np.sqrt(H))
    lin2_W = jax.random.normal(ks[8], (FNUM, H), dtype=jnp.float32) * (1.0 / np.sqrt(FNUM))
    lin2_b = jnp.zeros((H,), dtype=jnp.float32)
    # final InteractionBlock linear
    lin_W = jax.random.normal(ks[9], (H, H), dtype=jnp.float32) * (1.0 / np.sqrt(H))
    lin_b = jnp.zeros((H,), dtype=jnp.float32)
    return {
        "x": x, "edge_index": edge_index, "edge_weight": edge_weight,
        "edge_attr": edge_attr, "colors": colors,
        "mlp_W1": mlp_W1, "mlp_b1": mlp_b1, "mlp_W2": mlp_W2, "mlp_b2": mlp_b2,
        "lin1_W": lin1_W, "lin2_W": lin2_W, "lin2_b": lin2_b,
        "lin_W": lin_W, "lin_b": lin_b,
    }


def reference(x, edge_index, edge_weight, edge_attr, colors,
              mlp_W1, mlp_b1, mlp_W2, mlp_b2,
              lin1_W, lin2_W, lin2_b, lin_W, lin_b):
    # --- CFConv.forward ---
    C = 0.5 * (jnp.cos(edge_weight * PI / CUTOFF) + 1.0)
    # ColoredMLP: per-color 2-layer MLP with ShiftedSoftplus; select by color mask
    Wfilt = jnp.zeros((edge_attr.shape[0], FNUM), dtype=edge_attr.dtype)
    for i in range(NC):
        h_i = shifted_softplus(edge_attr @ mlp_W1[i] + mlp_b1[i]) @ mlp_W2[i] + mlp_b2[i]
        Wfilt = jnp.where((colors == i)[:, None], h_i, Wfilt)
    Wfilt = Wfilt * C[:, None]
    h = x @ lin1_W  # lin1, no bias
    src = edge_index[0]
    dst = edge_index[1]
    msg = h[src] * Wfilt               # message: x_j * W
    agg = jax.ops.segment_sum(msg, dst, num_segments=x.shape[0])  # aggr='add'
    h = agg @ lin2_W + lin2_b          # lin2
    # --- InteractionBlock tail ---
    h = shifted_softplus(h)
    out = h @ lin_W + lin_b
    return out

if __name__ == "__main__":
    import jax
    _d = setup_inputs()
    print(jax.jit(kernel)(*tuple(_d.values())))

</pallas_src>

<mosaic_0001>
#map = affine_map<(d0, d1) -> (0, 0)>
#map1 = affine_map<(d0, d1) -> (0)>
module attributes {stable_mosaic.version = 14 : i64} {
  func.func @_msg_kernel_body(%arg0: i32, %arg1: i32, %arg2: memref<10000x128xf32, #tpu.memory_space<hbm>>, %arg3: memref<10000x128xf32, #tpu.memory_space<hbm>>, %arg4: memref<160000x128xf32, #tpu.memory_space<hbm>>, %arg5: memref<160000x128xf32, #tpu.memory_space<hbm>>, %arg6: memref<160000xi32, #tpu.memory_space<hbm>>, %arg7: memref<160000xi32, #tpu.memory_space<hbm>>, %arg8: memref<10240x128xf32, #tpu.memory_space<hbm>>, %arg9: memref<10240x128xf32, #tpu.memory_space<hbm>>, %arg10: memref<80xi32, #tpu.memory_space<vmem>>, %arg11: memref<80xi32, #tpu.memory_space<vmem>>, %arg12: memref<80xi32, #tpu.memory_space<vmem>>, %arg13: memref<80xi32, #tpu.memory_space<vmem>>, %arg14: memref<80x128xf32, #tpu.memory_space<vmem>>, %arg15: memref<80x128xf32, #tpu.memory_space<vmem>>, %arg16: memref<80x128xf32, #tpu.memory_space<vmem>>, %arg17: memref<80x128xf32, #tpu.memory_space<vmem>>, %arg18: memref<32x128xf32, #tpu.memory_space<vmem>>, %arg19: memref<10240x128xf32, #tpu.memory_space<vmem_shared>>, %arg20: memref<!tpu.dma_semaphore, #tpu.memory_space<semaphore_mem>>, %arg21: memref<!tpu.dma_semaphore, #tpu.memory_space<semaphore_mem>>, %arg22: memref<!tpu.dma_semaphore, #tpu.memory_space<semaphore_mem>>, %arg23: memref<!tpu.dma_semaphore, #tpu.memory_space<semaphore_mem>>) attributes {dimension_semantics = [#tpu.dimension_semantics<core_parallel>, #tpu.dimension_semantics<subcore_parallel>], iteration_bounds = array<i64: 2, 16>, scalar_prefetch = 0 : i64, scratch_operands = 14 : i64, tpu.core_type = #tpu.core_type<sc_vector_subcore>, window_params = [{transform_indices = #map}, {transform_indices = #map}, {transform_indices = #map}, {transform_indices = #map}, {transform_indices = #map1}, {transform_indices = #map1}, {transform_indices = #map}, {transform_indices = #map}]} {
    %broadcast_in_dim3A = arith.constant 0.000000e+00 : f32
    %broadcast_in_dim3A_0 = vector.broadcast %broadcast_in_dim3A : f32 to vector<16xf32>
    %scan3A = arith.constant 0 : i32
    %scan3A_1 = arith.constant 0 : i32
    %scan3A_2 = arith.constant 32 : i32
    %scan3A_3 = arith.addi %scan3A_1, %scan3A_2 : i32
    %scan3A_4 = arith.constant 1 : i32
    scf.for %scan3A_91 = %scan3A_1 to %scan3A_3 step %scan3A_4  : i32 {
      %swap3A = arith.index_cast %scan3A_91 : i32 to index
      %swap3A_92 = arith.constant 0 : index
      %swap3A_93 = tpu.vector_load %arg18[%swap3A, %swap3A_92] {strides = array<i32>} : memref<32x128xf32, #tpu.memory_space<vmem>>, vector<1x16xf32>,
      %swap3A_94 = vector.shape_cast %swap3A_93 : vector<1x16xf32> to vector<16xf32>
      %swap3A_95 = vector.shape_cast %broadcast_in_dim3A_0 : vector<16xf32> to vector<1x16xf32>
      tpu.vector_store %arg18[%swap3A, %swap3A_92], %swap3A_95 {strides = array<i32>} : memref<32x128xf32, #tpu.memory_space<vmem>>, vector<1x16xf32>,
      %swap3A_96 = arith.index_cast %scan3A_91 : i32 to index
      %swap3A_97 = arith.constant 16 : index
      %swap3A_98 = tpu.vector_load %arg18[%swap3A_96, %swap3A_97] {strides = array<i32>} : memref<32x128xf32, #tpu.memory_space<vmem>>, vector<1x16xf32>,
      %swap3A_99 = vector.shape_cast %swap3A_98 : vector<1x16xf32> to vector<16xf32>
      %swap3A_100 = vector.shape_cast %broadcast_in_dim3A_0 : vector<16xf32> to vector<1x16xf32>
      tpu.vector_store %arg18[%swap3A_96, %swap3A_97], %swap3A_100 {strides = array<i32>} : memref<32x128xf32, #tpu.memory_space<vmem>>, vector<1x16xf32>,
      %swap3A_101 = arith.index_cast %scan3A_91 : i32 to index
      %swap3A_102 = arith.constant 32 : index
      %swap3A_103 = tpu.vector_load %arg18[%swap3A_101, %swap3A_102] {strides = array<i32>} : memref<32x128xf32, #tpu.memory_space<vmem>>, vector<1x16xf32>,
      %swap3A_104 = vector.shape_cast %swap3A_103 : vector<1x16xf32> to vector<16xf32>
      %swap3A_105 = vector.shape_cast %broadcast_in_dim3A_0 : vector<16xf32> to vector<1x16xf32>
      tpu.vector_store %arg18[%swap3A_101, %swap3A_102], %swap3A_105 {strides = array<i32>} : memref<32x128xf32, #tpu.memory_space<vmem>>, vector<1x16xf32>,
      %swap3A_106 = arith.index_cast %scan3A_91 : i32 to index
      %swap3A_107 = arith.constant 48 : index
      %swap3A_108 = tpu.vector_load %arg18[%swap3A_106, %swap3A_107] {strides = array<i32>} : memref<32x128xf32, #tpu.memory_space<vmem>>, vector<1x16xf32>,
      %swap3A_109 = vector.shape_cast %swap3A_108 : vector<1x16xf32> to vector<16xf32>
      %swap3A_110 = vector.shape_cast %broadcast_in_dim3A_0 : vector<16xf32> to vector<1x16xf32>
      tpu.vector_store %arg18[%swap3A_106, %swap3A_107], %swap3A_110 {strides = array<i32>} : memref<32x128xf32, #tpu.memory_space<vmem>>, vector<1x16xf32>,
      %swap3A_111 = arith.index_cast %scan3A_91 : i32 to index
      %swap3A_112 = arith.constant 64 : index
      %swap3A_113 = tpu.vector_load %arg18[%swap3A_111, %swap3A_112] {strides = array<i32>} : memref<32x128xf32, #tpu.memory_space<vmem>>, vector<1x16xf32>,
      %swap3A_114 = vector.shape_cast %swap3A_113 : vector<1x16xf32> to vector<16xf32>
      %swap3A_115 = vector.shape_cast %broadcast_in_dim3A_0 : vector<16xf32> to vector<1x16xf32>
      tpu.vector_store %arg18[%swap3A_111, %swap3A_112], %swap3A_115 {strides = array<i32>} : memref<32x128xf32, #tpu.memory_space<vmem>>, vector<1x16xf32>,
      %swap3A_116 = arith.index_cast %scan3A_91 : i32 to index
      %swap3A_117 = arith.constant 80 : index
      %swap3A_118 = tpu.vector_load %arg18[%swap3A_116, %swap3A_117] {strides = array<i32>} : memref<32x128xf32, #tpu.memory_space<vmem>>, vector<1x16xf32>,
      %swap3A_119 = vector.shape_cast %swap3A_118 : vector<1x16xf32> to vector<16xf32>
      %swap3A_120 = vector.shape_cast %broadcast_in_dim3A_0 : vector<16xf32> to vector<1x16xf32>
      tpu.vector_store %arg18[%swap3A_116, %swap3A_117], %swap3A_120 {strides = array<i32>} : memref<32x128xf32, #tpu.memory_space<vmem>>, vector<1x16xf32>,
      %swap3A_121 = arith.index_cast %scan3A_91 : i32 to index
      %swap3A_122 = arith.constant 96 : index
      %swap3A_123 = tpu.vector_load %arg18[%swap3A_121, %swap3A_122] {strides = array<i32>} : memref<32x128xf32, #tpu.memory_space<vmem>>, vector<1x16xf32>,
      %swap3A_124 = vector.shape_cast %swap3A_123 : vector<1x16xf32> to vector<16xf32>
      %swap3A_125 = vector.shape_cast %broadcast_in_dim3A_0 : vector<16xf32> to vector<1x16xf32>
      tpu.vector_store %arg18[%swap3A_121, %swap3A_122], %swap3A_125 {strides = array<i32>} : memref<32x128xf32, #tpu.memory_space<vmem>>, vector<1x16xf32>,
      %swap3A_126 = arith.index_cast %scan3A_91 : i32 to index
      %swap3A_127 = arith.constant 112 : index
      %swap3A_128 = tpu.vector_load %arg18[%swap3A_126, %swap3A_127] {strides = array<i32>} : memref<32x128xf32, #tpu.memory_space<vmem>>, vector<1x16xf32>,
      %swap3A_129 = vector.shape_cast %swap3A_128 : vector<1x16xf32> to vector<16xf32>
      %swap3A_130 = vector.shape_cast %broadcast_in_dim3A_0 : vector<16xf32> to vector<1x16xf32>
      tpu.vector_store %arg18[%swap3A_126, %swap3A_127], %swap3A_130 {strides = array<i32>} : memref<32x128xf32, #tpu.memory_space<vmem>>, vector<1x16xf32>,
    }
    %scan3A_5 = arith.constant 32 : i32
    %mul3A = arith.constant 640 : i32
    %mul3A_6 = arith.muli %arg1, %mul3A : i32
    %add3A = arith.constant 0 : i32
    %add3A_7 = arith.addi %mul3A_6, %add3A : i32
    "tpu.region"() ({
      %run_scoped3A = tpu.sem_alloc : memref<!tpu.dma_semaphore, #tpu.memory_space<semaphore_mem>>
      %dma_start3A = arith.constant 0 : i32
      %dma_start3A_91 = tpu.memref_slice %arg19[%add3A_7, %dma_start3A] : memref<10240x128xf32, #tpu.memory_space<vmem_shared>> -> memref<32x128xf32, #tpu.memory_space<vmem_shared>>
      %dma_start3A_92 = arith.constant 0 : i32
      %dma_start3A_93 = tpu.memref_slice %arg19[%add3A_7, %dma_start3A_92] : memref<10240x128xf32, #tpu.memory_space<vmem_shared>> -> memref<32x128xf32, #tpu.memory_space<vmem_shared>>
      tpu.enqueue_dma source(%arg18 : memref<32x128xf32, #tpu.memory_space<vmem>>) target(%dma_start3A_93 : memref<32x128xf32, #tpu.memory_space<vmem_shared>>) target_semaphore(%run_scoped3A : memref<!tpu.dma_semaphore, #tpu.memory_space<semaphore_mem>>)
      %dma_wait3A = arith.constant 0 : i32
      %dma_wait3A_94 = tpu.memref_slice %arg19[%add3A_7, %dma_wait3A] : memref<10240x128xf32, #tpu.memory_space<vmem_shared>> -> memref<32x128xf32, #tpu.memory_space<vmem_shared>>
      %dma_wait3A_95 = arith.constant 0 : i32
      %dma_wait3A_96 = tpu.memref_slice %arg19[%add3A_7, %dma_wait3A_95] : memref<10240x128xf32, #tpu.memory_space<vmem_shared>> -> memref<32x128xf32, #tpu.memory_space<vmem_shared>>
      tpu.wait_dma2 semaphore(%run_scoped3A : memref<!tpu.dma_semaphore, #tpu.memory_space<semaphore_mem>>) src(%arg18 : memref<32x128xf32, #tpu.memory_space<vmem>>) dst(%dma_wait3A_96 : memref<32x128xf32, #tpu.memory_space<vmem_shared>>)
      tpu.yield
    }) : () -> ()
    %mul3A_8 = arith.constant 640 : i32
    %mul3A_9 = arith.muli %arg1, %mul3A_8 : i32
    %add3A_10 = arith.constant 32 : i32
    %add3A_11 = arith.addi %mul3A_9, %add3A_10 : i32
    "tpu.region"() ({
      %run_scoped3A = tpu.sem_alloc : memref<!tpu.dma_semaphore, #tpu.memory_space<semaphore_mem>>
      %dma_start3A = arith.constant 0 : i32
      %dma_start3A_91 = tpu.memref_slice %arg19[%add3A_11, %dma_start3A] : memref<10240x128xf32, #tpu.memory_space<vmem_shared>> -> memref<32x128xf32, #tpu.memory_space<vmem_shared>>
      %dma_start3A_92 = arith.constant 0 : i32
      %dma_start3A_93 = tpu.memref_slice %arg19[%add3A_11, %dma_start3A_92] : memref<10240x128xf32, #tpu.memory_space<vmem_shared>> -> memref<32x128xf32, #tpu.memory_space<vmem_shared>>
      tpu.enqueue_dma source(%arg18 : memref<32x128xf32, #tpu.memory_space<vmem>>) target(%dma_start3A_93 : memref<32x128xf32, #tpu.memory_space<vmem_shared>>) target_semaphore(%run_scoped3A : memref<!tpu.dma_semaphore, #tpu.memory_space<semaphore_mem>>)
      %dma_wait3A = arith.constant 0 : i32
      %dma_wait3A_94 = tpu.memref_slice %arg19[%add3A_11, %dma_wait3A] : memref<10240x128xf32, #tpu.memory_space<vmem_shared>> -> memref<32x128xf32, #tpu.memory_space<vmem_shared>>
      %dma_wait3A_95 = arith.constant 0 : i32
      %dma_wait3A_96 = tpu.memref_slice %arg19[%add3A_11, %dma_wait3A_95] : memref<10240x128xf32, #tpu.memory_space<vmem_shared>> -> memref<32x128xf32, #tpu.memory_space<vmem_shared>>
      tpu.wait_dma2 semaphore(%run_scoped3A : memref<!tpu.dma_semaphore, #tpu.memory_space<semaphore_mem>>) src(%arg18 : memref<32x128xf32, #tpu.memory_space<vmem>>) dst(%dma_wait3A_96 : memref<32x128xf32, #tpu.memory_space<vmem_shared>>)
      tpu.yield
    }) : () -> ()
    %mul3A_12 = arith.constant 640 : i32
    %mul3A_13 = arith.muli %arg1, %mul3A_12 : i32
    %add3A_14 = arith.constant 64 : i32
    %add3A_15 = arith.addi %mul3A_13, %add3A_14 : i32
    "tpu.region"() ({
      %run_scoped3A = tpu.sem_alloc : memref<!tpu.dma_semaphore, #tpu.memory_space<semaphore_mem>>
      %dma_start3A = arith.constant 0 : i32
      %dma_start3A_91 = tpu.memref_slice %arg19[%add3A_15, %dma_start3A] : memref<10240x128xf32, #tpu.memory_space<vmem_shared>> -> memref<32x128xf32, #tpu.memory_space<vmem_shared>>
      %dma_start3A_92 = arith.constant 0 : i32
      %dma_start3A_93 = tpu.memref_slice %arg19[%add3A_15, %dma_start3A_92] : memref<10240x128xf32, #tpu.memory_space<vmem_shared>> -> memref<32x128xf32, #tpu.memory_space<vmem_shared>>
      tpu.enqueue_dma source(%arg18 : memref<32x128xf32, #tpu.memory_space<vmem>>) target(%dma_start3A_93 : memref<32x128xf32, #tpu.memory_space<vmem_shared>>) target_semaphore(%run_scoped3A : memref<!tpu.dma_semaphore, #tpu.memory_space<semaphore_mem>>)
      %dma_wait3A = arith.constant 0 : i32
      %dma_wait3A_94 = tpu.memref_slice %arg19[%add3A_15, %dma_wait3A] : memref<10240x128xf32, #tpu.memory_space<vmem_shared>> -> memref<32x128xf32, #tpu.memory_space<vmem_shared>>
      %dma_wait3A_95 = arith.constant 0 : i32
      %dma_wait3A_96 = tpu.memref_slice %arg19[%add3A_15, %dma_wait3A_95] : memref<10240x128xf32, #tpu.memory_space<vmem_shared>> -> memref<32x128xf32, #tpu.memory_space<vmem_shared>>
      tpu.wait_dma2 semaphore(%run_scoped3A : memref<!tpu.dma_semaphore, #tpu.memory_space<semaphore_mem>>) src(%arg18 : memref<32x128xf32, #tpu.memory_space<vmem>>) dst(%dma_wait3A_96 : memref<32x128xf32, #tpu.memory_space<vmem_shared>>)
      tpu.yield
    }) : () -> ()
    %mul3A_16 = arith.constant 640 : i32
    %mul3A_17 = arith.muli %arg1, %mul3A_16 : i32
    %add3A_18 = arith.constant 96 : i32
    %add3A_19 = arith.addi %mul3A_17, %add3A_18 : i32
    "tpu.region"() ({
      %run_scoped3A = tpu.sem_alloc : memref<!tpu.dma_semaphore, #tpu.memory_space<semaphore_mem>>
      %dma_start3A = arith.constant 0 : i32
      %dma_start3A_91 = tpu.memref_slice %arg19[%add3A_19, %dma_start3A] : memref<10240x128xf32, #tpu.memory_space<vmem_shared>> -> memref<32x128xf32, #tpu.memory_space<vmem_shared>>
      %dma_start3A_92 = arith.constant 0 : i32
      %dma_start3A_93 = tpu.memref_slice %arg19[%add3A_19, %dma_start3A_92] : memref<10240x128xf32, #tpu.memory_space<vmem_shared>> -> memref<32x128xf32, #tpu.memory_space<vmem_shared>>
      tpu.enqueue_dma source(%arg18 : memref<32x128xf32, #tpu.memory_space<vmem>>) target(%dma_start3A_93 : memref<32x128xf32, #tpu.memory_space<vmem_shared>>) target_semaphore(%run_scoped3A : memref<!tpu.dma_semaphore, #tpu.memory_space<semaphore_mem>>)
      %dma_wait3A = arith.constant 0 : i32
      %dma_wait3A_94 = tpu.memref_slice %arg19[%add3A_19, %dma_wait3A] : memref<10240x128xf32, #tpu.memory_space<vmem_shared>> -> memref<32x128xf32, #tpu.memory_space<vmem_shared>>
      %dma_wait3A_95 = arith.constant 0 : i32
      %dma_wait3A_96 = tpu.memref_slice %arg19[%add3A_19, %dma_wait3A_95] : memref<10240x128xf32, #tpu.memory_space<vmem_shared>> -> memref<32x128xf32, #tpu.memory_space<vmem_shared>>
      tpu.wait_dma2 semaphore(%run_scoped3A : memref<!tpu.dma_semaphore, #tpu.memory_space<semaphore_mem>>) src(%arg18 : memref<32x128xf32, #tpu.memory_space<vmem>>) dst(%dma_wait3A_96 : memref<32x128xf32, #tpu.memory_space<vmem_shared>>)
      tpu.yield
    }) : () -> ()
    %mul3A_20 = arith.constant 640 : i32
    %mul3A_21 = arith.muli %arg1, %mul3A_20 : i32
    %add3A_22 = arith.constant 128 : i32
    %add3A_23 = arith.addi %mul3A_21, %add3A_22 : i32
    "tpu.region"() ({
      %run_scoped3A = tpu.sem_alloc : memref<!tpu.dma_semaphore, #tpu.memory_space<semaphore_mem>>
      %dma_start3A = arith.constant 0 : i32
      %dma_start3A_91 = tpu.memref_slice %arg19[%add3A_23, %dma_start3A] : memref<10240x128xf32, #tpu.memory_space<vmem_shared>> -> memref<32x128xf32, #tpu.memory_space<vmem_shared>>
      %dma_start3A_92 = arith.constant 0 : i32
      %dma_start3A_93 = tpu.memref_slice %arg19[%add3A_23, %dma_start3A_92] : memref<10240x128xf32, #tpu.memory_space<vmem_shared>> -> memref<32x128xf32, #tpu.memory_space<vmem_shared>>
      tpu.enqueue_dma source(%arg18 : memref<32x128xf32, #tpu.memory_space<vmem>>) target(%dma_start3A_93 : memref<32x128xf32, #tpu.memory_space<vmem_shared>>) target_semaphore(%run_scoped3A : memref<!tpu.dma_semaphore, #tpu.memory_space<semaphore_mem>>)
      %dma_wait3A = arith.constant 0 : i32
      %dma_wait3A_94 = tpu.memref_slice %arg19[%add3A_23, %dma_wait3A] : memref<10240x128xf32, #tpu.memory_space<vmem_shared>> -> memref<32x128xf32, #tpu.memory_space<vmem_shared>>
      %dma_wait3A_95 = arith.constant 0 : i32
      %dma_wait3A_96 = tpu.memref_slice %arg19[%add3A_23, %dma_wait3A_95] : memref<10240x128xf32, #tpu.memory_space<vmem_shared>> -> memref<32x128xf32, #tpu.memory_space<vmem_shared>>
      tpu.wait_dma2 semaphore(%run_scoped3A : memref<!tpu.dma_semaphore, #tpu.memory_space<semaphore_mem>>) src(%arg18 : memref<32x128xf32, #tpu.memory_space<vmem>>) dst(%dma_wait3A_96 : memref<32x128xf32, #tpu.memory_space<vmem_shared>>)
      tpu.yield
    }) : () -> ()
    %mul3A_24 = arith.constant 640 : i32
    %mul3A_25 = arith.muli %arg1, %mul3A_24 : i32
    %add3A_26 = arith.constant 160 : i32
    %add3A_27 = arith.addi %mul3A_25, %add3A_26 : i32
    "tpu.region"() ({
      %run_scoped3A = tpu.sem_alloc : memref<!tpu.dma_semaphore, #tpu.memory_space<semaphore_mem>>
      %dma_start3A = arith.constant 0 : i32
      %dma_start3A_91 = tpu.memref_slice %arg19[%add3A_27, %dma_start3A] : memref<10240x128xf32, #tpu.memory_space<vmem_shared>> -> memref<32x128xf32, #tpu.memory_space<vmem_shared>>
      %dma_start3A_92 = arith.constant 0 : i32
      %dma_start3A_93 = tpu.memref_slice %arg19[%add3A_27, %dma_start3A_92] : memref<10240x128xf32, #tpu.memory_space<vmem_shared>> -> memref<32x128xf32, #tpu.memory_space<vmem_shared>>
      tpu.enqueue_dma source(%arg18 : memref<32x128xf32, #tpu.memory_space<vmem>>) target(%dma_start3A_93 : memref<32x128xf32, #tpu.memory_space<vmem_shared>>) target_semaphore(%run_scoped3A : memref<!tpu.dma_semaphore, #tpu.memory_space<semaphore_mem>>)
      %dma_wait3A = arith.constant 0 : i32
      %dma_wait3A_94 = tpu.memref_slice %arg19[%add3A_27, %dma_wait3A] : memref<10240x128xf32, #tpu.memory_space<vmem_shared>> -> memref<32x128xf32, #tpu.memory_space<vmem_shared>>
      %dma_wait3A_95 = arith.constant 0 : i32
      %dma_wait3A_96 = tpu.memref_slice %arg19[%add3A_27, %dma_wait3A_95] : memref<10240x128xf32, #tpu.memory_space<vmem_shared>> -> memref<32x128xf32, #tpu.memory_space<vmem_shared>>
      tpu.wait_dma2 semaphore(%run_scoped3A : memref<!tpu.dma_semaphore, #tpu.memory_space<semaphore_mem>>) src(%arg18 : memref<32x128xf32, #tpu.memory_space<vmem>>) dst(%dma_wait3A_96 : memref<32x128xf32, #tpu.memory_space<vmem_shared>>)
      tpu.yield
    }) : () -> ()
    %mul3A_28 = arith.constant 640 : i32
    %mul3A_29 = arith.muli %arg1, %mul3A_28 : i32
    %add3A_30 = arith.constant 192 : i32
    %add3A_31 = arith.addi %mul3A_29, %add3A_30 : i32
    "tpu.region"() ({
      %run_scoped3A = tpu.sem_alloc : memref<!tpu.dma_semaphore, #tpu.memory_space<semaphore_mem>>
      %dma_start3A = arith.constant 0 : i32
      %dma_start3A_91 = tpu.memref_slice %arg19[%add3A_31, %dma_start3A] : memref<10240x128xf32, #tpu.memory_space<vmem_shared>> -> memref<32x128xf32, #tpu.memory_space<vmem_shared>>
      %dma_start3A_92 = arith.constant 0 : i32
      %dma_start3A_93 = tpu.memref_slice %arg19[%add3A_31, %dma_start3A_92] : memref<10240x128xf32, #tpu.memory_space<vmem_shared>> -> memref<32x128xf32, #tpu.memory_space<vmem_shared>>
      tpu.enqueue_dma source(%arg18 : memref<32x128xf32, #tpu.memory_space<vmem>>) target(%dma_start3A_93 : memref<32x128xf32, #tpu.memory_space<vmem_shared>>) target_semaphore(%run_scoped3A : memref<!tpu.dma_semaphore, #tpu.memory_space<semaphore_mem>>)
      %dma_wait3A = arith.constant 0 : i32
      %dma_wait3A_94 = tpu.memref_slice %arg19[%add3A_31, %dma_wait3A] : memref<10240x128xf32, #tpu.memory_space<vmem_shared>> -> memref<32x128xf32, #tpu.memory_space<vmem_shared>>
      %dma_wait3A_95 = arith.constant 0 : i32
      %dma_wait3A_96 = tpu.memref_slice %arg19[%add3A_31, %dma_wait3A_95] : memref<10240x128xf32, #tpu.memory_space<vmem_shared>> -> memref<32x128xf32, #tpu.memory_space<vmem_shared>>
      tpu.wait_dma2 semaphore(%run_scoped3A : memref<!tpu.dma_semaphore, #tpu.memory_space<semaphore_mem>>) src(%arg18 : memref<32x128xf32, #tpu.memory_space<vmem>>) dst(%dma_wait3A_96 : memref<32x128xf32, #tpu.memory_space<vmem_shared>>)
      tpu.yield
    }) : () -> ()
    %mul3A_32 = arith.constant 640 : i32
    %mul3A_33 = arith.muli %arg1, %mul3A_32 : i32
    %add3A_34 = arith.constant 224 : i32
    %add3A_35 = arith.addi %mul3A_33, %add3A_34 : i32
    "tpu.region"() ({
      %run_scoped3A = tpu.sem_alloc : memref<!tpu.dma_semaphore, #tpu.memory_space<semaphore_mem>>
      %dma_start3A = arith.constant 0 : i32
      %dma_start3A_91 = tpu.memref_slice %arg19[%add3A_35, %dma_start3A] : memref<10240x128xf32, #tpu.memory_space<vmem_shared>> -> memref<32x128xf32, #tpu.memory_space<vmem_shared>>
      %dma_start3A_92 = arith.constant 0 : i32
      %dma_start3A_93 = tpu.memref_slice %arg19[%add3A_35, %dma_start3A_92] : memref<10240x128xf32, #tpu.memory_space<vmem_shared>> -> memref<32x128xf32, #tpu.memory_space<vmem_shared>>
      tpu.enqueue_dma source(%arg18 : memref<32x128xf32, #tpu.memory_space<vmem>>) target(%dma_start3A_93 : memref<32x128xf32, #tpu.memory_space<vmem_shared>>) target_semaphore(%run_scoped3A : memref<!tpu.dma_semaphore, #tpu.memory_space<semaphore_mem>>)
      %dma_wait3A = arith.constant 0 : i32
      %dma_wait3A_94 = tpu.memref_slice %arg19[%add3A_35, %dma_wait3A] : memref<10240x128xf32, #tpu.memory_space<vmem_shared>> -> memref<32x128xf32, #tpu.memory_space<vmem_shared>>
      %dma_wait3A_95 = arith.constant 0 : i32
      %dma_wait3A_96 = tpu.memref_slice %arg19[%add3A_35, %dma_wait3A_95] : memref<10240x128xf32, #tpu.memory_space<vmem_shared>> -> memref<32x128xf32, #tpu.memory_space<vmem_shared>>
      tpu.wait_dma2 semaphore(%run_scoped3A : memref<!tpu.dma_semaphore, #tpu.memory_space<semaphore_mem>>) src(%arg18 : memref<32x128xf32, #tpu.memory_space<vmem>>) dst(%dma_wait3A_96 : memref<32x128xf32, #tpu.memory_space<vmem_shared>>)
      tpu.yield
    }) : () -> ()
    %mul3A_36 = arith.constant 640 : i32
    %mul3A_37 = arith.muli %arg1, %mul3A_36 : i32
    %add3A_38 = arith.constant 256 : i32
    %add3A_39 = arith.addi %mul3A_37, %add3A_38 : i32
    "tpu.region"() ({
      %run_scoped3A = tpu.sem_alloc : memref<!tpu.dma_semaphore, #tpu.memory_space<semaphore_mem>>
      %dma_start3A = arith.constant 0 : i32
      %dma_start3A_91 = tpu.memref_slice %arg19[%add3A_39, %dma_start3A] : memref<10240x128xf32, #tpu.memory_space<vmem_shared>> -> memref<32x128xf32, #tpu.memory_space<vmem_shared>>
      %dma_start3A_92 = arith.constant 0 : i32
      %dma_start3A_93 = tpu.memref_slice %arg19[%add3A_39, %dma_start3A_92] : memref<10240x128xf32, #tpu.memory_space<vmem_shared>> -> memref<32x128xf32, #tpu.memory_space<vmem_shared>>
      tpu.enqueue_dma source(%arg18 : memref<32x128xf32, #tpu.memory_space<vmem>>) target(%dma_start3A_93 : memref<32x128xf32, #tpu.memory_space<vmem_shared>>) target_semaphore(%run_scoped3A : memref<!tpu.dma_semaphore, #tpu.memory_space<semaphore_mem>>)
      %dma_wait3A = arith.constant 0 : i32
      %dma_wait3A_94 = tpu.memref_slice %arg19[%add3A_39, %dma_wait3A] : memref<10240x128xf32, #tpu.memory_space<vmem_shared>> -> memref<32x128xf32, #tpu.memory_space<vmem_shared>>
      %dma_wait3A_95 = arith.constant 0 : i32
      %dma_wait3A_96 = tpu.memref_slice %arg19[%add3A_39, %dma_wait3A_95] : memref<10240x128xf32, #tpu.memory_space<vmem_shared>> -> memref<32x128xf32, #tpu.memory_space<vmem_shared>>
      tpu.wait_dma2 semaphore(%run_scoped3A : memref<!tpu.dma_semaphore, #tpu.memory_space<semaphore_mem>>) src(%arg18 : memref<32x128xf32, #tpu.memory_space<vmem>>) dst(%dma_wait3A_96 : memref<32x128xf32, #tpu.memory_space<vmem_shared>>)
      tpu.yield
    }) : () -> ()
    %mul3A_40 = arith.constant 640 : i32
    %mul3A_41 = arith.muli %arg1, %mul3A_40 : i32
    %add3A_42 = arith.constant 288 : i32
    %add3A_43 = arith.addi %mul3A_41, %add3A_42 : i32
    "tpu.region"() ({
      %run_scoped3A = tpu.sem_alloc : memref<!tpu.dma_semaphore, #tpu.memory_space<semaphore_mem>>
      %dma_start3A = arith.constant 0 : i32
      %dma_start3A_91 = tpu.memref_slice %arg19[%add3A_43, %dma_start3A] : memref<10240x128xf32, #tpu.memory_space<vmem_shared>> -> memref<32x128xf32, #tpu.memory_space<vmem_shared>>
      %dma_start3A_92 = arith.constant 0 : i32
      %dma_start3A_93 = tpu.memref_slice %arg19[%add3A_43, %dma_start3A_92] : memref<10240x128xf32, #tpu.memory_space<vmem_shared>> -> memref<32x128xf32, #tpu.memory_space<vmem_shared>>
      tpu.enqueue_dma source(%arg18 : memref<32x128xf32, #tpu.memory_space<vmem>>) target(%dma_start3A_93 : memref<32x128xf32, #tpu.memory_space<vmem_shared>>) target_semaphore(%run_scoped3A : memref<!tpu.dma_semaphore, #tpu.memory_space<semaphore_mem>>)
      %dma_wait3A = arith.constant 0 : i32
      %dma_wait3A_94 = tpu.memref_slice %arg19[%add3A_43, %dma_wait3A] : memref<10240x128xf32, #tpu.memory_space<vmem_shared>> -> memref<32x128xf32, #tpu.memory_space<vmem_shared>>
      %dma_wait3A_95 = arith.constant 0 : i32
      %dma_wait3A_96 = tpu.memref_slice %arg19[%add3A_43, %dma_wait3A_95] : memref<10240x128xf32, #tpu.memory_space<vmem_shared>> -> memref<32x128xf32, #tpu.memory_space<vmem_shared>>
      tpu.wait_dma2 semaphore(%run_scoped3A : memref<!tpu.dma_semaphore, #tpu.memory_space<semaphore_mem>>) src(%arg18 : memref<32x128xf32, #tpu.memory_space<vmem>>) dst(%dma_wait3A_96 : memref<32x128xf32, #tpu.memory_space<vmem_shared>>)
      tpu.yield
    }) : () -> ()
    %mul3A_44 = arith.constant 640 : i32
    %mul3A_45 = arith.muli %arg1, %mul3A_44 : i32
    %add3A_46 = arith.constant 320 : i32
    %add3A_47 = arith.addi %mul3A_45, %add3A_46 : i32
    "tpu.region"() ({
      %run_scoped3A = tpu.sem_alloc : memref<!tpu.dma_semaphore, #tpu.memory_space<semaphore_mem>>
      %dma_start3A = arith.constant 0 : i32
      %dma_start3A_91 = tpu.memref_slice %arg19[%add3A_47, %dma_start3A] : memref<10240x128xf32, #tpu.memory_space<vmem_shared>> -> memref<32x128xf32, #tpu.memory_space<vmem_shared>>
      %dma_start3A_92 = arith.constant 0 : i32
      %dma_start3A_93 = tpu.memref_slice %arg19[%add3A_47, %dma_start3A_92] : memref<10240x128xf32, #tpu.memory_space<vmem_shared>> -> memref<32x128xf32, #tpu.memory_space<vmem_shared>>
      tpu.enqueue_dma source(%arg18 : memref<32x128xf32, #tpu.memory_space<vmem>>) target(%dma_start3A_93 : memref<32x128xf32, #tpu.memory_space<vmem_shared>>) target_semaphore(%run_scoped3A : memref<!tpu.dma_semaphore, #tpu.memory_space<semaphore_mem>>)
      %dma_wait3A = arith.constant 0 : i32
      %dma_wait3A_94 = tpu.memref_slice %arg19[%add3A_47, %dma_wait3A] : memref<10240x128xf32, #tpu.memory_space<vmem_shared>> -> memref<32x128xf32, #tpu.memory_space<vmem_shared>>
      %dma_wait3A_95 = arith.constant 0 : i32
      %dma_wait3A_96 = tpu.memref_slice %arg19[%add3A_47, %dma_wait3A_95] : memref<10240x128xf32, #tpu.memory_space<vmem_shared>> -> memref<32x128xf32, #tpu.memory_space<vmem_shared>>
      tpu.wait_dma2 semaphore(%run_scoped3A : memref<!tpu.dma_semaphore, #tpu.memory_space<semaphore_mem>>) src(%arg18 : memref<32x128xf32, #tpu.memory_space<vmem>>) dst(%dma_wait3A_96 : memref<32x128xf32, #tpu.memory_space<vmem_shared>>)
      tpu.yield
    }) : () -> ()
    %mul3A_48 = arith.constant 640 : i32
    %mul3A_49 = arith.muli %arg1, %mul3A_48 : i32
    %add3A_50 = arith.constant 352 : i32
    %add3A_51 = arith.addi %mul3A_49, %add3A_50 : i32
    "tpu.region"() ({
      %run_scoped3A = tpu.sem_alloc : memref<!tpu.dma_semaphore, #tpu.memory_space<semaphore_mem>>
      %dma_start3A = arith.constant 0 : i32
      %dma_start3A_91 = tpu.memref_slice %arg19[%add3A_51, %dma_start3A] : memref<10240x128xf32, #tpu.memory_space<vmem_shared>> -> memref<32x128xf32, #tpu.memory_space<vmem_shared>>
      %dma_start3A_92 = arith.constant 0 : i32
      %dma_start3A_93 = tpu.memref_slice %arg19[%add3A_51, %dma_start3A_92] : memref<10240x128xf32, #tpu.memory_space<vmem_shared>> -> memref<32x128xf32, #tpu.memory_space<vmem_shared>>
      tpu.enqueue_dma source(%arg18 : memref<32x128xf32, #tpu.memory_space<vmem>>) target(%dma_start3A_93 : memref<32x128xf32, #tpu.memory_space<vmem_shared>>) target_semaphore(%run_scoped3A : memref<!tpu.dma_semaphore, #tpu.memory_space<semaphore_mem>>)
      %dma_wait3A = arith.constant 0 : i32
      %dma_wait3A_94 = tpu.memref_slice %arg19[%add3A_51, %dma_wait3A] : memref<10240x128xf32, #tpu.memory_space<vmem_shared>> -> memref<32x128xf32, #tpu.memory_space<vmem_shared>>
      %dma_wait3A_95 = arith.constant 0 : i32
      %dma_wait3A_96 = tpu.memref_slice %arg19[%add3A_51, %dma_wait3A_95] : memref<10240x128xf32, #tpu.memory_space<vmem_shared>> -> memref<32x128xf32, #tpu.memory_space<vmem_shared>>
      tpu.wait_dma2 semaphore(%run_scoped3A : memref<!tpu.dma_semaphore, #tpu.memory_space<semaphore_mem>>) src(%arg18 : memref<32x128xf32, #tpu.memory_space<vmem>>) dst(%dma_wait3A_96 : memref<32x128xf32, #tpu.memory_space<vmem_shared>>)
      tpu.yield
    }) : () -> ()
    %mul3A_52 = arith.constant 640 : i32
    %mul3A_53 = arith.muli %arg1, %mul3A_52 : i32
    %add3A_54 = arith.constant 384 : i32
    %add3A_55 = arith.addi %mul3A_53, %add3A_54 : i32
    "tpu.region"() ({
      %run_scoped3A = tpu.sem_alloc : memref<!tpu.dma_semaphore, #tpu.memory_space<semaphore_mem>>
      %dma_start3A = arith.constant 0 : i32
      %dma_start3A_91 = tpu.memref_slice %arg19[%add3A_55, %dma_start3A] : memref<10240x128xf32, #tpu.memory_space<vmem_shared>> -> memref<32x128xf32, #tpu.memory_space<vmem_shared>>
      %dma_start3A_92 = arith.constant 0 : i32
      %dma_start3A_93 = tpu.memref_slice %arg19[%add3A_55, %dma_start3A_92] : memref<10240x128xf32, #tpu.memory_space<vmem_shared>> -> memref<32x128xf32, #tpu.memory_space<vmem_shared>>
      tpu.enqueue_dma source(%arg18 : memref<32x128xf32, #tpu.memory_space<vmem>>) target(%dma_start3A_93 : memref<32x128xf32, #tpu.memory_space<vmem_shared>>) target_semaphore(%run_scoped3A : memref<!tpu.dma_semaphore, #tpu.memory_space<semaphore_mem>>)
      %dma_wait3A = arith.constant 0 : i32
      %dma_wait3A_94 = tpu.memref_slice %arg19[%add3A_55, %dma_wait3A] : memref<10240x128xf32, #tpu.memory_space<vmem_shared>> -> memref<32x128xf32, #tpu.memory_space<vmem_shared>>
      %dma_wait3A_95 = arith.constant 0 : i32
      %dma_wait3A_96 = tpu.memref_slice %arg19[%add3A_55, %dma_wait3A_95] : memref<10240x128xf32, #tpu.memory_space<vmem_shared>> -> memref<32x128xf32, #tpu.memory_space<vmem_shared>>
      tpu.wait_dma2 semaphore(%run_scoped3A : memref<!tpu.dma_semaphore, #tpu.memory_space<semaphore_mem>>) src(%arg18 : memref<32x128xf32, #tpu.memory_space<vmem>>) dst(%dma_wait3A_96 : memref<32x128xf32, #tpu.memory_space<vmem_shared>>)
      tpu.yield
    }) : () -> ()
    %mul3A_56 = arith.constant 640 : i32
    %mul3A_57 = arith.muli %arg1, %mul3A_56 : i32
    %add3A_58 = arith.constant 416 : i32
    %add3A_59 = arith.addi %mul3A_57, %add3A_58 : i32
    "tpu.region"() ({
      %run_scoped3A = tpu.sem_alloc : memref<!tpu.dma_semaphore, #tpu.memory_space<semaphore_mem>>
      %dma_start3A = arith.constant 0 : i32
      %dma_start3A_91 = tpu.memref_slice %arg19[%add3A_59, %dma_start3A] : memref<10240x128xf32, #tpu.memory_space<vmem_shared>> -> memref<32x128xf32, #tpu.memory_space<vmem_shared>>
      %dma_start3A_92 = arith.constant 0 : i32
      %dma_start3A_93 = tpu.memref_slice %arg19[%add3A_59, %dma_start3A_92] : memref<10240x128xf32, #tpu.memory_space<vmem_shared>> -> memref<32x128xf32, #tpu.memory_space<vmem_shared>>
      tpu.enqueue_dma source(%arg18 : memref<32x128xf32, #tpu.memory_space<vmem>>) target(%dma_start3A_93 : memref<32x128xf32, #tpu.memory_space<vmem_shared>>) target_semaphore(%run_scoped3A : memref<!tpu.dma_semaphore, #tpu.memory_space<semaphore_mem>>)
      %dma_wait3A = arith.constant 0 : i32
      %dma_wait3A_94 = tpu.memref_slice %arg19[%add3A_59, %dma_wait3A] : memref<10240x128xf32, #tpu.memory_space<vmem_shared>> -> memref<32x128xf32, #tpu.memory_space<vmem_shared>>
      %dma_wait3A_95 = arith.constant 0 : i32
      %dma_wait3A_96 = tpu.memref_slice %arg19[%add3A_59, %dma_wait3A_95] : memref<10240x128xf32, #tpu.memory_space<vmem_shared>> -> memref<32x128xf32, #tpu.memory_space<vmem_shared>>
      tpu.wait_dma2 semaphore(%run_scoped3A : memref<!tpu.dma_semaphore, #tpu.memory_space<semaphore_mem>>) src(%arg18 : memref<32x128xf32, #tpu.memory_space<vmem>>) dst(%dma_wait3A_96 : memref<32x128xf32, #tpu.memory_space<vmem_shared>>)
      tpu.yield
    }) : () -> ()
    %mul3A_60 = arith.constant 640 : i32
    %mul3A_61 = arith.muli %arg1, %mul3A_60 : i32
    %add3A_62 = arith.constant 448 : i32
    %add3A_63 = arith.addi %mul3A_61, %add3A_62 : i32
    "tpu.region"() ({
      %run_scoped3A = tpu.sem_alloc : memref<!tpu.dma_semaphore, #tpu.memory_space<semaphore_mem>>
      %dma_start3A = arith.constant 0 : i32
      %dma_start3A_91 = tpu.memref_slice %arg19[%add3A_63, %dma_start3A] : memref<10240x128xf32, #tpu.memory_space<vmem_shared>> -> memref<32x128xf32, #tpu.memory_space<vmem_shared>>
      %dma_start3A_92 = arith.constant 0 : i32
      %dma_start3A_93 = tpu.memref_slice %arg19[%add3A_63, %dma_start3A_92] : memref<10240x128xf32, #tpu.memory_space<vmem_shared>> -> memref<32x128xf32, #tpu.memory_space<vmem_shared>>
      tpu.enqueue_dma source(%arg18 : memref<32x128xf32, #tpu.memory_space<vmem>>) target(%dma_start3A_93 : memref<32x128xf32, #tpu.memory_space<vmem_shared>>) target_semaphore(%run_scoped3A : memref<!tpu.dma_semaphore, #tpu.memory_space<semaphore_mem>>)
      %dma_wait3A = arith.constant 0 : i32
      %dma_wait3A_94 = tpu.memref_slice %arg19[%add3A_63, %dma_wait3A] : memref<10240x128xf32, #tpu.memory_space<vmem_shared>> -> memref<32x128xf32, #tpu.memory_space<vmem_shared>>
      %dma_wait3A_95 = arith.constant 0 : i32
      %dma_wait3A_96 = tpu.memref_slice %arg19[%add3A_63, %dma_wait3A_95] : memref<10240x128xf32, #tpu.memory_space<vmem_shared>> -> memref<32x128xf32, #tpu.memory_space<vmem_shared>>
      tpu.wait_dma2 semaphore(%run_scoped3A : memref<!tpu.dma_semaphore, #tpu.memory_space<semaphore_mem>>) src(%arg18 : memref<32x128xf32, #tpu.memory_space<vmem>>) dst(%dma_wait3A_96 : memref<32x128xf32, #tpu.memory_space<vmem_shared>>)
      tpu.yield
    }) : () -> ()
    %mul3A_64 = arith.constant 640 : i32
    %mul3A_65 = arith.muli %arg1, %mul3A_64 : i32
    %add3A_66 = arith.constant 480 : i32
    %add3A_67 = arith.addi %mul3A_65, %add3A_66 : i32
    "tpu.region"() ({
      %run_scoped3A = tpu.sem_alloc : memref<!tpu.dma_semaphore, #tpu.memory_space<semaphore_mem>>
      %dma_start3A = arith.constant 0 : i32
      %dma_start3A_91 = tpu.memref_slice %arg19[%add3A_67, %dma_start3A] : memref<10240x128xf32, #tpu.memory_space<vmem_shared>> -> memref<32x128xf32, #tpu.memory_space<vmem_shared>>
      %dma_start3A_92 = arith.constant 0 : i32
      %dma_start3A_93 = tpu.memref_slice %arg19[%add3A_67, %dma_start3A_92] : memref<10240x128xf32, #tpu.memory_space<vmem_shared>> -> memref<32x128xf32, #tpu.memory_space<vmem_shared>>
      tpu.enqueue_dma source(%arg18 : memref<32x128xf32, #tpu.memory_space<vmem>>) target(%dma_start3A_93 : memref<32x128xf32, #tpu.memory_space<vmem_shared>>) target_semaphore(%run_scoped3A : memref<!tpu.dma_semaphore, #tpu.memory_space<semaphore_mem>>)
      %dma_wait3A = arith.constant 0 : i32
      %dma_wait3A_94 = tpu.memref_slice %arg19[%add3A_67, %dma_wait3A] : memref<10240x128xf32, #tpu.memory_space<vmem_shared>> -> memref<32x128xf32, #tpu.memory_space<vmem_shared>>
      %dma_wait3A_95 = arith.constant 0 : i32
      %dma_wait3A_96 = tpu.memref_slice %arg19[%add3A_67, %dma_wait3A_95] : memref<10240x128xf32, #tpu.memory_space<vmem_shared>> -> memref<32x128xf32, #tpu.memory_space<vmem_shared>>
      tpu.wait_dma2 semaphore(%run_scoped3A : memref<!tpu.dma_semaphore, #tpu.memory_space<semaphore_mem>>) src(%arg18 : memref<32x128xf32, #tpu.memory_space<vmem>>) dst(%dma_wait3A_96 : memref<32x128xf32, #tpu.memory_space<vmem_shared>>)
      tpu.yield
    }) : () -> ()
    %mul3A_68 = arith.constant 640 : i32
    %mul3A_69 = arith.muli %arg1, %mul3A_68 : i32
    %add3A_70 = arith.constant 512 : i32
    %add3A_71 = arith.addi %mul3A_69, %add3A_70 : i32
    "tpu.region"() ({
      %run_scoped3A = tpu.sem_alloc : memref<!tpu.dma_semaphore, #tpu.memory_space<semaphore_mem>>
      %dma_start3A = arith.constant 0 : i32
      %dma_start3A_91 = tpu.memref_slice %arg19[%add3A_71, %dma_start3A] : memref<10240x128xf32, #tpu.memory_space<vmem_shared>> -> memref<32x128xf32, #tpu.memory_space<vmem_shared>>
      %dma_start3A_92 = arith.constant 0 : i32
      %dma_start3A_93 = tpu.memref_slice %arg19[%add3A_71, %dma_start3A_92] : memref<10240x128xf32, #tpu.memory_space<vmem_shared>> -> memref<32x128xf32, #tpu.memory_space<vmem_shared>>
      tpu.enqueue_dma source(%arg18 : memref<32x128xf32, #tpu.memory_space<vmem>>) target(%dma_start3A_93 : memref<32x128xf32, #tpu.memory_space<vmem_shared>>) target_semaphore(%run_scoped3A : memref<!tpu.dma_semaphore, #tpu.memory_space<semaphore_mem>>)
      %dma_wait3A = arith.constant 0 : i32
      %dma_wait3A_94 = tpu.memref_slice %arg19[%add3A_71, %dma_wait3A] : memref<10240x128xf32, #tpu.memory_space<vmem_shared>> -> memref<32x128xf32, #tpu.memory_space<vmem_shared>>
      %dma_wait3A_95 = arith.constant 0 : i32
      %dma_wait3A_96 = tpu.memref_slice %arg19[%add3A_71, %dma_wait3A_95] : memref<10240x128xf32, #tpu.memory_space<vmem_shared>> -> memref<32x128xf32, #tpu.memory_space<vmem_shared>>
      tpu.wait_dma2 semaphore(%run_scoped3A : memref<!tpu.dma_semaphore, #tpu.memory_space<semaphore_mem>>) src(%arg18 : memref<32x128xf32, #tpu.memory_space<vmem>>) dst(%dma_wait3A_96 : memref<32x128xf32, #tpu.memory_space<vmem_shared>>)
      tpu.yield
    }) : () -> ()
    %mul3A_72 = arith.constant 640 : i32
    %mul3A_73 = arith.muli %arg1, %mul3A_72 : i32
    %add3A_74 = arith.constant 544 : i32
    %add3A_75 = arith.addi %mul3A_73, %add3A_74 : i32
    "tpu.region"() ({
      %run_scoped3A = tpu.sem_alloc : memref<!tpu.dma_semaphore, #tpu.memory_space<semaphore_mem>>
      %dma_start3A = arith.constant 0 : i32
      %dma_start3A_91 = tpu.memref_slice %arg19[%add3A_75, %dma_start3A] : memref<10240x128xf32, #tpu.memory_space<vmem_shared>> -> memref<32x128xf32, #tpu.memory_space<vmem_shared>>
      %dma_start3A_92 = arith.constant 0 : i32
      %dma_start3A_93 = tpu.memref_slice %arg19[%add3A_75, %dma_start3A_92] : memref<10240x128xf32, #tpu.memory_space<vmem_shared>> -> memref<32x128xf32, #tpu.memory_space<vmem_shared>>
      tpu.enqueue_dma source(%arg18 : memref<32x128xf32, #tpu.memory_space<vmem>>) target(%dma_start3A_93 : memref<32x128xf32, #tpu.memory_space<vmem_shared>>) target_semaphore(%run_scoped3A : memref<!tpu.dma_semaphore, #tpu.memory_space<semaphore_mem>>)
      %dma_wait3A = arith.constant 0 : i32
      %dma_wait3A_94 = tpu.memref_slice %arg19[%add3A_75, %dma_wait3A] : memref<10240x128xf32, #tpu.memory_space<vmem_shared>> -> memref<32x128xf32, #tpu.memory_space<vmem_shared>>
      %dma_wait3A_95 = arith.constant 0 : i32
      %dma_wait3A_96 = tpu.memref_slice %arg19[%add3A_75, %dma_wait3A_95] : memref<10240x128xf32, #tpu.memory_space<vmem_shared>> -> memref<32x128xf32, #tpu.memory_space<vmem_shared>>
      tpu.wait_dma2 semaphore(%run_scoped3A : memref<!tpu.dma_semaphore, #tpu.memory_space<semaphore_mem>>) src(%arg18 : memref<32x128xf32, #tpu.memory_space<vmem>>) dst(%dma_wait3A_96 : memref<32x128xf32, #tpu.memory_space<vmem_shared>>)
      tpu.yield
    }) : () -> ()
    %mul3A_76 = arith.constant 640 : i32
    %mul3A_77 = arith.muli %arg1, %mul3A_76 : i32
    %add3A_78 = arith.constant 576 : i32
    %add3A_79 = arith.addi %mul3A_77, %add3A_78 : i32
    "tpu.region"() ({
      %run_scoped3A = tpu.sem_alloc : memref<!tpu.dma_semaphore, #tpu.memory_space<semaphore_mem>>
      %dma_start3A = arith.constant 0 : i32
      %dma_start3A_91 = tpu.memref_slice %arg19[%add3A_79, %dma_start3A] : memref<10240x128xf32, #tpu.memory_space<vmem_shared>> -> memref<32x128xf32, #tpu.memory_space<vmem_shared>>
      %dma_start3A_92 = arith.constant 0 : i32
      %dma_start3A_93 = tpu.memref_slice %arg19[%add3A_79, %dma_start3A_92] : memref<10240x128xf32, #tpu.memory_space<vmem_shared>> -> memref<32x128xf32, #tpu.memory_space<vmem_shared>>
      tpu.enqueue_dma source(%arg18 : memref<32x128xf32, #tpu.memory_space<vmem>>) target(%dma_start3A_93 : memref<32x128xf32, #tpu.memory_space<vmem_shared>>) target_semaphore(%run_scoped3A : memref<!tpu.dma_semaphore, #tpu.memory_space<semaphore_mem>>)
      %dma_wait3A = arith.constant 0 : i32
      %dma_wait3A_94 = tpu.memref_slice %arg19[%add3A_79, %dma_wait3A] : memref<10240x128xf32, #tpu.memory_space<vmem_shared>> -> memref<32x128xf32, #tpu.memory_space<vmem_shared>>
      %dma_wait3A_95 = arith.constant 0 : i32
      %dma_wait3A_96 = tpu.memref_slice %arg19[%add3A_79, %dma_wait3A_95] : memref<10240x128xf32, #tpu.memory_space<vmem_shared>> -> memref<32x128xf32, #tpu.memory_space<vmem_shared>>
      tpu.wait_dma2 semaphore(%run_scoped3A : memref<!tpu.dma_semaphore, #tpu.memory_space<semaphore_mem>>) src(%arg18 : memref<32x128xf32, #tpu.memory_space<vmem>>) dst(%dma_wait3A_96 : memref<32x128xf32, #tpu.memory_space<vmem_shared>>)
      tpu.yield
    }) : () -> ()
    %mul3A_80 = arith.constant 640 : i32
    %mul3A_81 = arith.muli %arg1, %mul3A_80 : i32
    %add3A_82 = arith.constant 608 : i32
    %add3A_83 = arith.addi %mul3A_81, %add3A_82 : i32
    "tpu.region"() ({
      %run_scoped3A = tpu.sem_alloc : memref<!tpu.dma_semaphore, #tpu.memory_space<semaphore_mem>>
      %dma_start3A = arith.constant 0 : i32
      %dma_start3A_91 = tpu.memref_slice %arg19[%add3A_83, %dma_start3A] : memref<10240x128xf32, #tpu.memory_space<vmem_shared>> -> memref<32x128xf32, #tpu.memory_space<vmem_shared>>
      %dma_start3A_92 = arith.constant 0 : i32
      %dma_start3A_93 = tpu.memref_slice %arg19[%add3A_83, %dma_start3A_92] : memref<10240x128xf32, #tpu.memory_space<vmem_shared>> -> memref<32x128xf32, #tpu.memory_space<vmem_shared>>
      tpu.enqueue_dma source(%arg18 : memref<32x128xf32, #tpu.memory_space<vmem>>) target(%dma_start3A_93 : memref<32x128xf32, #tpu.memory_space<vmem_shared>>) target_semaphore(%run_scoped3A : memref<!tpu.dma_semaphore, #tpu.memory_space<semaphore_mem>>)
      %dma_wait3A = arith.constant 0 : i32
      %dma_wait3A_94 = tpu.memref_slice %arg19[%add3A_83, %dma_wait3A] : memref<10240x128xf32, #tpu.memory_space<vmem_shared>> -> memref<32x128xf32, #tpu.memory_space<vmem_shared>>
      %dma_wait3A_95 = arith.constant 0 : i32
      %dma_wait3A_96 = tpu.memref_slice %arg19[%add3A_83, %dma_wait3A_95] : memref<10240x128xf32, #tpu.memory_space<vmem_shared>> -> memref<32x128xf32, #tpu.memory_space<vmem_shared>>
      tpu.wait_dma2 semaphore(%run_scoped3A : memref<!tpu.dma_semaphore, #tpu.memory_space<semaphore_mem>>) src(%arg18 : memref<32x128xf32, #tpu.memory_space<vmem>>) dst(%dma_wait3A_96 : memref<32x128xf32, #tpu.memory_space<vmem_shared>>)
      tpu.yield
    }) : () -> ()
    %barrier3A = arith.constant 0 : index
    tpu.barrier barrier_id(%barrier3A)
    %eq3A = arith.constant 0 : i32
    %eq3A_84 = arith.cmpi eq, %arg0, %eq3A : i32
    %convert_element_type3A = arith.extui %eq3A_84 : i1 to i32
    %cond3A = arith.constant 0 : i32
    %cond3A_85 = arith.cmpi ne, %convert_element_type3A, %cond3A : i32
    scf.if %cond3A_85 {
      %mul3A_91 = arith.constant 10000 : i32
      %mul3A_92 = arith.muli %arg1, %mul3A_91 : i32
      %add3A_93 = arith.constant 0 : i32
      %add3A_94 = arith.addi %mul3A_92, %add3A_93 : i32
      "tpu.region"() ({
        %run_scoped3A = tpu.sem_alloc : memref<!tpu.dma_semaphore, #tpu.memory_space<semaphore_mem>>
        %dma_start3A_371 = tpu.memref_slice %arg6[%add3A_94] : memref<160000xi32, #tpu.memory_space<hbm>> -> memref<80xi32, #tpu.memory_space<hbm>>
        %dma_start3A_372 = tpu.memref_slice %arg6[%add3A_94] : memref<160000xi32, #tpu.memory_space<hbm>> -> memref<80xi32, #tpu.memory_space<hbm>>
        tpu.enqueue_dma source(%dma_start3A_372 : memref<80xi32, #tpu.memory_space<hbm>>) target(%arg10 : memref<80xi32, #tpu.memory_space<vmem>>) target_semaphore(%run_scoped3A : memref<!tpu.dma_semaphore, #tpu.memory_space<semaphore_mem>>)
        %dma_wait3A_373 = tpu.memref_slice %arg6[%add3A_94] : memref<160000xi32, #tpu.memory_space<hbm>> -> memref<80xi32, #tpu.memory_space<hbm>>
        %dma_wait3A_374 = tpu.memref_slice %arg6[%add3A_94] : memref<160000xi32, #tpu.memory_space<hbm>> -> memref<80xi32, #tpu.memory_space<hbm>>
        tpu.wait_dma2 semaphore(%run_scoped3A : memref<!tpu.dma_semaphore, #tpu.memory_space<semaphore_mem>>) src(%dma_wait3A_374 : memref<80xi32, #tpu.memory_space<hbm>>) dst(%arg10 : memref<80xi32, #tpu.memory_space<vmem>>)
        tpu.yield
      }) : () -> ()
      "tpu.region"() ({
        %run_scoped3A = tpu.sem_alloc : memref<!tpu.dma_semaphore, #tpu.memory_space<semaphore_mem>>
        %dma_start3A_371 = tpu.memref_slice %arg7[%add3A_94] : memref<160000xi32, #tpu.memory_space<hbm>> -> memref<80xi32, #tpu.memory_space<hbm>>
        %dma_start3A_372 = tpu.memref_slice %arg7[%add3A_94] : memref<160000xi32, #tpu.memory_space<hbm>> -> memref<80xi32, #tpu.memory_space<hbm>>
        tpu.enqueue_dma source(%dma_start3A_372 : memref<80xi32, #tpu.memory_space<hbm>>) target(%arg12 : memref<80xi32, #tpu.memory_space<vmem>>) target_semaphore(%run_scoped3A : memref<!tpu.dma_semaphore, #tpu.memory_space<semaphore_mem>>)
        %dma_wait3A_373 = tpu.memref_slice %arg7[%add3A_94] : memref<160000xi32, #tpu.memory_space<hbm>> -> memref<80xi32, #tpu.memory_space<hbm>>
        %dma_wait3A_374 = tpu.memref_slice %arg7[%add3A_94] : memref<160000xi32, #tpu.memory_space<hbm>> -> memref<80xi32, #tpu.memory_space<hbm>>
        tpu.wait_dma2 semaphore(%run_scoped3A : memref<!tpu.dma_semaphore, #tpu.memory_space<semaphore_mem>>) src(%dma_wait3A_374 : memref<80xi32, #tpu.memory_space<hbm>>) dst(%arg12 : memref<80xi32, #tpu.memory_space<vmem>>)
        tpu.yield
      }) : () -> ()
      %dma_start3A = arith.constant 0 : i32
      %dma_start3A_95 = arith.constant 0 : i32
      %dma_start3A_96 = tpu.memref_slice %arg2[%dma_start3A, %dma_start3A_95] : memref<10000x128xf32, #tpu.memory_space<hbm>> -> memref<10000x128xf32, #tpu.memory_space<hbm>>
      tpu.enqueue_indirect_dma source(%dma_start3A_96 : memref<10000x128xf32, #tpu.memory_space<hbm>>) target(%arg14 : memref<80x128xf32, #tpu.memory_space<vmem>>) offsets(%arg10 : memref<80xi32, #tpu.memory_space<vmem>>) semaphore(%arg20 : memref<!tpu.dma_semaphore, #tpu.memory_space<semaphore_mem>>)
      %dma_start3A_97 = arith.constant 0 : i32
      %dma_start3A_98 = tpu.memref_slice %arg4[%add3A_94, %dma_start3A_97] : memref<160000x128xf32, #tpu.memory_space<hbm>> -> memref<80x128xf32, #tpu.memory_space<hbm>>
      %dma_start3A_99 = arith.constant 0 : i32
      %dma_start3A_100 = tpu.memref_slice %arg4[%add3A_94, %dma_start3A_99] : memref<160000x128xf32, #tpu.memory_space<hbm>> -> memref<80x128xf32, #tpu.memory_space<hbm>>
      tpu.enqueue_dma source(%dma_start3A_100 : memref<80x128xf32, #tpu.memory_space<hbm>>) target(%arg16 : memref<80x128xf32, #tpu.memory_space<vmem>>) target_semaphore(%arg22 : memref<!tpu.dma_semaphore, #tpu.memory_space<semaphore_mem>>)
      %add3A_101 = arith.constant 80 : i32
      %add3A_102 = arith.addi %mul3A_92, %add3A_101 : i32
      "tpu.region"() ({
        %run_scoped3A = tpu.sem_alloc : memref<!tpu.dma_semaphore, #tpu.memory_space<semaphore_mem>>
        %dma_start3A_371 = tpu.memref_slice %arg6[%add3A_102] : memref<160000xi32, #tpu.memory_space<hbm>> -> memref<80xi32, #tpu.memory_space<hbm>>
        %dma_start3A_372 = tpu.memref_slice %arg6[%add3A_102] : memref<160000xi32, #tpu.memory_space<hbm>> -> memref<80xi32, #tpu.memory_space<hbm>>
        tpu.enqueue_dma source(%dma_start3A_372 : memref<80xi32, #tpu.memory_space<hbm>>) target(%arg11 : memref<80xi32, #tpu.memory_space<vmem>>) target_semaphore(%run_scoped3A : memref<!tpu.dma_semaphore, #tpu.memory_space<semaphore_mem>>)
        %dma_wait3A_373 = tpu.memref_slice %arg6[%add3A_102] : memref<160000xi32, #tpu.memory_space<hbm>> -> memref<80xi32, #tpu.memory_space<hbm>>
        %dma_wait3A_374 = tpu.memref_slice %arg6[%add3A_102] : memref<160000xi32, #tpu.memory_space<hbm>> -> memref<80xi32, #tpu.memory_space<hbm>>
        tpu.wait_dma2 semaphore(%run_scoped3A : memref<!tpu.dma_semaphore, #tpu.memory_space<semaphore_mem>>) src(%dma_wait3A_374 : memref<80xi32, #tpu.memory_space<hbm>>) dst(%arg11 : memref<80xi32, #tpu.memory_space<vmem>>)
        tpu.yield
      }) : () -> ()
      "tpu.region"() ({
        %run_scoped3A = tpu.sem_alloc : memref<!tpu.dma_semaphore, #tpu.memory_space<semaphore_mem>>
        %dma_start3A_371 = tpu.memref_slice %arg7[%add3A_102] : memref<160000xi32, #tpu.memory_space<hbm>> -> memref<80xi32, #tpu.memory_space<hbm>>
        %dma_start3A_372 = tpu.memref_slice %arg7[%add3A_102] : memref<160000xi32, #tpu.memory_space<hbm>> -> memref<80xi32, #tpu.memory_space<hbm>>
        tpu.enqueue_dma source(%dma_start3A_372 : memref<80xi32, #tpu.memory_space<hbm>>) target(%arg13 : memref<80xi32, #tpu.memory_space<vmem>>) target_semaphore(%run_scoped3A : memref<!tpu.dma_semaphore, #tpu.memory_space<semaphore_mem>>)
        %dma_wait3A_373 = tpu.memref_slice %arg7[%add3A_102] : memref<160000xi32, #tpu.memory_space<hbm>> -> memref<80xi32, #tpu.memory_space<hbm>>
        %dma_wait3A_374 = tpu.memref_slice %arg7[%add3A_102] : memref<160000xi32, #tpu.memory_space<hbm>> -> memref<80xi32, #tpu.memory_space<hbm>>
        tpu.wait_dma2 semaphore(%run_scoped3A : memref<!tpu.dma_semaphore, #tpu.memory_space<semaphore_mem>>) src(%dma_wait3A_374 : memref<80xi32, #tpu.memory_space<hbm>>) dst(%arg13 : memref<80xi32, #tpu.memory_space<vmem>>)
        tpu.yield
      }) : () -> ()
      %dma_start3A_103 = arith.constant 0 : i32
      %dma_start3A_104 = arith.constant 0 : i32
      %dma_start3A_105 = tpu.memref_slice %arg2[%dma_start3A_103, %dma_start3A_104] : memref<10000x128xf32, #tpu.memory_space<hbm>> -> memref<10000x128xf32, #tpu.memory_space<hbm>>
      tpu.enqueue_indirect_dma source(%dma_start3A_105 : memref<10000x128xf32, #tpu.memory_space<hbm>>) target(%arg15 : memref<80x128xf32, #tpu.memory_space<vmem>>) offsets(%arg11 : memref<80xi32, #tpu.memory_space<vmem>>) semaphore(%arg21 : memref<!tpu.dma_semaphore, #tpu.memory_space<semaphore_mem>>)
      %dma_start3A_106 = arith.constant 0 : i32
      %dma_start3A_107 = tpu.memref_slice %arg4[%add3A_102, %dma_start3A_106] : memref<160000x128xf32, #tpu.memory_space<hbm>> -> memref<80x128xf32, #tpu.memory_space<hbm>>
      %dma_start3A_108 = arith.constant 0 : i32
      %dma_start3A_109 = tpu.memref_slice %arg4[%add3A_102, %dma_start3A_108] : memref<160000x128xf32, #tpu.memory_space<hbm>> -> memref<80x128xf32, #tpu.memory_space<hbm>>
      tpu.enqueue_dma source(%dma_start3A_109 : memref<80x128xf32, #tpu.memory_space<hbm>>) target(%arg17 : memref<80x128xf32, #tpu.memory_space<vmem>>) target_semaphore(%arg23 : memref<!tpu.dma_semaphore, #tpu.memory_space<semaphore_mem>>)
      %scan3A_110 = arith.constant 0 : i32
      %scan3A_111 = arith.constant 0 : i32
      %scan3A_112 = arith.constant 62 : i32
      %scan3A_113 = arith.addi %scan3A_111, %scan3A_112 : i32
      %scan3A_114 = arith.constant 1 : i32
      scf.for %scan3A_371 = %scan3A_111 to %scan3A_113 step %scan3A_114  : i32 {
        %mul3A_372 = arith.constant 2 : i32
        %mul3A_373 = arith.muli %scan3A_371, %mul3A_372 : i32
        %dma_wait3A_374 = arith.constant 0 : i32
        %dma_wait3A_375 = arith.constant 0 : i32
        %dma_wait3A_376 = tpu.memref_slice %arg2[%dma_wait3A_374, %dma_wait3A_375] : memref<10000x128xf32, #tpu.memory_space<hbm>> -> memref<10000x128xf32, #tpu.memory_space<hbm>>
        tpu.wait_indirect_dma semaphore(%arg20 : memref<!tpu.dma_semaphore, #tpu.memory_space<semaphore_mem>>) src(%dma_wait3A_376 : memref<10000x128xf32, #tpu.memory_space<hbm>>) dst(%arg14 : memref<80x128xf32, #tpu.memory_space<vmem>>)
        %dma_wait3A_377 = arith.constant 0 : i32
        %dma_wait3A_378 = arith.constant 0 : i32
        %dma_wait3A_379 = tpu.memref_slice %arg4[%dma_wait3A_377, %dma_wait3A_378] : memref<160000x128xf32, #tpu.memory_space<hbm>> -> memref<80x128xf32, #tpu.memory_space<hbm>>
        %dma_wait3A_380 = arith.constant 0 : i32
        %dma_wait3A_381 = arith.constant 0 : i32
        %dma_wait3A_382 = tpu.memref_slice %arg4[%dma_wait3A_380, %dma_wait3A_381] : memref<160000x128xf32, #tpu.memory_space<hbm>> -> memref<80x128xf32, #tpu.memory_space<hbm>>
        tpu.wait_dma2 semaphore(%arg22 : memref<!tpu.dma_semaphore, #tpu.memory_space<semaphore_mem>>) src(%dma_wait3A_382 : memref<80x128xf32, #tpu.memory_space<hbm>>) dst(%arg16 : memref<80x128xf32, #tpu.memory_space<vmem>>)
        %scan3A_383 = arith.constant 0 : i32
        %scan3A_384 = arith.constant 0 : i32
        %scan3A_385 = arith.constant 80 : i32
        %scan3A_386 = arith.addi %scan3A_384, %scan3A_385 : i32
        %scan3A_387 = arith.constant 1 : i32
        scf.for %scan3A_421 = %scan3A_384 to %scan3A_386 step %scan3A_387  : i32 {
          %get3A = arith.index_cast %scan3A_421 : i32 to index
          %get3A_422 = arith.constant 0 : index
          %get3A_423 = tpu.vector_load %arg16[%get3A, %get3A_422] {strides = array<i32>} : memref<80x128xf32, #tpu.memory_space<vmem>>, vector<1x16xf32>,
          %get3A_424 = vector.shape_cast %get3A_423 : vector<1x16xf32> to vector<16xf32>
          %get3A_425 = arith.index_cast %scan3A_421 : i32 to index
          %get3A_426 = arith.constant 0 : index
          %get3A_427 = tpu.vector_load %arg14[%get3A_425, %get3A_426] {strides = array<i32>} : memref<80x128xf32, #tpu.memory_space<vmem>>, vector<1x16xf32>,
          %get3A_428 = vector.shape_cast %get3A_427 : vector<1x16xf32> to vector<16xf32>
          %mul3A_429 = arith.mulf %get3A_424, %get3A_428 : vector<16xf32>
          %swap3A = arith.index_cast %scan3A_421 : i32 to index
          %swap3A_430 = arith.constant 0 : index
          %swap3A_431 = tpu.vector_load %arg16[%swap3A, %swap3A_430] {strides = array<i32>} : memref<80x128xf32, #tpu.memory_space<vmem>>, vector<1x16xf32>,
          %swap3A_432 = vector.shape_cast %swap3A_431 : vector<1x16xf32> to vector<16xf32>
          %swap3A_433 = vector.shape_cast %mul3A_429 : vector<16xf32> to vector<1x16xf32>
          tpu.vector_store %arg16[%swap3A, %swap3A_430], %swap3A_433 {strides = array<i32>} : memref<80x128xf32, #tpu.memory_space<vmem>>, vector<1x16xf32>,
          %get3A_434 = arith.index_cast %scan3A_421 : i32 to index
          %get3A_435 = arith.constant 16 : index
          %get3A_436 = tpu.vector_load %arg16[%get3A_434, %get3A_435] {strides = array<i32>} : memref<80x128xf32, #tpu.memory_space<vmem>>, vector<1x16xf32>,
          %get3A_437 = vector.shape_cast %get3A_436 : vector<1x16xf32> to vector<16xf32>
          %get3A_438 = arith.index_cast %scan3A_421 : i32 to index
          %get3A_439 = arith.constant 16 : index
          %get3A_440 = tpu.vector_load %arg14[%get3A_438, %get3A_439] {strides = array<i32>} : memref<80x128xf32, #tpu.memory_space<vmem>>, vector<1x16xf32>,
          %get3A_441 = vector.shape_cast %get3A_440 : vector<1x16xf32> to vector<16xf32>
          %mul3A_442 = arith.mulf %get3A_437, %get3A_441 : vector<16xf32>
          %swap3A_443 = arith.index_cast %scan3A_421 : i32 to index
          %swap3A_444 = arith.constant 16 : index
          %swap3A_445 = tpu.vector_load %arg16[%swap3A_443, %swap3A_444] {strides = array<i32>} : memref<80x128xf32, #tpu.memory_space<vmem>>, vector<1x16xf32>,
          %swap3A_446 = vector.shape_cast %swap3A_445 : vector<1x16xf32> to vector<16xf32>
          %swap3A_447 = vector.shape_cast %mul3A_442 : vector<16xf32> to vector<1x16xf32>
          tpu.vector_store %arg16[%swap3A_443, %swap3A_444], %swap3A_447 {strides = array<i32>} : memref<80x128xf32, #tpu.memory_space<vmem>>, vector<1x16xf32>,
          %get3A_448 = arith.index_cast %scan3A_421 : i32 to index
          %get3A_449 = arith.constant 32 : index
          %get3A_450 = tpu.vector_load %arg16[%get3A_448, %get3A_449] {strides = array<i32>} : memref<80x128xf32, #tpu.memory_space<vmem>>, vector<1x16xf32>,
          %get3A_451 = vector.shape_cast %get3A_450 : vector<1x16xf32> to vector<16xf32>
          %get3A_452 = arith.index_cast %scan3A_421 : i32 to index
          %get3A_453 = arith.constant 32 : index
          %get3A_454 = tpu.vector_load %arg14[%get3A_452, %get3A_453] {strides = array<i32>} : memref<80x128xf32, #tpu.memory_space<vmem>>, vector<1x16xf32>,
          %get3A_455 = vector.shape_cast %get3A_454 : vector<1x16xf32> to vector<16xf32>
          %mul3A_456 = arith.mulf %get3A_451, %get3A_455 : vector<16xf32>
          %swap3A_457 = arith.index_cast %scan3A_421 : i32 to index
          %swap3A_458 = arith.constant 32 : index
          %swap3A_459 = tpu.vector_load %arg16[%swap3A_457, %swap3A_458] {strides = array<i32>} : memref<80x128xf32, #tpu.memory_space<vmem>>, vector<1x16xf32>,
          %swap3A_460 = vector.shape_cast %swap3A_459 : vector<1x16xf32> to vector<16xf32>
          %swap3A_461 = vector.shape_cast %mul3A_456 : vector<16xf32> to vector<1x16xf32>
          tpu.vector_store %arg16[%swap3A_457, %swap3A_458], %swap3A_461 {strides = array<i32>} : memref<80x128xf32, #tpu.memory_space<vmem>>, vector<1x16xf32>,
          %get3A_462 = arith.index_cast %scan3A_421 : i32 to index
          %get3A_463 = arith.constant 48 : index
          %get3A_464 = tpu.vector_load %arg16[%get3A_462, %get3A_463] {strides = array<i32>} : memref<80x128xf32, #tpu.memory_space<vmem>>, vector<1x16xf32>,
          %get3A_465 = vector.shape_cast %get3A_464 : vector<1x16xf32> to vector<16xf32>
          %get3A_466 = arith.index_cast %scan3A_421 : i32 to index
          %get3A_467 = arith.constant 48 : index
          %get3A_468 = tpu.vector_load %arg14[%get3A_466, %get3A_467] {strides = array<i32>} : memref<80x128xf32, #tpu.memory_space<vmem>>, vector<1x16xf32>,
          %get3A_469 = vector.shape_cast %get3A_468 : vector<1x16xf32> to vector<16xf32>
          %mul3A_470 = arith.mulf %get3A_465, %get3A_469 : vector<16xf32>
          %swap3A_471 = arith.index_cast %scan3A_421 : i32 to index
          %swap3A_472 = arith.constant 48 : index
          %swap3A_473 = tpu.vector_load %arg16[%swap3A_471, %swap3A_472] {strides = array<i32>} : memref<80x128xf32, #tpu.memory_space<vmem>>, vector<1x16xf32>,
          %swap3A_474 = vector.shape_cast %swap3A_473 : vector<1x16xf32> to vector<16xf32>
          %swap3A_475 = vector.shape_cast %mul3A_470 : vector<16xf32> to vector<1x16xf32>
          tpu.vector_store %arg16[%swap3A_471, %swap3A_472], %swap3A_475 {strides = array<i32>} : memref<80x128xf32, #tpu.memory_space<vmem>>, vector<1x16xf32>,
          %get3A_476 = arith.index_cast %scan3A_421 : i32 to index
          %get3A_477 = arith.constant 64 : index
          %get3A_478 = tpu.vector_load %arg16[%get3A_476, %get3A_477] {strides = array<i32>} : memref<80x128xf32, #tpu.memory_space<vmem>>, vector<1x16xf32>,
          %get3A_479 = vector.shape_cast %get3A_478 : vector<1x16xf32> to vector<16xf32>
          %get3A_480 = arith.index_cast %scan3A_421 : i32 to index
          %get3A_481 = arith.constant 64 : index
          %get3A_482 = tpu.vector_load %arg14[%get3A_480, %get3A_481] {strides = array<i32>} : memref<80x128xf32, #tpu.memory_space<vmem>>, vector<1x16xf32>,
          %get3A_483 = vector.shape_cast %get3A_482 : vector<1x16xf32> to vector<16xf32>
          %mul3A_484 = arith.mulf %get3A_479, %get3A_483 : vector<16xf32>
          %swap3A_485 = arith.index_cast %scan3A_421 : i32 to index
          %swap3A_486 = arith.constant 64 : index
          %swap3A_487 = tpu.vector_load %arg16[%swap3A_485, %swap3A_486] {strides = array<i32>} : memref<80x128xf32, #tpu.memory_space<vmem>>, vector<1x16xf32>,
          %swap3A_488 = vector.shape_cast %swap3A_487 : vector<1x16xf32> to vector<16xf32>
          %swap3A_489 = vector.shape_cast %mul3A_484 : vector<16xf32> to vector<1x16xf32>
          tpu.vector_store %arg16[%swap3A_485, %swap3A_486], %swap3A_489 {strides = array<i32>} : memref<80x128xf32, #tpu.memory_space<vmem>>, vector<1x16xf32>,
          %get3A_490 = arith.index_cast %scan3A_421 : i32 to index
          %get3A_491 = arith.constant 80 : index
          %get3A_492 = tpu.vector_load %arg16[%get3A_490, %get3A_491] {strides = array<i32>} : memref<80x128xf32, #tpu.memory_space<vmem>>, vector<1x16xf32>,
          %get3A_493 = vector.shape_cast %get3A_492 : vector<1x16xf32> to vector<16xf32>
          %get3A_494 = arith.index_cast %scan3A_421 : i32 to index
          %get3A_495 = arith.constant 80 : index
          %get3A_496 = tpu.vector_load %arg14[%get3A_494, %get3A_495] {strides = array<i32>} : memref<80x128xf32, #tpu.memory_space<vmem>>, vector<1x16xf32>,
          %get3A_497 = vector.shape_cast %get3A_496 : vector<1x16xf32> to vector<16xf32>
          %mul3A_498 = arith.mulf %get3A_493, %get3A_497 : vector<16xf32>
          %swap3A_499 = arith.index_cast %scan3A_421 : i32 to index
          %swap3A_500 = arith.constant 80 : index
          %swap3A_501 = tpu.vector_load %arg16[%swap3A_499, %swap3A_500] {strides = array<i32>} : memref<80x128xf32, #tpu.memory_space<vmem>>, vector<1x16xf32>,
          %swap3A_502 = vector.shape_cast %swap3A_501 : vector<1x16xf32> to vector<16xf32>
          %swap3A_503 = vector.shape_cast %mul3A_498 : vector<16xf32> to vector<1x16xf32>
          tpu.vector_store %arg16[%swap3A_499, %swap3A_500], %swap3A_503 {strides = array<i32>} : memref<80x128xf32, #tpu.memory_space<vmem>>, vector<1x16xf32>,
          %get3A_504 = arith.index_cast %scan3A_421 : i32 to index
          %get3A_505 = arith.constant 96 : index
          %get3A_506 = tpu.vector_load %arg16[%get3A_504, %get3A_505] {strides = array<i32>} : memref<80x128xf32, #tpu.memory_space<vmem>>, vector<1x16xf32>,
          %get3A_507 = vector.shape_cast %get3A_506 : vector<1x16xf32> to vector<16xf32>
          %get3A_508 = arith.index_cast %scan3A_421 : i32 to index
          %get3A_509 = arith.constant 96 : index
          %get3A_510 = tpu.vector_load %arg14[%get3A_508, %get3A_509] {strides = array<i32>} : memref<80x128xf32, #tpu.memory_space<vmem>>, vector<1x16xf32>,
          %get3A_511 = vector.shape_cast %get3A_510 : vector<1x16xf32> to vector<16xf32>
          %mul3A_512 = arith.mulf %get3A_507, %get3A_511 : vector<16xf32>
          %swap3A_513 = arith.index_cast %scan3A_421 : i32 to index
          %swap3A_514 = arith.constant 96 : index
          %swap3A_515 = tpu.vector_load %arg16[%swap3A_513, %swap3A_514] {strides = array<i32>} : memref<80x128xf32, #tpu.memory_space<vmem>>, vector<1x16xf32>,
          %swap3A_516 = vector.shape_cast %swap3A_515 : vector<1x16xf32> to vector<16xf32>
          %swap3A_517 = vector.shape_cast %mul3A_512 : vector<16xf32> to vector<1x16xf32>
          tpu.vector_store %arg16[%swap3A_513, %swap3A_514], %swap3A_517 {strides = array<i32>} : memref<80x128xf32, #tpu.memory_space<vmem>>, vector<1x16xf32>,
          %get3A_518 = arith.index_cast %scan3A_421 : i32 to index
          %get3A_519 = arith.constant 112 : index
          %get3A_520 = tpu.vector_load %arg16[%get3A_518, %get3A_519] {strides = array<i32>} : memref<80x128xf32, #tpu.memory_space<vmem>>, vector<1x16xf32>,
          %get3A_521 = vector.shape_cast %get3A_520 : vector<1x16xf32> to vector<16xf32>
          %get3A_522 = arith.index_cast %scan3A_421 : i32 to index
          %get3A_523 = arith.constant 112 : index
          %get3A_524 = tpu.vector_load %arg14[%get3A_522, %get3A_523] {strides = array<i32>} : memref<80x128xf32, #tpu.memory_space<vmem>>, vector<1x16xf32>,
          %get3A_525 = vector.shape_cast %get3A_524 : vector<1x16xf32> to vector<16xf32>
          %mul3A_526 = arith.mulf %get3A_521, %get3A_525 : vector<16xf32>
          %swap3A_527 = arith.index_cast %scan3A_421 : i32 to index
          %swap3A_528 = arith.constant 112 : index
          %swap3A_529 = tpu.vector_load %arg16[%swap3A_527, %swap3A_528] {strides = array<i32>} : memref<80x128xf32, #tpu.memory_space<vmem>>, vector<1x16xf32>,
          %swap3A_530 = vector.shape_cast %swap3A_529 : vector<1x16xf32> to vector<16xf32>
          %swap3A_531 = vector.shape_cast %mul3A_526 : vector<16xf32> to vector<1x16xf32>
          tpu.vector_store %arg16[%swap3A_527, %swap3A_528], %swap3A_531 {strides = array<i32>} : memref<80x128xf32, #tpu.memory_space<vmem>>, vector<1x16xf32>,
        }
        %scan3A_388 = arith.constant 80 : i32
        "tpu.region"() ({
          %run_scoped3A = tpu.sem_alloc : memref<!tpu.dma_semaphore, #tpu.memory_space<semaphore_mem>>
          %dma_start3A_421 = arith.constant 0 : i32
          %dma_start3A_422 = arith.constant 0 : i32
          %dma_start3A_423 = tpu.memref_slice %arg19[%dma_start3A_421, %dma_start3A_422] : memref<10240x128xf32, #tpu.memory_space<vmem_shared>> -> memref<10240x128xf32, #tpu.memory_space<vmem_shared>>
          tpu.enqueue_indirect_dma source(%arg16 : memref<80x128xf32, #tpu.memory_space<vmem>>) target(%dma_start3A_423 : memref<10240x128xf32, #tpu.memory_space<vmem_shared>>) offsets(%arg12 : memref<80xi32, #tpu.memory_space<vmem>>) semaphore(%run_scoped3A : memref<!tpu.dma_semaphore, #tpu.memory_space<semaphore_mem>>) {add = true}
          %dma_wait3A_424 = arith.constant 0 : i32
          %dma_wait3A_425 = arith.constant 0 : i32
          %dma_wait3A_426 = tpu.memref_slice %arg19[%dma_wait3A_424, %dma_wait3A_425] : memref<10240x128xf32, #tpu.memory_space<vmem_shared>> -> memref<10240x128xf32, #tpu.memory_space<vmem_shared>>
          tpu.wait_indirect_dma semaphore(%run_scoped3A : memref<!tpu.dma_semaphore, #tpu.memory_space<semaphore_mem>>) src(%arg16 : memref<80x128xf32, #tpu.memory_space<vmem>>) dst(%dma_wait3A_426 : memref<10240x128xf32, #tpu.memory_space<vmem_shared>>)
          tpu.yield
        }) : () -> ()
        %add3A_389 = arith.constant 2 : i32
        %add3A_390 = arith.addi %mul3A_373, %add3A_389 : i32
        %add3A_391 = arith.constant 0 : i32
        %add3A_392 = arith.addi %add3A_390, %add3A_391 : i32
        %lt3A = arith.constant 125 : i32
        %lt3A_393 = arith.cmpi slt, %add3A_392, %lt3A : i32
        %convert_element_type3A_394 = arith.extui %lt3A_393 : i1 to i32
        %cond3A_395 = arith.constant 0 : i32
        %cond3A_396 = arith.cmpi ne, %convert_element_type3A_394, %cond3A_395 : i32
        scf.if %cond3A_396 {
          %add3A_421 = arith.constant 2 : i32
          %add3A_422 = arith.addi %mul3A_373, %add3A_421 : i32
          %add3A_423 = arith.constant 0 : i32
          %add3A_424 = arith.addi %add3A_422, %add3A_423 : i32
          %mul3A_425 = arith.constant 80 : i32
          %mul3A_426 = arith.muli %add3A_424, %mul3A_425 : i32
          %add3A_427 = arith.addi %mul3A_92, %mul3A_426 : i32
          "tpu.region"() ({
            %run_scoped3A = tpu.sem_alloc : memref<!tpu.dma_semaphore, #tpu.memory_space<semaphore_mem>>
            %dma_start3A_435 = tpu.memref_slice %arg6[%add3A_427] : memref<160000xi32, #tpu.memory_space<hbm>> -> memref<80xi32, #tpu.memory_space<hbm>>
            %dma_start3A_436 = tpu.memref_slice %arg6[%add3A_427] : memref<160000xi32, #tpu.memory_space<hbm>> -> memref<80xi32, #tpu.memory_space<hbm>>
            tpu.enqueue_dma source(%dma_start3A_436 : memref<80xi32, #tpu.memory_space<hbm>>) target(%arg10 : memref<80xi32, #tpu.memory_space<vmem>>) target_semaphore(%run_scoped3A : memref<!tpu.dma_semaphore, #tpu.memory_space<semaphore_mem>>)
            %dma_wait3A_437 = tpu.memref_slice %arg6[%add3A_427] : memref<160000xi32, #tpu.memory_space<hbm>> -> memref<80xi32, #tpu.memory_space<hbm>>
            %dma_wait3A_438 = tpu.memref_slice %arg6[%add3A_427] : memref<160000xi32, #tpu.memory_space<hbm>> -> memref<80xi32, #tpu.memory_space<hbm>>
            tpu.wait_dma2 semaphore(%run_scoped3A : memref<!tpu.dma_semaphore, #tpu.memory_space<semaphore_mem>>) src(%dma_wait3A_438 : memref<80xi32, #tpu.memory_space<hbm>>) dst(%arg10 : memref<80xi32, #tpu.memory_space<vmem>>)
            tpu.yield
          }) : () -> ()
          "tpu.region"() ({
            %run_scoped3A = tpu.sem_alloc : memref<!tpu.dma_semaphore, #tpu.memory_space<semaphore_mem>>
            %dma_start3A_435 = tpu.memref_slice %arg7[%add3A_427] : memref<160000xi32, #tpu.memory_space<hbm>> -> memref<80xi32, #tpu.memory_space<hbm>>
            %dma_start3A_436 = tpu.memref_slice %arg7[%add3A_427] : memref<160000xi32, #tpu.memory_space<hbm>> -> memref<80xi32, #tpu.memory_space<hbm>>
            tpu.enqueue_dma source(%dma_start3A_436 : memref<80xi32, #tpu.memory_space<hbm>>) target(%arg12 : memref<80xi32, #tpu.memory_space<vmem>>) target_semaphore(%run_scoped3A : memref<!tpu.dma_semaphore, #tpu.memory_space<semaphore_mem>>)
            %dma_wait3A_437 = tpu.memref_slice %arg7[%add3A_427] : memref<160000xi32, #tpu.memory_space<hbm>> -> memref<80xi32, #tpu.memory_space<hbm>>
            %dma_wait3A_438 = tpu.memref_slice %arg7[%add3A_427] : memref<160000xi32, #tpu.memory_space<hbm>> -> memref<80xi32, #tpu.memory_space<hbm>>
            tpu.wait_dma2 semaphore(%run_scoped3A : memref<!tpu.dma_semaphore, #tpu.memory_space<semaphore_mem>>) src(%dma_wait3A_438 : memref<80xi32, #tpu.memory_space<hbm>>) dst(%arg12 : memref<80xi32, #tpu.memory_space<vmem>>)
            tpu.yield
          }) : () -> ()
          %dma_start3A_428 = arith.constant 0 : i32
          %dma_start3A_429 = arith.constant 0 : i32
          %dma_start3A_430 = tpu.memref_slice %arg2[%dma_start3A_428, %dma_start3A_429] : memref<10000x128xf32, #tpu.memory_space<hbm>> -> memref<10000x128xf32, #tpu.memory_space<hbm>>
          tpu.enqueue_indirect_dma source(%dma_start3A_430 : memref<10000x128xf32, #tpu.memory_space<hbm>>) target(%arg14 : memref<80x128xf32, #tpu.memory_space<vmem>>) offsets(%arg10 : memref<80xi32, #tpu.memory_space<vmem>>) semaphore(%arg20 : memref<!tpu.dma_semaphore, #tpu.memory_space<semaphore_mem>>)
          %dma_start3A_431 = arith.constant 0 : i32
          %dma_start3A_432 = tpu.memref_slice %arg4[%add3A_427, %dma_start3A_431] : memref<160000x128xf32, #tpu.memory_space<hbm>> -> memref<80x128xf32, #tpu.memory_space<hbm>>
          %dma_start3A_433 = arith.constant 0 : i32
          %dma_start3A_434 = tpu.memref_slice %arg4[%add3A_427, %dma_start3A_433] : memref<160000x128xf32, #tpu.memory_space<hbm>> -> memref<80x128xf32, #tpu.memory_space<hbm>>
          tpu.enqueue_dma source(%dma_start3A_434 : memref<80x128xf32, #tpu.memory_space<hbm>>) target(%arg16 : memref<80x128xf32, #tpu.memory_space<vmem>>) target_semaphore(%arg22 : memref<!tpu.dma_semaphore, #tpu.memory_space<semaphore_mem>>)
        } else {
        }
        %dma_wait3A_397 = arith.constant 0 : i32
        %dma_wait3A_398 = arith.constant 0 : i32
        %dma_wait3A_399 = tpu.memref_slice %arg2[%dma_wait3A_397, %dma_wait3A_398] : memref<10000x128xf32, #tpu.memory_space<hbm>> -> memref<10000x128xf32, #tpu.memory_space<hbm>>
        tpu.wait_indirect_dma semaphore(%arg21 : memref<!tpu.dma_semaphore, #tpu.memory_space<semaphore_mem>>) src(%dma_wait3A_399 : memref<10000x128xf32, #tpu.memory_space<hbm>>) dst(%arg15 : memref<80x128xf32, #tpu.memory_space<vmem>>)
        %dma_wait3A_400 = arith.constant 0 : i32
        %dma_wait3A_401 = arith.constant 0 : i32
        %dma_wait3A_402 = tpu.memref_slice %arg4[%dma_wait3A_400, %dma_wait3A_401] : memref<160000x128xf32, #tpu.memory_space<hbm>> -> memref<80x128xf32, #tpu.memory_space<hbm>>
        %dma_wait3A_403 = arith.constant 0 : i32
        %dma_wait3A_404 = arith.constant 0 : i32
        %dma_wait3A_405 = tpu.memref_slice %arg4[%dma_wait3A_403, %dma_wait3A_404] : memref<160000x128xf32, #tpu.memory_space<hbm>> -> memref<80x128xf32, #tpu.memory_space<hbm>>
        tpu.wait_dma2 semaphore(%arg23 : memref<!tpu.dma_semaphore, #tpu.memory_space<semaphore_mem>>) src(%dma_wait3A_405 : memref<80x128xf32, #tpu.memory_space<hbm>>) dst(%arg17 : memref<80x128xf32, #tpu.memory_space<vmem>>)
        %scan3A_406 = arith.constant 0 : i32
        %scan3A_407 = arith.constant 0 : i32
        %scan3A_408 = arith.constant 80 : i32
        %scan3A_409 = arith.addi %scan3A_407, %scan3A_408 : i32
        %scan3A_410 = arith.constant 1 : i32
        scf.for %scan3A_421 = %scan3A_407 to %scan3A_409 step %scan3A_410  : i32 {
          %get3A = arith.index_cast %scan3A_421 : i32 to index
          %get3A_422 = arith.constant 0 : index
          %get3A_423 = tpu.vector_load %arg17[%get3A, %get3A_422] {strides = array<i32>} : memref<80x128xf32, #tpu.memory_space<vmem>>, vector<1x16xf32>,
          %get3A_424 = vector.shape_cast %get3A_423 : vector<1x16xf32> to vector<16xf32>
          %get3A_425 = arith.index_cast %scan3A_421 : i32 to index
          %get3A_426 = arith.constant 0 : index
          %get3A_427 = tpu.vector_load %arg15[%get3A_425, %get3A_426] {strides = array<i32>} : memref<80x128xf32, #tpu.memory_space<vmem>>, vector<1x16xf32>,
          %get3A_428 = vector.shape_cast %get3A_427 : vector<1x16xf32> to vector<16xf32>
          %mul3A_429 = arith.mulf %get3A_424, %get3A_428 : vector<16xf32>
          %swap3A = arith.index_cast %scan3A_421 : i32 to index
          %swap3A_430 = arith.constant 0 : index
          %swap3A_431 = tpu.vector_load %arg17[%swap3A, %swap3A_430] {strides = array<i32>} : memref<80x128xf32, #tpu.memory_space<vmem>>, vector<1x16xf32>,
          %swap3A_432 = vector.shape_cast %swap3A_431 : vector<1x16xf32> to vector<16xf32>
          %swap3A_433 = vector.shape_cast %mul3A_429 : vector<16xf32> to vector<1x16xf32>
          tpu.vector_store %arg17[%swap3A, %swap3A_430], %swap3A_433 {strides = array<i32>} : memref<80x128xf32, #tpu.memory_space<vmem>>, vector<1x16xf32>,
          %get3A_434 = arith.index_cast %scan3A_421 : i32 to index
          %get3A_435 = arith.constant 16 : index
          %get3A_436 = tpu.vector_load %arg17[%get3A_434, %get3A_435] {strides = array<i32>} : memref<80x128xf32, #tpu.memory_space<vmem>>, vector<1x16xf32>,
          %get3A_437 = vector.shape_cast %get3A_436 : vector<1x16xf32> to vector<16xf32>
          %get3A_438 = arith.index_cast %scan3A_421 : i32 to index
          %get3A_439 = arith.constant 16 : index
          %get3A_440 = tpu.vector_load %arg15[%get3A_438, %get3A_439] {strides = array<i32>} : memref<80x128xf32, #tpu.memory_space<vmem>>, vector<1x16xf32>,
          %get3A_441 = vector.shape_cast %get3A_440 : vector<1x16xf32> to vector<16xf32>
          %mul3A_442 = arith.mulf %get3A_437, %get3A_441 : vector<16xf32>
          %swap3A_443 = arith.index_cast %scan3A_421 : i32 to index
          %swap3A_444 = arith.constant 16 : index
          %swap3A_445 = tpu.vector_load %arg17[%swap3A_443, %swap3A_444] {strides = array<i32>} : memref<80x128xf32, #tpu.memory_space<vmem>>, vector<1x16xf32>,
          %swap3A_446 = vector.shape_cast %swap3A_445 : vector<1x16xf32> to vector<16xf32>
          %swap3A_447 = vector.shape_cast %mul3A_442 : vector<16xf32> to vector<1x16xf32>
          tpu.vector_store %arg17[%swap3A_443, %swap3A_444], %swap3A_447 {strides = array<i32>} : memref<80x128xf32, #tpu.memory_space<vmem>>, vector<1x16xf32>,
          %get3A_448 = arith.index_cast %scan3A_421 : i32 to index
          %get3A_449 = arith.constant 32 : index
          %get3A_450 = tpu.vector_load %arg17[%get3A_448, %get3A_449] {strides = array<i32>} : memref<80x128xf32, #tpu.memory_space<vmem>>, vector<1x16xf32>,
          %get3A_451 = vector.shape_cast %get3A_450 : vector<1x16xf32> to vector<16xf32>
          %get3A_452 = arith.index_cast %scan3A_421 : i32 to index
          %get3A_453 = arith.constant 32 : index
          %get3A_454 = tpu.vector_load %arg15[%get3A_452, %get3A_453] {strides = array<i32>} : memref<80x128xf32, #tpu.memory_space<vmem>>, vector<1x16xf32>,
          %get3A_455 = vector.shape_cast %get3A_454 : vector<1x16xf32> to vector<16xf32>
          %mul3A_456 = arith.mulf %get3A_451, %get3A_455 : vector<16xf32>
          %swap3A_457 = arith.index_cast %scan3A_421 : i32 to index
          %swap3A_458 = arith.constant 32 : index
          %swap3A_459 = tpu.vector_load %arg17[%swap3A_457, %swap3A_458] {strides = array<i32>} : memref<80x128xf32, #tpu.memory_space<vmem>>, vector<1x16xf32>,
          %swap3A_460 = vector.shape_cast %swap3A_459 : vector<1x16xf32> to vector<16xf32>
          %swap3A_461 = vector.shape_cast %mul3A_456 : vector<16xf32> to vector<1x16xf32>
          tpu.vector_store %arg17[%swap3A_457, %swap3A_458], %swap3A_461 {strides = array<i32>} : memref<80x128xf32, #tpu.memory_space<vmem>>, vector<1x16xf32>,
          %get3A_462 = arith.index_cast %scan3A_421 : i32 to index
          %get3A_463 = arith.constant 48 : index
          %get3A_464 = tpu.vector_load %arg17[%get3A_462, %get3A_463] {strides = array<i32>} : memref<80x128xf32, #tpu.memory_space<vmem>>, vector<1x16xf32>,
          %get3A_465 = vector.shape_cast %get3A_464 : vector<1x16xf32> to vector<16xf32>
          %get3A_466 = arith.index_cast %scan3A_421 : i32 to index
          %get3A_467 = arith.constant 48 : index
          %get3A_468 = tpu.vector_load %arg15[%get3A_466, %get3A_467] {strides = array<i32>} : memref<80x128xf32, #tpu.memory_space<vmem>>, vector<1x16xf32>,
          %get3A_469 = vector.shape_cast %get3A_468 : vector<1x16xf32> to vector<16xf32>
          %mul3A_470 = arith.mulf %get3A_465, %get3A_469 : vector<16xf32>
          %swap3A_471 = arith.index_cast %scan3A_421 : i32 to index
          %swap3A_472 = arith.constant 48 : index
          %swap3A_473 = tpu.vector_load %arg17[%swap3A_471, %swap3A_472] {strides = array<i32>} : memref<80x128xf32, #tpu.memory_space<vmem>>, vector<1x16xf32>,
          %swap3A_474 = vector.shape_cast %swap3A_473 : vector<1x16xf32> to vector<16xf32>
          %swap3A_475 = vector.shape_cast %mul3A_470 : vector<16xf32> to vector<1x16xf32>
          tpu.vector_store %arg17[%swap3A_471, %swap3A_472], %swap3A_475 {strides = array<i32>} : memref<80x128xf32, #tpu.memory_space<vmem>>, vector<1x16xf32>,
          %get3A_476 = arith.index_cast %scan3A_421 : i32 to index
          %get3A_477 = arith.constant 64 : index
          %get3A_478 = tpu.vector_load %arg17[%get3A_476, %get3A_477] {strides = array<i32>} : memref<80x128xf32, #tpu.memory_space<vmem>>, vector<1x16xf32>,
          %get3A_479 = vector.shape_cast %get3A_478 : vector<1x16xf32> to vector<16xf32>
          %get3A_480 = arith.index_cast %scan3A_421 : i32 to index
          %get3A_481 = arith.constant 64 : index
          %get3A_482 = tpu.vector_load %arg15[%get3A_480, %get3A_481] {strides = array<i32>} : memref<80x128xf32, #tpu.memory_space<vmem>>, vector<1x16xf32>,
          %get3A_483 = vector.shape_cast %get3A_482 : vector<1x16xf32> to vector<16xf32>
          %mul3A_484 = arith.mulf %get3A_479, %get3A_483 : vector<16xf32>
          %swap3A_485 = arith.index_cast %scan3A_421 : i32 to index
          %swap3A_486 = arith.constant 64 : index
          %swap3A_487 = tpu.vector_load %arg17[%swap3A_485, %swap3A_486] {strides = array<i32>} : memref<80x128xf32, #tpu.memory_space<vmem>>, vector<1x16xf32>,
          %swap3A_488 = vector.shape_cast %swap3A_487 : vector<1x16xf32> to vector<16xf32>
          %swap3A_489 = vector.shape_cast %mul3A_484 : vector<16xf32> to vector<1x16xf32>
          tpu.vector_store %arg17[%swap3A_485, %swap3A_486], %swap3A_489 {strides = array<i32>} : memref<80x128xf32, #tpu.memory_space<vmem>>, vector<1x16xf32>,
          %get3A_490 = arith.index_cast %scan3A_421 : i32 to index
          %get3A_491 = arith.constant 80 : index
          %get3A_492 = tpu.vector_load %arg17[%get3A_490, %get3A_491] {strides = array<i32>} : memref<80x128xf32, #tpu.memory_space<vmem>>, vector<1x16xf32>,
          %get3A_493 = vector.shape_cast %get3A_492 : vector<1x16xf32> to vector<16xf32>
          %get3A_494 = arith.index_cast %scan3A_421 : i32 to index
          %get3A_495 = arith.constant 80 : index
          %get3A_496 = tpu.vector_load %arg15[%get3A_494, %get3A_495] {strides = array<i32>} : memref<80x128xf32, #tpu.memory_space<vmem>>, vector<1x16xf32>,
          %get3A_497 = vector.shape_cast %get3A_496 : vector<1x16xf32> to vector<16xf32>
          %mul3A_498 = arith.mulf %get3A_493, %get3A_497 : vector<16xf32>
          %swap3A_499 = arith.index_cast %scan3A_421 : i32 to index
          %swap3A_500 = arith.constant 80 : index
          %swap3A_501 = tpu.vector_load %arg17[%swap3A_499, %swap3A_500] {strides = array<i32>} : memref<80x128xf32, #tpu.memory_space<vmem>>, vector<1x16xf32>,
          %swap3A_502 = vector.shape_cast %swap3A_501 : vector<1x16xf32> to vector<16xf32>
          %swap3A_503 = vector.shape_cast %mul3A_498 : vector<16xf32> to vector<1x16xf32>
          tpu.vector_store %arg17[%swap3A_499, %swap3A_500], %swap3A_503 {strides = array<i32>} : memref<80x128xf32, #tpu.memory_space<vmem>>, vector<1x16xf32>,
          %get3A_504 = arith.index_cast %scan3A_421 : i32 to index
          %get3A_505 = arith.constant 96 : index
          %get3A_506 = tpu.vector_load %arg17[%get3A_504, %get3A_505] {strides = array<i32>} : memref<80x128xf32, #tpu.memory_space<vmem>>, vector<1x16xf32>,
          %get3A_507 = vector.shape_cast %get3A_506 : vector<1x16xf32> to vector<16xf32>
          %get3A_508 = arith.index_cast %scan3A_421 : i32 to index
          %get3A_509 = arith.constant 96 : index
          %get3A_510 = tpu.vector_load %arg15[%get3A_508, %get3A_509] {strides = array<i32>} : memref<80x128xf32, #tpu.memory_space<vmem>>, vector<1x16xf32>,
          %get3A_511 = vector.shape_cast %get3A_510 : vector<1x16xf32> to vector<16xf32>
          %mul3A_512 = arith.mulf %get3A_507, %get3A_511 : vector<16xf32>
          %swap3A_513 = arith.index_cast %scan3A_421 : i32 to index
          %swap3A_514 = arith.constant 96 : index
          %swap3A_515 = tpu.vector_load %arg17[%swap3A_513, %swap3A_514] {strides = array<i32>} : memref<80x128xf32, #tpu.memory_space<vmem>>, vector<1x16xf32>,
          %swap3A_516 = vector.shape_cast %swap3A_515 : vector<1x16xf32> to vector<16xf32>
          %swap3A_517 = vector.shape_cast %mul3A_512 : vector<16xf32> to vector<1x16xf32>
          tpu.vector_store %arg17[%swap3A_513, %swap3A_514], %swap3A_517 {strides = array<i32>} : memref<80x128xf32, #tpu.memory_space<vmem>>, vector<1x16xf32>,
          %get3A_518 = arith.index_cast %scan3A_421 : i32 to index
          %get3A_519 = arith.constant 112 : index
          %get3A_520 = tpu.vector_load %arg17[%get3A_518, %get3A_519] {strides = array<i32>} : memref<80x128xf32, #tpu.memory_space<vmem>>, vector<1x16xf32>,
          %get3A_521 = vector.shape_cast %get3A_520 : vector<1x16xf32> to vector<16xf32>
          %get3A_522 = arith.index_cast %scan3A_421 : i32 to index
          %get3A_523 = arith.constant 112 : index
          %get3A_524 = tpu.vector_load %arg15[%get3A_522, %get3A_523] {strides = array<i32>} : memref<80x128xf32, #tpu.memory_space<vmem>>, vector<1x16xf32>,
          %get3A_525 = vector.shape_cast %get3A_524 : vector<1x16xf32> to vector<16xf32>
          %mul3A_526 = arith.mulf %get3A_521, %get3A_525 : vector<16xf32>
          %swap3A_527 = arith.index_cast %scan3A_421 : i32 to index
          %swap3A_528 = arith.constant 112 : index
          %swap3A_529 = tpu.vector_load %arg17[%swap3A_527, %swap3A_528] {strides = array<i32>} : memref<80x128xf32, #tpu.memory_space<vmem>>, vector<1x16xf32>,
          %swap3A_530 = vector.shape_cast %swap3A_529 : vector<1x16xf32> to vector<16xf32>
          %swap3A_531 = vector.shape_cast %mul3A_526 : vector<16xf32> to vector<1x16xf32>
          tpu.vector_store %arg17[%swap3A_527, %swap3A_528], %swap3A_531 {strides = array<i32>} : memref<80x128xf32, #tpu.memory_space<vmem>>, vector<1x16xf32>,
        }
        %scan3A_411 = arith.constant 80 : i32
        "tpu.region"() ({
          %run_scoped3A = tpu.sem_alloc : memref<!tpu.dma_semaphore, #tpu.memory_space<semaphore_mem>>
          %dma_start3A_421 = arith.constant 0 : i32
          %dma_start3A_422 = arith.constant 0 : i32
          %dma_start3A_423 = tpu.memref_slice %arg19[%dma_start3A_421, %dma_start3A_422] : memref<10240x128xf32, #tpu.memory_space<vmem_shared>> -> memref<10240x128xf32, #tpu.memory_space<vmem_shared>>
          tpu.enqueue_indirect_dma source(%arg17 : memref<80x128xf32, #tpu.memory_space<vmem>>) target(%dma_start3A_423 : memref<10240x128xf32, #tpu.memory_space<vmem_shared>>) offsets(%arg13 : memref<80xi32, #tpu.memory_space<vmem>>) semaphore(%run_scoped3A : memref<!tpu.dma_semaphore, #tpu.memory_space<semaphore_mem>>) {add = true}
          %dma_wait3A_424 = arith.constant 0 : i32
          %dma_wait3A_425 = arith.constant 0 : i32
          %dma_wait3A_426 = tpu.memref_slice %arg19[%dma_wait3A_424, %dma_wait3A_425] : memref<10240x128xf32, #tpu.memory_space<vmem_shared>> -> memref<10240x128xf32, #tpu.memory_space<vmem_shared>>
          tpu.wait_indirect_dma semaphore(%run_scoped3A : memref<!tpu.dma_semaphore, #tpu.memory_space<semaphore_mem>>) src(%arg17 : memref<80x128xf32, #tpu.memory_space<vmem>>) dst(%dma_wait3A_426 : memref<10240x128xf32, #tpu.memory_space<vmem_shared>>)
          tpu.yield
        }) : () -> ()
        %add3A_412 = arith.constant 2 : i32
        %add3A_413 = arith.addi %mul3A_373, %add3A_412 : i32
        %add3A_414 = arith.constant 1 : i32
        %add3A_415 = arith.addi %add3A_413, %add3A_414 : i32
        %lt3A_416 = arith.constant 125 : i32
        %lt3A_417 = arith.cmpi slt, %add3A_415, %lt3A_416 : i32
        %convert_element_type3A_418 = arith.extui %lt3A_417 : i1 to i32
        %cond3A_419 = arith.constant 0 : i32
        %cond3A_420 = arith.cmpi ne, %convert_element_type3A_418, %cond3A_419 : i32
        scf.if %cond3A_420 {
          %add3A_421 = arith.constant 2 : i32
          %add3A_422 = arith.addi %mul3A_373, %add3A_421 : i32
          %add3A_423 = arith.constant 1 : i32
          %add3A_424 = arith.addi %add3A_422, %add3A_423 : i32
          %mul3A_425 = arith.constant 80 : i32
          %mul3A_426 = arith.muli %add3A_424, %mul3A_425 : i32
          %add3A_427 = arith.addi %mul3A_92, %mul3A_426 : i32
          "tpu.region"() ({
            %run_scoped3A = tpu.sem_alloc : memref<!tpu.dma_semaphore, #tpu.memory_space<semaphore_mem>>
            %dma_start3A_435 = tpu.memref_slice %arg6[%add3A_427] : memref<160000xi32, #tpu.memory_space<hbm>> -> memref<80xi32, #tpu.memory_space<hbm>>
            %dma_start3A_436 = tpu.memref_slice %arg6[%add3A_427] : memref<160000xi32, #tpu.memory_space<hbm>> -> memref<80xi32, #tpu.memory_space<hbm>>
            tpu.enqueue_dma source(%dma_start3A_436 : memref<80xi32, #tpu.memory_space<hbm>>) target(%arg11 : memref<80xi32, #tpu.memory_space<vmem>>) target_semaphore(%run_scoped3A : memref<!tpu.dma_semaphore, #tpu.memory_space<semaphore_mem>>)
            %dma_wait3A_437 = tpu.memref_slice %arg6[%add3A_427] : memref<160000xi32, #tpu.memory_space<hbm>> -> memref<80xi32, #tpu.memory_space<hbm>>
            %dma_wait3A_438 = tpu.memref_slice %arg6[%add3A_427] : memref<160000xi32, #tpu.memory_space<hbm>> -> memref<80xi32, #tpu.memory_space<hbm>>
            tpu.wait_dma2 semaphore(%run_scoped3A : memref<!tpu.dma_semaphore, #tpu.memory_space<semaphore_mem>>) src(%dma_wait3A_438 : memref<80xi32, #tpu.memory_space<hbm>>) dst(%arg11 : memref<80xi32, #tpu.memory_space<vmem>>)
            tpu.yield
          }) : () -> ()
          "tpu.region"() ({
            %run_scoped3A = tpu.sem_alloc : memref<!tpu.dma_semaphore, #tpu.memory_space<semaphore_mem>>
            %dma_start3A_435 = tpu.memref_slice %arg7[%add3A_427] : memref<160000xi32, #tpu.memory_space<hbm>> -> memref<80xi32, #tpu.memory_space<hbm>>
            %dma_start3A_436 = tpu.memref_slice %arg7[%add3A_427] : memref<160000xi32, #tpu.memory_space<hbm>> -> memref<80xi32, #tpu.memory_space<hbm>>
            tpu.enqueue_dma source(%dma_start3A_436 : memref<80xi32, #tpu.memory_space<hbm>>) target(%arg13 : memref<80xi32, #tpu.memory_space<vmem>>) target_semaphore(%run_scoped3A : memref<!tpu.dma_semaphore, #tpu.memory_space<semaphore_mem>>)
            %dma_wait3A_437 = tpu.memref_slice %arg7[%add3A_427] : memref<160000xi32, #tpu.memory_space<hbm>> -> memref<80xi32, #tpu.memory_space<hbm>>
            %dma_wait3A_438 = tpu.memref_slice %arg7[%add3A_427] : memref<160000xi32, #tpu.memory_space<hbm>> -> memref<80xi32, #tpu.memory_space<hbm>>
            tpu.wait_dma2 semaphore(%run_scoped3A : memref<!tpu.dma_semaphore, #tpu.memory_space<semaphore_mem>>) src(%dma_wait3A_438 : memref<80xi32, #tpu.memory_space<hbm>>) dst(%arg13 : memref<80xi32, #tpu.memory_space<vmem>>)
            tpu.yield
          }) : () -> ()
          %dma_start3A_428 = arith.constant 0 : i32
          %dma_start3A_429 = arith.constant 0 : i32
          %dma_start3A_430 = tpu.memref_slice %arg2[%dma_start3A_428, %dma_start3A_429] : memref<10000x128xf32, #tpu.memory_space<hbm>> -> memref<10000x128xf32, #tpu.memory_space<hbm>>
          tpu.enqueue_indirect_dma source(%dma_start3A_430 : memref<10000x128xf32, #tpu.memory_space<hbm>>) target(%arg15 : memref<80x128xf32, #tpu.memory_space<vmem>>) offsets(%arg11 : memref<80xi32, #tpu.memory_space<vmem>>) semaphore(%arg21 : memref<!tpu.dma_semaphore, #tpu.memory_space<semaphore_mem>>)
          %dma_start3A_431 = arith.constant 0 : i32
          %dma_start3A_432 = tpu.memref_slice %arg4[%add3A_427, %dma_start3A_431] : memref<160000x128xf32, #tpu.memory_space<hbm>> -> memref<80x128xf32, #tpu.memory_space<hbm>>
          %dma_start3A_433 = arith.constant 0 : i32
          %dma_start3A_434 = tpu.memref_slice %arg4[%add3A_427, %dma_start3A_433] : memref<160000x128xf32, #tpu.memory_space<hbm>> -> memref<80x128xf32, #tpu.memory_space<hbm>>
          tpu.enqueue_dma source(%dma_start3A_434 : memref<80x128xf32, #tpu.memory_space<hbm>>) target(%arg17 : memref<80x128xf32, #tpu.memory_space<vmem>>) target_semaphore(%arg23 : memref<!tpu.dma_semaphore, #tpu.memory_space<semaphore_mem>>)
        } else {
        }
      }
      %scan3A_115 = arith.constant 62 : i32
      %dma_wait3A = arith.constant 0 : i32
      %dma_wait3A_116 = arith.constant 0 : i32
      %dma_wait3A_117 = tpu.memref_slice %arg2[%dma_wait3A, %dma_wait3A_116] : memref<10000x128xf32, #tpu.memory_space<hbm>> -> memref<10000x128xf32, #tpu.memory_space<hbm>>
      tpu.wait_indirect_dma semaphore(%arg20 : memref<!tpu.dma_semaphore, #tpu.memory_space<semaphore_mem>>) src(%dma_wait3A_117 : memref<10000x128xf32, #tpu.memory_space<hbm>>) dst(%arg14 : memref<80x128xf32, #tpu.memory_space<vmem>>)
      %dma_wait3A_118 = arith.constant 0 : i32
      %dma_wait3A_119 = arith.constant 0 : i32
      %dma_wait3A_120 = tpu.memref_slice %arg4[%dma_wait3A_118, %dma_wait3A_119] : memref<160000x128xf32, #tpu.memory_space<hbm>> -> memref<80x128xf32, #tpu.memory_space<hbm>>
      %dma_wait3A_121 = arith.constant 0 : i32
      %dma_wait3A_122 = arith.constant 0 : i32
      %dma_wait3A_123 = tpu.memref_slice %arg4[%dma_wait3A_121, %dma_wait3A_122] : memref<160000x128xf32, #tpu.memory_space<hbm>> -> memref<80x128xf32, #tpu.memory_space<hbm>>
      tpu.wait_dma2 semaphore(%arg22 : memref<!tpu.dma_semaphore, #tpu.memory_space<semaphore_mem>>) src(%dma_wait3A_123 : memref<80x128xf32, #tpu.memory_space<hbm>>) dst(%arg16 : memref<80x128xf32, #tpu.memory_space<vmem>>)
      %scan3A_124 = arith.constant 0 : i32
      %scan3A_125 = arith.constant 0 : i32
      %scan3A_126 = arith.constant 80 : i32
      %scan3A_127 = arith.addi %scan3A_125, %scan3A_126 : i32
      %scan3A_128 = arith.constant 1 : i32
      scf.for %scan3A_371 = %scan3A_125 to %scan3A_127 step %scan3A_128  : i32 {
        %get3A = arith.index_cast %scan3A_371 : i32 to index
        %get3A_372 = arith.constant 0 : index
        %get3A_373 = tpu.vector_load %arg16[%get3A, %get3A_372] {strides = array<i32>} : memref<80x128xf32, #tpu.memory_space<vmem>>, vector<1x16xf32>,
        %get3A_374 = vector.shape_cast %get3A_373 : vector<1x16xf32> to vector<16xf32>
        %get3A_375 = arith.index_cast %scan3A_371 : i32 to index
        %get3A_376 = arith.constant 0 : index
        %get3A_377 = tpu.vector_load %arg14[%get3A_375, %get3A_376] {strides = array<i32>} : memref<80x128xf32, #tpu.memory_space<vmem>>, vector<1x16xf32>,
        %get3A_378 = vector.shape_cast %get3A_377 : vector<1x16xf32> to vector<16xf32>
        %mul3A_379 = arith.mulf %get3A_374, %get3A_378 : vector<16xf32>
        %swap3A = arith.index_cast %scan3A_371 : i32 to index
        %swap3A_380 = arith.constant 0 : index
        %swap3A_381 = tpu.vector_load %arg16[%swap3A, %swap3A_380] {strides = array<i32>} : memref<80x128xf32, #tpu.memory_space<vmem>>, vector<1x16xf32>,
        %swap3A_382 = vector.shape_cast %swap3A_381 : vector<1x16xf32> to vector<16xf32>
        %swap3A_383 = vector.shape_cast %mul3A_379 : vector<16xf32> to vector<1x16xf32>
        tpu.vector_store %arg16[%swap3A, %swap3A_380], %swap3A_383 {strides = array<i32>} : memref<80x128xf32, #tpu.memory_space<vmem>>, vector<1x16xf32>,
        %get3A_384 = arith.index_cast %scan3A_371 : i32 to index
        %get3A_385 = arith.constant 16 : index
        %get3A_386 = tpu.vector_load %arg16[%get3A_384, %get3A_385] {strides = array<i32>} : memref<80x128xf32, #tpu.memory_space<vmem>>, vector<1x16xf32>,
        %get3A_387 = vector.shape_cast %get3A_386 : vector<1x16xf32> to vector<16xf32>
        %get3A_388 = arith.index_cast %scan3A_371 : i32 to index
        %get3A_389 = arith.constant 16 : index
        %get3A_390 = tpu.vector_load %arg14[%get3A_388, %get3A_389] {strides = array<i32>} : memref<80x128xf32, #tpu.memory_space<vmem>>, vector<1x16xf32>,
        %get3A_391 = vector.shape_cast %get3A_390 : vector<1x16xf32> to vector<16xf32>
        %mul3A_392 = arith.mulf %get3A_387, %get3A_391 : vector<16xf32>
        %swap3A_393 = arith.index_cast %scan3A_371 : i32 to index
        %swap3A_394 = arith.constant 16 : index
        %swap3A_395 = tpu.vector_load %arg16[%swap3A_393, %swap3A_394] {strides = array<i32>} : memref<80x128xf32, #tpu.memory_space<vmem>>, vector<1x16xf32>,
        %swap3A_396 = vector.shape_cast %swap3A_395 : vector<1x16xf32> to vector<16xf32>
        %swap3A_397 = vector.shape_cast %mul3A_392 : vector<16xf32> to vector<1x16xf32>
        tpu.vector_store %arg16[%swap3A_393, %swap3A_394], %swap3A_397 {strides = array<i32>} : memref<80x128xf32, #tpu.memory_space<vmem>>, vector<1x16xf32>,
        %get3A_398 = arith.index_cast %scan3A_371 : i32 to index
        %get3A_399 = arith.constant 32 : index
        %get3A_400 = tpu.vector_load %arg16[%get3A_398, %get3A_399] {strides = array<i32>} : memref<80x128xf32, #tpu.memory_space<vmem>>, vector<1x16xf32>,
        %get3A_401 = vector.shape_cast %get3A_400 : vector<1x16xf32> to vector<16xf32>
        %get3A_402 = arith.index_cast %scan3A_371 : i32 to index
        %get3A_403 = arith.constant 32 : index
        %get3A_404 = tpu.vector_load %arg14[%get3A_402, %get3A_403] {strides = array<i32>} : memref<80x128xf32, #tpu.memory_space<vmem>>, vector<1x16xf32>,
        %get3A_405 = vector.shape_cast %get3A_404 : vector<1x16xf32> to vector<16xf32>
        %mul3A_406 = arith.mulf %get3A_401, %get3A_405 : vector<16xf32>
        %swap3A_407 = arith.index_cast %scan3A_371 : i32 to index
        %swap3A_408 = arith.constant 32 : index
        %swap3A_409 = tpu.vector_load %arg16[%swap3A_407, %swap3A_408] {strides = array<i32>} : memref<80x128xf32, #tpu.memory_space<vmem>>, vector<1x16xf32>,
        %swap3A_410 = vector.shape_cast %swap3A_409 : vector<1x16xf32> to vector<16xf32>
        %swap3A_411 = vector.shape_cast %mul3A_406 : vector<16xf32> to vector<1x16xf32>
        tpu.vector_store %arg16[%swap3A_407, %swap3A_408], %swap3A_411 {strides = array<i32>} : memref<80x128xf32, #tpu.memory_space<vmem>>, vector<1x16xf32>,
        %get3A_412 = arith.index_cast %scan3A_371 : i32 to index
        %get3A_413 = arith.constant 48 : index
        %get3A_414 = tpu.vector_load %arg16[%get3A_412, %get3A_413] {strides = array<i32>} : memref<80x128xf32, #tpu.memory_space<vmem>>, vector<1x16xf32>,
        %get3A_415 = vector.shape_cast %get3A_414 : vector<1x16xf32> to vector<16xf32>
        %get3A_416 = arith.index_cast %scan3A_371 : i32 to index
        %get3A_417 = arith.constant 48 : index
        %get3A_418 = tpu.vector_load %arg14[%get3A_416, %get3A_417] {strides = array<i32>} : memref<80x128xf32, #tpu.memory_space<vmem>>, vector<1x16xf32>,
        %get3A_419 = vector.shape_cast %get3A_418 : vector<1x16xf32> to vector<16xf32>
        %mul3A_420 = arith.mulf %get3A_415, %get3A_419 : vector<16xf32>
        %swap3A_421 = arith.index_cast %scan3A_371 : i32 to index
        %swap3A_422 = arith.constant 48 : index
        %swap3A_423 = tpu.vector_load %arg16[%swap3A_421, %swap3A_422] {strides = array<i32>} : memref<80x128xf32, #tpu.memory_space<vmem>>, vector<1x16xf32>,
        %swap3A_424 = vector.shape_cast %swap3A_423 : vector<1x16xf32> to vector<16xf32>
        %swap3A_425 = vector.shape_cast %mul3A_420 : vector<16xf32> to vector<1x16xf32>
        tpu.vector_store %arg16[%swap3A_421, %swap3A_422], %swap3A_425 {strides = array<i32>} : memref<80x128xf32, #tpu.memory_space<vmem>>, vector<1x16xf32>,
        %get3A_426 = arith.index_cast %scan3A_371 : i32 to index
        %get3A_427 = arith.constant 64 : index
        %get3A_428 = tpu.vector_load %arg16[%get3A_426, %get3A_427] {strides = array<i32>} : memref<80x128xf32, #tpu.memory_space<vmem>>, vector<1x16xf32>,
        %get3A_429 = vector.shape_cast %get3A_428 : vector<1x16xf32> to vector<16xf32>
        %get3A_430 = arith.index_cast %scan3A_371 : i32 to index
        %get3A_431 = arith.constant 64 : index
        %get3A_432 = tpu.vector_load %arg14[%get3A_430, %get3A_431] {strides = array<i32>} : memref<80x128xf32, #tpu.memory_space<vmem>>, vector<1x16xf32>,
        %get3A_433 = vector.shape_cast %get3A_432 : vector<1x16xf32> to vector<16xf32>
        %mul3A_434 = arith.mulf %get3A_429, %get3A_433 : vector<16xf32>
        %swap3A_435 = arith.index_cast %scan3A_371 : i32 to index
        %swap3A_436 = arith.constant 64 : index
        %swap3A_437 = tpu.vector_load %arg16[%swap3A_435, %swap3A_436] {strides = array<i32>} : memref<80x128xf32, #tpu.memory_space<vmem>>, vector<1x16xf32>,
        %swap3A_438 = vector.shape_cast %swap3A_437 : vector<1x16xf32> to vector<16xf32>
        %swap3A_439 = vector.shape_cast %mul3A_434 : vector<16xf32> to vector<1x16xf32>
        tpu.vector_store %arg16[%swap3A_435, %swap3A_436], %swap3A_439 {strides = array<i32>} : memref<80x128xf32, #tpu.memory_space<vmem>>, vector<1x16xf32>,
        %get3A_440 = arith.index_cast %scan3A_371 : i32 to index
        %get3A_441 = arith.constant 80 : index
        %get3A_442 = tpu.vector_load %arg16[%get3A_440, %get3A_441] {strides = array<i32>} : memref<80x128xf32, #tpu.memory_space<vmem>>, vector<1x16xf32>,
        %get3A_443 = vector.shape_cast %get3A_442 : vector<1x16xf32> to vector<16xf32>
        %get3A_444 = arith.index_cast %scan3A_371 : i32 to index
        %get3A_445 = arith.constant 80 : index
        %get3A_446 = tpu.vector_load %arg14[%get3A_444, %get3A_445] {strides = array<i32>} : memref<80x128xf32, #tpu.memory_space<vmem>>, vector<1x16xf32>,
        %get3A_447 = vector.shape_cast %get3A_446 : vector<1x16xf32> to vector<16xf32>
        %mul3A_448 = arith.mulf %get3A_443, %get3A_447 : vector<16xf32>
        %swap3A_449 = arith.index_cast %scan3A_371 : i32 to index
        %swap3A_450 = arith.constant 80 : index
        %swap3A_451 = tpu.vector_load %arg16[%swap3A_449, %swap3A_450] {strides = array<i32>} : memref<80x128xf32, #tpu.memory_space<vmem>>, vector<1x16xf32>,
        %swap3A_452 = vector.shape_cast %swap3A_451 : vector<1x16xf32> to vector<16xf32>
        %swap3A_453 = vector.shape_cast %mul3A_448 : vector<16xf32> to vector<1x16xf32>
        tpu.vector_store %arg16[%swap3A_449, %swap3A_450], %swap3A_453 {strides = array<i32>} : memref<80x128xf32, #tpu.memory_space<vmem>>, vector<1x16xf32>,
        %get3A_454 = arith.index_cast %scan3A_371 : i32 to index
        %get3A_455 = arith.constant 96 : index
        %get3A_456 = tpu.vector_load %arg16[%get3A_454, %get3A_455] {strides = array<i32>} : memref<80x128xf32, #tpu.memory_space<vmem>>, vector<1x16xf32>,
        %get3A_457 = vector.shape_cast %get3A_456 : vector<1x16xf32> to vector<16xf32>
        %get3A_458 = arith.index_cast %scan3A_371 : i32 to index
        %get3A_459 = arith.constant 96 : index
        %get3A_460 = tpu.vector_load %arg14[%get3A_458, %get3A_459] {strides = array<i32>} : memref<80x128xf32, #tpu.memory_space<vmem>>, vector<1x16xf32>,
        %get3A_461 = vector.shape_cast %get3A_460 : vector<1x16xf32> to vector<16xf32>
        %mul3A_462 = arith.mulf %get3A_457, %get3A_461 : vector<16xf32>
        %swap3A_463 = arith.index_cast %scan3A_371 : i32 to index
        %swap3A_464 = arith.constant 96 : index
        %swap3A_465 = tpu.vector_load %arg16[%swap3A_463, %swap3A_464] {strides = array<i32>} : memref<80x128xf32, #tpu.memory_space<vmem>>, vector<1x16xf32>,
        %swap3A_466 = vector.shape_cast %swap3A_465 : vector<1x16xf32> to vector<16xf32>
        %swap3A_467 = vector.shape_cast %mul3A_462 : vector<16xf32> to vector<1x16xf32>
        tpu.vector_store %arg16[%swap3A_463, %swap3A_464], %swap3A_467 {strides = array<i32>} : memref<80x128xf32, #tpu.memory_space<vmem>>, vector<1x16xf32>,
        %get3A_468 = arith.index_cast %scan3A_371 : i32 to index
        %get3A_469 = arith.constant 112 : index
        %get3A_470 = tpu.vector_load %arg16[%get3A_468, %get3A_469] {strides = array<i32>} : memref<80x128xf32, #tpu.memory_space<vmem>>, vector<1x16xf32>,
        %get3A_471 = vector.shape_cast %get3A_470 : vector<1x16xf32> to vector<16xf32>
        %get3A_472 = arith.index_cast %scan3A_371 : i32 to index
        %get3A_473 = arith.constant 112 : index
        %get3A_474 = tpu.vector_load %arg14[%get3A_472, %get3A_473] {strides = array<i32>} : memref<80x128xf32, #tpu.memory_space<vmem>>, vector<1x16xf32>,
        %get3A_475 = vector.shape_cast %get3A_474 : vector<1x16xf32> to vector<16xf32>
        %mul3A_476 = arith.mulf %get3A_471, %get3A_475 : vector<16xf32>
        %swap3A_477 = arith.index_cast %scan3A_371 : i32 to index
        %swap3A_478 = arith.constant 112 : index
        %swap3A_479 = tpu.vector_load %arg16[%swap3A_477, %swap3A_478] {strides = array<i32>} : memref<80x128xf32, #tpu.memory_space<vmem>>, vector<1x16xf32>,
        %swap3A_480 = vector.shape_cast %swap3A_479 : vector<1x16xf32> to vector<16xf32>
        %swap3A_481 = vector.shape_cast %mul3A_476 : vector<16xf32> to vector<1x16xf32>
        tpu.vector_store %arg16[%swap3A_477, %swap3A_478], %swap3A_481 {strides = array<i32>} : memref<80x128xf32, #tpu.memory_space<vmem>>, vector<1x16xf32>,
      }
      %scan3A_129 = arith.constant 80 : i32
      "tpu.region"() ({
        %run_scoped3A = tpu.sem_alloc : memref<!tpu.dma_semaphore, #tpu.memory_space<semaphore_mem>>
        %dma_start3A_371 = arith.constant 0 : i32
        %dma_start3A_372 = arith.constant 0 : i32
        %dma_start3A_373 = tpu.memref_slice %arg19[%dma_start3A_371, %dma_start3A_372] : memref<10240x128xf32, #tpu.memory_space<vmem_shared>> -> memref<10240x128xf32, #tpu.memory_space<vmem_shared>>
        tpu.enqueue_indirect_dma source(%arg16 : memref<80x128xf32, #tpu.memory_space<vmem>>) target(%dma_start3A_373 : memref<10240x128xf32, #tpu.memory_space<vmem_shared>>) offsets(%arg12 : memref<80xi32, #tpu.memory_space<vmem>>) semaphore(%run_scoped3A : memref<!tpu.dma_semaphore, #tpu.memory_space<semaphore_mem>>) {add = true}
        %dma_wait3A_374 = arith.constant 0 : i32
        %dma_wait3A_375 = arith.constant 0 : i32
        %dma_wait3A_376 = tpu.memref_slice %arg19[%dma_wait3A_374, %dma_wait3A_375] : memref<10240x128xf32, #tpu.memory_space<vmem_shared>> -> memref<10240x128xf32, #tpu.memory_space<vmem_shared>>
        tpu.wait_indirect_dma semaphore(%run_scoped3A : memref<!tpu.dma_semaphore, #tpu.memory_space<semaphore_mem>>) src(%arg16 : memref<80x128xf32, #tpu.memory_space<vmem>>) dst(%dma_wait3A_376 : memref<10240x128xf32, #tpu.memory_space<vmem_shared>>)
        tpu.yield
      }) : () -> ()
      %barrier3A_130 = arith.constant 0 : index
      tpu.barrier barrier_id(%barrier3A_130)
      %mul3A_131 = arith.constant 640 : i32
      %mul3A_132 = arith.muli %arg1, %mul3A_131 : i32
      %add3A_133 = arith.constant 0 : i32
      %add3A_134 = arith.addi %mul3A_132, %add3A_133 : i32
      %dma_start3A_135 = arith.constant 0 : i32
      %dma_start3A_136 = tpu.memref_slice %arg19[%add3A_134, %dma_start3A_135] : memref<10240x128xf32, #tpu.memory_space<vmem_shared>> -> memref<32x128xf32, #tpu.memory_space<vmem_shared>>
      %dma_start3A_137 = arith.constant 0 : i32
      %dma_start3A_138 = tpu.memref_slice %arg19[%add3A_134, %dma_start3A_137] : memref<10240x128xf32, #tpu.memory_space<vmem_shared>> -> memref<32x128xf32, #tpu.memory_space<vmem_shared>>
      tpu.enqueue_dma source(%dma_start3A_138 : memref<32x128xf32, #tpu.memory_space<vmem_shared>>) target(%arg18 : memref<32x128xf32, #tpu.memory_space<vmem>>) target_semaphore(%arg20 : memref<!tpu.dma_semaphore, #tpu.memory_space<semaphore_mem>>)
      %dma_wait3A_139 = arith.constant 0 : i32
      %dma_wait3A_140 = tpu.memref_slice %arg19[%add3A_134, %dma_wait3A_139] : memref<10240x128xf32, #tpu.memory_space<vmem_shared>> -> memref<32x128xf32, #tpu.memory_space<vmem_shared>>
      %dma_wait3A_141 = arith.constant 0 : i32
      %dma_wait3A_142 = tpu.memref_slice %arg19[%add3A_134, %dma_wait3A_141] : memref<10240x128xf32, #tpu.memory_space<vmem_shared>> -> memref<32x128xf32, #tpu.memory_space<vmem_shared>>
      tpu.wait_dma2 semaphore(%arg20 : memref<!tpu.dma_semaphore, #tpu.memory_space<semaphore_mem>>) src(%dma_wait3A_142 : memref<32x128xf32, #tpu.memory_space<vmem_shared>>) dst(%arg18 : memref<32x128xf32, #tpu.memory_space<vmem>>)
      "tpu.region"() ({
        %run_scoped3A = tpu.sem_alloc : memref<!tpu.dma_semaphore, #tpu.memory_space<semaphore_mem>>
        %dma_start3A_371 = arith.constant 0 : i32
        %dma_start3A_372 = tpu.memref_slice %arg8[%add3A_134, %dma_start3A_371] : memref<10240x128xf32, #tpu.memory_space<hbm>> -> memref<32x128xf32, #tpu.memory_space<hbm>>
        %dma_start3A_373 = arith.constant 0 : i32
        %dma_start3A_374 = tpu.memref_slice %arg8[%add3A_134, %dma_start3A_373] : memref<10240x128xf32, #tpu.memory_space<hbm>> -> memref<32x128xf32, #tpu.memory_space<hbm>>
        tpu.enqueue_dma source(%arg18 : memref<32x128xf32, #tpu.memory_space<vmem>>) target(%dma_start3A_374 : memref<32x128xf32, #tpu.memory_space<hbm>>) target_semaphore(%run_scoped3A : memref<!tpu.dma_semaphore, #tpu.memory_space<semaphore_mem>>)
        %dma_wait3A_375 = arith.constant 0 : i32
        %dma_wait3A_376 = tpu.memref_slice %arg8[%add3A_134, %dma_wait3A_375] : memref<10240x128xf32, #tpu.memory_space<hbm>> -> memref<32x128xf32, #tpu.memory_space<hbm>>
        %dma_wait3A_377 = arith.constant 0 : i32
        %dma_wait3A_378 = tpu.memref_slice %arg8[%add3A_134, %dma_wait3A_377] : memref<10240x128xf32, #tpu.memory_space<hbm>> -> memref<32x128xf32, #tpu.memory_space<hbm>>
        tpu.wait_dma2 semaphore(%run_scoped3A : memref<!tpu.dma_semaphore, #tpu.memory_space<semaphore_mem>>) src(%arg18 : memref<32x128xf32, #tpu.memory_space<vmem>>) dst(%dma_wait3A_378 : memref<32x128xf32, #tpu.memory_space<hbm>>)
        tpu.yield
      }) : () -> ()
      %mul3A_143 = arith.constant 640 : i32
      %mul3A_144 = arith.muli %arg1, %mul3A_143 : i32
      %add3A_145 = arith.constant 32 : i32
      %add3A_146 = arith.addi %mul3A_144, %add3A_145 : i32
      %dma_start3A_147 = arith.constant 0 : i32
      %dma_start3A_148 = tpu.memref_slice %arg19[%add3A_146, %dma_start3A_147] : memref<10240x128xf32, #tpu.memory_space<vmem_shared>> -> memref<32x128xf32, #tpu.memory_space<vmem_shared>>
      %dma_start3A_149 = arith.constant 0 : i32
      %dma_start3A_150 = tpu.memref_slice %arg19[%add3A_146, %dma_start3A_149] : memref<10240x128xf32, #tpu.memory_space<vmem_shared>> -> memref<32x128xf32, #tpu.memory_space<vmem_shared>>
      tpu.enqueue_dma source(%dma_start3A_150 : memref<32x128xf32, #tpu.memory_space<vmem_shared>>) target(%arg18 : memref<32x128xf32, #tpu.memory_space<vmem>>) target_semaphore(%arg20 : memref<!tpu.dma_semaphore, #tpu.memory_space<semaphore_mem>>)
      %dma_wait3A_151 = arith.constant 0 : i32
      %dma_wait3A_152 = tpu.memref_slice %arg19[%add3A_146, %dma_wait3A_151] : memref<10240x128xf32, #tpu.memory_space<vmem_shared>> -> memref<32x128xf32, #tpu.memory_space<vmem_shared>>
      %dma_wait3A_153 = arith.constant 0 : i32
      %dma_wait3A_154 = tpu.memref_slice %arg19[%add3A_146, %dma_wait3A_153] : memref<10240x128xf32, #tpu.memory_space<vmem_shared>> -> memref<32x128xf32, #tpu.memory_space<vmem_shared>>
      tpu.wait_dma2 semaphore(%arg20 : memref<!tpu.dma_semaphore, #tpu.memory_space<semaphore_mem>>) src(%dma_wait3A_154 : memref<32x128xf32, #tpu.memory_space<vmem_shared>>) dst(%arg18 : memref<32x128xf32, #tpu.memory_space<vmem>>)
      "tpu.region"() ({
        %run_scoped3A = tpu.sem_alloc : memref<!tpu.dma_semaphore, #tpu.memory_space<semaphore_mem>>
        %dma_start3A_371 = arith.constant 0 : i32
        %dma_start3A_372 = tpu.memref_slice %arg8[%add3A_146, %dma_start3A_371] : memref<10240x128xf32, #tpu.memory_space<hbm>> -> memref<32x128xf32, #tpu.memory_space<hbm>>
        %dma_start3A_373 = arith.constant 0 : i32
        %dma_start3A_374 = tpu.memref_slice %arg8[%add3A_146, %dma_start3A_373] : memref<10240x128xf32, #tpu.memory_space<hbm>> -> memref<32x128xf32, #tpu.memory_space<hbm>>
        tpu.enqueue_dma source(%arg18 : memref<32x128xf32, #tpu.memory_space<vmem>>) target(%dma_start3A_374 : memref<32x128xf32, #tpu.memory_space<hbm>>) target_semaphore(%run_scoped3A : memref<!tpu.dma_semaphore, #tpu.memory_space<semaphore_mem>>)
        %dma_wait3A_375 = arith.constant 0 : i32
        %dma_wait3A_376 = tpu.memref_slice %arg8[%add3A_146, %dma_wait3A_375] : memref<10240x128xf32, #tpu.memory_space<hbm>> -> memref<32x128xf32, #tpu.memory_space<hbm>>
        %dma_wait3A_377 = arith.constant 0 : i32
        %dma_wait3A_378 = tpu.memref_slice %arg8[%add3A_146, %dma_wait3A_377] : memref<10240x128xf32, #tpu.memory_space<hbm>> -> memref<32x128xf32, #tpu.memory_space<hbm>>
        tpu.wait_dma2 semaphore(%run_scoped3A : memref<!tpu.dma_semaphore, #tpu.memory_space<semaphore_mem>>) src(%arg18 : memref<32x128xf32, #tpu.memory_space<vmem>>) dst(%dma_wait3A_378 : memref<32x128xf32, #tpu.memory_space<hbm>>)
        tpu.yield
      }) : () -> ()
      %mul3A_155 = arith.constant 640 : i32
      %mul3A_156 = arith.muli %arg1, %mul3A_155 : i32
      %add3A_157 = arith.constant 64 : i32
      %add3A_158 = arith.addi %mul3A_156, %add3A_157 : i32
      %dma_start3A_159 = arith.constant 0 : i32
      %dma_start3A_160 = tpu.memref_slice %arg19[%add3A_158, %dma_start3A_159] : memref<10240x128xf32, #tpu.memory_space<vmem_shared>> -> memref<32x128xf32, #tpu.memory_space<vmem_shared>>
      %dma_start3A_161 = arith.constant 0 : i32
      %dma_start3A_162 = tpu.memref_slice %arg19[%add3A_158, %dma_start3A_161] : memref<10240x128xf32, #tpu.memory_space<vmem_shared>> -> memref<32x128xf32, #tpu.memory_space<vmem_shared>>
      tpu.enqueue_dma source(%dma_start3A_162 : memref<32x128xf32, #tpu.memory_space<vmem_shared>>) target(%arg18 : memref<32x128xf32, #tpu.memory_space<vmem>>) target_semaphore(%arg20 : memref<!tpu.dma_semaphore, #tpu.memory_space<semaphore_mem>>)
      %dma_wait3A_163 = arith.constant 0 : i32
      %dma_wait3A_164 = tpu.memref_slice %arg19[%add3A_158, %dma_wait3A_163] : memref<10240x128xf32, #tpu.memory_space<vmem_shared>> -> memref<32x128xf32, #tpu.memory_space<vmem_shared>>
      %dma_wait3A_165 = arith.constant 0 : i32
      %dma_wait3A_166 = tpu.memref_slice %arg19[%add3A_158, %dma_wait3A_165] : memref<10240x128xf32, #tpu.memory_space<vmem_shared>> -> memref<32x128xf32, #tpu.memory_space<vmem_shared>>
      tpu.wait_dma2 semaphore(%arg20 : memref<!tpu.dma_semaphore, #tpu.memory_space<semaphore_mem>>) src(%dma_wait3A_166 : memref<32x128xf32, #tpu.memory_space<vmem_shared>>) dst(%arg18 : memref<32x128xf32, #tpu.memory_space<vmem>>)
      "tpu.region"() ({
        %run_scoped3A = tpu.sem_alloc : memref<!tpu.dma_semaphore, #tpu.memory_space<semaphore_mem>>
        %dma_start3A_371 = arith.constant 0 : i32
        %dma_start3A_372 = tpu.memref_slice %arg8[%add3A_158, %dma_start3A_371] : memref<10240x128xf32, #tpu.memory_space<hbm>> -> memref<32x128xf32, #tpu.memory_space<hbm>>
        %dma_start3A_373 = arith.constant 0 : i32
        %dma_start3A_374 = tpu.memref_slice %arg8[%add3A_158, %dma_start3A_373] : memref<10240x128xf32, #tpu.memory_space<hbm>> -> memref<32x128xf32, #tpu.memory_space<hbm>>
        tpu.enqueue_dma source(%arg18 : memref<32x128xf32, #tpu.memory_space<vmem>>) target(%dma_start3A_374 : memref<32x128xf32, #tpu.memory_space<hbm>>) target_semaphore(%run_scoped3A : memref<!tpu.dma_semaphore, #tpu.memory_space<semaphore_mem>>)
        %dma_wait3A_375 = arith.constant 0 : i32
        %dma_wait3A_376 = tpu.memref_slice %arg8[%add3A_158, %dma_wait3A_375] : memref<10240x128xf32, #tpu.memory_space<hbm>> -> memref<32x128xf32, #tpu.memory_space<hbm>>
        %dma_wait3A_377 = arith.constant 0 : i32
        %dma_wait3A_378 = tpu.memref_slice %arg8[%add3A_158, %dma_wait3A_377] : memref<10240x128xf32, #tpu.memory_space<hbm>> -> memref<32x128xf32, #tpu.memory_space<hbm>>
        tpu.wait_dma2 semaphore(%run_scoped3A : memref<!tpu.dma_semaphore, #tpu.memory_space<semaphore_mem>>) src(%arg18 : memref<32x128xf32, #tpu.memory_space<vmem>>) dst(%dma_wait3A_378 : memref<32x128xf32, #tpu.memory_space<hbm>>)
        tpu.yield
      }) : () -> ()
      %mul3A_167 = arith.constant 640 : i32
      %mul3A_168 = arith.muli %arg1, %mul3A_167 : i32
      %add3A_169 = arith.constant 96 : i32
      %add3A_170 = arith.addi %mul3A_168, %add3A_169 : i32
      %dma_start3A_171 = arith.constant 0 : i32
      %dma_start3A_172 = tpu.memref_slice %arg19[%add3A_170, %dma_start3A_171] : memref<10240x128xf32, #tpu.memory_space<vmem_shared>> -> memref<32x128xf32, #tpu.memory_space<vmem_shared>>
      %dma_start3A_173 = arith.constant 0 : i32
      %dma_start3A_174 = tpu.memref_slice %arg19[%add3A_170, %dma_start3A_173] : memref<10240x128xf32, #tpu.memory_space<vmem_shared>> -> memref<32x128xf32, #tpu.memory_space<vmem_shared>>
      tpu.enqueue_dma source(%dma_start3A_174 : memref<32x128xf32, #tpu.memory_space<vmem_shared>>) target(%arg18 : memref<32x128xf32, #tpu.memory_space<vmem>>) target_semaphore(%arg20 : memref<!tpu.dma_semaphore, #tpu.memory_space<semaphore_mem>>)
      %dma_wait3A_175 = arith.constant 0 : i32
      %dma_wait3A_176 = tpu.memref_slice %arg19[%add3A_170, %dma_wait3A_175] : memref<10240x128xf32, #tpu.memory_space<vmem_shared>> -> memref<32x128xf32, #tpu.memory_space<vmem_shared>>
      %dma_wait3A_177 = arith.constant 0 : i32
      %dma_wait3A_178 = tpu.memref_slice %arg19[%add3A_170, %dma_wait3A_177] : memref<10240x128xf32, #tpu.memory_space<vmem_shared>> -> memref<32x128xf32, #tpu.memory_space<vmem_shared>>
      tpu.wait_dma2 semaphore(%arg20 : memref<!tpu.dma_semaphore, #tpu.memory_space<semaphore_mem>>) src(%dma_wait3A_178 : memref<32x128xf32, #tpu.memory_space<vmem_shared>>) dst(%arg18 : memref<32x128xf32, #tpu.memory_space<vmem>>)
      "tpu.region"() ({
        %run_scoped3A = tpu.sem_alloc : memref<!tpu.dma_semaphore, #tpu.memory_space<semaphore_mem>>
        %dma_start3A_371 = arith.constant 0 : i32
        %dma_start3A_372 = tpu.memref_slice %arg8[%add3A_170, %dma_start3A_371] : memref<10240x128xf32, #tpu.memory_space<hbm>> -> memref<32x128xf32, #tpu.memory_space<hbm>>
        %dma_start3A_373 = arith.constant 0 : i32
        %dma_start3A_374 = tpu.memref_slice %arg8[%add3A_170, %dma_start3A_373] : memref<10240x128xf32, #tpu.memory_space<hbm>> -> memref<32x128xf32, #tpu.memory_space<hbm>>
        tpu.enqueue_dma source(%arg18 : memref<32x128xf32, #tpu.memory_space<vmem>>) target(%dma_start3A_374 : memref<32x128xf32, #tpu.memory_space<hbm>>) target_semaphore(%run_scoped3A : memref<!tpu.dma_semaphore, #tpu.memory_space<semaphore_mem>>)
        %dma_wait3A_375 = arith.constant 0 : i32
        %dma_wait3A_376 = tpu.memref_slice %arg8[%add3A_170, %dma_wait3A_375] : memref<10240x128xf32, #tpu.memory_space<hbm>> -> memref<32x128xf32, #tpu.memory_space<hbm>>
        %dma_wait3A_377 = arith.constant 0 : i32
        %dma_wait3A_378 = tpu.memref_slice %arg8[%add3A_170, %dma_wait3A_377] : memref<10240x128xf32, #tpu.memory_space<hbm>> -> memref<32x128xf32, #tpu.memory_space<hbm>>
        tpu.wait_dma2 semaphore(%run_scoped3A : memref<!tpu.dma_semaphore, #tpu.memory_space<semaphore_mem>>) src(%arg18 : memref<32x128xf32, #tpu.memory_space<vmem>>) dst(%dma_wait3A_378 : memref<32x128xf32, #tpu.memory_space<hbm>>)
        tpu.yield
      }) : () -> ()
      %mul3A_179 = arith.constant 640 : i32
      %mul3A_180 = arith.muli %arg1, %mul3A_179 : i32
      %add3A_181 = arith.constant 128 : i32
      %add3A_182 = arith.addi %mul3A_180, %add3A_181 : i32
      %dma_start3A_183 = arith.constant 0 : i32
      %dma_start3A_184 = tpu.memref_slice %arg19[%add3A_182, %dma_start3A_183] : memref<10240x128xf32, #tpu.memory_space<vmem_shared>> -> memref<32x128xf32, #tpu.memory_space<vmem_shared>>
      %dma_start3A_185 = arith.constant 0 : i32
      %dma_start3A_186 = tpu.memref_slice %arg19[%add3A_182, %dma_start3A_185] : memref<10240x128xf32, #tpu.memory_space<vmem_shared>> -> memref<32x128xf32, #tpu.memory_space<vmem_shared>>
      tpu.enqueue_dma source(%dma_start3A_186 : memref<32x128xf32, #tpu.memory_space<vmem_shared>>) target(%arg18 : memref<32x128xf32, #tpu.memory_space<vmem>>) target_semaphore(%arg20 : memref<!tpu.dma_semaphore, #tpu.memory_space<semaphore_mem>>)
      %dma_wait3A_187 = arith.constant 0 : i32
      %dma_wait3A_188 = tpu.memref_slice %arg19[%add3A_182, %dma_wait3A_187] : memref<10240x128xf32, #tpu.memory_space<vmem_shared>> -> memref<32x128xf32, #tpu.memory_space<vmem_shared>>
      %dma_wait3A_189 = arith.constant 0 : i32
      %dma_wait3A_190 = tpu.memref_slice %arg19[%add3A_182, %dma_wait3A_189] : memref<10240x128xf32, #tpu.memory_space<vmem_shared>> -> memref<32x128xf32, #tpu.memory_space<vmem_shared>>
      tpu.wait_dma2 semaphore(%arg20 : memref<!tpu.dma_semaphore, #tpu.memory_space<semaphore_mem>>) src(%dma_wait3A_190 : memref<32x128xf32, #tpu.memory_space<vmem_shared>>) dst(%arg18 : memref<32x128xf32, #tpu.memory_space<vmem>>)
      "tpu.region"() ({
        %run_scoped3A = tpu.sem_alloc : memref<!tpu.dma_semaphore, #tpu.memory_space<semaphore_mem>>
        %dma_start3A_371 = arith.constant 0 : i32
        %dma_start3A_372 = tpu.memref_slice %arg8[%add3A_182, %dma_start3A_371] : memref<10240x128xf32, #tpu.memory_space<hbm>> -> memref<32x128xf32, #tpu.memory_space<hbm>>
        %dma_start3A_373 = arith.constant 0 : i32
        %dma_start3A_374 = tpu.memref_slice %arg8[%add3A_182, %dma_start3A_373] : memref<10240x128xf32, #tpu.memory_space<hbm>> -> memref<32x128xf32, #tpu.memory_space<hbm>>
        tpu.enqueue_dma source(%arg18 : memref<32x128xf32, #tpu.memory_space<vmem>>) target(%dma_start3A_374 : memref<32x128xf32, #tpu.memory_space<hbm>>) target_semaphore(%run_scoped3A : memref<!tpu.dma_semaphore, #tpu.memory_space<semaphore_mem>>)
        %dma_wait3A_375 = arith.constant 0 : i32
        %dma_wait3A_376 = tpu.memref_slice %arg8[%add3A_182, %dma_wait3A_375] : memref<10240x128xf32, #tpu.memory_space<hbm>> -> memref<32x128xf32, #tpu.memory_space<hbm>>
        %dma_wait3A_377 = arith.constant 0 : i32
        %dma_wait3A_378 = tpu.memref_slice %arg8[%add3A_182, %dma_wait3A_377] : memref<10240x128xf32, #tpu.memory_space<hbm>> -> memref<32x128xf32, #tpu.memory_space<hbm>>
        tpu.wait_dma2 semaphore(%run_scoped3A : memref<!tpu.dma_semaphore, #tpu.memory_space<semaphore_mem>>) src(%arg18 : memref<32x128xf32, #tpu.memory_space<vmem>>) dst(%dma_wait3A_378 : memref<32x128xf32, #tpu.memory_space<hbm>>)
        tpu.yield
      }) : () -> ()
      %mul3A_191 = arith.constant 640 : i32
      %mul3A_192 = arith.muli %arg1, %mul3A_191 : i32
      %add3A_193 = arith.constant 160 : i32
      %add3A_194 = arith.addi %mul3A_192, %add3A_193 : i32
      %dma_start3A_195 = arith.constant 0 : i32
      %dma_start3A_196 = tpu.memref_slice %arg19[%add3A_194, %dma_start3A_195] : memref<10240x128xf32, #tpu.memory_space<vmem_shared>> -> memref<32x128xf32, #tpu.memory_space<vmem_shared>>
      %dma_start3A_197 = arith.constant 0 : i32
      %dma_start3A_198 = tpu.memref_slice %arg19[%add3A_194, %dma_start3A_197] : memref<10240x128xf32, #tpu.memory_space<vmem_shared>> -> memref<32x128xf32, #tpu.memory_space<vmem_shared>>
      tpu.enqueue_dma source(%dma_start3A_198 : memref<32x128xf32, #tpu.memory_space<vmem_shared>>) target(%arg18 : memref<32x128xf32, #tpu.memory_space<vmem>>) target_semaphore(%arg20 : memref<!tpu.dma_semaphore, #tpu.memory_space<semaphore_mem>>)
      %dma_wait3A_199 = arith.constant 0 : i32
      %dma_wait3A_200 = tpu.memref_slice %arg19[%add3A_194, %dma_wait3A_199] : memref<10240x128xf32, #tpu.memory_space<vmem_shared>> -> memref<32x128xf32, #tpu.memory_space<vmem_shared>>
      %dma_wait3A_201 = arith.constant 0 : i32
      %dma_wait3A_202 = tpu.memref_slice %arg19[%add3A_194, %dma_wait3A_201] : memref<10240x128xf32, #tpu.memory_space<vmem_shared>> -> memref<32x128xf32, #tpu.memory_space<vmem_shared>>
      tpu.wait_dma2 semaphore(%arg20 : memref<!tpu.dma_semaphore, #tpu.memory_space<semaphore_mem>>) src(%dma_wait3A_202 : memref<32x128xf32, #tpu.memory_space<vmem_shared>>) dst(%arg18 : memref<32x128xf32, #tpu.memory_space<vmem>>)
      "tpu.region"() ({
        %run_scoped3A = tpu.sem_alloc : memref<!tpu.dma_semaphore, #tpu.memory_space<semaphore_mem>>
        %dma_start3A_371 = arith.constant 0 : i32
        %dma_start3A_372 = tpu.memref_slice %arg8[%add3A_194, %dma_start3A_371] : memref<10240x128xf32, #tpu.memory_space<hbm>> -> memref<32x128xf32, #tpu.memory_space<hbm>>
        %dma_start3A_373 = arith.constant 0 : i32
        %dma_start3A_374 = tpu.memref_slice %arg8[%add3A_194, %dma_start3A_373] : memref<10240x128xf32, #tpu.memory_space<hbm>> -> memref<32x128xf32, #tpu.memory_space<hbm>>
        tpu.enqueue_dma source(%arg18 : memref<32x128xf32, #tpu.memory_space<vmem>>) target(%dma_start3A_374 : memref<32x128xf32, #tpu.memory_space<hbm>>) target_semaphore(%run_scoped3A : memref<!tpu.dma_semaphore, #tpu.memory_space<semaphore_mem>>)
        %dma_wait3A_375 = arith.constant 0 : i32
        %dma_wait3A_376 = tpu.memref_slice %arg8[%add3A_194, %dma_wait3A_375] : memref<10240x128xf32, #tpu.memory_space<hbm>> -> memref<32x128xf32, #tpu.memory_space<hbm>>
        %dma_wait3A_377 = arith.constant 0 : i32
        %dma_wait3A_378 = tpu.memref_slice %arg8[%add3A_194, %dma_wait3A_377] : memref<10240x128xf32, #tpu.memory_space<hbm>> -> memref<32x128xf32, #tpu.memory_space<hbm>>
        tpu.wait_dma2 semaphore(%run_scoped3A : memref<!tpu.dma_semaphore, #tpu.memory_space<semaphore_mem>>) src(%arg18 : memref<32x128xf32, #tpu.memory_space<vmem>>) dst(%dma_wait3A_378 : memref<32x128xf32, #tpu.memory_space<hbm>>)
        tpu.yield
      }) : () -> ()
      %mul3A_203 = arith.constant 640 : i32
      %mul3A_204 = arith.muli %arg1, %mul3A_203 : i32
      %add3A_205 = arith.constant 192 : i32
      %add3A_206 = arith.addi %mul3A_204, %add3A_205 : i32
      %dma_start3A_207 = arith.constant 0 : i32
      %dma_start3A_208 = tpu.memref_slice %arg19[%add3A_206, %dma_start3A_207] : memref<10240x128xf32, #tpu.memory_space<vmem_shared>> -> memref<32x128xf32, #tpu.memory_space<vmem_shared>>
      %dma_start3A_209 = arith.constant 0 : i32
      %dma_start3A_210 = tpu.memref_slice %arg19[%add3A_206, %dma_start3A_209] : memref<10240x128xf32, #tpu.memory_space<vmem_shared>> -> memref<32x128xf32, #tpu.memory_space<vmem_shared>>
      tpu.enqueue_dma source(%dma_start3A_210 : memref<32x128xf32, #tpu.memory_space<vmem_shared>>) target(%arg18 : memref<32x128xf32, #tpu.memory_space<vmem>>) target_semaphore(%arg20 : memref<!tpu.dma_semaphore, #tpu.memory_space<semaphore_mem>>)
      %dma_wait3A_211 = arith.constant 0 : i32
      %dma_wait3A_212 = tpu.memref_slice %arg19[%add3A_206, %dma_wait3A_211] : memref<10240x128xf32, #tpu.memory_space<vmem_shared>> -> memref<32x128xf32, #tpu.memory_space<vmem_shared>>
      %dma_wait3A_213 = arith.constant 0 : i32
      %dma_wait3A_214 = tpu.memref_slice %arg19[%add3A_206, %dma_wait3A_213] : memref<10240x128xf32, #tpu.memory_space<vmem_shared>> -> memref<32x128xf32, #tpu.memory_space<vmem_shared>>
      tpu.wait_dma2 semaphore(%arg20 : memref<!tpu.dma_semaphore, #tpu.memory_space<semaphore_mem>>) src(%dma_wait3A_214 : memref<32x128xf32, #tpu.memory_space<vmem_shared>>) dst(%arg18 : memref<32x128xf32, #tpu.memory_space<vmem>>)
      "tpu.region"() ({
        %run_scoped3A = tpu.sem_alloc : memref<!tpu.dma_semaphore, #tpu.memory_space<semaphore_mem>>
        %dma_start3A_371 = arith.constant 0 : i32
        %dma_start3A_372 = tpu.memref_slice %arg8[%add3A_206, %dma_start3A_371] : memref<10240x128xf32, #tpu.memory_space<hbm>> -> memref<32x128xf32, #tpu.memory_space<hbm>>
        %dma_start3A_373 = arith.constant 0 : i32
        %dma_start3A_374 = tpu.memref_slice %arg8[%add3A_206, %dma_start3A_373] : memref<10240x128xf32, #tpu.memory_space<hbm>> -> memref<32x128xf32, #tpu.memory_space<hbm>>
        tpu.enqueue_dma source(%arg18 : memref<32x128xf32, #tpu.memory_space<vmem>>) target(%dma_start3A_374 : memref<32x128xf32, #tpu.memory_space<hbm>>) target_semaphore(%run_scoped3A : memref<!tpu.dma_semaphore, #tpu.memory_space<semaphore_mem>>)
        %dma_wait3A_375 = arith.constant 0 : i32
        %dma_wait3A_376 = tpu.memref_slice %arg8[%add3A_206, %dma_wait3A_375] : memref<10240x128xf32, #tpu.memory_space<hbm>> -> memref<32x128xf32, #tpu.memory_space<hbm>>
        %dma_wait3A_377 = arith.constant 0 : i32
        %dma_wait3A_378 = tpu.memref_slice %arg8[%add3A_206, %dma_wait3A_377] : memref<10240x128xf32, #tpu.memory_space<hbm>> -> memref<32x128xf32, #tpu.memory_space<hbm>>
        tpu.wait_dma2 semaphore(%run_scoped3A : memref<!tpu.dma_semaphore, #tpu.memory_space<semaphore_mem>>) src(%arg18 : memref<32x128xf32, #tpu.memory_space<vmem>>) dst(%dma_wait3A_378 : memref<32x128xf32, #tpu.memory_space<hbm>>)
        tpu.yield
      }) : () -> ()
      %mul3A_215 = arith.constant 640 : i32
      %mul3A_216 = arith.muli %arg1, %mul3A_215 : i32
      %add3A_217 = arith.constant 224 : i32
      %add3A_218 = arith.addi %mul3A_216, %add3A_217 : i32
      %dma_start3A_219 = arith.constant 0 : i32
      %dma_start3A_220 = tpu.memref_slice %arg19[%add3A_218, %dma_start3A_219] : memref<10240x128xf32, #tpu.memory_space<vmem_shared>> -> memref<32x128xf32, #tpu.memory_space<vmem_shared>>
      %dma_start3A_221 = arith.constant 0 : i32
      %dma_start3A_222 = tpu.memref_slice %arg19[%add3A_218, %dma_start3A_221] : memref<10240x128xf32, #tpu.memory_space<vmem_shared>> -> memref<32x128xf32, #tpu.memory_space<vmem_shared>>
      tpu.enqueue_dma source(%dma_start3A_222 : memref<32x128xf32, #tpu.memory_space<vmem_shared>>) target(%arg18 : memref<32x128xf32, #tpu.memory_space<vmem>>) target_semaphore(%arg20 : memref<!tpu.dma_semaphore, #tpu.memory_space<semaphore_mem>>)
      %dma_wait3A_223 = arith.constant 0 : i32
      %dma_wait3A_224 = tpu.memref_slice %arg19[%add3A_218, %dma_wait3A_223] : memref<10240x128xf32, #tpu.memory_space<vmem_shared>> -> memref<32x128xf32, #tpu.memory_space<vmem_shared>>
      %dma_wait3A_225 = arith.constant 0 : i32
      %dma_wait3A_226 = tpu.memref_slice %arg19[%add3A_218, %dma_wait3A_225] : memref<10240x128xf32, #tpu.memory_space<vmem_shared>> -> memref<32x128xf32, #tpu.memory_space<vmem_shared>>
      tpu.wait_dma2 semaphore(%arg20 : memref<!tpu.dma_semaphore, #tpu.memory_space<semaphore_mem>>) src(%dma_wait3A_226 : memref<32x128xf32, #tpu.memory_space<vmem_shared>>) dst(%arg18 : memref<32x128xf32, #tpu.memory_space<vmem>>)
      "tpu.region"() ({
        %run_scoped3A = tpu.sem_alloc : memref<!tpu.dma_semaphore, #tpu.memory_space<semaphore_mem>>
        %dma_start3A_371 = arith.constant 0 : i32
        %dma_start3A_372 = tpu.memref_slice %arg8[%add3A_218, %dma_start3A_371] : memref<10240x128xf32, #tpu.memory_space<hbm>> -> memref<32x128xf32, #tpu.memory_space<hbm>>
        %dma_start3A_373 = arith.constant 0 : i32
        %dma_start3A_374 = tpu.memref_slice %arg8[%add3A_218, %dma_start3A_373] : memref<10240x128xf32, #tpu.memory_space<hbm>> -> memref<32x128xf32, #tpu.memory_space<hbm>>
        tpu.enqueue_dma source(%arg18 : memref<32x128xf32, #tpu.memory_space<vmem>>) target(%dma_start3A_374 : memref<32x128xf32, #tpu.memory_space<hbm>>) target_semaphore(%run_scoped3A : memref<!tpu.dma_semaphore, #tpu.memory_space<semaphore_mem>>)
        %dma_wait3A_375 = arith.constant 0 : i32
        %dma_wait3A_376 = tpu.memref_slice %arg8[%add3A_218, %dma_wait3A_375] : memref<10240x128xf32, #tpu.memory_space<hbm>> -> memref<32x128xf32, #tpu.memory_space<hbm>>
        %dma_wait3A_377 = arith.constant 0 : i32
        %dma_wait3A_378 = tpu.memref_slice %arg8[%add3A_218, %dma_wait3A_377] : memref<10240x128xf32, #tpu.memory_space<hbm>> -> memref<32x128xf32, #tpu.memory_space<hbm>>
        tpu.wait_dma2 semaphore(%run_scoped3A : memref<!tpu.dma_semaphore, #tpu.memory_space<semaphore_mem>>) src(%arg18 : memref<32x128xf32, #tpu.memory_space<vmem>>) dst(%dma_wait3A_378 : memref<32x128xf32, #tpu.memory_space<hbm>>)
        tpu.yield
      }) : () -> ()
      %mul3A_227 = arith.constant 640 : i32
      %mul3A_228 = arith.muli %arg1, %mul3A_227 : i32
      %add3A_229 = arith.constant 256 : i32
      %add3A_230 = arith.addi %mul3A_228, %add3A_229 : i32
      %dma_start3A_231 = arith.constant 0 : i32
      %dma_start3A_232 = tpu.memref_slice %arg19[%add3A_230, %dma_start3A_231] : memref<10240x128xf32, #tpu.memory_space<vmem_shared>> -> memref<32x128xf32, #tpu.memory_space<vmem_shared>>
      %dma_start3A_233 = arith.constant 0 : i32
      %dma_start3A_234 = tpu.memref_slice %arg19[%add3A_230, %dma_start3A_233] : memref<10240x128xf32, #tpu.memory_space<vmem_shared>> -> memref<32x128xf32, #tpu.memory_space<vmem_shared>>
      tpu.enqueue_dma source(%dma_start3A_234 : memref<32x128xf32, #tpu.memory_space<vmem_shared>>) target(%arg18 : memref<32x128xf32, #tpu.memory_space<vmem>>) target_semaphore(%arg20 : memref<!tpu.dma_semaphore, #tpu.memory_space<semaphore_mem>>)
      %dma_wait3A_235 = arith.constant 0 : i32
      %dma_wait3A_236 = tpu.memref_slice %arg19[%add3A_230, %dma_wait3A_235] : memref<10240x128xf32, #tpu.memory_space<vmem_shared>> -> memref<32x128xf32, #tpu.memory_space<vmem_shared>>
      %dma_wait3A_237 = arith.constant 0 : i32
      %dma_wait3A_238 = tpu.memref_slice %arg19[%add3A_230, %dma_wait3A_237] : memref<10240x128xf32, #tpu.memory_space<vmem_shared>> -> memref<32x128xf32, #tpu.memory_space<vmem_shared>>
      tpu.wait_dma2 semaphore(%arg20 : memref<!tpu.dma_semaphore, #tpu.memory_space<semaphore_mem>>) src(%dma_wait3A_238 : memref<32x128xf32, #tpu.memory_space<vmem_shared>>) dst(%arg18 : memref<32x128xf32, #tpu.memory_space<vmem>>)
      "tpu.region"() ({
        %run_scoped3A = tpu.sem_alloc : memref<!tpu.dma_semaphore, #tpu.memory_space<semaphore_mem>>
        %dma_start3A_371 = arith.constant 0 : i32
        %dma_start3A_372 = tpu.memref_slice %arg8[%add3A_230, %dma_start3A_371] : memref<10240x128xf32, #tpu.memory_space<hbm>> -> memref<32x128xf32, #tpu.memory_space<hbm>>
        %dma_start3A_373 = arith.constant 0 : i32
        %dma_start3A_374 = tpu.memref_slice %arg8[%add3A_230, %dma_start3A_373] : memref<10240x128xf32, #tpu.memory_space<hbm>> -> memref<32x128xf32, #tpu.memory_space<hbm>>
        tpu.enqueue_dma source(%arg18 : memref<32x128xf32, #tpu.memory_space<vmem>>) target(%dma_start3A_374 : memref<32x128xf32, #tpu.memory_space<hbm>>) target_semaphore(%run_scoped3A : memref<!tpu.dma_semaphore, #tpu.memory_space<semaphore_mem>>)
        %dma_wait3A_375 = arith.constant 0 : i32
        %dma_wait3A_376 = tpu.memref_slice %arg8[%add3A_230, %dma_wait3A_375] : memref<10240x128xf32, #tpu.memory_space<hbm>> -> memref<32x128xf32, #tpu.memory_space<hbm>>
        %dma_wait3A_377 = arith.constant 0 : i32
        %dma_wait3A_378 = tpu.memref_slice %arg8[%add3A_230, %dma_wait3A_377] : memref<10240x128xf32, #tpu.memory_space<hbm>> -> memref<32x128xf32, #tpu.memory_space<hbm>>
        tpu.wait_dma2 semaphore(%run_scoped3A : memref<!tpu.dma_semaphore, #tpu.memory_space<semaphore_mem>>) src(%arg18 : memref<32x128xf32, #tpu.memory_space<vmem>>) dst(%dma_wait3A_378 : memref<32x128xf32, #tpu.memory_space<hbm>>)
        tpu.yield
      }) : () -> ()
      %mul3A_239 = arith.constant 640 : i32
      %mul3A_240 = arith.muli %arg1, %mul3A_239 : i32
      %add3A_241 = arith.constant 288 : i32
      %add3A_242 = arith.addi %mul3A_240, %add3A_241 : i32
      %dma_start3A_243 = arith.constant 0 : i32
      %dma_start3A_244 = tpu.memref_slice %arg19[%add3A_242, %dma_start3A_243] : memref<10240x128xf32, #tpu.memory_space<vmem_shared>> -> memref<32x128xf32, #tpu.memory_space<vmem_shared>>
      %dma_start3A_245 = arith.constant 0 : i32
      %dma_start3A_246 = tpu.memref_slice %arg19[%add3A_242, %dma_start3A_245] : memref<10240x128xf32, #tpu.memory_space<vmem_shared>> -> memref<32x128xf32, #tpu.memory_space<vmem_shared>>
      tpu.enqueue_dma source(%dma_start3A_246 : memref<32x128xf32, #tpu.memory_space<vmem_shared>>) target(%arg18 : memref<32x128xf32, #tpu.memory_space<vmem>>) target_semaphore(%arg20 : memref<!tpu.dma_semaphore, #tpu.memory_space<semaphore_mem>>)
      %dma_wait3A_247 = arith.constant 0 : i32
      %dma_wait3A_248 = tpu.memref_slice %arg19[%add3A_242, %dma_wait3A_247] : memref<10240x128xf32, #tpu.memory_space<vmem_shared>> -> memref<32x128xf32, #tpu.memory_space<vmem_shared>>
      %dma_wait3A_249 = arith.constant 0 : i32
      %dma_wait3A_250 = tpu.memref_slice %arg19[%add3A_242, %dma_wait3A_249] : memref<10240x128xf32, #tpu.memory_space<vmem_shared>> -> memref<32x128xf32, #tpu.memory_space<vmem_shared>>
      tpu.wait_dma2 semaphore(%arg20 : memref<!tpu.dma_semaphore, #tpu.memory_space<semaphore_mem>>) src(%dma_wait3A_250 : memref<32x128xf32, #tpu.memory_space<vmem_shared>>) dst(%arg18 : memref<32x128xf32, #tpu.memory_space<vmem>>)
      "tpu.region"() ({
        %run_scoped3A = tpu.sem_alloc : memref<!tpu.dma_semaphore, #tpu.memory_space<semaphore_mem>>
        %dma_start3A_371 = arith.constant 0 : i32
        %dma_start3A_372 = tpu.memref_slice %arg8[%add3A_242, %dma_start3A_371] : memref<10240x128xf32, #tpu.memory_space<hbm>> -> memref<32x128xf32, #tpu.memory_space<hbm>>
        %dma_start3A_373 = arith.constant 0 : i32
        %dma_start3A_374 = tpu.memref_slice %arg8[%add3A_242, %dma_start3A_373] : memref<10240x128xf32, #tpu.memory_space<hbm>> -> memref<32x128xf32, #tpu.memory_space<hbm>>
        tpu.enqueue_dma source(%arg18 : memref<32x128xf32, #tpu.memory_space<vmem>>) target(%dma_start3A_374 : memref<32x128xf32, #tpu.memory_space<hbm>>) target_semaphore(%run_scoped3A : memref<!tpu.dma_semaphore, #tpu.memory_space<semaphore_mem>>)
        %dma_wait3A_375 = arith.constant 0 : i32
        %dma_wait3A_376 = tpu.memref_slice %arg8[%add3A_242, %dma_wait3A_375] : memref<10240x128xf32, #tpu.memory_space<hbm>> -> memref<32x128xf32, #tpu.memory_space<hbm>>
        %dma_wait3A_377 = arith.constant 0 : i32
        %dma_wait3A_378 = tpu.memref_slice %arg8[%add3A_242, %dma_wait3A_377] : memref<10240x128xf32, #tpu.memory_space<hbm>> -> memref<32x128xf32, #tpu.memory_space<hbm>>
        tpu.wait_dma2 semaphore(%run_scoped3A : memref<!tpu.dma_semaphore, #tpu.memory_space<semaphore_mem>>) src(%arg18 : memref<32x128xf32, #tpu.memory_space<vmem>>) dst(%dma_wait3A_378 : memref<32x128xf32, #tpu.memory_space<hbm>>)
        tpu.yield
      }) : () -> ()
      %mul3A_251 = arith.constant 640 : i32
      %mul3A_252 = arith.muli %arg1, %mul3A_251 : i32
      %add3A_253 = arith.constant 320 : i32
      %add3A_254 = arith.addi %mul3A_252, %add3A_253 : i32
      %dma_start3A_255 = arith.constant 0 : i32
      %dma_start3A_256 = tpu.memref_slice %arg19[%add3A_254, %dma_start3A_255] : memref<10240x128xf32, #tpu.memory_space<vmem_shared>> -> memref<32x128xf32, #tpu.memory_space<vmem_shared>>
      %dma_start3A_257 = arith.constant 0 : i32
      %dma_start3A_258 = tpu.memref_slice %arg19[%add3A_254, %dma_start3A_257] : memref<10240x128xf32, #tpu.memory_space<vmem_shared>> -> memref<32x128xf32, #tpu.memory_space<vmem_shared>>
      tpu.enqueue_dma source(%dma_start3A_258 : memref<32x128xf32, #tpu.memory_space<vmem_shared>>) target(%arg18 : memref<32x128xf32, #tpu.memory_space<vmem>>) target_semaphore(%arg20 : memref<!tpu.dma_semaphore, #tpu.memory_space<semaphore_mem>>)
      %dma_wait3A_259 = arith.constant 0 : i32
      %dma_wait3A_260 = tpu.memref_slice %arg19[%add3A_254, %dma_wait3A_259] : memref<10240x128xf32, #tpu.memory_space<vmem_shared>> -> memref<32x128xf32, #tpu.memory_space<vmem_shared>>
      %dma_wait3A_261 = arith.constant 0 : i32
      %dma_wait3A_262 = tpu.memref_slice %arg19[%add3A_254, %dma_wait3A_261] : memref<10240x128xf32, #tpu.memory_space<vmem_shared>> -> memref<32x128xf32, #tpu.memory_space<vmem_shared>>
      tpu.wait_dma2 semaphore(%arg20 : memref<!tpu.dma_semaphore, #tpu.memory_space<semaphore_mem>>) src(%dma_wait3A_262 : memref<32x128xf32, #tpu.memory_space<vmem_shared>>) dst(%arg18 : memref<32x128xf32, #tpu.memory_space<vmem>>)
      "tpu.region"() ({
        %run_scoped3A = tpu.sem_alloc : memref<!tpu.dma_semaphore, #tpu.memory_space<semaphore_mem>>
        %dma_start3A_371 = arith.constant 0 : i32
        %dma_start3A_372 = tpu.memref_slice %arg8[%add3A_254, %dma_start3A_371] : memref<10240x128xf32, #tpu.memory_space<hbm>> -> memref<32x128xf32, #tpu.memory_space<hbm>>
        %dma_start3A_373 = arith.constant 0 : i32
        %dma_start3A_374 = tpu.memref_slice %arg8[%add3A_254, %dma_start3A_373] : memref<10240x128xf32, #tpu.memory_space<hbm>> -> memref<32x128xf32, #tpu.memory_space<hbm>>
        tpu.enqueue_dma source(%arg18 : memref<32x128xf32, #tpu.memory_space<vmem>>) target(%dma_start3A_374 : memref<32x128xf32, #tpu.memory_space<hbm>>) target_semaphore(%run_scoped3A : memref<!tpu.dma_semaphore, #tpu.memory_space<semaphore_mem>>)
        %dma_wait3A_375 = arith.constant 0 : i32
        %dma_wait3A_376 = tpu.memref_slice %arg8[%add3A_254, %dma_wait3A_375] : memref<10240x128xf32, #tpu.memory_space<hbm>> -> memref<32x128xf32, #tpu.memory_space<hbm>>
        %dma_wait3A_377 = arith.constant 0 : i32
        %dma_wait3A_378 = tpu.memref_slice %arg8[%add3A_254, %dma_wait3A_377] : memref<10240x128xf32, #tpu.memory_space<hbm>> -> memref<32x128xf32, #tpu.memory_space<hbm>>
        tpu.wait_dma2 semaphore(%run_scoped3A : memref<!tpu.dma_semaphore, #tpu.memory_space<semaphore_mem>>) src(%arg18 : memref<32x128xf32, #tpu.memory_space<vmem>>) dst(%dma_wait3A_378 : memref<32x128xf32, #tpu.memory_space<hbm>>)
        tpu.yield
      }) : () -> ()
      %mul3A_263 = arith.constant 640 : i32
      %mul3A_264 = arith.muli %arg1, %mul3A_263 : i32
      %add3A_265 = arith.constant 352 : i32
      %add3A_266 = arith.addi %mul3A_264, %add3A_265 : i32
      %dma_start3A_267 = arith.constant 0 : i32
      %dma_start3A_268 = tpu.memref_slice %arg19[%add3A_266, %dma_start3A_267] : memref<10240x128xf32, #tpu.memory_space<vmem_shared>> -> memref<32x128xf32, #tpu.memory_space<vmem_shared>>
      %dma_start3A_269 = arith.constant 0 : i32
      %dma_start3A_270 = tpu.memref_slice %arg19[%add3A_266, %dma_start3A_269] : memref<10240x128xf32, #tpu.memory_space<vmem_shared>> -> memref<32x128xf32, #tpu.memory_space<vmem_shared>>
      tpu.enqueue_dma source(%dma_start3A_270 : memref<32x128xf32, #tpu.memory_space<vmem_shared>>) target(%arg18 : memref<32x128xf32, #tpu.memory_space<vmem>>) target_semaphore(%arg20 : memref<!tpu.dma_semaphore, #tpu.memory_space<semaphore_mem>>)
      %dma_wait3A_271 = arith.constant 0 : i32
      %dma_wait3A_272 = tpu.memref_slice %arg19[%add3A_266, %dma_wait3A_271] : memref<10240x128xf32, #tpu.memory_space<vmem_shared>> -> memref<32x128xf32, #tpu.memory_space<vmem_shared>>
      %dma_wait3A_273 = arith.constant 0 : i32
      %dma_wait3A_274 = tpu.memref_slice %arg19[%add3A_266, %dma_wait3A_273] : memref<10240x128xf32, #tpu.memory_space<vmem_shared>> -> memref<32x128xf32, #tpu.memory_space<vmem_shared>>
      tpu.wait_dma2 semaphore(%arg20 : memref<!tpu.dma_semaphore, #tpu.memory_space<semaphore_mem>>) src(%dma_wait3A_274 : memref<32x128xf32, #tpu.memory_space<vmem_shared>>) dst(%arg18 : memref<32x128xf32, #tpu.memory_space<vmem>>)
      "tpu.region"() ({
        %run_scoped3A = tpu.sem_alloc : memref<!tpu.dma_semaphore, #tpu.memory_space<semaphore_mem>>
        %dma_start3A_371 = arith.constant 0 : i32
        %dma_start3A_372 = tpu.memref_slice %arg8[%add3A_266, %dma_start3A_371] : memref<10240x128xf32, #tpu.memory_space<hbm>> -> memref<32x128xf32, #tpu.memory_space<hbm>>
        %dma_start3A_373 = arith.constant 0 : i32
        %dma_start3A_374 = tpu.memref_slice %arg8[%add3A_266, %dma_start3A_373] : memref<10240x128xf32, #tpu.memory_space<hbm>> -> memref<32x128xf32, #tpu.memory_space<hbm>>
        tpu.enqueue_dma source(%arg18 : memref<32x128xf32, #tpu.memory_space<vmem>>) target(%dma_start3A_374 : memref<32x128xf32, #tpu.memory_space<hbm>>) target_semaphore(%run_scoped3A : memref<!tpu.dma_semaphore, #tpu.memory_space<semaphore_mem>>)
        %dma_wait3A_375 = arith.constant 0 : i32
        %dma_wait3A_376 = tpu.memref_slice %arg8[%add3A_266, %dma_wait3A_375] : memref<10240x128xf32, #tpu.memory_space<hbm>> -> memref<32x128xf32, #tpu.memory_space<hbm>>
        %dma_wait3A_377 = arith.constant 0 : i32
        %dma_wait3A_378 = tpu.memref_slice %arg8[%add3A_266, %dma_wait3A_377] : memref<10240x128xf32, #tpu.memory_space<hbm>> -> memref<32x128xf32, #tpu.memory_space<hbm>>
        tpu.wait_dma2 semaphore(%run_scoped3A : memref<!tpu.dma_semaphore, #tpu.memory_space<semaphore_mem>>) src(%arg18 : memref<32x128xf32, #tpu.memory_space<vmem>>) dst(%dma_wait3A_378 : memref<32x128xf32, #tpu.memory_space<hbm>>)
        tpu.yield
      }) : () -> ()
      %mul3A_275 = arith.constant 640 : i32
      %mul3A_276 = arith.muli %arg1, %mul3A_275 : i32
      %add3A_277 = arith.constant 384 : i32
      %add3A_278 = arith.addi %mul3A_276, %add3A_277 : i32
      %dma_start3A_279 = arith.constant 0 : i32
      %dma_start3A_280 = tpu.memref_slice %arg19[%add3A_278, %dma_start3A_279] : memref<10240x128xf32, #tpu.memory_space<vmem_shared>> -> memref<32x128xf32, #tpu.memory_space<vmem_shared>>
      %dma_start3A_281 = arith.constant 0 : i32
      %dma_start3A_282 = tpu.memref_slice %arg19[%add3A_278, %dma_start3A_281] : memref<10240x128xf32, #tpu.memory_space<vmem_shared>> -> memref<32x128xf32, #tpu.memory_space<vmem_shared>>
      tpu.enqueue_dma source(%dma_start3A_282 : memref<32x128xf32, #tpu.memory_space<vmem_shared>>) target(%arg18 : memref<32x128xf32, #tpu.memory_space<vmem>>) target_semaphore(%arg20 : memref<!tpu.dma_semaphore, #tpu.memory_space<semaphore_mem>>)
      %dma_wait3A_283 = arith.constant 0 : i32
      %dma_wait3A_284 = tpu.memref_slice %arg19[%add3A_278, %dma_wait3A_283] : memref<10240x128xf32, #tpu.memory_space<vmem_shared>> -> memref<32x128xf32, #tpu.memory_space<vmem_shared>>
      %dma_wait3A_285 = arith.constant 0 : i32
      %dma_wait3A_286 = tpu.memref_slice %arg19[%add3A_278, %dma_wait3A_285] : memref<10240x128xf32, #tpu.memory_space<vmem_shared>> -> memref<32x128xf32, #tpu.memory_space<vmem_shared>>
      tpu.wait_dma2 semaphore(%arg20 : memref<!tpu.dma_semaphore, #tpu.memory_space<semaphore_mem>>) src(%dma_wait3A_286 : memref<32x128xf32, #tpu.memory_space<vmem_shared>>) dst(%arg18 : memref<32x128xf32, #tpu.memory_space<vmem>>)
      "tpu.region"() ({
        %run_scoped3A = tpu.sem_alloc : memref<!tpu.dma_semaphore, #tpu.memory_space<semaphore_mem>>
        %dma_start3A_371 = arith.constant 0 : i32
        %dma_start3A_372 = tpu.memref_slice %arg8[%add3A_278, %dma_start3A_371] : memref<10240x128xf32, #tpu.memory_space<hbm>> -> memref<32x128xf32, #tpu.memory_space<hbm>>
        %dma_start3A_373 = arith.constant 0 : i32
        %dma_start3A_374 = tpu.memref_slice %arg8[%add3A_278, %dma_start3A_373] : memref<10240x128xf32, #tpu.memory_space<hbm>> -> memref<32x128xf32, #tpu.memory_space<hbm>>
        tpu.enqueue_dma source(%arg18 : memref<32x128xf32, #tpu.memory_space<vmem>>) target(%dma_start3A_374 : memref<32x128xf32, #tpu.memory_space<hbm>>) target_semaphore(%run_scoped3A : memref<!tpu.dma_semaphore, #tpu.memory_space<semaphore_mem>>)
        %dma_wait3A_375 = arith.constant 0 : i32
        %dma_wait3A_376 = tpu.memref_slice %arg8[%add3A_278, %dma_wait3A_375] : memref<10240x128xf32, #tpu.memory_space<hbm>> -> memref<32x128xf32, #tpu.memory_space<hbm>>
        %dma_wait3A_377 = arith.constant 0 : i32
        %dma_wait3A_378 = tpu.memref_slice %arg8[%add3A_278, %dma_wait3A_377] : memref<10240x128xf32, #tpu.memory_space<hbm>> -> memref<32x128xf32, #tpu.memory_space<hbm>>
        tpu.wait_dma2 semaphore(%run_scoped3A : memref<!tpu.dma_semaphore, #tpu.memory_space<semaphore_mem>>) src(%arg18 : memref<32x128xf32, #tpu.memory_space<vmem>>) dst(%dma_wait3A_378 : memref<32x128xf32, #tpu.memory_space<hbm>>)
        tpu.yield
      }) : () -> ()
      %mul3A_287 = arith.constant 640 : i32
      %mul3A_288 = arith.muli %arg1, %mul3A_287 : i32
      %add3A_289 = arith.constant 416 : i32
      %add3A_290 = arith.addi %mul3A_288, %add3A_289 : i32
      %dma_start3A_291 = arith.constant 0 : i32
      %dma_start3A_292 = tpu.memref_slice %arg19[%add3A_290, %dma_start3A_291] : memref<10240x128xf32, #tpu.memory_space<vmem_shared>> -> memref<32x128xf32, #tpu.memory_space<vmem_shared>>
      %dma_start3A_293 = arith.constant 0 : i32
      %dma_start3A_294 = tpu.memref_slice %arg19[%add3A_290, %dma_start3A_293] : memref<10240x128xf32, #tpu.memory_space<vmem_shared>> -> memref<32x128xf32, #tpu.memory_space<vmem_shared>>
      tpu.enqueue_dma source(%dma_start3A_294 : memref<32x128xf32, #tpu.memory_space<vmem_shared>>) target(%arg18 : memref<32x128xf32, #tpu.memory_space<vmem>>) target_semaphore(%arg20 : memref<!tpu.dma_semaphore, #tpu.memory_space<semaphore_mem>>)
      %dma_wait3A_295 = arith.constant 0 : i32
      %dma_wait3A_296 = tpu.memref_slice %arg19[%add3A_290, %dma_wait3A_295] : memref<10240x128xf32, #tpu.memory_space<vmem_shared>> -> memref<32x128xf32, #tpu.memory_space<vmem_shared>>
      %dma_wait3A_297 = arith.constant 0 : i32
      %dma_wait3A_298 = tpu.memref_slice %arg19[%add3A_290, %dma_wait3A_297] : memref<10240x128xf32, #tpu.memory_space<vmem_shared>> -> memref<32x128xf32, #tpu.memory_space<vmem_shared>>
      tpu.wait_dma2 semaphore(%arg20 : memref<!tpu.dma_semaphore, #tpu.memory_space<semaphore_mem>>) src(%dma_wait3A_298 : memref<32x128xf32, #tpu.memory_space<vmem_shared>>) dst(%arg18 : memref<32x128xf32, #tpu.memory_space<vmem>>)
      "tpu.region"() ({
        %run_scoped3A = tpu.sem_alloc : memref<!tpu.dma_semaphore, #tpu.memory_space<semaphore_mem>>
        %dma_start3A_371 = arith.constant 0 : i32
        %dma_start3A_372 = tpu.memref_slice %arg8[%add3A_290, %dma_start3A_371] : memref<10240x128xf32, #tpu.memory_space<hbm>> -> memref<32x128xf32, #tpu.memory_space<hbm>>
        %dma_start3A_373 = arith.constant 0 : i32
        %dma_start3A_374 = tpu.memref_slice %arg8[%add3A_290, %dma_start3A_373] : memref<10240x128xf32, #tpu.memory_space<hbm>> -> memref<32x128xf32, #tpu.memory_space<hbm>>
        tpu.enqueue_dma source(%arg18 : memref<32x128xf32, #tpu.memory_space<vmem>>) target(%dma_start3A_374 : memref<32x128xf32, #tpu.memory_space<hbm>>) target_semaphore(%run_scoped3A : memref<!tpu.dma_semaphore, #tpu.memory_space<semaphore_mem>>)
        %dma_wait3A_375 = arith.constant 0 : i32
        %dma_wait3A_376 = tpu.memref_slice %arg8[%add3A_290, %dma_wait3A_375] : memref<10240x128xf32, #tpu.memory_space<hbm>> -> memref<32x128xf32, #tpu.memory_space<hbm>>
        %dma_wait3A_377 = arith.constant 0 : i32
        %dma_wait3A_378 = tpu.memref_slice %arg8[%add3A_290, %dma_wait3A_377] : memref<10240x128xf32, #tpu.memory_space<hbm>> -> memref<32x128xf32, #tpu.memory_space<hbm>>
        tpu.wait_dma2 semaphore(%run_scoped3A : memref<!tpu.dma_semaphore, #tpu.memory_space<semaphore_mem>>) src(%arg18 : memref<32x128xf32, #tpu.memory_space<vmem>>) dst(%dma_wait3A_378 : memref<32x128xf32, #tpu.memory_space<hbm>>)
        tpu.yield
      }) : () -> ()
      %mul3A_299 = arith.constant 640 : i32
      %mul3A_300 = arith.muli %arg1, %mul3A_299 : i32
      %add3A_301 = arith.constant 448 : i32
      %add3A_302 = arith.addi %mul3A_300, %add3A_301 : i32
      %dma_start3A_303 = arith.constant 0 : i32
      %dma_start3A_304 = tpu.memref_slice %arg19[%add3A_302, %dma_start3A_303] : memref<10240x128xf32, #tpu.memory_space<vmem_shared>> -> memref<32x128xf32, #tpu.memory_space<vmem_shared>>
      %dma_start3A_305 = arith.constant 0 : i32
      %dma_start3A_306 = tpu.memref_slice %arg19[%add3A_302, %dma_start3A_305] : memref<10240x128xf32, #tpu.memory_space<vmem_shared>> -> memref<32x128xf32, #tpu.memory_space<vmem_shared>>
      tpu.enqueue_dma source(%dma_start3A_306 : memref<32x128xf32, #tpu.memory_space<vmem_shared>>) target(%arg18 : memref<32x128xf32, #tpu.memory_space<vmem>>) target_semaphore(%arg20 : memref<!tpu.dma_semaphore, #tpu.memory_space<semaphore_mem>>)
      %dma_wait3A_307 = arith.constant 0 : i32
      %dma_wait3A_308 = tpu.memref_slice %arg19[%add3A_302, %dma_wait3A_307] : memref<10240x128xf32, #tpu.memory_space<vmem_shared>> -> memref<32x128xf32, #tpu.memory_space<vmem_shared>>
      %dma_wait3A_309 = arith.constant 0 : i32
      %dma_wait3A_310 = tpu.memref_slice %arg19[%add3A_302, %dma_wait3A_309] : memref<10240x128xf32, #tpu.memory_space<vmem_shared>> -> memref<32x128xf32, #tpu.memory_space<vmem_shared>>
      tpu.wait_dma2 semaphore(%arg20 : memref<!tpu.dma_semaphore, #tpu.memory_space<semaphore_mem>>) src(%dma_wait3A_310 : memref<32x128xf32, #tpu.memory_space<vmem_shared>>) dst(%arg18 : memref<32x128xf32, #tpu.memory_space<vmem>>)
      "tpu.region"() ({
        %run_scoped3A = tpu.sem_alloc : memref<!tpu.dma_semaphore, #tpu.memory_space<semaphore_mem>>
        %dma_start3A_371 = arith.constant 0 : i32
        %dma_start3A_372 = tpu.memref_slice %arg8[%add3A_302, %dma_start3A_371] : memref<10240x128xf32, #tpu.memory_space<hbm>> -> memref<32x128xf32, #tpu.memory_space<hbm>>
        %dma_start3A_373 = arith.constant 0 : i32
        %dma_start3A_374 = tpu.memref_slice %arg8[%add3A_302, %dma_start3A_373] : memref<10240x128xf32, #tpu.memory_space<hbm>> -> memref<32x128xf32, #tpu.memory_space<hbm>>
        tpu.enqueue_dma source(%arg18 : memref<32x128xf32, #tpu.memory_space<vmem>>) target(%dma_start3A_374 : memref<32x128xf32, #tpu.memory_space<hbm>>) target_semaphore(%run_scoped3A : memref<!tpu.dma_semaphore, #tpu.memory_space<semaphore_mem>>)
        %dma_wait3A_375 = arith.constant 0 : i32
        %dma_wait3A_376 = tpu.memref_slice %arg8[%add3A_302, %dma_wait3A_375] : memref<10240x128xf32, #tpu.memory_space<hbm>> -> memref<32x128xf32, #tpu.memory_space<hbm>>
        %dma_wait3A_377 = arith.constant 0 : i32
        %dma_wait3A_378 = tpu.memref_slice %arg8[%add3A_302, %dma_wait3A_377] : memref<10240x128xf32, #tpu.memory_space<hbm>> -> memref<32x128xf32, #tpu.memory_space<hbm>>
        tpu.wait_dma2 semaphore(%run_scoped3A : memref<!tpu.dma_semaphore, #tpu.memory_space<semaphore_mem>>) src(%arg18 : memref<32x128xf32, #tpu.memory_space<vmem>>) dst(%dma_wait3A_378 : memref<32x128xf32, #tpu.memory_space<hbm>>)
        tpu.yield
      }) : () -> ()
      %mul3A_311 = arith.constant 640 : i32
      %mul3A_312 = arith.muli %arg1, %mul3A_311 : i32
      %add3A_313 = arith.constant 480 : i32
      %add3A_314 = arith.addi %mul3A_312, %add3A_313 : i32
      %dma_start3A_315 = arith.constant 0 : i32
      %dma_start3A_316 = tpu.memref_slice %arg19[%add3A_314, %dma_start3A_315] : memref<10240x128xf32, #tpu.memory_space<vmem_shared>> -> memref<32x128xf32, #tpu.memory_space<vmem_shared>>
      %dma_start3A_317 = arith.constant 0 : i32
      %dma_start3A_318 = tpu.memref_slice %arg19[%add3A_314, %dma_start3A_317] : memref<10240x128xf32, #tpu.memory_space<vmem_shared>> -> memref<32x128xf32, #tpu.memory_space<vmem_shared>>
      tpu.enqueue_dma source(%dma_start3A_318 : memref<32x128xf32, #tpu.memory_space<vmem_shared>>) target(%arg18 : memref<32x128xf32, #tpu.memory_space<vmem>>) target_semaphore(%arg20 : memref<!tpu.dma_semaphore, #tpu.memory_space<semaphore_mem>>)
      %dma_wait3A_319 = arith.constant 0 : i32
      %dma_wait3A_320 = tpu.memref_slice %arg19[%add3A_314, %dma_wait3A_319] : memref<10240x128xf32, #tpu.memory_space<vmem_shared>> -> memref<32x128xf32, #tpu.memory_space<vmem_shared>>
      %dma_wait3A_321 = arith.constant 0 : i32
      %dma_wait3A_322 = tpu.memref_slice %arg19[%add3A_314, %dma_wait3A_321] : memref<10240x128xf32, #tpu.memory_space<vmem_shared>> -> memref<32x128xf32, #tpu.memory_space<vmem_shared>>
      tpu.wait_dma2 semaphore(%arg20 : memref<!tpu.dma_semaphore, #tpu.memory_space<semaphore_mem>>) src(%dma_wait3A_322 : memref<32x128xf32, #tpu.memory_space<vmem_shared>>) dst(%arg18 : memref<32x128xf32, #tpu.memory_space<vmem>>)
      "tpu.region"() ({
        %run_scoped3A = tpu.sem_alloc : memref<!tpu.dma_semaphore, #tpu.memory_space<semaphore_mem>>
        %dma_start3A_371 = arith.constant 0 : i32
        %dma_start3A_372 = tpu.memref_slice %arg8[%add3A_314, %dma_start3A_371] : memref<10240x128xf32, #tpu.memory_space<hbm>> -> memref<32x128xf32, #tpu.memory_space<hbm>>
        %dma_start3A_373 = arith.constant 0 : i32
        %dma_start3A_374 = tpu.memref_slice %arg8[%add3A_314, %dma_start3A_373] : memref<10240x128xf32, #tpu.memory_space<hbm>> -> memref<32x128xf32, #tpu.memory_space<hbm>>
        tpu.enqueue_dma source(%arg18 : memref<32x128xf32, #tpu.memory_space<vmem>>) target(%dma_start3A_374 : memref<32x128xf32, #tpu.memory_space<hbm>>) target_semaphore(%run_scoped3A : memref<!tpu.dma_semaphore, #tpu.memory_space<semaphore_mem>>)
        %dma_wait3A_375 = arith.constant 0 : i32
        %dma_wait3A_376 = tpu.memref_slice %arg8[%add3A_314, %dma_wait3A_375] : memref<10240x128xf32, #tpu.memory_space<hbm>> -> memref<32x128xf32, #tpu.memory_space<hbm>>
        %dma_wait3A_377 = arith.constant 0 : i32
        %dma_wait3A_378 = tpu.memref_slice %arg8[%add3A_314, %dma_wait3A_377] : memref<10240x128xf32, #tpu.memory_space<hbm>> -> memref<32x128xf32, #tpu.memory_space<hbm>>
        tpu.wait_dma2 semaphore(%run_scoped3A : memref<!tpu.dma_semaphore, #tpu.memory_space<semaphore_mem>>) src(%arg18 : memref<32x128xf32, #tpu.memory_space<vmem>>) dst(%dma_wait3A_378 : memref<32x128xf32, #tpu.memory_space<hbm>>)
        tpu.yield
      }) : () -> ()
      %mul3A_323 = arith.constant 640 : i32
      %mul3A_324 = arith.muli %arg1, %mul3A_323 : i32
      %add3A_325 = arith.constant 512 : i32
      %add3A_326 = arith.addi %mul3A_324, %add3A_325 : i32
      %dma_start3A_327 = arith.constant 0 : i32
      %dma_start3A_328 = tpu.memref_slice %arg19[%add3A_326, %dma_start3A_327] : memref<10240x128xf32, #tpu.memory_space<vmem_shared>> -> memref<32x128xf32, #tpu.memory_space<vmem_shared>>
      %dma_start3A_329 = arith.constant 0 : i32
      %dma_start3A_330 = tpu.memref_slice %arg19[%add3A_326, %dma_start3A_329] : memref<10240x128xf32, #tpu.memory_space<vmem_shared>> -> memref<32x128xf32, #tpu.memory_space<vmem_shared>>
      tpu.enqueue_dma source(%dma_start3A_330 : memref<32x128xf32, #tpu.memory_space<vmem_shared>>) target(%arg18 : memref<32x128xf32, #tpu.memory_space<vmem>>) target_semaphore(%arg20 : memref<!tpu.dma_semaphore, #tpu.memory_space<semaphore_mem>>)
      %dma_wait3A_331 = arith.constant 0 : i32
      %dma_wait3A_332 = tpu.memref_slice %arg19[%add3A_326, %dma_wait3A_331] : memref<10240x128xf32, #tpu.memory_space<vmem_shared>> -> memref<32x128xf32, #tpu.memory_space<vmem_shared>>
      %dma_wait3A_333 = arith.constant 0 : i32
      %dma_wait3A_334 = tpu.memref_slice %arg19[%add3A_326, %dma_wait3A_333] : memref<10240x128xf32, #tpu.memory_space<vmem_shared>> -> memref<32x128xf32, #tpu.memory_space<vmem_shared>>
      tpu.wait_dma2 semaphore(%arg20 : memref<!tpu.dma_semaphore, #tpu.memory_space<semaphore_mem>>) src(%dma_wait3A_334 : memref<32x128xf32, #tpu.memory_space<vmem_shared>>) dst(%arg18 : memref<32x128xf32, #tpu.memory_space<vmem>>)
      "tpu.region"() ({
        %run_scoped3A = tpu.sem_alloc : memref<!tpu.dma_semaphore, #tpu.memory_space<semaphore_mem>>
        %dma_start3A_371 = arith.constant 0 : i32
        %dma_start3A_372 = tpu.memref_slice %arg8[%add3A_326, %dma_start3A_371] : memref<10240x128xf32, #tpu.memory_space<hbm>> -> memref<32x128xf32, #tpu.memory_space<hbm>>
        %dma_start3A_373 = arith.constant 0 : i32
        %dma_start3A_374 = tpu.memref_slice %arg8[%add3A_326, %dma_start3A_373] : memref<10240x128xf32, #tpu.memory_space<hbm>> -> memref<32x128xf32, #tpu.memory_space<hbm>>
        tpu.enqueue_dma source(%arg18 : memref<32x128xf32, #tpu.memory_space<vmem>>) target(%dma_start3A_374 : memref<32x128xf32, #tpu.memory_space<hbm>>) target_semaphore(%run_scoped3A : memref<!tpu.dma_semaphore, #tpu.memory_space<semaphore_mem>>)
        %dma_wait3A_375 = arith.constant 0 : i32
        %dma_wait3A_376 = tpu.memref_slice %arg8[%add3A_326, %dma_wait3A_375] : memref<10240x128xf32, #tpu.memory_space<hbm>> -> memref<32x128xf32, #tpu.memory_space<hbm>>
        %dma_wait3A_377 = arith.constant 0 : i32
        %dma_wait3A_378 = tpu.memref_slice %arg8[%add3A_326, %dma_wait3A_377] : memref<10240x128xf32, #tpu.memory_space<hbm>> -> memref<32x128xf32, #tpu.memory_space<hbm>>
        tpu.wait_dma2 semaphore(%run_scoped3A : memref<!tpu.dma_semaphore, #tpu.memory_space<semaphore_mem>>) src(%arg18 : memref<32x128xf32, #tpu.memory_space<vmem>>) dst(%dma_wait3A_378 : memref<32x128xf32, #tpu.memory_space<hbm>>)
        tpu.yield
      }) : () -> ()
      %mul3A_335 = arith.constant 640 : i32
      %mul3A_336 = arith.muli %arg1, %mul3A_335 : i32
      %add3A_337 = arith.constant 544 : i32
      %add3A_338 = arith.addi %mul3A_336, %add3A_337 : i32
      %dma_start3A_339 = arith.constant 0 : i32
      %dma_start3A_340 = tpu.memref_slice %arg19[%add3A_338, %dma_start3A_339] : memref<10240x128xf32, #tpu.memory_space<vmem_shared>> -> memref<32x128xf32, #tpu.memory_space<vmem_shared>>
      %dma_start3A_341 = arith.constant 0 : i32
      %dma_start3A_342 = tpu.memref_slice %arg19[%add3A_338, %dma_start3A_341] : memref<10240x128xf32, #tpu.memory_space<vmem_shared>> -> memref<32x128xf32, #tpu.memory_space<vmem_shared>>
      tpu.enqueue_dma source(%dma_start3A_342 : memref<32x128xf32, #tpu.memory_space<vmem_shared>>) target(%arg18 : memref<32x128xf32, #tpu.memory_space<vmem>>) target_semaphore(%arg20 : memref<!tpu.dma_semaphore, #tpu.memory_space<semaphore_mem>>)
      %dma_wait3A_343 = arith.constant 0 : i32
      %dma_wait3A_344 = tpu.memref_slice %arg19[%add3A_338, %dma_wait3A_343] : memref<10240x128xf32, #tpu.memory_space<vmem_shared>> -> memref<32x128xf32, #tpu.memory_space<vmem_shared>>
      %dma_wait3A_345 = arith.constant 0 : i32
      %dma_wait3A_346 = tpu.memref_slice %arg19[%add3A_338, %dma_wait3A_345] : memref<10240x128xf32, #tpu.memory_space<vmem_shared>> -> memref<32x128xf32, #tpu.memory_space<vmem_shared>>
      tpu.wait_dma2 semaphore(%arg20 : memref<!tpu.dma_semaphore, #tpu.memory_space<semaphore_mem>>) src(%dma_wait3A_346 : memref<32x128xf32, #tpu.memory_space<vmem_shared>>) dst(%arg18 : memref<32x128xf32, #tpu.memory_space<vmem>>)
      "tpu.region"() ({
        %run_scoped3A = tpu.sem_alloc : memref<!tpu.dma_semaphore, #tpu.memory_space<semaphore_mem>>
        %dma_start3A_371 = arith.constant 0 : i32
        %dma_start3A_372 = tpu.memref_slice %arg8[%add3A_338, %dma_start3A_371] : memref<10240x128xf32, #tpu.memory_space<hbm>> -> memref<32x128xf32, #tpu.memory_space<hbm>>
        %dma_start3A_373 = arith.constant 0 : i32
        %dma_start3A_374 = tpu.memref_slice %arg8[%add3A_338, %dma_start3A_373] : memref<10240x128xf32, #tpu.memory_space<hbm>> -> memref<32x128xf32, #tpu.memory_space<hbm>>
        tpu.enqueue_dma source(%arg18 : memref<32x128xf32, #tpu.memory_space<vmem>>) target(%dma_start3A_374 : memref<32x128xf32, #tpu.memory_space<hbm>>) target_semaphore(%run_scoped3A : memref<!tpu.dma_semaphore, #tpu.memory_space<semaphore_mem>>)
        %dma_wait3A_375 = arith.constant 0 : i32
        %dma_wait3A_376 = tpu.memref_slice %arg8[%add3A_338, %dma_wait3A_375] : memref<10240x128xf32, #tpu.memory_space<hbm>> -> memref<32x128xf32, #tpu.memory_space<hbm>>
        %dma_wait3A_377 = arith.constant 0 : i32
        %dma_wait3A_378 = tpu.memref_slice %arg8[%add3A_338, %dma_wait3A_377] : memref<10240x128xf32, #tpu.memory_space<hbm>> -> memref<32x128xf32, #tpu.memory_space<hbm>>
        tpu.wait_dma2 semaphore(%run_scoped3A : memref<!tpu.dma_semaphore, #tpu.memory_space<semaphore_mem>>) src(%arg18 : memref<32x128xf32, #tpu.memory_space<vmem>>) dst(%dma_wait3A_378 : memref<32x128xf32, #tpu.memory_space<hbm>>)
        tpu.yield
      }) : () -> ()
      %mul3A_347 = arith.constant 640 : i32
      %mul3A_348 = arith.muli %arg1, %mul3A_347 : i32
      %add3A_349 = arith.constant 576 : i32
      %add3A_350 = arith.addi %mul3A_348, %add3A_349 : i32
      %dma_start3A_351 = arith.constant 0 : i32
      %dma_start3A_352 = tpu.memref_slice %arg19[%add3A_350, %dma_start3A_351] : memref<10240x128xf32, #tpu.memory_space<vmem_shared>> -> memref<32x128xf32, #tpu.memory_space<vmem_shared>>
      %dma_start3A_353 = arith.constant 0 : i32
      %dma_start3A_354 = tpu.memref_slice %arg19[%add3A_350, %dma_start3A_353] : memref<10240x128xf32, #tpu.memory_space<vmem_shared>> -> memref<32x128xf32, #tpu.memory_space<vmem_shared>>
      tpu.enqueue_dma source(%dma_start3A_354 : memref<32x128xf32, #tpu.memory_space<vmem_shared>>) target(%arg18 : memref<32x128xf32, #tpu.memory_space<vmem>>) target_semaphore(%arg20 : memref<!tpu.dma_semaphore, #tpu.memory_space<semaphore_mem>>)
      %dma_wait3A_355 = arith.constant 0 : i32
      %dma_wait3A_356 = tpu.memref_slice %arg19[%add3A_350, %dma_wait3A_355] : memref<10240x128xf32, #tpu.memory_space<vmem_shared>> -> memref<32x128xf32, #tpu.memory_space<vmem_shared>>
      %dma_wait3A_357 = arith.constant 0 : i32
      %dma_wait3A_358 = tpu.memref_slice %arg19[%add3A_350, %dma_wait3A_357] : memref<10240x128xf32, #tpu.memory_space<vmem_shared>> -> memref<32x128xf32, #tpu.memory_space<vmem_shared>>
      tpu.wait_dma2 semaphore(%arg20 : memref<!tpu.dma_semaphore, #tpu.memory_space<semaphore_mem>>) src(%dma_wait3A_358 : memref<32x128xf32, #tpu.memory_space<vmem_shared>>) dst(%arg18 : memref<32x128xf32, #tpu.memory_space<vmem>>)
      "tpu.region"() ({
        %run_scoped3A = tpu.sem_alloc : memref<!tpu.dma_semaphore, #tpu.memory_space<semaphore_mem>>
        %dma_start3A_371 = arith.constant 0 : i32
        %dma_start3A_372 = tpu.memref_slice %arg8[%add3A_350, %dma_start3A_371] : memref<10240x128xf32, #tpu.memory_space<hbm>> -> memref<32x128xf32, #tpu.memory_space<hbm>>
        %dma_start3A_373 = arith.constant 0 : i32
        %dma_start3A_374 = tpu.memref_slice %arg8[%add3A_350, %dma_start3A_373] : memref<10240x128xf32, #tpu.memory_space<hbm>> -> memref<32x128xf32, #tpu.memory_space<hbm>>
        tpu.enqueue_dma source(%arg18 : memref<32x128xf32, #tpu.memory_space<vmem>>) target(%dma_start3A_374 : memref<32x128xf32, #tpu.memory_space<hbm>>) target_semaphore(%run_scoped3A : memref<!tpu.dma_semaphore, #tpu.memory_space<semaphore_mem>>)
        %dma_wait3A_375 = arith.constant 0 : i32
        %dma_wait3A_376 = tpu.memref_slice %arg8[%add3A_350, %dma_wait3A_375] : memref<10240x128xf32, #tpu.memory_space<hbm>> -> memref<32x128xf32, #tpu.memory_space<hbm>>
        %dma_wait3A_377 = arith.constant 0 : i32
        %dma_wait3A_378 = tpu.memref_slice %arg8[%add3A_350, %dma_wait3A_377] : memref<10240x128xf32, #tpu.memory_space<hbm>> -> memref<32x128xf32, #tpu.memory_space<hbm>>
        tpu.wait_dma2 semaphore(%run_scoped3A : memref<!tpu.dma_semaphore, #tpu.memory_space<semaphore_mem>>) src(%arg18 : memref<32x128xf32, #tpu.memory_space<vmem>>) dst(%dma_wait3A_378 : memref<32x128xf32, #tpu.memory_space<hbm>>)
        tpu.yield
      }) : () -> ()
      %mul3A_359 = arith.constant 640 : i32
      %mul3A_360 = arith.muli %arg1, %mul3A_359 : i32
      %add3A_361 = arith.constant 608 : i32
      %add3A_362 = arith.addi %mul3A_360, %add3A_361 : i32
      %dma_start3A_363 = arith.constant 0 : i32
      %dma_start3A_364 = tpu.memref_slice %arg19[%add3A_362, %dma_start3A_363] : memref<10240x128xf32, #tpu.memory_space<vmem_shared>> -> memref<32x128xf32, #tpu.memory_space<vmem_shared>>
      %dma_start3A_365 = arith.constant 0 : i32
      %dma_start3A_366 = tpu.memref_slice %arg19[%add3A_362, %dma_start3A_365] : memref<10240x128xf32, #tpu.memory_space<vmem_shared>> -> memref<32x128xf32, #tpu.memory_space<vmem_shared>>
      tpu.enqueue_dma source(%dma_start3A_366 : memref<32x128xf32, #tpu.memory_space<vmem_shared>>) target(%arg18 : memref<32x128xf32, #tpu.memory_space<vmem>>) target_semaphore(%arg20 : memref<!tpu.dma_semaphore, #tpu.memory_space<semaphore_mem>>)
      %dma_wait3A_367 = arith.constant 0 : i32
      %dma_wait3A_368 = tpu.memref_slice %arg19[%add3A_362, %dma_wait3A_367] : memref<10240x128xf32, #tpu.memory_space<vmem_shared>> -> memref<32x128xf32, #tpu.memory_space<vmem_shared>>
      %dma_wait3A_369 = arith.constant 0 : i32
      %dma_wait3A_370 = tpu.memref_slice %arg19[%add3A_362, %dma_wait3A_369] : memref<10240x128xf32, #tpu.memory_space<vmem_shared>> -> memref<32x128xf32, #tpu.memory_space<vmem_shared>>
      tpu.wait_dma2 semaphore(%arg20 : memref<!tpu.dma_semaphore, #tpu.memory_space<semaphore_mem>>) src(%dma_wait3A_370 : memref<32x128xf32, #tpu.memory_space<vmem_shared>>) dst(%arg18 : memref<32x128xf32, #tpu.memory_space<vmem>>)
      "tpu.region"() ({
        %run_scoped3A = tpu.sem_alloc : memref<!tpu.dma_semaphore, #tpu.memory_space<semaphore_mem>>
        %dma_start3A_371 = arith.constant 0 : i32
        %dma_start3A_372 = tpu.memref_slice %arg8[%add3A_362, %dma_start3A_371] : memref<10240x128xf32, #tpu.memory_space<hbm>> -> memref<32x128xf32, #tpu.memory_space<hbm>>
        %dma_start3A_373 = arith.constant 0 : i32
        %dma_start3A_374 = tpu.memref_slice %arg8[%add3A_362, %dma_start3A_373] : memref<10240x128xf32, #tpu.memory_space<hbm>> -> memref<32x128xf32, #tpu.memory_space<hbm>>
        tpu.enqueue_dma source(%arg18 : memref<32x128xf32, #tpu.memory_space<vmem>>) target(%dma_start3A_374 : memref<32x128xf32, #tpu.memory_space<hbm>>) target_semaphore(%run_scoped3A : memref<!tpu.dma_semaphore, #tpu.memory_space<semaphore_mem>>)
        %dma_wait3A_375 = arith.constant 0 : i32
        %dma_wait3A_376 = tpu.memref_slice %arg8[%add3A_362, %dma_wait3A_375] : memref<10240x128xf32, #tpu.memory_space<hbm>> -> memref<32x128xf32, #tpu.memory_space<hbm>>
        %dma_wait3A_377 = arith.constant 0 : i32
        %dma_wait3A_378 = tpu.memref_slice %arg8[%add3A_362, %dma_wait3A_377] : memref<10240x128xf32, #tpu.memory_space<hbm>> -> memref<32x128xf32, #tpu.memory_space<hbm>>
        tpu.wait_dma2 semaphore(%run_scoped3A : memref<!tpu.dma_semaphore, #tpu.memory_space<semaphore_mem>>) src(%arg18 : memref<32x128xf32, #tpu.memory_space<vmem>>) dst(%dma_wait3A_378 : memref<32x128xf32, #tpu.memory_space<hbm>>)
        tpu.yield
      }) : () -> ()
    } else {
    }
    %eq3A_86 = arith.constant 1 : i32
    %eq3A_87 = arith.cmpi eq, %arg0, %eq3A_86 : i32
    %convert_element_type3A_88 = arith.extui %eq3A_87 : i1 to i32
    %cond3A_89 = arith.constant 0 : i32
    %cond3A_90 = arith.cmpi ne, %convert_element_type3A_88, %cond3A_89 : i32
    scf.if %cond3A_90 {
      %mul3A_91 = arith.constant 10000 : i32
      %mul3A_92 = arith.muli %arg1, %mul3A_91 : i32
      %add3A_93 = arith.constant 0 : i32
      %add3A_94 = arith.addi %mul3A_92, %add3A_93 : i32
      "tpu.region"() ({
        %run_scoped3A = tpu.sem_alloc : memref<!tpu.dma_semaphore, #tpu.memory_space<semaphore_mem>>
        %dma_start3A_371 = tpu.memref_slice %arg6[%add3A_94] : memref<160000xi32, #tpu.memory_space<hbm>> -> memref<80xi32, #tpu.memory_space<hbm>>
        %dma_start3A_372 = tpu.memref_slice %arg6[%add3A_94] : memref<160000xi32, #tpu.memory_space<hbm>> -> memref<80xi32, #tpu.memory_space<hbm>>
        tpu.enqueue_dma source(%dma_start3A_372 : memref<80xi32, #tpu.memory_space<hbm>>) target(%arg10 : memref<80xi32, #tpu.memory_space<vmem>>) target_semaphore(%run_scoped3A : memref<!tpu.dma_semaphore, #tpu.memory_space<semaphore_mem>>)
        %dma_wait3A_373 = tpu.memref_slice %arg6[%add3A_94] : memref<160000xi32, #tpu.memory_space<hbm>> -> memref<80xi32, #tpu.memory_space<hbm>>
        %dma_wait3A_374 = tpu.memref_slice %arg6[%add3A_94] : memref<160000xi32, #tpu.memory_space<hbm>> -> memref<80xi32, #tpu.memory_space<hbm>>
        tpu.wait_dma2 semaphore(%run_scoped3A : memref<!tpu.dma_semaphore, #tpu.memory_space<semaphore_mem>>) src(%dma_wait3A_374 : memref<80xi32, #tpu.memory_space<hbm>>) dst(%arg10 : memref<80xi32, #tpu.memory_space<vmem>>)
        tpu.yield
      }) : () -> ()
      "tpu.region"() ({
        %run_scoped3A = tpu.sem_alloc : memref<!tpu.dma_semaphore, #tpu.memory_space<semaphore_mem>>
        %dma_start3A_371 = tpu.memref_slice %arg7[%add3A_94] : memref<160000xi32, #tpu.memory_space<hbm>> -> memref<80xi32, #tpu.memory_space<hbm>>
        %dma_start3A_372 = tpu.memref_slice %arg7[%add3A_94] : memref<160000xi32, #tpu.memory_space<hbm>> -> memref<80xi32, #tpu.memory_space<hbm>>
        tpu.enqueue_dma source(%dma_start3A_372 : memref<80xi32, #tpu.memory_space<hbm>>) target(%arg12 : memref<80xi32, #tpu.memory_space<vmem>>) target_semaphore(%run_scoped3A : memref<!tpu.dma_semaphore, #tpu.memory_space<semaphore_mem>>)
        %dma_wait3A_373 = tpu.memref_slice %arg7[%add3A_94] : memref<160000xi32, #tpu.memory_space<hbm>> -> memref<80xi32, #tpu.memory_space<hbm>>
        %dma_wait3A_374 = tpu.memref_slice %arg7[%add3A_94] : memref<160000xi32, #tpu.memory_space<hbm>> -> memref<80xi32, #tpu.memory_space<hbm>>
        tpu.wait_dma2 semaphore(%run_scoped3A : memref<!tpu.dma_semaphore, #tpu.memory_space<semaphore_mem>>) src(%dma_wait3A_374 : memref<80xi32, #tpu.memory_space<hbm>>) dst(%arg12 : memref<80xi32, #tpu.memory_space<vmem>>)
        tpu.yield
      }) : () -> ()
      %dma_start3A = arith.constant 0 : i32
      %dma_start3A_95 = arith.constant 0 : i32
      %dma_start3A_96 = tpu.memref_slice %arg3[%dma_start3A, %dma_start3A_95] : memref<10000x128xf32, #tpu.memory_space<hbm>> -> memref<10000x128xf32, #tpu.memory_space<hbm>>
      tpu.enqueue_indirect_dma source(%dma_start3A_96 : memref<10000x128xf32, #tpu.memory_space<hbm>>) target(%arg14 : memref<80x128xf32, #tpu.memory_space<vmem>>) offsets(%arg10 : memref<80xi32, #tpu.memory_space<vmem>>) semaphore(%arg20 : memref<!tpu.dma_semaphore, #tpu.memory_space<semaphore_mem>>)
      %dma_start3A_97 = arith.constant 0 : i32
      %dma_start3A_98 = tpu.memref_slice %arg5[%add3A_94, %dma_start3A_97] : memref<160000x128xf32, #tpu.memory_space<hbm>> -> memref<80x128xf32, #tpu.memory_space<hbm>>
      %dma_start3A_99 = arith.constant 0 : i32
      %dma_start3A_100 = tpu.memref_slice %arg5[%add3A_94, %dma_start3A_99] : memref<160000x128xf32, #tpu.memory_space<hbm>> -> memref<80x128xf32, #tpu.memory_space<hbm>>
      tpu.enqueue_dma source(%dma_start3A_100 : memref<80x128xf32, #tpu.memory_space<hbm>>) target(%arg16 : memref<80x128xf32, #tpu.memory_space<vmem>>) target_semaphore(%arg22 : memref<!tpu.dma_semaphore, #tpu.memory_space<semaphore_mem>>)
      %add3A_101 = arith.constant 80 : i32
      %add3A_102 = arith.addi %mul3A_92, %add3A_101 : i32
      "tpu.region"() ({
        %run_scoped3A = tpu.sem_alloc : memref<!tpu.dma_semaphore, #tpu.memory_space<semaphore_mem>>
        %dma_start3A_371 = tpu.memref_slice %arg6[%add3A_102] : memref<160000xi32, #tpu.memory_space<hbm>> -> memref<80xi32, #tpu.memory_space<hbm>>
        %dma_start3A_372 = tpu.memref_slice %arg6[%add3A_102] : memref<160000xi32, #tpu.memory_space<hbm>> -> memref<80xi32, #tpu.memory_space<hbm>>
        tpu.enqueue_dma source(%dma_start3A_372 : memref<80xi32, #tpu.memory_space<hbm>>) target(%arg11 : memref<80xi32, #tpu.memory_space<vmem>>) target_semaphore(%run_scoped3A : memref<!tpu.dma_semaphore, #tpu.memory_space<semaphore_mem>>)
        %dma_wait3A_373 = tpu.memref_slice %arg6[%add3A_102] : memref<160000xi32, #tpu.memory_space<hbm>> -> memref<80xi32, #tpu.memory_space<hbm>>
        %dma_wait3A_374 = tpu.memref_slice %arg6[%add3A_102] : memref<160000xi32, #tpu.memory_space<hbm>> -> memref<80xi32, #tpu.memory_space<hbm>>
        tpu.wait_dma2 semaphore(%run_scoped3A : memref<!tpu.dma_semaphore, #tpu.memory_space<semaphore_mem>>) src(%dma_wait3A_374 : memref<80xi32, #tpu.memory_space<hbm>>) dst(%arg11 : memref<80xi32, #tpu.memory_space<vmem>>)
        tpu.yield
      }) : () -> ()
      "tpu.region"() ({
        %run_scoped3A = tpu.sem_alloc : memref<!tpu.dma_semaphore, #tpu.memory_space<semaphore_mem>>
        %dma_start3A_371 = tpu.memref_slice %arg7[%add3A_102] : memref<160000xi32, #tpu.memory_space<hbm>> -> memref<80xi32, #tpu.memory_space<hbm>>
        %dma_start3A_372 = tpu.memref_slice %arg7[%add3A_102] : memref<160000xi32, #tpu.memory_space<hbm>> -> memref<80xi32, #tpu.memory_space<hbm>>
        tpu.enqueue_dma source(%dma_start3A_372 : memref<80xi32, #tpu.memory_space<hbm>>) target(%arg13 : memref<80xi32, #tpu.memory_space<vmem>>) target_semaphore(%run_scoped3A : memref<!tpu.dma_semaphore, #tpu.memory_space<semaphore_mem>>)
        %dma_wait3A_373 = tpu.memref_slice %arg7[%add3A_102] : memref<160000xi32, #tpu.memory_space<hbm>> -> memref<80xi32, #tpu.memory_space<hbm>>
        %dma_wait3A_374 = tpu.memref_slice %arg7[%add3A_102] : memref<160000xi32, #tpu.memory_space<hbm>> -> memref<80xi32, #tpu.memory_space<hbm>>
        tpu.wait_dma2 semaphore(%run_scoped3A : memref<!tpu.dma_semaphore, #tpu.memory_space<semaphore_mem>>) src(%dma_wait3A_374 : memref<80xi32, #tpu.memory_space<hbm>>) dst(%arg13 : memref<80xi32, #tpu.memory_space<vmem>>)
        tpu.yield
      }) : () -> ()
      %dma_start3A_103 = arith.constant 0 : i32
      %dma_start3A_104 = arith.constant 0 : i32
      %dma_start3A_105 = tpu.memref_slice %arg3[%dma_start3A_103, %dma_start3A_104] : memref<10000x128xf32, #tpu.memory_space<hbm>> -> memref<10000x128xf32, #tpu.memory_space<hbm>>
      tpu.enqueue_indirect_dma source(%dma_start3A_105 : memref<10000x128xf32, #tpu.memory_space<hbm>>) target(%arg15 : memref<80x128xf32, #tpu.memory_space<vmem>>) offsets(%arg11 : memref<80xi32, #tpu.memory_space<vmem>>) semaphore(%arg21 : memref<!tpu.dma_semaphore, #tpu.memory_space<semaphore_mem>>)
      %dma_start3A_106 = arith.constant 0 : i32
      %dma_start3A_107 = tpu.memref_slice %arg5[%add3A_102, %dma_start3A_106] : memref<160000x128xf32, #tpu.memory_space<hbm>> -> memref<80x128xf32, #tpu.memory_space<hbm>>
      %dma_start3A_108 = arith.constant 0 : i32
      %dma_start3A_109 = tpu.memref_slice %arg5[%add3A_102, %dma_start3A_108] : memref<160000x128xf32, #tpu.memory_space<hbm>> -> memref<80x128xf32, #tpu.memory_space<hbm>>
      tpu.enqueue_dma source(%dma_start3A_109 : memref<80x128xf32, #tpu.memory_space<hbm>>) target(%arg17 : memref<80x128xf32, #tpu.memory_space<vmem>>) target_semaphore(%arg23 : memref<!tpu.dma_semaphore, #tpu.memory_space<semaphore_mem>>)
      %scan3A_110 = arith.constant 0 : i32
      %scan3A_111 = arith.constant 0 : i32
      %scan3A_112 = arith.constant 62 : i32
      %scan3A_113 = arith.addi %scan3A_111, %scan3A_112 : i32
      %scan3A_114 = arith.constant 1 : i32
      scf.for %scan3A_371 = %scan3A_111 to %scan3A_113 step %scan3A_114  : i32 {
        %mul3A_372 = arith.constant 2 : i32
        %mul3A_373 = arith.muli %scan3A_371, %mul3A_372 : i32
        %dma_wait3A_374 = arith.constant 0 : i32
        %dma_wait3A_375 = arith.constant 0 : i32
        %dma_wait3A_376 = tpu.memref_slice %arg3[%dma_wait3A_374, %dma_wait3A_375] : memref<10000x128xf32, #tpu.memory_space<hbm>> -> memref<10000x128xf32, #tpu.memory_space<hbm>>
        tpu.wait_indirect_dma semaphore(%arg20 : memref<!tpu.dma_semaphore, #tpu.memory_space<semaphore_mem>>) src(%dma_wait3A_376 : memref<10000x128xf32, #tpu.memory_space<hbm>>) dst(%arg14 : memref<80x128xf32, #tpu.memory_space<vmem>>)
        %dma_wait3A_377 = arith.constant 0 : i32
        %dma_wait3A_378 = arith.constant 0 : i32
        %dma_wait3A_379 = tpu.memref_slice %arg5[%dma_wait3A_377, %dma_wait3A_378] : memref<160000x128xf32, #tpu.memory_space<hbm>> -> memref<80x128xf32, #tpu.memory_space<hbm>>
        %dma_wait3A_380 = arith.constant 0 : i32
        %dma_wait3A_381 = arith.constant 0 : i32
        %dma_wait3A_382 = tpu.memref_slice %arg5[%dma_wait3A_380, %dma_wait3A_381] : memref<160000x128xf32, #tpu.memory_space<hbm>> -> memref<80x128xf32, #tpu.memory_space<hbm>>
        tpu.wait_dma2 semaphore(%arg22 : memref<!tpu.dma_semaphore, #tpu.memory_space<semaphore_mem>>) src(%dma_wait3A_382 : memref<80x128xf32, #tpu.memory_space<hbm>>) dst(%arg16 : memref<80x128xf32, #tpu.memory_space<vmem>>)
        %scan3A_383 = arith.constant 0 : i32
        %scan3A_384 = arith.constant 0 : i32
        %scan3A_385 = arith.constant 80 : i32
        %scan3A_386 = arith.addi %scan3A_384, %scan3A_385 : i32
        %scan3A_387 = arith.constant 1 : i32
        scf.for %scan3A_421 = %scan3A_384 to %scan3A_386 step %scan3A_387  : i32 {
          %get3A = arith.index_cast %scan3A_421 : i32 to index
          %get3A_422 = arith.constant 0 : index
          %get3A_423 = tpu.vector_load %arg16[%get3A, %get3A_422] {strides = array<i32>} : memref<80x128xf32, #tpu.memory_space<vmem>>, vector<1x16xf32>,
          %get3A_424 = vector.shape_cast %get3A_423 : vector<1x16xf32> to vector<16xf32>
          %get3A_425 = arith.index_cast %scan3A_421 : i32 to index
          %get3A_426 = arith.constant 0 : index
          %get3A_427 = tpu.vector_load %arg14[%get3A_425, %get3A_426] {strides = array<i32>} : memref<80x128xf32, #tpu.memory_space<vmem>>, vector<1x16xf32>,
          %get3A_428 = vector.shape_cast %get3A_427 : vector<1x16xf32> to vector<16xf32>
          %mul3A_429 = arith.mulf %get3A_424, %get3A_428 : vector<16xf32>
          %swap3A = arith.index_cast %scan3A_421 : i32 to index
          %swap3A_430 = arith.constant 0 : index
          %swap3A_431 = tpu.vector_load %arg16[%swap3A, %swap3A_430] {strides = array<i32>} : memref<80x128xf32, #tpu.memory_space<vmem>>, vector<1x16xf32>,
          %swap3A_432 = vector.shape_cast %swap3A_431 : vector<1x16xf32> to vector<16xf32>
          %swap3A_433 = vector.shape_cast %mul3A_429 : vector<16xf32> to vector<1x16xf32>
          tpu.vector_store %arg16[%swap3A, %swap3A_430], %swap3A_433 {strides = array<i32>} : memref<80x128xf32, #tpu.memory_space<vmem>>, vector<1x16xf32>,
          %get3A_434 = arith.index_cast %scan3A_421 : i32 to index
          %get3A_435 = arith.constant 16 : index
          %get3A_436 = tpu.vector_load %arg16[%get3A_434, %get3A_435] {strides = array<i32>} : memref<80x128xf32, #tpu.memory_space<vmem>>, vector<1x16xf32>,
          %get3A_437 = vector.shape_cast %get3A_436 : vector<1x16xf32> to vector<16xf32>
          %get3A_438 = arith.index_cast %scan3A_421 : i32 to index
          %get3A_439 = arith.constant 16 : index
          %get3A_440 = tpu.vector_load %arg14[%get3A_438, %get3A_439] {strides = array<i32>} : memref<80x128xf32, #tpu.memory_space<vmem>>, vector<1x16xf32>,
          %get3A_441 = vector.shape_cast %get3A_440 : vector<1x16xf32> to vector<16xf32>
          %mul3A_442 = arith.mulf %get3A_437, %get3A_441 : vector<16xf32>
          %swap3A_443 = arith.index_cast %scan3A_421 : i32 to index
          %swap3A_444 = arith.constant 16 : index
          %swap3A_445 = tpu.vector_load %arg16[%swap3A_443, %swap3A_444] {strides = array<i32>} : memref<80x128xf32, #tpu.memory_space<vmem>>, vector<1x16xf32>,
          %swap3A_446 = vector.shape_cast %swap3A_445 : vector<1x16xf32> to vector<16xf32>
          %swap3A_447 = vector.shape_cast %mul3A_442 : vector<16xf32> to vector<1x16xf32>
          tpu.vector_store %arg16[%swap3A_443, %swap3A_444], %swap3A_447 {strides = array<i32>} : memref<80x128xf32, #tpu.memory_space<vmem>>, vector<1x16xf32>,
          %get3A_448 = arith.index_cast %scan3A_421 : i32 to index
          %get3A_449 = arith.constant 32 : index
          %get3A_450 = tpu.vector_load %arg16[%get3A_448, %get3A_449] {strides = array<i32>} : memref<80x128xf32, #tpu.memory_space<vmem>>, vector<1x16xf32>,
          %get3A_451 = vector.shape_cast %get3A_450 : vector<1x16xf32> to vector<16xf32>
          %get3A_452 = arith.index_cast %scan3A_421 : i32 to index
          %get3A_453 = arith.constant 32 : index
          %get3A_454 = tpu.vector_load %arg14[%get3A_452, %get3A_453] {strides = array<i32>} : memref<80x128xf32, #tpu.memory_space<vmem>>, vector<1x16xf32>,
          %get3A_455 = vector.shape_cast %get3A_454 : vector<1x16xf32> to vector<16xf32>
          %mul3A_456 = arith.mulf %get3A_451, %get3A_455 : vector<16xf32>
          %swap3A_457 = arith.index_cast %scan3A_421 : i32 to index
          %swap3A_458 = arith.constant 32 : index
          %swap3A_459 = tpu.vector_load %arg16[%swap3A_457, %swap3A_458] {strides = array<i32>} : memref<80x128xf32, #tpu.memory_space<vmem>>, vector<1x16xf32>,
          %swap3A_460 = vector.shape_cast %swap3A_459 : vector<1x16xf32> to vector<16xf32>
          %swap3A_461 = vector.shape_cast %mul3A_456 : vector<16xf32> to vector<1x16xf32>
          tpu.vector_store %arg16[%swap3A_457, %swap3A_458], %swap3A_461 {strides = array<i32>} : memref<80x128xf32, #tpu.memory_space<vmem>>, vector<1x16xf32>,
          %get3A_462 = arith.index_cast %scan3A_421 : i32 to index
          %get3A_463 = arith.constant 48 : index
          %get3A_464 = tpu.vector_load %arg16[%get3A_462, %get3A_463] {strides = array<i32>} : memref<80x128xf32, #tpu.memory_space<vmem>>, vector<1x16xf32>,
          %get3A_465 = vector.shape_cast %get3A_464 : vector<1x16xf32> to vector<16xf32>
          %get3A_466 = arith.index_cast %scan3A_421 : i32 to index
          %get3A_467 = arith.constant 48 : index
          %get3A_468 = tpu.vector_load %arg14[%get3A_466, %get3A_467] {strides = array<i32>} : memref<80x128xf32, #tpu.memory_space<vmem>>, vector<1x16xf32>,
          %get3A_469 = vector.shape_cast %get3A_468 : vector<1x16xf32> to vector<16xf32>
          %mul3A_470 = arith.mulf %get3A_465, %get3A_469 : vector<16xf32>
          %swap3A_471 = arith.index_cast %scan3A_421 : i32 to index
          %swap3A_472 = arith.constant 48 : index
          %swap3A_473 = tpu.vector_load %arg16[%swap3A_471, %swap3A_472] {strides = array<i32>} : memref<80x128xf32, #tpu.memory_space<vmem>>, vector<1x16xf32>,
          %swap3A_474 = vector.shape_cast %swap3A_473 : vector<1x16xf32> to vector<16xf32>
          %swap3A_475 = vector.shape_cast %mul3A_470 : vector<16xf32> to vector<1x16xf32>
          tpu.vector_store %arg16[%swap3A_471, %swap3A_472], %swap3A_475 {strides = array<i32>} : memref<80x128xf32, #tpu.memory_space<vmem>>, vector<1x16xf32>,
          %get3A_476 = arith.index_cast %scan3A_421 : i32 to index
          %get3A_477 = arith.constant 64 : index
          %get3A_478 = tpu.vector_load %arg16[%get3A_476, %get3A_477] {strides = array<i32>} : memref<80x128xf32, #tpu.memory_space<vmem>>, vector<1x16xf32>,
          %get3A_479 = vector.shape_cast %get3A_478 : vector<1x16xf32> to vector<16xf32>
          %get3A_480 = arith.index_cast %scan3A_421 : i32 to index
          %get3A_481 = arith.constant 64 : index
          %get3A_482 = tpu.vector_load %arg14[%get3A_480, %get3A_481] {strides = array<i32>} : memref<80x128xf32, #tpu.memory_space<vmem>>, vector<1x16xf32>,
          %get3A_483 = vector.shape_cast %get3A_482 : vector<1x16xf32> to vector<16xf32>
          %mul3A_484 = arith.mulf %get3A_479, %get3A_483 : vector<16xf32>
          %swap3A_485 = arith.index_cast %scan3A_421 : i32 to index
          %swap3A_486 = arith.constant 64 : index
          %swap3A_487 = tpu.vector_load %arg16[%swap3A_485, %swap3A_486] {strides = array<i32>} : memref<80x128xf32, #tpu.memory_space<vmem>>, vector<1x16xf32>,
          %swap3A_488 = vector.shape_cast %swap3A_487 : vector<1x16xf32> to vector<16xf32>
          %swap3A_489 = vector.shape_cast %mul3A_484 : vector<16xf32> to vector<1x16xf32>
          tpu.vector_store %arg16[%swap3A_485, %swap3A_486], %swap3A_489 {strides = array<i32>} : memref<80x128xf32, #tpu.memory_space<vmem>>, vector<1x16xf32>,
          %get3A_490 = arith.index_cast %scan3A_421 : i32 to index
          %get3A_491 = arith.constant 80 : index
          %get3A_492 = tpu.vector_load %arg16[%get3A_490, %get3A_491] {strides = array<i32>} : memref<80x128xf32, #tpu.memory_space<vmem>>, vector<1x16xf32>,
          %get3A_493 = vector.shape_cast %get3A_492 : vector<1x16xf32> to vector<16xf32>
          %get3A_494 = arith.index_cast %scan3A_421 : i32 to index
          %get3A_495 = arith.constant 80 : index
          %get3A_496 = tpu.vector_load %arg14[%get3A_494, %get3A_495] {strides = array<i32>} : memref<80x128xf32, #tpu.memory_space<vmem>>, vector<1x16xf32>,
          %get3A_497 = vector.shape_cast %get3A_496 : vector<1x16xf32> to vector<16xf32>
          %mul3A_498 = arith.mulf %get3A_493, %get3A_497 : vector<16xf32>
          %swap3A_499 = arith.index_cast %scan3A_421 : i32 to index
          %swap3A_500 = arith.constant 80 : index
          %swap3A_501 = tpu.vector_load %arg16[%swap3A_499, %swap3A_500] {strides = array<i32>} : memref<80x128xf32, #tpu.memory_space<vmem>>, vector<1x16xf32>,
          %swap3A_502 = vector.shape_cast %swap3A_501 : vector<1x16xf32> to vector<16xf32>
          %swap3A_503 = vector.shape_cast %mul3A_498 : vector<16xf32> to vector<1x16xf32>
          tpu.vector_store %arg16[%swap3A_499, %swap3A_500], %swap3A_503 {strides = array<i32>} : memref<80x128xf32, #tpu.memory_space<vmem>>, vector<1x16xf32>,
          %get3A_504 = arith.index_cast %scan3A_421 : i32 to index
          %get3A_505 = arith.constant 96 : index
          %get3A_506 = tpu.vector_load %arg16[%get3A_504, %get3A_505] {strides = array<i32>} : memref<80x128xf32, #tpu.memory_space<vmem>>, vector<1x16xf32>,
          %get3A_507 = vector.shape_cast %get3A_506 : vector<1x16xf32> to vector<16xf32>
          %get3A_508 = arith.index_cast %scan3A_421 : i32 to index
          %get3A_509 = arith.constant 96 : index
          %get3A_510 = tpu.vector_load %arg14[%get3A_508, %get3A_509] {strides = array<i32>} : memref<80x128xf32, #tpu.memory_space<vmem>>, vector<1x16xf32>,
          %get3A_511 = vector.shape_cast %get3A_510 : vector<1x16xf32> to vector<16xf32>
          %mul3A_512 = arith.mulf %get3A_507, %get3A_511 : vector<16xf32>
          %swap3A_513 = arith.index_cast %scan3A_421 : i32 to index
          %swap3A_514 = arith.constant 96 : index
          %swap3A_515 = tpu.vector_load %arg16[%swap3A_513, %swap3A_514] {strides = array<i32>} : memref<80x128xf32, #tpu.memory_space<vmem>>, vector<1x16xf32>,
          %swap3A_516 = vector.shape_cast %swap3A_515 : vector<1x16xf32> to vector<16xf32>
          %swap3A_517 = vector.shape_cast %mul3A_512 : vector<16xf32> to vector<1x16xf32>
          tpu.vector_store %arg16[%swap3A_513, %swap3A_514], %swap3A_517 {strides = array<i32>} : memref<80x128xf32, #tpu.memory_space<vmem>>, vector<1x16xf32>,
          %get3A_518 = arith.index_cast %scan3A_421 : i32 to index
          %get3A_519 = arith.constant 112 : index
          %get3A_520 = tpu.vector_load %arg16[%get3A_518, %get3A_519] {strides = array<i32>} : memref<80x128xf32, #tpu.memory_space<vmem>>, vector<1x16xf32>,
          %get3A_521 = vector.shape_cast %get3A_520 : vector<1x16xf32> to vector<16xf32>
          %get3A_522 = arith.index_cast %scan3A_421 : i32 to index
          %get3A_523 = arith.constant 112 : index
          %get3A_524 = tpu.vector_load %arg14[%get3A_522, %get3A_523] {strides = array<i32>} : memref<80x128xf32, #tpu.memory_space<vmem>>, vector<1x16xf32>,
          %get3A_525 = vector.shape_cast %get3A_524 : vector<1x16xf32> to vector<16xf32>
          %mul3A_526 = arith.mulf %get3A_521, %get3A_525 : vector<16xf32>
          %swap3A_527 = arith.index_cast %scan3A_421 : i32 to index
          %swap3A_528 = arith.constant 112 : index
          %swap3A_529 = tpu.vector_load %arg16[%swap3A_527, %swap3A_528] {strides = array<i32>} : memref<80x128xf32, #tpu.memory_space<vmem>>, vector<1x16xf32>,
          %swap3A_530 = vector.shape_cast %swap3A_529 : vector<1x16xf32> to vector<16xf32>
          %swap3A_531 = vector.shape_cast %mul3A_526 : vector<16xf32> to vector<1x16xf32>
          tpu.vector_store %arg16[%swap3A_527, %swap3A_528], %swap3A_531 {strides = array<i32>} : memref<80x128xf32, #tpu.memory_space<vmem>>, vector<1x16xf32>,
        }
        %scan3A_388 = arith.constant 80 : i32
        "tpu.region"() ({
          %run_scoped3A = tpu.sem_alloc : memref<!tpu.dma_semaphore, #tpu.memory_space<semaphore_mem>>
          %dma_start3A_421 = arith.constant 0 : i32
          %dma_start3A_422 = arith.constant 0 : i32
          %dma_start3A_423 = tpu.memref_slice %arg19[%dma_start3A_421, %dma_start3A_422] : memref<10240x128xf32, #tpu.memory_space<vmem_shared>> -> memref<10240x128xf32, #tpu.memory_space<vmem_shared>>
          tpu.enqueue_indirect_dma source(%arg16 : memref<80x128xf32, #tpu.memory_space<vmem>>) target(%dma_start3A_423 : memref<10240x128xf32, #tpu.memory_space<vmem_shared>>) offsets(%arg12 : memref<80xi32, #tpu.memory_space<vmem>>) semaphore(%run_scoped3A : memref<!tpu.dma_semaphore, #tpu.memory_space<semaphore_mem>>) {add = true}
          %dma_wait3A_424 = arith.constant 0 : i32
          %dma_wait3A_425 = arith.constant 0 : i32
          %dma_wait3A_426 = tpu.memref_slice %arg19[%dma_wait3A_424, %dma_wait3A_425] : memref<10240x128xf32, #tpu.memory_space<vmem_shared>> -> memref<10240x128xf32, #tpu.memory_space<vmem_shared>>
          tpu.wait_indirect_dma semaphore(%run_scoped3A : memref<!tpu.dma_semaphore, #tpu.memory_space<semaphore_mem>>) src(%arg16 : memref<80x128xf32, #tpu.memory_space<vmem>>) dst(%dma_wait3A_426 : memref<10240x128xf32, #tpu.memory_space<vmem_shared>>)
          tpu.yield
        }) : () -> ()
        %add3A_389 = arith.constant 2 : i32
        %add3A_390 = arith.addi %mul3A_373, %add3A_389 : i32
        %add3A_391 = arith.constant 0 : i32
        %add3A_392 = arith.addi %add3A_390, %add3A_391 : i32
        %lt3A = arith.constant 125 : i32
        %lt3A_393 = arith.cmpi slt, %add3A_392, %lt3A : i32
        %convert_element_type3A_394 = arith.extui %lt3A_393 : i1 to i32
        %cond3A_395 = arith.constant 0 : i32
        %cond3A_396 = arith.cmpi ne, %convert_element_type3A_394, %cond3A_395 : i32
        scf.if %cond3A_396 {
          %add3A_421 = arith.constant 2 : i32
          %add3A_422 = arith.addi %mul3A_373, %add3A_421 : i32
          %add3A_423 = arith.constant 0 : i32
          %add3A_424 = arith.addi %add3A_422, %add3A_423 : i32
          %mul3A_425 = arith.constant 80 : i32
          %mul3A_426 = arith.muli %add3A_424, %mul3A_425 : i32
          %add3A_427 = arith.addi %mul3A_92, %mul3A_426 : i32
          "tpu.region"() ({
            %run_scoped3A = tpu.sem_alloc : memref<!tpu.dma_semaphore, #tpu.memory_space<semaphore_mem>>
            %dma_start3A_435 = tpu.memref_slice %arg6[%add3A_427] : memref<160000xi32, #tpu.memory_space<hbm>> -> memref<80xi32, #tpu.memory_space<hbm>>
            %dma_start3A_436 = tpu.memref_slice %arg6[%add3A_427] : memref<160000xi32, #tpu.memory_space<hbm>> -> memref<80xi32, #tpu.memory_space<hbm>>
            tpu.enqueue_dma source(%dma_start3A_436 : memref<80xi32, #tpu.memory_space<hbm>>) target(%arg10 : memref<80xi32, #tpu.memory_space<vmem>>) target_semaphore(%run_scoped3A : memref<!tpu.dma_semaphore, #tpu.memory_space<semaphore_mem>>)
            %dma_wait3A_437 = tpu.memref_slice %arg6[%add3A_427] : memref<160000xi32, #tpu.memory_space<hbm>> -> memref<80xi32, #tpu.memory_space<hbm>>
            %dma_wait3A_438 = tpu.memref_slice %arg6[%add3A_427] : memref<160000xi32, #tpu.memory_space<hbm>> -> memref<80xi32, #tpu.memory_space<hbm>>
            tpu.wait_dma2 semaphore(%run_scoped3A : memref<!tpu.dma_semaphore, #tpu.memory_space<semaphore_mem>>) src(%dma_wait3A_438 : memref<80xi32, #tpu.memory_space<hbm>>) dst(%arg10 : memref<80xi32, #tpu.memory_space<vmem>>)
            tpu.yield
          }) : () -> ()
          "tpu.region"() ({
            %run_scoped3A = tpu.sem_alloc : memref<!tpu.dma_semaphore, #tpu.memory_space<semaphore_mem>>
            %dma_start3A_435 = tpu.memref_slice %arg7[%add3A_427] : memref<160000xi32, #tpu.memory_space<hbm>> -> memref<80xi32, #tpu.memory_space<hbm>>
            %dma_start3A_436 = tpu.memref_slice %arg7[%add3A_427] : memref<160000xi32, #tpu.memory_space<hbm>> -> memref<80xi32, #tpu.memory_space<hbm>>
            tpu.enqueue_dma source(%dma_start3A_436 : memref<80xi32, #tpu.memory_space<hbm>>) target(%arg12 : memref<80xi32, #tpu.memory_space<vmem>>) target_semaphore(%run_scoped3A : memref<!tpu.dma_semaphore, #tpu.memory_space<semaphore_mem>>)
            %dma_wait3A_437 = tpu.memref_slice %arg7[%add3A_427] : memref<160000xi32, #tpu.memory_space<hbm>> -> memref<80xi32, #tpu.memory_space<hbm>>
            %dma_wait3A_438 = tpu.memref_slice %arg7[%add3A_427] : memref<160000xi32, #tpu.memory_space<hbm>> -> memref<80xi32, #tpu.memory_space<hbm>>
            tpu.wait_dma2 semaphore(%run_scoped3A : memref<!tpu.dma_semaphore, #tpu.memory_space<semaphore_mem>>) src(%dma_wait3A_438 : memref<80xi32, #tpu.memory_space<hbm>>) dst(%arg12 : memref<80xi32, #tpu.memory_space<vmem>>)
            tpu.yield
          }) : () -> ()
          %dma_start3A_428 = arith.constant 0 : i32
          %dma_start3A_429 = arith.constant 0 : i32
          %dma_start3A_430 = tpu.memref_slice %arg3[%dma_start3A_428, %dma_start3A_429] : memref<10000x128xf32, #tpu.memory_space<hbm>> -> memref<10000x128xf32, #tpu.memory_space<hbm>>
          tpu.enqueue_indirect_dma source(%dma_start3A_430 : memref<10000x128xf32, #tpu.memory_space<hbm>>) target(%arg14 : memref<80x128xf32, #tpu.memory_space<vmem>>) offsets(%arg10 : memref<80xi32, #tpu.memory_space<vmem>>) semaphore(%arg20 : memref<!tpu.dma_semaphore, #tpu.memory_space<semaphore_mem>>)
          %dma_start3A_431 = arith.constant 0 : i32
          %dma_start3A_432 = tpu.memref_slice %arg5[%add3A_427, %dma_start3A_431] : memref<160000x128xf32, #tpu.memory_space<hbm>> -> memref<80x128xf32, #tpu.memory_space<hbm>>
          %dma_start3A_433 = arith.constant 0 : i32
          %dma_start3A_434 = tpu.memref_slice %arg5[%add3A_427, %dma_start3A_433] : memref<160000x128xf32, #tpu.memory_space<hbm>> -> memref<80x128xf32, #tpu.memory_space<hbm>>
          tpu.enqueue_dma source(%dma_start3A_434 : memref<80x128xf32, #tpu.memory_space<hbm>>) target(%arg16 : memref<80x128xf32, #tpu.memory_space<vmem>>) target_semaphore(%arg22 : memref<!tpu.dma_semaphore, #tpu.memory_space<semaphore_mem>>)
        } else {
        }
        %dma_wait3A_397 = arith.constant 0 : i32
        %dma_wait3A_398 = arith.constant 0 : i32
        %dma_wait3A_399 = tpu.memref_slice %arg3[%dma_wait3A_397, %dma_wait3A_398] : memref<10000x128xf32, #tpu.memory_space<hbm>> -> memref<10000x128xf32, #tpu.memory_space<hbm>>
        tpu.wait_indirect_dma semaphore(%arg21 : memref<!tpu.dma_semaphore, #tpu.memory_space<semaphore_mem>>) src(%dma_wait3A_399 : memref<10000x128xf32, #tpu.memory_space<hbm>>) dst(%arg15 : memref<80x128xf32, #tpu.memory_space<vmem>>)
        %dma_wait3A_400 = arith.constant 0 : i32
        %dma_wait3A_401 = arith.constant 0 : i32
        %dma_wait3A_402 = tpu.memref_slice %arg5[%dma_wait3A_400, %dma_wait3A_401] : memref<160000x128xf32, #tpu.memory_space<hbm>> -> memref<80x128xf32, #tpu.memory_space<hbm>>
        %dma_wait3A_403 = arith.constant 0 : i32
        %dma_wait3A_404 = arith.constant 0 : i32
        %dma_wait3A_405 = tpu.memref_slice %arg5[%dma_wait3A_403, %dma_wait3A_404] : memref<160000x128xf32, #tpu.memory_space<hbm>> -> memref<80x128xf32, #tpu.memory_space<hbm>>
        tpu.wait_dma2 semaphore(%arg23 : memref<!tpu.dma_semaphore, #tpu.memory_space<semaphore_mem>>) src(%dma_wait3A_405 : memref<80x128xf32, #tpu.memory_space<hbm>>) dst(%arg17 : memref<80x128xf32, #tpu.memory_space<vmem>>)
        %scan3A_406 = arith.constant 0 : i32
        %scan3A_407 = arith.constant 0 : i32
        %scan3A_408 = arith.constant 80 : i32
        %scan3A_409 = arith.addi %scan3A_407, %scan3A_408 : i32
        %scan3A_410 = arith.constant 1 : i32
        scf.for %scan3A_421 = %scan3A_407 to %scan3A_409 step %scan3A_410  : i32 {
          %get3A = arith.index_cast %scan3A_421 : i32 to index
          %get3A_422 = arith.constant 0 : index
          %get3A_423 = tpu.vector_load %arg17[%get3A, %get3A_422] {strides = array<i32>} : memref<80x128xf32, #tpu.memory_space<vmem>>, vector<1x16xf32>,
          %get3A_424 = vector.shape_cast %get3A_423 : vector<1x16xf32> to vector<16xf32>
          %get3A_425 = arith.index_cast %scan3A_421 : i32 to index
          %get3A_426 = arith.constant 0 : index
          %get3A_427 = tpu.vector_load %arg15[%get3A_425, %get3A_426] {strides = array<i32>} : memref<80x128xf32, #tpu.memory_space<vmem>>, vector<1x16xf32>,
          %get3A_428 = vector.shape_cast %get3A_427 : vector<1x16xf32> to vector<16xf32>
          %mul3A_429 = arith.mulf %get3A_424, %get3A_428 : vector<16xf32>
          %swap3A = arith.index_cast %scan3A_421 : i32 to index
          %swap3A_430 = arith.constant 0 : index
          %swap3A_431 = tpu.vector_load %arg17[%swap3A, %swap3A_430] {strides = array<i32>} : memref<80x128xf32, #tpu.memory_space<vmem>>, vector<1x16xf32>,
          %swap3A_432 = vector.shape_cast %swap3A_431 : vector<1x16xf32> to vector<16xf32>
          %swap3A_433 = vector.shape_cast %mul3A_429 : vector<16xf32> to vector<1x16xf32>
          tpu.vector_store %arg17[%swap3A, %swap3A_430], %swap3A_433 {strides = array<i32>} : memref<80x128xf32, #tpu.memory_space<vmem>>, vector<1x16xf32>,
          %get3A_434 = arith.index_cast %scan3A_421 : i32 to index
          %get3A_435 = arith.constant 16 : index
          %get3A_436 = tpu.vector_load %arg17[%get3A_434, %get3A_435] {strides = array<i32>} : memref<80x128xf32, #tpu.memory_space<vmem>>, vector<1x16xf32>,
          %get3A_437 = vector.shape_cast %get3A_436 : vector<1x16xf32> to vector<16xf32>
          %get3A_438 = arith.index_cast %scan3A_421 : i32 to index
          %get3A_439 = arith.constant 16 : index
          %get3A_440 = tpu.vector_load %arg15[%get3A_438, %get3A_439] {strides = array<i32>} : memref<80x128xf32, #tpu.memory_space<vmem>>, vector<1x16xf32>,
          %get3A_441 = vector.shape_cast %get3A_440 : vector<1x16xf32> to vector<16xf32>
          %mul3A_442 = arith.mulf %get3A_437, %get3A_441 : vector<16xf32>
          %swap3A_443 = arith.index_cast %scan3A_421 : i32 to index
          %swap3A_444 = arith.constant 16 : index
          %swap3A_445 = tpu.vector_load %arg17[%swap3A_443, %swap3A_444] {strides = array<i32>} : memref<80x128xf32, #tpu.memory_space<vmem>>, vector<1x16xf32>,
          %swap3A_446 = vector.shape_cast %swap3A_445 : vector<1x16xf32> to vector<16xf32>
          %swap3A_447 = vector.shape_cast %mul3A_442 : vector<16xf32> to vector<1x16xf32>
          tpu.vector_store %arg17[%swap3A_443, %swap3A_444], %swap3A_447 {strides = array<i32>} : memref<80x128xf32, #tpu.memory_space<vmem>>, vector<1x16xf32>,
          %get3A_448 = arith.index_cast %scan3A_421 : i32 to index
          %get3A_449 = arith.constant 32 : index
          %get3A_450 = tpu.vector_load %arg17[%get3A_448, %get3A_449] {strides = array<i32>} : memref<80x128xf32, #tpu.memory_space<vmem>>, vector<1x16xf32>,
          %get3A_451 = vector.shape_cast %get3A_450 : vector<1x16xf32> to vector<16xf32>
          %get3A_452 = arith.index_cast %scan3A_421 : i32 to index
          %get3A_453 = arith.constant 32 : index
          %get3A_454 = tpu.vector_load %arg15[%get3A_452, %get3A_453] {strides = array<i32>} : memref<80x128xf32, #tpu.memory_space<vmem>>, vector<1x16xf32>,
          %get3A_455 = vector.shape_cast %get3A_454 : vector<1x16xf32> to vector<16xf32>
          %mul3A_456 = arith.mulf %get3A_451, %get3A_455 : vector<16xf32>
          %swap3A_457 = arith.index_cast %scan3A_421 : i32 to index
          %swap3A_458 = arith.constant 32 : index
          %swap3A_459 = tpu.vector_load %arg17[%swap3A_457, %swap3A_458] {strides = array<i32>} : memref<80x128xf32, #tpu.memory_space<vmem>>, vector<1x16xf32>,
          %swap3A_460 = vector.shape_cast %swap3A_459 : vector<1x16xf32> to vector<16xf32>
          %swap3A_461 = vector.shape_cast %mul3A_456 : vector<16xf32> to vector<1x16xf32>
          tpu.vector_store %arg17[%swap3A_457, %swap3A_458], %swap3A_461 {strides = array<i32>} : memref<80x128xf32, #tpu.memory_space<vmem>>, vector<1x16xf32>,
          %get3A_462 = arith.index_cast %scan3A_421 : i32 to index
          %get3A_463 = arith.constant 48 : index
          %get3A_464 = tpu.vector_load %arg17[%get3A_462, %get3A_463] {strides = array<i32>} : memref<80x128xf32, #tpu.memory_space<vmem>>, vector<1x16xf32>,
          %get3A_465 = vector.shape_cast %get3A_464 : vector<1x16xf32> to vector<16xf32>
          %get3A_466 = arith.index_cast %scan3A_421 : i32 to index
          %get3A_467 = arith.constant 48 : index
          %get3A_468 = tpu.vector_load %arg15[%get3A_466, %get3A_467] {strides = array<i32>} : memref<80x128xf32, #tpu.memory_space<vmem>>, vector<1x16xf32>,
          %get3A_469 = vector.shape_cast %get3A_468 : vector<1x16xf32> to vector<16xf32>
          %mul3A_470 = arith.mulf %get3A_465, %get3A_469 : vector<16xf32>
          %swap3A_471 = arith.index_cast %scan3A_421 : i32 to index
          %swap3A_472 = arith.constant 48 : index
          %swap3A_473 = tpu.vector_load %arg17[%swap3A_471, %swap3A_472] {strides = array<i32>} : memref<80x128xf32, #tpu.memory_space<vmem>>, vector<1x16xf32>,
          %swap3A_474 = vector.shape_cast %swap3A_473 : vector<1x16xf32> to vector<16xf32>
          %swap3A_475 = vector.shape_cast %mul3A_470 : vector<16xf32> to vector<1x16xf32>
          tpu.vector_store %arg17[%swap3A_471, %swap3A_472], %swap3A_475 {strides = array<i32>} : memref<80x128xf32, #tpu.memory_space<vmem>>, vector<1x16xf32>,
          %get3A_476 = arith.index_cast %scan3A_421 : i32 to index
          %get3A_477 = arith.constant 64 : index
          %get3A_478 = tpu.vector_load %arg17[%get3A_476, %get3A_477] {strides = array<i32>} : memref<80x128xf32, #tpu.memory_space<vmem>>, vector<1x16xf32>,
          %get3A_479 = vector.shape_cast %get3A_478 : vector<1x16xf32> to vector<16xf32>
          %get3A_480 = arith.index_cast %scan3A_421 : i32 to index
          %get3A_481 = arith.constant 64 : index
          %get3A_482 = tpu.vector_load %arg15[%get3A_480, %get3A_481] {strides = array<i32>} : memref<80x128xf32, #tpu.memory_space<vmem>>, vector<1x16xf32>,
          %get3A_483 = vector.shape_cast %get3A_482 : vector<1x16xf32> to vector<16xf32>
          %mul3A_484 = arith.mulf %get3A_479, %get3A_483 : vector<16xf32>
          %swap3A_485 = arith.index_cast %scan3A_421 : i32 to index
          %swap3A_486 = arith.constant 64 : index
          %swap3A_487 = tpu.vector_load %arg17[%swap3A_485, %swap3A_486] {strides = array<i32>} : memref<80x128xf32, #tpu.memory_space<vmem>>, vector<1x16xf32>,
          %swap3A_488 = vector.shape_cast %swap3A_487 : vector<1x16xf32> to vector<16xf32>
          %swap3A_489 = vector.shape_cast %mul3A_484 : vector<16xf32> to vector<1x16xf32>
          tpu.vector_store %arg17[%swap3A_485, %swap3A_486], %swap3A_489 {strides = array<i32>} : memref<80x128xf32, #tpu.memory_space<vmem>>, vector<1x16xf32>,
          %get3A_490 = arith.index_cast %scan3A_421 : i32 to index
          %get3A_491 = arith.constant 80 : index
          %get3A_492 = tpu.vector_load %arg17[%get3A_490, %get3A_491] {strides = array<i32>} : memref<80x128xf32, #tpu.memory_space<vmem>>, vector<1x16xf32>,
          %get3A_493 = vector.shape_cast %get3A_492 : vector<1x16xf32> to vector<16xf32>
          %get3A_494 = arith.index_cast %scan3A_421 : i32 to index
          %get3A_495 = arith.constant 80 : index
          %get3A_496 = tpu.vector_load %arg15[%get3A_494, %get3A_495] {strides = array<i32>} : memref<80x128xf32, #tpu.memory_space<vmem>>, vector<1x16xf32>,
          %get3A_497 = vector.shape_cast %get3A_496 : vector<1x16xf32> to vector<16xf32>
          %mul3A_498 = arith.mulf %get3A_493, %get3A_497 : vector<16xf32>
          %swap3A_499 = arith.index_cast %scan3A_421 : i32 to index
          %swap3A_500 = arith.constant 80 : index
          %swap3A_501 = tpu.vector_load %arg17[%swap3A_499, %swap3A_500] {strides = array<i32>} : memref<80x128xf32, #tpu.memory_space<vmem>>, vector<1x16xf32>,
          %swap3A_502 = vector.shape_cast %swap3A_501 : vector<1x16xf32> to vector<16xf32>
          %swap3A_503 = vector.shape_cast %mul3A_498 : vector<16xf32> to vector<1x16xf32>
          tpu.vector_store %arg17[%swap3A_499, %swap3A_500], %swap3A_503 {strides = array<i32>} : memref<80x128xf32, #tpu.memory_space<vmem>>, vector<1x16xf32>,
          %get3A_504 = arith.index_cast %scan3A_421 : i32 to index
          %get3A_505 = arith.constant 96 : index
          %get3A_506 = tpu.vector_load %arg17[%get3A_504, %get3A_505] {strides = array<i32>} : memref<80x128xf32, #tpu.memory_space<vmem>>, vector<1x16xf32>,
          %get3A_507 = vector.shape_cast %get3A_506 : vector<1x16xf32> to vector<16xf32>
          %get3A_508 = arith.index_cast %scan3A_421 : i32 to index
          %get3A_509 = arith.constant 96 : index
          %get3A_510 = tpu.vector_load %arg15[%get3A_508, %get3A_509] {strides = array<i32>} : memref<80x128xf32, #tpu.memory_space<vmem>>, vector<1x16xf32>,
          %get3A_511 = vector.shape_cast %get3A_510 : vector<1x16xf32> to vector<16xf32>
          %mul3A_512 = arith.mulf %get3A_507, %get3A_511 : vector<16xf32>
          %swap3A_513 = arith.index_cast %scan3A_421 : i32 to index
          %swap3A_514 = arith.constant 96 : index
          %swap3A_515 = tpu.vector_load %arg17[%swap3A_513, %swap3A_514] {strides = array<i32>} : memref<80x128xf32, #tpu.memory_space<vmem>>, vector<1x16xf32>,
          %swap3A_516 = vector.shape_cast %swap3A_515 : vector<1x16xf32> to vector<16xf32>
          %swap3A_517 = vector.shape_cast %mul3A_512 : vector<16xf32> to vector<1x16xf32>
          tpu.vector_store %arg17[%swap3A_513, %swap3A_514], %swap3A_517 {strides = array<i32>} : memref<80x128xf32, #tpu.memory_space<vmem>>, vector<1x16xf32>,
          %get3A_518 = arith.index_cast %scan3A_421 : i32 to index
          %get3A_519 = arith.constant 112 : index
          %get3A_520 = tpu.vector_load %arg17[%get3A_518, %get3A_519] {strides = array<i32>} : memref<80x128xf32, #tpu.memory_space<vmem>>, vector<1x16xf32>,
          %get3A_521 = vector.shape_cast %get3A_520 : vector<1x16xf32> to vector<16xf32>
          %get3A_522 = arith.index_cast %scan3A_421 : i32 to index
          %get3A_523 = arith.constant 112 : index
          %get3A_524 = tpu.vector_load %arg15[%get3A_522, %get3A_523] {strides = array<i32>} : memref<80x128xf32, #tpu.memory_space<vmem>>, vector<1x16xf32>,
          %get3A_525 = vector.shape_cast %get3A_524 : vector<1x16xf32> to vector<16xf32>
          %mul3A_526 = arith.mulf %get3A_521, %get3A_525 : vector<16xf32>
          %swap3A_527 = arith.index_cast %scan3A_421 : i32 to index
          %swap3A_528 = arith.constant 112 : index
          %swap3A_529 = tpu.vector_load %arg17[%swap3A_527, %swap3A_528] {strides = array<i32>} : memref<80x128xf32, #tpu.memory_space<vmem>>, vector<1x16xf32>,
          %swap3A_530 = vector.shape_cast %swap3A_529 : vector<1x16xf32> to vector<16xf32>
          %swap3A_531 = vector.shape_cast %mul3A_526 : vector<16xf32> to vector<1x16xf32>
          tpu.vector_store %arg17[%swap3A_527, %swap3A_528], %swap3A_531 {strides = array<i32>} : memref<80x128xf32, #tpu.memory_space<vmem>>, vector<1x16xf32>,
        }
        %scan3A_411 = arith.constant 80 : i32
        "tpu.region"() ({
          %run_scoped3A = tpu.sem_alloc : memref<!tpu.dma_semaphore, #tpu.memory_space<semaphore_mem>>
          %dma_start3A_421 = arith.constant 0 : i32
          %dma_start3A_422 = arith.constant 0 : i32
          %dma_start3A_423 = tpu.memref_slice %arg19[%dma_start3A_421, %dma_start3A_422] : memref<10240x128xf32, #tpu.memory_space<vmem_shared>> -> memref<10240x128xf32, #tpu.memory_space<vmem_shared>>
          tpu.enqueue_indirect_dma source(%arg17 : memref<80x128xf32, #tpu.memory_space<vmem>>) target(%dma_start3A_423 : memref<10240x128xf32, #tpu.memory_space<vmem_shared>>) offsets(%arg13 : memref<80xi32, #tpu.memory_space<vmem>>) semaphore(%run_scoped3A : memref<!tpu.dma_semaphore, #tpu.memory_space<semaphore_mem>>) {add = true}
          %dma_wait3A_424 = arith.constant 0 : i32
          %dma_wait3A_425 = arith.constant 0 : i32
          %dma_wait3A_426 = tpu.memref_slice %arg19[%dma_wait3A_424, %dma_wait3A_425] : memref<10240x128xf32, #tpu.memory_space<vmem_shared>> -> memref<10240x128xf32, #tpu.memory_space<vmem_shared>>
          tpu.wait_indirect_dma semaphore(%run_scoped3A : memref<!tpu.dma_semaphore, #tpu.memory_space<semaphore_mem>>) src(%arg17 : memref<80x128xf32, #tpu.memory_space<vmem>>) dst(%dma_wait3A_426 : memref<10240x128xf32, #tpu.memory_space<vmem_shared>>)
          tpu.yield
        }) : () -> ()
        %add3A_412 = arith.constant 2 : i32
        %add3A_413 = arith.addi %mul3A_373, %add3A_412 : i32
        %add3A_414 = arith.constant 1 : i32
        %add3A_415 = arith.addi %add3A_413, %add3A_414 : i32
        %lt3A_416 = arith.constant 125 : i32
        %lt3A_417 = arith.cmpi slt, %add3A_415, %lt3A_416 : i32
        %convert_element_type3A_418 = arith.extui %lt3A_417 : i1 to i32
        %cond3A_419 = arith.constant 0 : i32
        %cond3A_420 = arith.cmpi ne, %convert_element_type3A_418, %cond3A_419 : i32
        scf.if %cond3A_420 {
          %add3A_421 = arith.constant 2 : i32
          %add3A_422 = arith.addi %mul3A_373, %add3A_421 : i32
          %add3A_423 = arith.constant 1 : i32
          %add3A_424 = arith.addi %add3A_422, %add3A_423 : i32
          %mul3A_425 = arith.constant 80 : i32
          %mul3A_426 = arith.muli %add3A_424, %mul3A_425 : i32
          %add3A_427 = arith.addi %mul3A_92, %mul3A_426 : i32
          "tpu.region"() ({
            %run_scoped3A = tpu.sem_alloc : memref<!tpu.dma_semaphore, #tpu.memory_space<semaphore_mem>>
            %dma_start3A_435 = tpu.memref_slice %arg6[%add3A_427] : memref<160000xi32, #tpu.memory_space<hbm>> -> memref<80xi32, #tpu.memory_space<hbm>>
            %dma_start3A_436 = tpu.memref_slice %arg6[%add3A_427] : memref<160000xi32, #tpu.memory_space<hbm>> -> memref<80xi32, #tpu.memory_space<hbm>>
            tpu.enqueue_dma source(%dma_start3A_436 : memref<80xi32, #tpu.memory_space<hbm>>) target(%arg11 : memref<80xi32, #tpu.memory_space<vmem>>) target_semaphore(%run_scoped3A : memref<!tpu.dma_semaphore, #tpu.memory_space<semaphore_mem>>)
            %dma_wait3A_437 = tpu.memref_slice %arg6[%add3A_427] : memref<160000xi32, #tpu.memory_space<hbm>> -> memref<80xi32, #tpu.memory_space<hbm>>
            %dma_wait3A_438 = tpu.memref_slice %arg6[%add3A_427] : memref<160000xi32, #tpu.memory_space<hbm>> -> memref<80xi32, #tpu.memory_space<hbm>>
            tpu.wait_dma2 semaphore(%run_scoped3A : memref<!tpu.dma_semaphore, #tpu.memory_space<semaphore_mem>>) src(%dma_wait3A_438 : memref<80xi32, #tpu.memory_space<hbm>>) dst(%arg11 : memref<80xi32, #tpu.memory_space<vmem>>)
            tpu.yield
          }) : () -> ()
          "tpu.region"() ({
            %run_scoped3A = tpu.sem_alloc : memref<!tpu.dma_semaphore, #tpu.memory_space<semaphore_mem>>
            %dma_start3A_435 = tpu.memref_slice %arg7[%add3A_427] : memref<160000xi32, #tpu.memory_space<hbm>> -> memref<80xi32, #tpu.memory_space<hbm>>
            %dma_start3A_436 = tpu.memref_slice %arg7[%add3A_427] : memref<160000xi32, #tpu.memory_space<hbm>> -> memref<80xi32, #tpu.memory_space<hbm>>
            tpu.enqueue_dma source(%dma_start3A_436 : memref<80xi32, #tpu.memory_space<hbm>>) target(%arg13 : memref<80xi32, #tpu.memory_space<vmem>>) target_semaphore(%run_scoped3A : memref<!tpu.dma_semaphore, #tpu.memory_space<semaphore_mem>>)
            %dma_wait3A_437 = tpu.memref_slice %arg7[%add3A_427] : memref<160000xi32, #tpu.memory_space<hbm>> -> memref<80xi32, #tpu.memory_space<hbm>>
            %dma_wait3A_438 = tpu.memref_slice %arg7[%add3A_427] : memref<160000xi32, #tpu.memory_space<hbm>> -> memref<80xi32, #tpu.memory_space<hbm>>
            tpu.wait_dma2 semaphore(%run_scoped3A : memref<!tpu.dma_semaphore, #tpu.memory_space<semaphore_mem>>) src(%dma_wait3A_438 : memref<80xi32, #tpu.memory_space<hbm>>) dst(%arg13 : memref<80xi32, #tpu.memory_space<vmem>>)
            tpu.yield
          }) : () -> ()
          %dma_start3A_428 = arith.constant 0 : i32
          %dma_start3A_429 = arith.constant 0 : i32
          %dma_start3A_430 = tpu.memref_slice %arg3[%dma_start3A_428, %dma_start3A_429] : memref<10000x128xf32, #tpu.memory_space<hbm>> -> memref<10000x128xf32, #tpu.memory_space<hbm>>
          tpu.enqueue_indirect_dma source(%dma_start3A_430 : memref<10000x128xf32, #tpu.memory_space<hbm>>) target(%arg15 : memref<80x128xf32, #tpu.memory_space<vmem>>) offsets(%arg11 : memref<80xi32, #tpu.memory_space<vmem>>) semaphore(%arg21 : memref<!tpu.dma_semaphore, #tpu.memory_space<semaphore_mem>>)
          %dma_start3A_431 = arith.constant 0 : i32
          %dma_start3A_432 = tpu.memref_slice %arg5[%add3A_427, %dma_start3A_431] : memref<160000x128xf32, #tpu.memory_space<hbm>> -> memref<80x128xf32, #tpu.memory_space<hbm>>
          %dma_start3A_433 = arith.constant 0 : i32
          %dma_start3A_434 = tpu.memref_slice %arg5[%add3A_427, %dma_start3A_433] : memref<160000x128xf32, #tpu.memory_space<hbm>> -> memref<80x128xf32, #tpu.memory_space<hbm>>
          tpu.enqueue_dma source(%dma_start3A_434 : memref<80x128xf32, #tpu.memory_space<hbm>>) target(%arg17 : memref<80x128xf32, #tpu.memory_space<vmem>>) target_semaphore(%arg23 : memref<!tpu.dma_semaphore, #tpu.memory_space<semaphore_mem>>)
        } else {
        }
      }
      %scan3A_115 = arith.constant 62 : i32
      %dma_wait3A = arith.constant 0 : i32
      %dma_wait3A_116 = arith.constant 0 : i32
      %dma_wait3A_117 = tpu.memref_slice %arg3[%dma_wait3A, %dma_wait3A_116] : memref<10000x128xf32, #tpu.memory_space<hbm>> -> memref<10000x128xf32, #tpu.memory_space<hbm>>
      tpu.wait_indirect_dma semaphore(%arg20 : memref<!tpu.dma_semaphore, #tpu.memory_space<semaphore_mem>>) src(%dma_wait3A_117 : memref<10000x128xf32, #tpu.memory_space<hbm>>) dst(%arg14 : memref<80x128xf32, #tpu.memory_space<vmem>>)
      %dma_wait3A_118 = arith.constant 0 : i32
      %dma_wait3A_119 = arith.constant 0 : i32
      %dma_wait3A_120 = tpu.memref_slice %arg5[%dma_wait3A_118, %dma_wait3A_119] : memref<160000x128xf32, #tpu.memory_space<hbm>> -> memref<80x128xf32, #tpu.memory_space<hbm>>
      %dma_wait3A_121 = arith.constant 0 : i32
      %dma_wait3A_122 = arith.constant 0 : i32
      %dma_wait3A_123 = tpu.memref_slice %arg5[%dma_wait3A_121, %dma_wait3A_122] : memref<160000x128xf32, #tpu.memory_space<hbm>> -> memref<80x128xf32, #tpu.memory_space<hbm>>
      tpu.wait_dma2 semaphore(%arg22 : memref<!tpu.dma_semaphore, #tpu.memory_space<semaphore_mem>>) src(%dma_wait3A_123 : memref<80x128xf32, #tpu.memory_space<hbm>>) dst(%arg16 : memref<80x128xf32, #tpu.memory_space<vmem>>)
      %scan3A_124 = arith.constant 0 : i32
      %scan3A_125 = arith.constant 0 : i32
      %scan3A_126 = arith.constant 80 : i32
      %scan3A_127 = arith.addi %scan3A_125, %scan3A_126 : i32
      %scan3A_128 = arith.constant 1 : i32
      scf.for %scan3A_371 = %scan3A_125 to %scan3A_127 step %scan3A_128  : i32 {
        %get3A = arith.index_cast %scan3A_371 : i32 to index
        %get3A_372 = arith.constant 0 : index
        %get3A_373 = tpu.vector_load %arg16[%get3A, %get3A_372] {strides = array<i32>} : memref<80x128xf32, #tpu.memory_space<vmem>>, vector<1x16xf32>,
        %get3A_374 = vector.shape_cast %get3A_373 : vector<1x16xf32> to vector<16xf32>
        %get3A_375 = arith.index_cast %scan3A_371 : i32 to index
        %get3A_376 = arith.constant 0 : index
        %get3A_377 = tpu.vector_load %arg14[%get3A_375, %get3A_376] {strides = array<i32>} : memref<80x128xf32, #tpu.memory_space<vmem>>, vector<1x16xf32>,
        %get3A_378 = vector.shape_cast %get3A_377 : vector<1x16xf32> to vector<16xf32>
        %mul3A_379 = arith.mulf %get3A_374, %get3A_378 : vector<16xf32>
        %swap3A = arith.index_cast %scan3A_371 : i32 to index
        %swap3A_380 = arith.constant 0 : index
        %swap3A_381 = tpu.vector_load %arg16[%swap3A, %swap3A_380] {strides = array<i32>} : memref<80x128xf32, #tpu.memory_space<vmem>>, vector<1x16xf32>,
        %swap3A_382 = vector.shape_cast %swap3A_381 : vector<1x16xf32> to vector<16xf32>
        %swap3A_383 = vector.shape_cast %mul3A_379 : vector<16xf32> to vector<1x16xf32>
        tpu.vector_store %arg16[%swap3A, %swap3A_380], %swap3A_383 {strides = array<i32>} : memref<80x128xf32, #tpu.memory_space<vmem>>, vector<1x16xf32>,
        %get3A_384 = arith.index_cast %scan3A_371 : i32 to index
        %get3A_385 = arith.constant 16 : index
        %get3A_386 = tpu.vector_load %arg16[%get3A_384, %get3A_385] {strides = array<i32>} : memref<80x128xf32, #tpu.memory_space<vmem>>, vector<1x16xf32>,
        %get3A_387 = vector.shape_cast %get3A_386 : vector<1x16xf32> to vector<16xf32>
        %get3A_388 = arith.index_cast %scan3A_371 : i32 to index
        %get3A_389 = arith.constant 16 : index
        %get3A_390 = tpu.vector_load %arg14[%get3A_388, %get3A_389] {strides = array<i32>} : memref<80x128xf32, #tpu.memory_space<vmem>>, vector<1x16xf32>,
        %get3A_391 = vector.shape_cast %get3A_390 : vector<1x16xf32> to vector<16xf32>
        %mul3A_392 = arith.mulf %get3A_387, %get3A_391 : vector<16xf32>
        %swap3A_393 = arith.index_cast %scan3A_371 : i32 to index
        %swap3A_394 = arith.constant 16 : index
        %swap3A_395 = tpu.vector_load %arg16[%swap3A_393, %swap3A_394] {strides = array<i32>} : memref<80x128xf32, #tpu.memory_space<vmem>>, vector<1x16xf32>,
        %swap3A_396 = vector.shape_cast %swap3A_395 : vector<1x16xf32> to vector<16xf32>
        %swap3A_397 = vector.shape_cast %mul3A_392 : vector<16xf32> to vector<1x16xf32>
        tpu.vector_store %arg16[%swap3A_393, %swap3A_394], %swap3A_397 {strides = array<i32>} : memref<80x128xf32, #tpu.memory_space<vmem>>, vector<1x16xf32>,
        %get3A_398 = arith.index_cast %scan3A_371 : i32 to index
        %get3A_399 = arith.constant 32 : index
        %get3A_400 = tpu.vector_load %arg16[%get3A_398, %get3A_399] {strides = array<i32>} : memref<80x128xf32, #tpu.memory_space<vmem>>, vector<1x16xf32>,
        %get3A_401 = vector.shape_cast %get3A_400 : vector<1x16xf32> to vector<16xf32>
        %get3A_402 = arith.index_cast %scan3A_371 : i32 to index
        %get3A_403 = arith.constant 32 : index
        %get3A_404 = tpu.vector_load %arg14[%get3A_402, %get3A_403] {strides = array<i32>} : memref<80x128xf32, #tpu.memory_space<vmem>>, vector<1x16xf32>,
        %get3A_405 = vector.shape_cast %get3A_404 : vector<1x16xf32> to vector<16xf32>
        %mul3A_406 = arith.mulf %get3A_401, %get3A_405 : vector<16xf32>
        %swap3A_407 = arith.index_cast %scan3A_371 : i32 to index
        %swap3A_408 = arith.constant 32 : index
        %swap3A_409 = tpu.vector_load %arg16[%swap3A_407, %swap3A_408] {strides = array<i32>} : memref<80x128xf32, #tpu.memory_space<vmem>>, vector<1x16xf32>,
        %swap3A_410 = vector.shape_cast %swap3A_409 : vector<1x16xf32> to vector<16xf32>
        %swap3A_411 = vector.shape_cast %mul3A_406 : vector<16xf32> to vector<1x16xf32>
        tpu.vector_store %arg16[%swap3A_407, %swap3A_408], %swap3A_411 {strides = array<i32>} : memref<80x128xf32, #tpu.memory_space<vmem>>, vector<1x16xf32>,
        %get3A_412 = arith.index_cast %scan3A_371 : i32 to index
        %get3A_413 = arith.constant 48 : index
        %get3A_414 = tpu.vector_load %arg16[%get3A_412, %get3A_413] {strides = array<i32>} : memref<80x128xf32, #tpu.memory_space<vmem>>, vector<1x16xf32>,
        %get3A_415 = vector.shape_cast %get3A_414 : vector<1x16xf32> to vector<16xf32>
        %get3A_416 = arith.index_cast %scan3A_371 : i32 to index
        %get3A_417 = arith.constant 48 : index
        %get3A_418 = tpu.vector_load %arg14[%get3A_416, %get3A_417] {strides = array<i32>} : memref<80x128xf32, #tpu.memory_space<vmem>>, vector<1x16xf32>,
        %get3A_419 = vector.shape_cast %get3A_418 : vector<1x16xf32> to vector<16xf32>
        %mul3A_420 = arith.mulf %get3A_415, %get3A_419 : vector<16xf32>
        %swap3A_421 = arith.index_cast %scan3A_371 : i32 to index
        %swap3A_422 = arith.constant 48 : index
        %swap3A_423 = tpu.vector_load %arg16[%swap3A_421, %swap3A_422] {strides = array<i32>} : memref<80x128xf32, #tpu.memory_space<vmem>>, vector<1x16xf32>,
        %swap3A_424 = vector.shape_cast %swap3A_423 : vector<1x16xf32> to vector<16xf32>
        %swap3A_425 = vector.shape_cast %mul3A_420 : vector<16xf32> to vector<1x16xf32>
        tpu.vector_store %arg16[%swap3A_421, %swap3A_422], %swap3A_425 {strides = array<i32>} : memref<80x128xf32, #tpu.memory_space<vmem>>, vector<1x16xf32>,
        %get3A_426 = arith.index_cast %scan3A_371 : i32 to index
        %get3A_427 = arith.constant 64 : index
        %get3A_428 = tpu.vector_load %arg16[%get3A_426, %get3A_427] {strides = array<i32>} : memref<80x128xf32, #tpu.memory_space<vmem>>, vector<1x16xf32>,
        %get3A_429 = vector.shape_cast %get3A_428 : vector<1x16xf32> to vector<16xf32>
        %get3A_430 = arith.index_cast %scan3A_371 : i32 to index
        %get3A_431 = arith.constant 64 : index
        %get3A_432 = tpu.vector_load %arg14[%get3A_430, %get3A_431] {strides = array<i32>} : memref<80x128xf32, #tpu.memory_space<vmem>>, vector<1x16xf32>,
        %get3A_433 = vector.shape_cast %get3A_432 : vector<1x16xf32> to vector<16xf32>
        %mul3A_434 = arith.mulf %get3A_429, %get3A_433 : vector<16xf32>
        %swap3A_435 = arith.index_cast %scan3A_371 : i32 to index
        %swap3A_436 = arith.constant 64 : index
        %swap3A_437 = tpu.vector_load %arg16[%swap3A_435, %swap3A_436] {strides = array<i32>} : memref<80x128xf32, #tpu.memory_space<vmem>>, vector<1x16xf32>,
        %swap3A_438 = vector.shape_cast %swap3A_437 : vector<1x16xf32> to vector<16xf32>
        %swap3A_439 = vector.shape_cast %mul3A_434 : vector<16xf32> to vector<1x16xf32>
        tpu.vector_store %arg16[%swap3A_435, %swap3A_436], %swap3A_439 {strides = array<i32>} : memref<80x128xf32, #tpu.memory_space<vmem>>, vector<1x16xf32>,
        %get3A_440 = arith.index_cast %scan3A_371 : i32 to index
        %get3A_441 = arith.constant 80 : index
        %get3A_442 = tpu.vector_load %arg16[%get3A_440, %get3A_441] {strides = array<i32>} : memref<80x128xf32, #tpu.memory_space<vmem>>, vector<1x16xf32>,
        %get3A_443 = vector.shape_cast %get3A_442 : vector<1x16xf32> to vector<16xf32>
        %get3A_444 = arith.index_cast %scan3A_371 : i32 to index
        %get3A_445 = arith.constant 80 : index
        %get3A_446 = tpu.vector_load %arg14[%get3A_444, %get3A_445] {strides = array<i32>} : memref<80x128xf32, #tpu.memory_space<vmem>>, vector<1x16xf32>,
        %get3A_447 = vector.shape_cast %get3A_446 : vector<1x16xf32> to vector<16xf32>
        %mul3A_448 = arith.mulf %get3A_443, %get3A_447 : vector<16xf32>
        %swap3A_449 = arith.index_cast %scan3A_371 : i32 to index
        %swap3A_450 = arith.constant 80 : index
        %swap3A_451 = tpu.vector_load %arg16[%swap3A_449, %swap3A_450] {strides = array<i32>} : memref<80x128xf32, #tpu.memory_space<vmem>>, vector<1x16xf32>,
        %swap3A_452 = vector.shape_cast %swap3A_451 : vector<1x16xf32> to vector<16xf32>
        %swap3A_453 = vector.shape_cast %mul3A_448 : vector<16xf32> to vector<1x16xf32>
        tpu.vector_store %arg16[%swap3A_449, %swap3A_450], %swap3A_453 {strides = array<i32>} : memref<80x128xf32, #tpu.memory_space<vmem>>, vector<1x16xf32>,
        %get3A_454 = arith.index_cast %scan3A_371 : i32 to index
        %get3A_455 = arith.constant 96 : index
        %get3A_456 = tpu.vector_load %arg16[%get3A_454, %get3A_455] {strides = array<i32>} : memref<80x128xf32, #tpu.memory_space<vmem>>, vector<1x16xf32>,
        %get3A_457 = vector.shape_cast %get3A_456 : vector<1x16xf32> to vector<16xf32>
        %get3A_458 = arith.index_cast %scan3A_371 : i32 to index
        %get3A_459 = arith.constant 96 : index
        %get3A_460 = tpu.vector_load %arg14[%get3A_458, %get3A_459] {strides = array<i32>} : memref<80x128xf32, #tpu.memory_space<vmem>>, vector<1x16xf32>,
        %get3A_461 = vector.shape_cast %get3A_460 : vector<1x16xf32> to vector<16xf32>
        %mul3A_462 = arith.mulf %get3A_457, %get3A_461 : vector<16xf32>
        %swap3A_463 = arith.index_cast %scan3A_371 : i32 to index
        %swap3A_464 = arith.constant 96 : index
        %swap3A_465 = tpu.vector_load %arg16[%swap3A_463, %swap3A_464] {strides = array<i32>} : memref<80x128xf32, #tpu.memory_space<vmem>>, vector<1x16xf32>,
        %swap3A_466 = vector.shape_cast %swap3A_465 : vector<1x16xf32> to vector<16xf32>
        %swap3A_467 = vector.shape_cast %mul3A_462 : vector<16xf32> to vector<1x16xf32>
        tpu.vector_store %arg16[%swap3A_463, %swap3A_464], %swap3A_467 {strides = array<i32>} : memref<80x128xf32, #tpu.memory_space<vmem>>, vector<1x16xf32>,
        %get3A_468 = arith.index_cast %scan3A_371 : i32 to index
        %get3A_469 = arith.constant 112 : index
        %get3A_470 = tpu.vector_load %arg16[%get3A_468, %get3A_469] {strides = array<i32>} : memref<80x128xf32, #tpu.memory_space<vmem>>, vector<1x16xf32>,
        %get3A_471 = vector.shape_cast %get3A_470 : vector<1x16xf32> to vector<16xf32>
        %get3A_472 = arith.index_cast %scan3A_371 : i32 to index
        %get3A_473 = arith.constant 112 : index
        %get3A_474 = tpu.vector_load %arg14[%get3A_472, %get3A_473] {strides = array<i32>} : memref<80x128xf32, #tpu.memory_space<vmem>>, vector<1x16xf32>,
        %get3A_475 = vector.shape_cast %get3A_474 : vector<1x16xf32> to vector<16xf32>
        %mul3A_476 = arith.mulf %get3A_471, %get3A_475 : vector<16xf32>
        %swap3A_477 = arith.index_cast %scan3A_371 : i32 to index
        %swap3A_478 = arith.constant 112 : index
        %swap3A_479 = tpu.vector_load %arg16[%swap3A_477, %swap3A_478] {strides = array<i32>} : memref<80x128xf32, #tpu.memory_space<vmem>>, vector<1x16xf32>,
        %swap3A_480 = vector.shape_cast %swap3A_479 : vector<1x16xf32> to vector<16xf32>
        %swap3A_481 = vector.shape_cast %mul3A_476 : vector<16xf32> to vector<1x16xf32>
        tpu.vector_store %arg16[%swap3A_477, %swap3A_478], %swap3A_481 {strides = array<i32>} : memref<80x128xf32, #tpu.memory_space<vmem>>, vector<1x16xf32>,
      }
      %scan3A_129 = arith.constant 80 : i32
      "tpu.region"() ({
        %run_scoped3A = tpu.sem_alloc : memref<!tpu.dma_semaphore, #tpu.memory_space<semaphore_mem>>
        %dma_start3A_371 = arith.constant 0 : i32
        %dma_start3A_372 = arith.constant 0 : i32
        %dma_start3A_373 = tpu.memref_slice %arg19[%dma_start3A_371, %dma_start3A_372] : memref<10240x128xf32, #tpu.memory_space<vmem_shared>> -> memref<10240x128xf32, #tpu.memory_space<vmem_shared>>
        tpu.enqueue_indirect_dma source(%arg16 : memref<80x128xf32, #tpu.memory_space<vmem>>) target(%dma_start3A_373 : memref<10240x128xf32, #tpu.memory_space<vmem_shared>>) offsets(%arg12 : memref<80xi32, #tpu.memory_space<vmem>>) semaphore(%run_scoped3A : memref<!tpu.dma_semaphore, #tpu.memory_space<semaphore_mem>>) {add = true}
        %dma_wait3A_374 = arith.constant 0 : i32
        %dma_wait3A_375 = arith.constant 0 : i32
        %dma_wait3A_376 = tpu.memref_slice %arg19[%dma_wait3A_374, %dma_wait3A_375] : memref<10240x128xf32, #tpu.memory_space<vmem_shared>> -> memref<10240x128xf32, #tpu.memory_space<vmem_shared>>
        tpu.wait_indirect_dma semaphore(%run_scoped3A : memref<!tpu.dma_semaphore, #tpu.memory_space<semaphore_mem>>) src(%arg16 : memref<80x128xf32, #tpu.memory_space<vmem>>) dst(%dma_wait3A_376 : memref<10240x128xf32, #tpu.memory_space<vmem_shared>>)
        tpu.yield
      }) : () -> ()
      %barrier3A_130 = arith.constant 0 : index
      tpu.barrier barrier_id(%barrier3A_130)
      %mul3A_131 = arith.constant 640 : i32
      %mul3A_132 = arith.muli %arg1, %mul3A_131 : i32
      %add3A_133 = arith.constant 0 : i32
      %add3A_134 = arith.addi %mul3A_132, %add3A_133 : i32
      %dma_start3A_135 = arith.constant 0 : i32
      %dma_start3A_136 = tpu.memref_slice %arg19[%add3A_134, %dma_start3A_135] : memref<10240x128xf32, #tpu.memory_space<vmem_shared>> -> memref<32x128xf32, #tpu.memory_space<vmem_shared>>
      %dma_start3A_137 = arith.constant 0 : i32
      %dma_start3A_138 = tpu.memref_slice %arg19[%add3A_134, %dma_start3A_137] : memref<10240x128xf32, #tpu.memory_space<vmem_shared>> -> memref<32x128xf32, #tpu.memory_space<vmem_shared>>
      tpu.enqueue_dma source(%dma_start3A_138 : memref<32x128xf32, #tpu.memory_space<vmem_shared>>) target(%arg18 : memref<32x128xf32, #tpu.memory_space<vmem>>) target_semaphore(%arg20 : memref<!tpu.dma_semaphore, #tpu.memory_space<semaphore_mem>>)
      %dma_wait3A_139 = arith.constant 0 : i32
      %dma_wait3A_140 = tpu.memref_slice %arg19[%add3A_134, %dma_wait3A_139] : memref<10240x128xf32, #tpu.memory_space<vmem_shared>> -> memref<32x128xf32, #tpu.memory_space<vmem_shared>>
      %dma_wait3A_141 = arith.constant 0 : i32
      %dma_wait3A_142 = tpu.memref_slice %arg19[%add3A_134, %dma_wait3A_141] : memref<10240x128xf32, #tpu.memory_space<vmem_shared>> -> memref<32x128xf32, #tpu.memory_space<vmem_shared>>
      tpu.wait_dma2 semaphore(%arg20 : memref<!tpu.dma_semaphore, #tpu.memory_space<semaphore_mem>>) src(%dma_wait3A_142 : memref<32x128xf32, #tpu.memory_space<vmem_shared>>) dst(%arg18 : memref<32x128xf32, #tpu.memory_space<vmem>>)
      "tpu.region"() ({
        %run_scoped3A = tpu.sem_alloc : memref<!tpu.dma_semaphore, #tpu.memory_space<semaphore_mem>>
        %dma_start3A_371 = arith.constant 0 : i32
        %dma_start3A_372 = tpu.memref_slice %arg9[%add3A_134, %dma_start3A_371] : memref<10240x128xf32, #tpu.memory_space<hbm>> -> memref<32x128xf32, #tpu.memory_space<hbm>>
        %dma_start3A_373 = arith.constant 0 : i32
        %dma_start3A_374 = tpu.memref_slice %arg9[%add3A_134, %dma_start3A_373] : memref<10240x128xf32, #tpu.memory_space<hbm>> -> memref<32x128xf32, #tpu.memory_space<hbm>>
        tpu.enqueue_dma source(%arg18 : memref<32x128xf32, #tpu.memory_space<vmem>>) target(%dma_start3A_374 : memref<32x128xf32, #tpu.memory_space<hbm>>) target_semaphore(%run_scoped3A : memref<!tpu.dma_semaphore, #tpu.memory_space<semaphore_mem>>)
        %dma_wait3A_375 = arith.constant 0 : i32
        %dma_wait3A_376 = tpu.memref_slice %arg9[%add3A_134, %dma_wait3A_375] : memref<10240x128xf32, #tpu.memory_space<hbm>> -> memref<32x128xf32, #tpu.memory_space<hbm>>
        %dma_wait3A_377 = arith.constant 0 : i32
        %dma_wait3A_378 = tpu.memref_slice %arg9[%add3A_134, %dma_wait3A_377] : memref<10240x128xf32, #tpu.memory_space<hbm>> -> memref<32x128xf32, #tpu.memory_space<hbm>>
        tpu.wait_dma2 semaphore(%run_scoped3A : memref<!tpu.dma_semaphore, #tpu.memory_space<semaphore_mem>>) src(%arg18 : memref<32x128xf32, #tpu.memory_space<vmem>>) dst(%dma_wait3A_378 : memref<32x128xf32, #tpu.memory_space<hbm>>)
        tpu.yield
      }) : () -> ()
      %mul3A_143 = arith.constant 640 : i32
      %mul3A_144 = arith.muli %arg1, %mul3A_143 : i32
      %add3A_145 = arith.constant 32 : i32
      %add3A_146 = arith.addi %mul3A_144, %add3A_145 : i32
      %dma_start3A_147 = arith.constant 0 : i32
      %dma_start3A_148 = tpu.memref_slice %arg19[%add3A_146, %dma_start3A_147] : memref<10240x128xf32, #tpu.memory_space<vmem_shared>> -> memref<32x128xf32, #tpu.memory_space<vmem_shared>>
      %dma_start3A_149 = arith.constant 0 : i32
      %dma_start3A_150 = tpu.memref_slice %arg19[%add3A_146, %dma_start3A_149] : memref<10240x128xf32, #tpu.memory_space<vmem_shared>> -> memref<32x128xf32, #tpu.memory_space<vmem_shared>>
      tpu.enqueue_dma source(%dma_start3A_150 : memref<32x128xf32, #tpu.memory_space<vmem_shared>>) target(%arg18 : memref<32x128xf32, #tpu.memory_space<vmem>>) target_semaphore(%arg20 : memref<!tpu.dma_semaphore, #tpu.memory_space<semaphore_mem>>)
      %dma_wait3A_151 = arith.constant 0 : i32
      %dma_wait3A_152 = tpu.memref_slice %arg19[%add3A_146, %dma_wait3A_151] : memref<10240x128xf32, #tpu.memory_space<vmem_shared>> -> memref<32x128xf32, #tpu.memory_space<vmem_shared>>
      %dma_wait3A_153 = arith.constant 0 : i32
      %dma_wait3A_154 = tpu.memref_slice %arg19[%add3A_146, %dma_wait3A_153] : memref<10240x128xf32, #tpu.memory_space<vmem_shared>> -> memref<32x128xf32, #tpu.memory_space<vmem_shared>>
      tpu.wait_dma2 semaphore(%arg20 : memref<!tpu.dma_semaphore, #tpu.memory_space<semaphore_mem>>) src(%dma_wait3A_154 : memref<32x128xf32, #tpu.memory_space<vmem_shared>>) dst(%arg18 : memref<32x128xf32, #tpu.memory_space<vmem>>)
      "tpu.region"() ({
        %run_scoped3A = tpu.sem_alloc : memref<!tpu.dma_semaphore, #tpu.memory_space<semaphore_mem>>
        %dma_start3A_371 = arith.constant 0 : i32
        %dma_start3A_372 = tpu.memref_slice %arg9[%add3A_146, %dma_start3A_371] : memref<10240x128xf32, #tpu.memory_space<hbm>> -> memref<32x128xf32, #tpu.memory_space<hbm>>
        %dma_start3A_373 = arith.constant 0 : i32
        %dma_start3A_374 = tpu.memref_slice %arg9[%add3A_146, %dma_start3A_373] : memref<10240x128xf32, #tpu.memory_space<hbm>> -> memref<32x128xf32, #tpu.memory_space<hbm>>
        tpu.enqueue_dma source(%arg18 : memref<32x128xf32, #tpu.memory_space<vmem>>) target(%dma_start3A_374 : memref<32x128xf32, #tpu.memory_space<hbm>>) target_semaphore(%run_scoped3A : memref<!tpu.dma_semaphore, #tpu.memory_space<semaphore_mem>>)
        %dma_wait3A_375 = arith.constant 0 : i32
        %dma_wait3A_376 = tpu.memref_slice %arg9[%add3A_146, %dma_wait3A_375] : memref<10240x128xf32, #tpu.memory_space<hbm>> -> memref<32x128xf32, #tpu.memory_space<hbm>>
        %dma_wait3A_377 = arith.constant 0 : i32
        %dma_wait3A_378 = tpu.memref_slice %arg9[%add3A_146, %dma_wait3A_377] : memref<10240x128xf32, #tpu.memory_space<hbm>> -> memref<32x128xf32, #tpu.memory_space<hbm>>
        tpu.wait_dma2 semaphore(%run_scoped3A : memref<!tpu.dma_semaphore, #tpu.memory_space<semaphore_mem>>) src(%arg18 : memref<32x128xf32, #tpu.memory_space<vmem>>) dst(%dma_wait3A_378 : memref<32x128xf32, #tpu.memory_space<hbm>>)
        tpu.yield
      }) : () -> ()
      %mul3A_155 = arith.constant 640 : i32
      %mul3A_156 = arith.muli %arg1, %mul3A_155 : i32
      %add3A_157 = arith.constant 64 : i32
      %add3A_158 = arith.addi %mul3A_156, %add3A_157 : i32
      %dma_start3A_159 = arith.constant 0 : i32
      %dma_start3A_160 = tpu.memref_slice %arg19[%add3A_158, %dma_start3A_159] : memref<10240x128xf32, #tpu.memory_space<vmem_shared>> -> memref<32x128xf32, #tpu.memory_space<vmem_shared>>
      %dma_start3A_161 = arith.constant 0 : i32
      %dma_start3A_162 = tpu.memref_slice %arg19[%add3A_158, %dma_start3A_161] : memref<10240x128xf32, #tpu.memory_space<vmem_shared>> -> memref<32x128xf32, #tpu.memory_space<vmem_shared>>
      tpu.enqueue_dma source(%dma_start3A_162 : memref<32x128xf32, #tpu.memory_space<vmem_shared>>) target(%arg18 : memref<32x128xf32, #tpu.memory_space<vmem>>) target_semaphore(%arg20 : memref<!tpu.dma_semaphore, #tpu.memory_space<semaphore_mem>>)
      %dma_wait3A_163 = arith.constant 0 : i32
      %dma_wait3A_164 = tpu.memref_slice %arg19[%add3A_158, %dma_wait3A_163] : memref<10240x128xf32, #tpu.memory_space<vmem_shared>> -> memref<32x128xf32, #tpu.memory_space<vmem_shared>>
      %dma_wait3A_165 = arith.constant 0 : i32
      %dma_wait3A_166 = tpu.memref_slice %arg19[%add3A_158, %dma_wait3A_165] : memref<10240x128xf32, #tpu.memory_space<vmem_shared>> -> memref<32x128xf32, #tpu.memory_space<vmem_shared>>
      tpu.wait_dma2 semaphore(%arg20 : memref<!tpu.dma_semaphore, #tpu.memory_space<semaphore_mem>>) src(%dma_wait3A_166 : memref<32x128xf32, #tpu.memory_space<vmem_shared>>) dst(%arg18 : memref<32x128xf32, #tpu.memory_space<vmem>>)
      "tpu.region"() ({
        %run_scoped3A = tpu.sem_alloc : memref<!tpu.dma_semaphore, #tpu.memory_space<semaphore_mem>>
        %dma_start3A_371 = arith.constant 0 : i32
        %dma_start3A_372 = tpu.memref_slice %arg9[%add3A_158, %dma_start3A_371] : memref<10240x128xf32, #tpu.memory_space<hbm>> -> memref<32x128xf32, #tpu.memory_space<hbm>>
        %dma_start3A_373 = arith.constant 0 : i32
        %dma_start3A_374 = tpu.memref_slice %arg9[%add3A_158, %dma_start3A_373] : memref<10240x128xf32, #tpu.memory_space<hbm>> -> memref<32x128xf32, #tpu.memory_space<hbm>>
        tpu.enqueue_dma source(%arg18 : memref<32x128xf32, #tpu.memory_space<vmem>>) target(%dma_start3A_374 : memref<32x128xf32, #tpu.memory_space<hbm>>) target_semaphore(%run_scoped3A : memref<!tpu.dma_semaphore, #tpu.memory_space<semaphore_mem>>)
        %dma_wait3A_375 = arith.constant 0 : i32
        %dma_wait3A_376 = tpu.memref_slice %arg9[%add3A_158, %dma_wait3A_375] : memref<10240x128xf32, #tpu.memory_space<hbm>> -> memref<32x128xf32, #tpu.memory_space<hbm>>
        %dma_wait3A_377 = arith.constant 0 : i32
        %dma_wait3A_378 = tpu.memref_slice %arg9[%add3A_158, %dma_wait3A_377] : memref<10240x128xf32, #tpu.memory_space<hbm>> -> memref<32x128xf32, #tpu.memory_space<hbm>>
        tpu.wait_dma2 semaphore(%run_scoped3A : memref<!tpu.dma_semaphore, #tpu.memory_space<semaphore_mem>>) src(%arg18 : memref<32x128xf32, #tpu.memory_space<vmem>>) dst(%dma_wait3A_378 : memref<32x128xf32, #tpu.memory_space<hbm>>)
        tpu.yield
      }) : () -> ()
      %mul3A_167 = arith.constant 640 : i32
      %mul3A_168 = arith.muli %arg1, %mul3A_167 : i32
      %add3A_169 = arith.constant 96 : i32
      %add3A_170 = arith.addi %mul3A_168, %add3A_169 : i32
      %dma_start3A_171 = arith.constant 0 : i32
      %dma_start3A_172 = tpu.memref_slice %arg19[%add3A_170, %dma_start3A_171] : memref<10240x128xf32, #tpu.memory_space<vmem_shared>> -> memref<32x128xf32, #tpu.memory_space<vmem_shared>>
      %dma_start3A_173 = arith.constant 0 : i32
      %dma_start3A_174 = tpu.memref_slice %arg19[%add3A_170, %dma_start3A_173] : memref<10240x128xf32, #tpu.memory_space<vmem_shared>> -> memref<32x128xf32, #tpu.memory_space<vmem_shared>>
      tpu.enqueue_dma source(%dma_start3A_174 : memref<32x128xf32, #tpu.memory_space<vmem_shared>>) target(%arg18 : memref<32x128xf32, #tpu.memory_space<vmem>>) target_semaphore(%arg20 : memref<!tpu.dma_semaphore, #tpu.memory_space<semaphore_mem>>)
      %dma_wait3A_175 = arith.constant 0 : i32
      %dma_wait3A_176 = tpu.memref_slice %arg19[%add3A_170, %dma_wait3A_175] : memref<10240x128xf32, #tpu.memory_space<vmem_shared>> -> memref<32x128xf32, #tpu.memory_space<vmem_shared>>
      %dma_wait3A_177 = arith.constant 0 : i32
      %dma_wait3A_178 = tpu.memref_slice %arg19[%add3A_170, %dma_wait3A_177] : memref<10240x128xf32, #tpu.memory_space<vmem_shared>> -> memref<32x128xf32, #tpu.memory_space<vmem_shared>>
      tpu.wait_dma2 semaphore(%arg20 : memref<!tpu.dma_semaphore, #tpu.memory_space<semaphore_mem>>) src(%dma_wait3A_178 : memref<32x128xf32, #tpu.memory_space<vmem_shared>>) dst(%arg18 : memref<32x128xf32, #tpu.memory_space<vmem>>)
      "tpu.region"() ({
        %run_scoped3A = tpu.sem_alloc : memref<!tpu.dma_semaphore, #tpu.memory_space<semaphore_mem>>
        %dma_start3A_371 = arith.constant 0 : i32
        %dma_start3A_372 = tpu.memref_slice %arg9[%add3A_170, %dma_start3A_371] : memref<10240x128xf32, #tpu.memory_space<hbm>> -> memref<32x128xf32, #tpu.memory_space<hbm>>
        %dma_start3A_373 = arith.constant 0 : i32
        %dma_start3A_374 = tpu.memref_slice %arg9[%add3A_170, %dma_start3A_373] : memref<10240x128xf32, #tpu.memory_space<hbm>> -> memref<32x128xf32, #tpu.memory_space<hbm>>
        tpu.enqueue_dma source(%arg18 : memref<32x128xf32, #tpu.memory_space<vmem>>) target(%dma_start3A_374 : memref<32x128xf32, #tpu.memory_space<hbm>>) target_semaphore(%run_scoped3A : memref<!tpu.dma_semaphore, #tpu.memory_space<semaphore_mem>>)
        %dma_wait3A_375 = arith.constant 0 : i32
        %dma_wait3A_376 = tpu.memref_slice %arg9[%add3A_170, %dma_wait3A_375] : memref<10240x128xf32, #tpu.memory_space<hbm>> -> memref<32x128xf32, #tpu.memory_space<hbm>>
        %dma_wait3A_377 = arith.constant 0 : i32
        %dma_wait3A_378 = tpu.memref_slice %arg9[%add3A_170, %dma_wait3A_377] : memref<10240x128xf32, #tpu.memory_space<hbm>> -> memref<32x128xf32, #tpu.memory_space<hbm>>
        tpu.wait_dma2 semaphore(%run_scoped3A : memref<!tpu.dma_semaphore, #tpu.memory_space<semaphore_mem>>) src(%arg18 : memref<32x128xf32, #tpu.memory_space<vmem>>) dst(%dma_wait3A_378 : memref<32x128xf32, #tpu.memory_space<hbm>>)
        tpu.yield
      }) : () -> ()
      %mul3A_179 = arith.constant 640 : i32
      %mul3A_180 = arith.muli %arg1, %mul3A_179 : i32
      %add3A_181 = arith.constant 128 : i32
      %add3A_182 = arith.addi %mul3A_180, %add3A_181 : i32
      %dma_start3A_183 = arith.constant 0 : i32
      %dma_start3A_184 = tpu.memref_slice %arg19[%add3A_182, %dma_start3A_183] : memref<10240x128xf32, #tpu.memory_space<vmem_shared>> -> memref<32x128xf32, #tpu.memory_space<vmem_shared>>
      %dma_start3A_185 = arith.constant 0 : i32
      %dma_start3A_186 = tpu.memref_slice %arg19[%add3A_182, %dma_start3A_185] : memref<10240x128xf32, #tpu.memory_space<vmem_shared>> -> memref<32x128xf32, #tpu.memory_space<vmem_shared>>
      tpu.enqueue_dma source(%dma_start3A_186 : memref<32x128xf32, #tpu.memory_space<vmem_shared>>) target(%arg18 : memref<32x128xf32, #tpu.memory_space<vmem>>) target_semaphore(%arg20 : memref<!tpu.dma_semaphore, #tpu.memory_space<semaphore_mem>>)
      %dma_wait3A_187 = arith.constant 0 : i32
      %dma_wait3A_188 = tpu.memref_slice %arg19[%add3A_182, %dma_wait3A_187] : memref<10240x128xf32, #tpu.memory_space<vmem_shared>> -> memref<32x128xf32, #tpu.memory_space<vmem_shared>>
      %dma_wait3A_189 = arith.constant 0 : i32
      %dma_wait3A_190 = tpu.memref_slice %arg19[%add3A_182, %dma_wait3A_189] : memref<10240x128xf32, #tpu.memory_space<vmem_shared>> -> memref<32x128xf32, #tpu.memory_space<vmem_shared>>
      tpu.wait_dma2 semaphore(%arg20 : memref<!tpu.dma_semaphore, #tpu.memory_space<semaphore_mem>>) src(%dma_wait3A_190 : memref<32x128xf32, #tpu.memory_space<vmem_shared>>) dst(%arg18 : memref<32x128xf32, #tpu.memory_space<vmem>>)
      "tpu.region"() ({
        %run_scoped3A = tpu.sem_alloc : memref<!tpu.dma_semaphore, #tpu.memory_space<semaphore_mem>>
        %dma_start3A_371 = arith.constant 0 : i32
        %dma_start3A_372 = tpu.memref_slice %arg9[%add3A_182, %dma_start3A_371] : memref<10240x128xf32, #tpu.memory_space<hbm>> -> memref<32x128xf32, #tpu.memory_space<hbm>>
        %dma_start3A_373 = arith.constant 0 : i32
        %dma_start3A_374 = tpu.memref_slice %arg9[%add3A_182, %dma_start3A_373] : memref<10240x128xf32, #tpu.memory_space<hbm>> -> memref<32x128xf32, #tpu.memory_space<hbm>>
        tpu.enqueue_dma source(%arg18 : memref<32x128xf32, #tpu.memory_space<vmem>>) target(%dma_start3A_374 : memref<32x128xf32, #tpu.memory_space<hbm>>) target_semaphore(%run_scoped3A : memref<!tpu.dma_semaphore, #tpu.memory_space<semaphore_mem>>)
        %dma_wait3A_375 = arith.constant 0 : i32
        %dma_wait3A_376 = tpu.memref_slice %arg9[%add3A_182, %dma_wait3A_375] : memref<10240x128xf32, #tpu.memory_space<hbm>> -> memref<32x128xf32, #tpu.memory_space<hbm>>
        %dma_wait3A_377 = arith.constant 0 : i32
        %dma_wait3A_378 = tpu.memref_slice %arg9[%add3A_182, %dma_wait3A_377] : memref<10240x128xf32, #tpu.memory_space<hbm>> -> memref<32x128xf32, #tpu.memory_space<hbm>>
        tpu.wait_dma2 semaphore(%run_scoped3A : memref<!tpu.dma_semaphore, #tpu.memory_space<semaphore_mem>>) src(%arg18 : memref<32x128xf32, #tpu.memory_space<vmem>>) dst(%dma_wait3A_378 : memref<32x128xf32, #tpu.memory_space<hbm>>)
        tpu.yield
      }) : () -> ()
      %mul3A_191 = arith.constant 640 : i32
      %mul3A_192 = arith.muli %arg1, %mul3A_191 : i32
      %add3A_193 = arith.constant 160 : i32
      %add3A_194 = arith.addi %mul3A_192, %add3A_193 : i32
      %dma_start3A_195 = arith.constant 0 : i32
      %dma_start3A_196 = tpu.memref_slice %arg19[%add3A_194, %dma_start3A_195] : memref<10240x128xf32, #tpu.memory_space<vmem_shared>> -> memref<32x128xf32, #tpu.memory_space<vmem_shared>>
      %dma_start3A_197 = arith.constant 0 : i32
      %dma_start3A_198 = tpu.memref_slice %arg19[%add3A_194, %dma_start3A_197] : memref<10240x128xf32, #tpu.memory_space<vmem_shared>> -> memref<32x128xf32, #tpu.memory_space<vmem_shared>>
      tpu.enqueue_dma source(%dma_start3A_198 : memref<32x128xf32, #tpu.memory_space<vmem_shared>>) target(%arg18 : memref<32x128xf32, #tpu.memory_space<vmem>>) target_semaphore(%arg20 : memref<!tpu.dma_semaphore, #tpu.memory_space<semaphore_mem>>)
      %dma_wait3A_199 = arith.constant 0 : i32
      %dma_wait3A_200 = tpu.memref_slice %arg19[%add3A_194, %dma_wait3A_199] : memref<10240x128xf32, #tpu.memory_space<vmem_shared>> -> memref<32x128xf32, #tpu.memory_space<vmem_shared>>
      %dma_wait3A_201 = arith.constant 0 : i32
      %dma_wait3A_202 = tpu.memref_slice %arg19[%add3A_194, %dma_wait3A_201] : memref<10240x128xf32, #tpu.memory_space<vmem_shared>> -> memref<32x128xf32, #tpu.memory_space<vmem_shared>>
      tpu.wait_dma2 semaphore(%arg20 : memref<!tpu.dma_semaphore, #tpu.memory_space<semaphore_mem>>) src(%dma_wait3A_202 : memref<32x128xf32, #tpu.memory_space<vmem_shared>>) dst(%arg18 : memref<32x128xf32, #tpu.memory_space<vmem>>)
      "tpu.region"() ({
        %run_scoped3A = tpu.sem_alloc : memref<!tpu.dma_semaphore, #tpu.memory_space<semaphore_mem>>
        %dma_start3A_371 = arith.constant 0 : i32
        %dma_start3A_372 = tpu.memref_slice %arg9[%add3A_194, %dma_start3A_371] : memref<10240x128xf32, #tpu.memory_space<hbm>> -> memref<32x128xf32, #tpu.memory_space<hbm>>
        %dma_start3A_373 = arith.constant 0 : i32
        %dma_start3A_374 = tpu.memref_slice %arg9[%add3A_194, %dma_start3A_373] : memref<10240x128xf32, #tpu.memory_space<hbm>> -> memref<32x128xf32, #tpu.memory_space<hbm>>
        tpu.enqueue_dma source(%arg18 : memref<32x128xf32, #tpu.memory_space<vmem>>) target(%dma_start3A_374 : memref<32x128xf32, #tpu.memory_space<hbm>>) target_semaphore(%run_scoped3A : memref<!tpu.dma_semaphore, #tpu.memory_space<semaphore_mem>>)
        %dma_wait3A_375 = arith.constant 0 : i32
        %dma_wait3A_376 = tpu.memref_slice %arg9[%add3A_194, %dma_wait3A_375] : memref<10240x128xf32, #tpu.memory_space<hbm>> -> memref<32x128xf32, #tpu.memory_space<hbm>>
        %dma_wait3A_377 = arith.constant 0 : i32
        %dma_wait3A_378 = tpu.memref_slice %arg9[%add3A_194, %dma_wait3A_377] : memref<10240x128xf32, #tpu.memory_space<hbm>> -> memref<32x128xf32, #tpu.memory_space<hbm>>
        tpu.wait_dma2 semaphore(%run_scoped3A : memref<!tpu.dma_semaphore, #tpu.memory_space<semaphore_mem>>) src(%arg18 : memref<32x128xf32, #tpu.memory_space<vmem>>) dst(%dma_wait3A_378 : memref<32x128xf32, #tpu.memory_space<hbm>>)
        tpu.yield
      }) : () -> ()
      %mul3A_203 = arith.constant 640 : i32
      %mul3A_204 = arith.muli %arg1, %mul3A_203 : i32
      %add3A_205 = arith.constant 192 : i32
      %add3A_206 = arith.addi %mul3A_204, %add3A_205 : i32
      %dma_start3A_207 = arith.constant 0 : i32
      %dma_start3A_208 = tpu.memref_slice %arg19[%add3A_206, %dma_start3A_207] : memref<10240x128xf32, #tpu.memory_space<vmem_shared>> -> memref<32x128xf32, #tpu.memory_space<vmem_shared>>
      %dma_start3A_209 = arith.constant 0 : i32
      %dma_start3A_210 = tpu.memref_slice %arg19[%add3A_206, %dma_start3A_209] : memref<10240x128xf32, #tpu.memory_space<vmem_shared>> -> memref<32x128xf32, #tpu.memory_space<vmem_shared>>
      tpu.enqueue_dma source(%dma_start3A_210 : memref<32x128xf32, #tpu.memory_space<vmem_shared>>) target(%arg18 : memref<32x128xf32, #tpu.memory_space<vmem>>) target_semaphore(%arg20 : memref<!tpu.dma_semaphore, #tpu.memory_space<semaphore_mem>>)
      %dma_wait3A_211 = arith.constant 0 : i32
      %dma_wait3A_212 = tpu.memref_slice %arg19[%add3A_206, %dma_wait3A_211] : memref<10240x128xf32, #tpu.memory_space<vmem_shared>> -> memref<32x128xf32, #tpu.memory_space<vmem_shared>>
      %dma_wait3A_213 = arith.constant 0 : i32
      %dma_wait3A_214 = tpu.memref_slice %arg19[%add3A_206, %dma_wait3A_213] : memref<10240x128xf32, #tpu.memory_space<vmem_shared>> -> memref<32x128xf32, #tpu.memory_space<vmem_shared>>
      tpu.wait_dma2 semaphore(%arg20 : memref<!tpu.dma_semaphore, #tpu.memory_space<semaphore_mem>>) src(%dma_wait3A_214 : memref<32x128xf32, #tpu.memory_space<vmem_shared>>) dst(%arg18 : memref<32x128xf32, #tpu.memory_space<vmem>>)
      "tpu.region"() ({
        %run_scoped3A = tpu.sem_alloc : memref<!tpu.dma_semaphore, #tpu.memory_space<semaphore_mem>>
        %dma_start3A_371 = arith.constant 0 : i32
        %dma_start3A_372 = tpu.memref_slice %arg9[%add3A_206, %dma_start3A_371] : memref<10240x128xf32, #tpu.memory_space<hbm>> -> memref<32x128xf32, #tpu.memory_space<hbm>>
        %dma_start3A_373 = arith.constant 0 : i32
        %dma_start3A_374 = tpu.memref_slice %arg9[%add3A_206, %dma_start3A_373] : memref<10240x128xf32, #tpu.memory_space<hbm>> -> memref<32x128xf32, #tpu.memory_space<hbm>>
        tpu.enqueue_dma source(%arg18 : memref<32x128xf32, #tpu.memory_space<vmem>>) target(%dma_start3A_374 : memref<32x128xf32, #tpu.memory_space<hbm>>) target_semaphore(%run_scoped3A : memref<!tpu.dma_semaphore, #tpu.memory_space<semaphore_mem>>)
        %dma_wait3A_375 = arith.constant 0 : i32
        %dma_wait3A_376 = tpu.memref_slice %arg9[%add3A_206, %dma_wait3A_375] : memref<10240x128xf32, #tpu.memory_space<hbm>> -> memref<32x128xf32, #tpu.memory_space<hbm>>
        %dma_wait3A_377 = arith.constant 0 : i32
        %dma_wait3A_378 = tpu.memref_slice %arg9[%add3A_206, %dma_wait3A_377] : memref<10240x128xf32, #tpu.memory_space<hbm>> -> memref<32x128xf32, #tpu.memory_space<hbm>>
        tpu.wait_dma2 semaphore(%run_scoped3A : memref<!tpu.dma_semaphore, #tpu.memory_space<semaphore_mem>>) src(%arg18 : memref<32x128xf32, #tpu.memory_space<vmem>>) dst(%dma_wait3A_378 : memref<32x128xf32, #tpu.memory_space<hbm>>)
        tpu.yield
      }) : () -> ()
      %mul3A_215 = arith.constant 640 : i32
      %mul3A_216 = arith.muli %arg1, %mul3A_215 : i32
      %add3A_217 = arith.constant 224 : i32
      %add3A_218 = arith.addi %mul3A_216, %add3A_217 : i32
      %dma_start3A_219 = arith.constant 0 : i32
      %dma_start3A_220 = tpu.memref_slice %arg19[%add3A_218, %dma_start3A_219] : memref<10240x128xf32, #tpu.memory_space<vmem_shared>> -> memref<32x128xf32, #tpu.memory_space<vmem_shared>>
      %dma_start3A_221 = arith.constant 0 : i32
      %dma_start3A_222 = tpu.memref_slice %arg19[%add3A_218, %dma_start3A_221] : memref<10240x128xf32, #tpu.memory_space<vmem_shared>> -> memref<32x128xf32, #tpu.memory_space<vmem_shared>>
      tpu.enqueue_dma source(%dma_start3A_222 : memref<32x128xf32, #tpu.memory_space<vmem_shared>>) target(%arg18 : memref<32x128xf32, #tpu.memory_space<vmem>>) target_semaphore(%arg20 : memref<!tpu.dma_semaphore, #tpu.memory_space<semaphore_mem>>)
      %dma_wait3A_223 = arith.constant 0 : i32
      %dma_wait3A_224 = tpu.memref_slice %arg19[%add3A_218, %dma_wait3A_223] : memref<10240x128xf32, #tpu.memory_space<vmem_shared>> -> memref<32x128xf32, #tpu.memory_space<vmem_shared>>
      %dma_wait3A_225 = arith.constant 0 : i32
      %dma_wait3A_226 = tpu.memref_slice %arg19[%add3A_218, %dma_wait3A_225] : memref<10240x128xf32, #tpu.memory_space<vmem_shared>> -> memref<32x128xf32, #tpu.memory_space<vmem_shared>>
      tpu.wait_dma2 semaphore(%arg20 : memref<!tpu.dma_semaphore, #tpu.memory_space<semaphore_mem>>) src(%dma_wait3A_226 : memref<32x128xf32, #tpu.memory_space<vmem_shared>>) dst(%arg18 : memref<32x128xf32, #tpu.memory_space<vmem>>)
      "tpu.region"() ({
        %run_scoped3A = tpu.sem_alloc : memref<!tpu.dma_semaphore, #tpu.memory_space<semaphore_mem>>
        %dma_start3A_371 = arith.constant 0 : i32
        %dma_start3A_372 = tpu.memref_slice %arg9[%add3A_218, %dma_start3A_371] : memref<10240x128xf32, #tpu.memory_space<hbm>> -> memref<32x128xf32, #tpu.memory_space<hbm>>
        %dma_start3A_373 = arith.constant 0 : i32
        %dma_start3A_374 = tpu.memref_slice %arg9[%add3A_218, %dma_start3A_373] : memref<10240x128xf32, #tpu.memory_space<hbm>> -> memref<32x128xf32, #tpu.memory_space<hbm>>
        tpu.enqueue_dma source(%arg18 : memref<32x128xf32, #tpu.memory_space<vmem>>) target(%dma_start3A_374 : memref<32x128xf32, #tpu.memory_space<hbm>>) target_semaphore(%run_scoped3A : memref<!tpu.dma_semaphore, #tpu.memory_space<semaphore_mem>>)
        %dma_wait3A_375 = arith.constant 0 : i32
        %dma_wait3A_376 = tpu.memref_slice %arg9[%add3A_218, %dma_wait3A_375] : memref<10240x128xf32, #tpu.memory_space<hbm>> -> memref<32x128xf32, #tpu.memory_space<hbm>>
        %dma_wait3A_377 = arith.constant 0 : i32
        %dma_wait3A_378 = tpu.memref_slice %arg9[%add3A_218, %dma_wait3A_377] : memref<10240x128xf32, #tpu.memory_space<hbm>> -> memref<32x128xf32, #tpu.memory_space<hbm>>
        tpu.wait_dma2 semaphore(%run_scoped3A : memref<!tpu.dma_semaphore, #tpu.memory_space<semaphore_mem>>) src(%arg18 : memref<32x128xf32, #tpu.memory_space<vmem>>) dst(%dma_wait3A_378 : memref<32x128xf32, #tpu.memory_space<hbm>>)
        tpu.yield
      }) : () -> ()
      %mul3A_227 = arith.constant 640 : i32
      %mul3A_228 = arith.muli %arg1, %mul3A_227 : i32
      %add3A_229 = arith.constant 256 : i32
      %add3A_230 = arith.addi %mul3A_228, %add3A_229 : i32
      %dma_start3A_231 = arith.constant 0 : i32
      %dma_start3A_232 = tpu.memref_slice %arg19[%add3A_230, %dma_start3A_231] : memref<10240x128xf32, #tpu.memory_space<vmem_shared>> -> memref<32x128xf32, #tpu.memory_space<vmem_shared>>
      %dma_start3A_233 = arith.constant 0 : i32
      %dma_start3A_234 = tpu.memref_slice %arg19[%add3A_230, %dma_start3A_233] : memref<10240x128xf32, #tpu.memory_space<vmem_shared>> -> memref<32x128xf32, #tpu.memory_space<vmem_shared>>
      tpu.enqueue_dma source(%dma_start3A_234 : memref<32x128xf32, #tpu.memory_space<vmem_shared>>) target(%arg18 : memref<32x128xf32, #tpu.memory_space<vmem>>) target_semaphore(%arg20 : memref<!tpu.dma_semaphore, #tpu.memory_space<semaphore_mem>>)
      %dma_wait3A_235 = arith.constant 0 : i32
      %dma_wait3A_236 = tpu.memref_slice %arg19[%add3A_230, %dma_wait3A_235] : memref<10240x128xf32, #tpu.memory_space<vmem_shared>> -> memref<32x128xf32, #tpu.memory_space<vmem_shared>>
      %dma_wait3A_237 = arith.constant 0 : i32
      %dma_wait3A_238 = tpu.memref_slice %arg19[%add3A_230, %dma_wait3A_237] : memref<10240x128xf32, #tpu.memory_space<vmem_shared>> -> memref<32x128xf32, #tpu.memory_space<vmem_shared>>
      tpu.wait_dma2 semaphore(%arg20 : memref<!tpu.dma_semaphore, #tpu.memory_space<semaphore_mem>>) src(%dma_wait3A_238 : memref<32x128xf32, #tpu.memory_space<vmem_shared>>) dst(%arg18 : memref<32x128xf32, #tpu.memory_space<vmem>>)
      "tpu.region"() ({
        %run_scoped3A = tpu.sem_alloc : memref<!tpu.dma_semaphore, #tpu.memory_space<semaphore_mem>>
        %dma_start3A_371 = arith.constant 0 : i32
        %dma_start3A_372 = tpu.memref_slice %arg9[%add3A_230, %dma_start3A_371] : memref<10240x128xf32, #tpu.memory_space<hbm>> -> memref<32x128xf32, #tpu.memory_space<hbm>>
        %dma_start3A_373 = arith.constant 0 : i32
        %dma_start3A_374 = tpu.memref_slice %arg9[%add3A_230, %dma_start3A_373] : memref<10240x128xf32, #tpu.memory_space<hbm>> -> memref<32x128xf32, #tpu.memory_space<hbm>>
        tpu.enqueue_dma source(%arg18 : memref<32x128xf32, #tpu.memory_space<vmem>>) target(%dma_start3A_374 : memref<32x128xf32, #tpu.memory_space<hbm>>) target_semaphore(%run_scoped3A : memref<!tpu.dma_semaphore, #tpu.memory_space<semaphore_mem>>)
        %dma_wait3A_375 = arith.constant 0 : i32
        %dma_wait3A_376 = tpu.memref_slice %arg9[%add3A_230, %dma_wait3A_375] : memref<10240x128xf32, #tpu.memory_space<hbm>> -> memref<32x128xf32, #tpu.memory_space<hbm>>
        %dma_wait3A_377 = arith.constant 0 : i32
        %dma_wait3A_378 = tpu.memref_slice %arg9[%add3A_230, %dma_wait3A_377] : memref<10240x128xf32, #tpu.memory_space<hbm>> -> memref<32x128xf32, #tpu.memory_space<hbm>>
        tpu.wait_dma2 semaphore(%run_scoped3A : memref<!tpu.dma_semaphore, #tpu.memory_space<semaphore_mem>>) src(%arg18 : memref<32x128xf32, #tpu.memory_space<vmem>>) dst(%dma_wait3A_378 : memref<32x128xf32, #tpu.memory_space<hbm>>)
        tpu.yield
      }) : () -> ()
      %mul3A_239 = arith.constant 640 : i32
      %mul3A_240 = arith.muli %arg1, %mul3A_239 : i32
      %add3A_241 = arith.constant 288 : i32
      %add3A_242 = arith.addi %mul3A_240, %add3A_241 : i32
      %dma_start3A_243 = arith.constant 0 : i32
      %dma_start3A_244 = tpu.memref_slice %arg19[%add3A_242, %dma_start3A_243] : memref<10240x128xf32, #tpu.memory_space<vmem_shared>> -> memref<32x128xf32, #tpu.memory_space<vmem_shared>>
      %dma_start3A_245 = arith.constant 0 : i32
      %dma_start3A_246 = tpu.memref_slice %arg19[%add3A_242, %dma_start3A_245] : memref<10240x128xf32, #tpu.memory_space<vmem_shared>> -> memref<32x128xf32, #tpu.memory_space<vmem_shared>>
      tpu.enqueue_dma source(%dma_start3A_246 : memref<32x128xf32, #tpu.memory_space<vmem_shared>>) target(%arg18 : memref<32x128xf32, #tpu.memory_space<vmem>>) target_semaphore(%arg20 : memref<!tpu.dma_semaphore, #tpu.memory_space<semaphore_mem>>)
      %dma_wait3A_247 = arith.constant 0 : i32
      %dma_wait3A_248 = tpu.memref_slice %arg19[%add3A_242, %dma_wait3A_247] : memref<10240x128xf32, #tpu.memory_space<vmem_shared>> -> memref<32x128xf32, #tpu.memory_space<vmem_shared>>
      %dma_wait3A_249 = arith.constant 0 : i32
      %dma_wait3A_250 = tpu.memref_slice %arg19[%add3A_242, %dma_wait3A_249] : memref<10240x128xf32, #tpu.memory_space<vmem_shared>> -> memref<32x128xf32, #tpu.memory_space<vmem_shared>>
      tpu.wait_dma2 semaphore(%arg20 : memref<!tpu.dma_semaphore, #tpu.memory_space<semaphore_mem>>) src(%dma_wait3A_250 : memref<32x128xf32, #tpu.memory_space<vmem_shared>>) dst(%arg18 : memref<32x128xf32, #tpu.memory_space<vmem>>)
      "tpu.region"() ({
        %run_scoped3A = tpu.sem_alloc : memref<!tpu.dma_semaphore, #tpu.memory_space<semaphore_mem>>
        %dma_start3A_371 = arith.constant 0 : i32
        %dma_start3A_372 = tpu.memref_slice %arg9[%add3A_242, %dma_start3A_371] : memref<10240x128xf32, #tpu.memory_space<hbm>> -> memref<32x128xf32, #tpu.memory_space<hbm>>
        %dma_start3A_373 = arith.constant 0 : i32
        %dma_start3A_374 = tpu.memref_slice %arg9[%add3A_242, %dma_start3A_373] : memref<10240x128xf32, #tpu.memory_space<hbm>> -> memref<32x128xf32, #tpu.memory_space<hbm>>
        tpu.enqueue_dma source(%arg18 : memref<32x128xf32, #tpu.memory_space<vmem>>) target(%dma_start3A_374 : memref<32x128xf32, #tpu.memory_space<hbm>>) target_semaphore(%run_scoped3A : memref<!tpu.dma_semaphore, #tpu.memory_space<semaphore_mem>>)
        %dma_wait3A_375 = arith.constant 0 : i32
        %dma_wait3A_376 = tpu.memref_slice %arg9[%add3A_242, %dma_wait3A_375] : memref<10240x128xf32, #tpu.memory_space<hbm>> -> memref<32x128xf32, #tpu.memory_space<hbm>>
        %dma_wait3A_377 = arith.constant 0 : i32
        %dma_wait3A_378 = tpu.memref_slice %arg9[%add3A_242, %dma_wait3A_377] : memref<10240x128xf32, #tpu.memory_space<hbm>> -> memref<32x128xf32, #tpu.memory_space<hbm>>
        tpu.wait_dma2 semaphore(%run_scoped3A : memref<!tpu.dma_semaphore, #tpu.memory_space<semaphore_mem>>) src(%arg18 : memref<32x128xf32, #tpu.memory_space<vmem>>) dst(%dma_wait3A_378 : memref<32x128xf32, #tpu.memory_space<hbm>>)
        tpu.yield
      }) : () -> ()
      %mul3A_251 = arith.constant 640 : i32
      %mul3A_252 = arith.muli %arg1, %mul3A_251 : i32
      %add3A_253 = arith.constant 320 : i32
      %add3A_254 = arith.addi %mul3A_252, %add3A_253 : i32
      %dma_start3A_255 = arith.constant 0 : i32
      %dma_start3A_256 = tpu.memref_slice %arg19[%add3A_254, %dma_start3A_255] : memref<10240x128xf32, #tpu.memory_space<vmem_shared>> -> memref<32x128xf32, #tpu.memory_space<vmem_shared>>
      %dma_start3A_257 = arith.constant 0 : i32
      %dma_start3A_258 = tpu.memref_slice %arg19[%add3A_254, %dma_start3A_257] : memref<10240x128xf32, #tpu.memory_space<vmem_shared>> -> memref<32x128xf32, #tpu.memory_space<vmem_shared>>
      tpu.enqueue_dma source(%dma_start3A_258 : memref<32x128xf32, #tpu.memory_space<vmem_shared>>) target(%arg18 : memref<32x128xf32, #tpu.memory_space<vmem>>) target_semaphore(%arg20 : memref<!tpu.dma_semaphore, #tpu.memory_space<semaphore_mem>>)
      %dma_wait3A_259 = arith.constant 0 : i32
      %dma_wait3A_260 = tpu.memref_slice %arg19[%add3A_254, %dma_wait3A_259] : memref<10240x128xf32, #tpu.memory_space<vmem_shared>> -> memref<32x128xf32, #tpu.memory_space<vmem_shared>>
      %dma_wait3A_261 = arith.constant 0 : i32
      %dma_wait3A_262 = tpu.memref_slice %arg19[%add3A_254, %dma_wait3A_261] : memref<10240x128xf32, #tpu.memory_space<vmem_shared>> -> memref<32x128xf32, #tpu.memory_space<vmem_shared>>
      tpu.wait_dma2 semaphore(%arg20 : memref<!tpu.dma_semaphore, #tpu.memory_space<semaphore_mem>>) src(%dma_wait3A_262 : memref<32x128xf32, #tpu.memory_space<vmem_shared>>) dst(%arg18 : memref<32x128xf32, #tpu.memory_space<vmem>>)
      "tpu.region"() ({
        %run_scoped3A = tpu.sem_alloc : memref<!tpu.dma_semaphore, #tpu.memory_space<semaphore_mem>>
        %dma_start3A_371 = arith.constant 0 : i32
        %dma_start3A_372 = tpu.memref_slice %arg9[%add3A_254, %dma_start3A_371] : memref<10240x128xf32, #tpu.memory_space<hbm>> -> memref<32x128xf32, #tpu.memory_space<hbm>>
        %dma_start3A_373 = arith.constant 0 : i32
        %dma_start3A_374 = tpu.memref_slice %arg9[%add3A_254, %dma_start3A_373] : memref<10240x128xf32, #tpu.memory_space<hbm>> -> memref<32x128xf32, #tpu.memory_space<hbm>>
        tpu.enqueue_dma source(%arg18 : memref<32x128xf32, #tpu.memory_space<vmem>>) target(%dma_start3A_374 : memref<32x128xf32, #tpu.memory_space<hbm>>) target_semaphore(%run_scoped3A : memref<!tpu.dma_semaphore, #tpu.memory_space<semaphore_mem>>)
        %dma_wait3A_375 = arith.constant 0 : i32
        %dma_wait3A_376 = tpu.memref_slice %arg9[%add3A_254, %dma_wait3A_375] : memref<10240x128xf32, #tpu.memory_space<hbm>> -> memref<32x128xf32, #tpu.memory_space<hbm>>
        %dma_wait3A_377 = arith.constant 0 : i32
        %dma_wait3A_378 = tpu.memref_slice %arg9[%add3A_254, %dma_wait3A_377] : memref<10240x128xf32, #tpu.memory_space<hbm>> -> memref<32x128xf32, #tpu.memory_space<hbm>>
        tpu.wait_dma2 semaphore(%run_scoped3A : memref<!tpu.dma_semaphore, #tpu.memory_space<semaphore_mem>>) src(%arg18 : memref<32x128xf32, #tpu.memory_space<vmem>>) dst(%dma_wait3A_378 : memref<32x128xf32, #tpu.memory_space<hbm>>)
        tpu.yield
      }) : () -> ()
      %mul3A_263 = arith.constant 640 : i32
      %mul3A_264 = arith.muli %arg1, %mul3A_263 : i32
      %add3A_265 = arith.constant 352 : i32
      %add3A_266 = arith.addi %mul3A_264, %add3A_265 : i32
      %dma_start3A_267 = arith.constant 0 : i32
      %dma_start3A_268 = tpu.memref_slice %arg19[%add3A_266, %dma_start3A_267] : memref<10240x128xf32, #tpu.memory_space<vmem_shared>> -> memref<32x128xf32, #tpu.memory_space<vmem_shared>>
      %dma_start3A_269 = arith.constant 0 : i32
      %dma_start3A_270 = tpu.memref_slice %arg19[%add3A_266, %dma_start3A_269] : memref<10240x128xf32, #tpu.memory_space<vmem_shared>> -> memref<32x128xf32, #tpu.memory_space<vmem_shared>>
      tpu.enqueue_dma source(%dma_start3A_270 : memref<32x128xf32, #tpu.memory_space<vmem_shared>>) target(%arg18 : memref<32x128xf32, #tpu.memory_space<vmem>>) target_semaphore(%arg20 : memref<!tpu.dma_semaphore, #tpu.memory_space<semaphore_mem>>)
      %dma_wait3A_271 = arith.constant 0 : i32
      %dma_wait3A_272 = tpu.memref_slice %arg19[%add3A_266, %dma_wait3A_271] : memref<10240x128xf32, #tpu.memory_space<vmem_shared>> -> memref<32x128xf32, #tpu.memory_space<vmem_shared>>
      %dma_wait3A_273 = arith.constant 0 : i32
      %dma_wait3A_274 = tpu.memref_slice %arg19[%add3A_266, %dma_wait3A_273] : memref<10240x128xf32, #tpu.memory_space<vmem_shared>> -> memref<32x128xf32, #tpu.memory_space<vmem_shared>>
      tpu.wait_dma2 semaphore(%arg20 : memref<!tpu.dma_semaphore, #tpu.memory_space<semaphore_mem>>) src(%dma_wait3A_274 : memref<32x128xf32, #tpu.memory_space<vmem_shared>>) dst(%arg18 : memref<32x128xf32, #tpu.memory_space<vmem>>)
      "tpu.region"() ({
        %run_scoped3A = tpu.sem_alloc : memref<!tpu.dma_semaphore, #tpu.memory_space<semaphore_mem>>
        %dma_start3A_371 = arith.constant 0 : i32
        %dma_start3A_372 = tpu.memref_slice %arg9[%add3A_266, %dma_start3A_371] : memref<10240x128xf32, #tpu.memory_space<hbm>> -> memref<32x128xf32, #tpu.memory_space<hbm>>
        %dma_start3A_373 = arith.constant 0 : i32
        %dma_start3A_374 = tpu.memref_slice %arg9[%add3A_266, %dma_start3A_373] : memref<10240x128xf32, #tpu.memory_space<hbm>> -> memref<32x128xf32, #tpu.memory_space<hbm>>
        tpu.enqueue_dma source(%arg18 : memref<32x128xf32, #tpu.memory_space<vmem>>) target(%dma_start3A_374 : memref<32x128xf32, #tpu.memory_space<hbm>>) target_semaphore(%run_scoped3A : memref<!tpu.dma_semaphore, #tpu.memory_space<semaphore_mem>>)
        %dma_wait3A_375 = arith.constant 0 : i32
        %dma_wait3A_376 = tpu.memref_slice %arg9[%add3A_266, %dma_wait3A_375] : memref<10240x128xf32, #tpu.memory_space<hbm>> -> memref<32x128xf32, #tpu.memory_space<hbm>>
        %dma_wait3A_377 = arith.constant 0 : i32
        %dma_wait3A_378 = tpu.memref_slice %arg9[%add3A_266, %dma_wait3A_377] : memref<10240x128xf32, #tpu.memory_space<hbm>> -> memref<32x128xf32, #tpu.memory_space<hbm>>
        tpu.wait_dma2 semaphore(%run_scoped3A : memref<!tpu.dma_semaphore, #tpu.memory_space<semaphore_mem>>) src(%arg18 : memref<32x128xf32, #tpu.memory_space<vmem>>) dst(%dma_wait3A_378 : memref<32x128xf32, #tpu.memory_space<hbm>>)
        tpu.yield
      }) : () -> ()
      %mul3A_275 = arith.constant 640 : i32
      %mul3A_276 = arith.muli %arg1, %mul3A_275 : i32
      %add3A_277 = arith.constant 384 : i32
      %add3A_278 = arith.addi %mul3A_276, %add3A_277 : i32
      %dma_start3A_279 = arith.constant 0 : i32
      %dma_start3A_280 = tpu.memref_slice %arg19[%add3A_278, %dma_start3A_279] : memref<10240x128xf32, #tpu.memory_space<vmem_shared>> -> memref<32x128xf32, #tpu.memory_space<vmem_shared>>
      %dma_start3A_281 = arith.constant 0 : i32
      %dma_start3A_282 = tpu.memref_slice %arg19[%add3A_278, %dma_start3A_281] : memref<10240x128xf32, #tpu.memory_space<vmem_shared>> -> memref<32x128xf32, #tpu.memory_space<vmem_shared>>
      tpu.enqueue_dma source(%dma_start3A_282 : memref<32x128xf32, #tpu.memory_space<vmem_shared>>) target(%arg18 : memref<32x128xf32, #tpu.memory_space<vmem>>) target_semaphore(%arg20 : memref<!tpu.dma_semaphore, #tpu.memory_space<semaphore_mem>>)
      %dma_wait3A_283 = arith.constant 0 : i32
      %dma_wait3A_284 = tpu.memref_slice %arg19[%add3A_278, %dma_wait3A_283] : memref<10240x128xf32, #tpu.memory_space<vmem_shared>> -> memref<32x128xf32, #tpu.memory_space<vmem_shared>>
      %dma_wait3A_285 = arith.constant 0 : i32
      %dma_wait3A_286 = tpu.memref_slice %arg19[%add3A_278, %dma_wait3A_285] : memref<10240x128xf32, #tpu.memory_space<vmem_shared>> -> memref<32x128xf32, #tpu.memory_space<vmem_shared>>
      tpu.wait_dma2 semaphore(%arg20 : memref<!tpu.dma_semaphore, #tpu.memory_space<semaphore_mem>>) src(%dma_wait3A_286 : memref<32x128xf32, #tpu.memory_space<vmem_shared>>) dst(%arg18 : memref<32x128xf32, #tpu.memory_space<vmem>>)
      "tpu.region"() ({
        %run_scoped3A = tpu.sem_alloc : memref<!tpu.dma_semaphore, #tpu.memory_space<semaphore_mem>>
        %dma_start3A_371 = arith.constant 0 : i32
        %dma_start3A_372 = tpu.memref_slice %arg9[%add3A_278, %dma_start3A_371] : memref<10240x128xf32, #tpu.memory_space<hbm>> -> memref<32x128xf32, #tpu.memory_space<hbm>>
        %dma_start3A_373 = arith.constant 0 : i32
        %dma_start3A_374 = tpu.memref_slice %arg9[%add3A_278, %dma_start3A_373] : memref<10240x128xf32, #tpu.memory_space<hbm>> -> memref<32x128xf32, #tpu.memory_space<hbm>>
        tpu.enqueue_dma source(%arg18 : memref<32x128xf32, #tpu.memory_space<vmem>>) target(%dma_start3A_374 : memref<32x128xf32, #tpu.memory_space<hbm>>) target_semaphore(%run_scoped3A : memref<!tpu.dma_semaphore, #tpu.memory_space<semaphore_mem>>)
        %dma_wait3A_375 = arith.constant 0 : i32
        %dma_wait3A_376 = tpu.memref_slice %arg9[%add3A_278, %dma_wait3A_375] : memref<10240x128xf32, #tpu.memory_space<hbm>> -> memref<32x128xf32, #tpu.memory_space<hbm>>
        %dma_wait3A_377 = arith.constant 0 : i32
        %dma_wait3A_378 = tpu.memref_slice %arg9[%add3A_278, %dma_wait3A_377] : memref<10240x128xf32, #tpu.memory_space<hbm>> -> memref<32x128xf32, #tpu.memory_space<hbm>>
        tpu.wait_dma2 semaphore(%run_scoped3A : memref<!tpu.dma_semaphore, #tpu.memory_space<semaphore_mem>>) src(%arg18 : memref<32x128xf32, #tpu.memory_space<vmem>>) dst(%dma_wait3A_378 : memref<32x128xf32, #tpu.memory_space<hbm>>)
        tpu.yield
      }) : () -> ()
      %mul3A_287 = arith.constant 640 : i32
      %mul3A_288 = arith.muli %arg1, %mul3A_287 : i32
      %add3A_289 = arith.constant 416 : i32
      %add3A_290 = arith.addi %mul3A_288, %add3A_289 : i32
      %dma_start3A_291 = arith.constant 0 : i32
      %dma_start3A_292 = tpu.memref_slice %arg19[%add3A_290, %dma_start3A_291] : memref<10240x128xf32, #tpu.memory_space<vmem_shared>> -> memref<32x128xf32, #tpu.memory_space<vmem_shared>>
      %dma_start3A_293 = arith.constant 0 : i32
      %dma_start3A_294 = tpu.memref_slice %arg19[%add3A_290, %dma_start3A_293] : memref<10240x128xf32, #tpu.memory_space<vmem_shared>> -> memref<32x128xf32, #tpu.memory_space<vmem_shared>>
      tpu.enqueue_dma source(%dma_start3A_294 : memref<32x128xf32, #tpu.memory_space<vmem_shared>>) target(%arg18 : memref<32x128xf32, #tpu.memory_space<vmem>>) target_semaphore(%arg20 : memref<!tpu.dma_semaphore, #tpu.memory_space<semaphore_mem>>)
      %dma_wait3A_295 = arith.constant 0 : i32
      %dma_wait3A_296 = tpu.memref_slice %arg19[%add3A_290, %dma_wait3A_295] : memref<10240x128xf32, #tpu.memory_space<vmem_shared>> -> memref<32x128xf32, #tpu.memory_space<vmem_shared>>
      %dma_wait3A_297 = arith.constant 0 : i32
      %dma_wait3A_298 = tpu.memref_slice %arg19[%add3A_290, %dma_wait3A_297] : memref<10240x128xf32, #tpu.memory_space<vmem_shared>> -> memref<32x128xf32, #tpu.memory_space<vmem_shared>>
      tpu.wait_dma2 semaphore(%arg20 : memref<!tpu.dma_semaphore, #tpu.memory_space<semaphore_mem>>) src(%dma_wait3A_298 : memref<32x128xf32, #tpu.memory_space<vmem_shared>>) dst(%arg18 : memref<32x128xf32, #tpu.memory_space<vmem>>)
      "tpu.region"() ({
        %run_scoped3A = tpu.sem_alloc : memref<!tpu.dma_semaphore, #tpu.memory_space<semaphore_mem>>
        %dma_start3A_371 = arith.constant 0 : i32
        %dma_start3A_372 = tpu.memref_slice %arg9[%add3A_290, %dma_start3A_371] : memref<10240x128xf32, #tpu.memory_space<hbm>> -> memref<32x128xf32, #tpu.memory_space<hbm>>
        %dma_start3A_373 = arith.constant 0 : i32
        %dma_start3A_374 = tpu.memref_slice %arg9[%add3A_290, %dma_start3A_373] : memref<10240x128xf32, #tpu.memory_space<hbm>> -> memref<32x128xf32, #tpu.memory_space<hbm>>
        tpu.enqueue_dma source(%arg18 : memref<32x128xf32, #tpu.memory_space<vmem>>) target(%dma_start3A_374 : memref<32x128xf32, #tpu.memory_space<hbm>>) target_semaphore(%run_scoped3A : memref<!tpu.dma_semaphore, #tpu.memory_space<semaphore_mem>>)
        %dma_wait3A_375 = arith.constant 0 : i32
        %dma_wait3A_376 = tpu.memref_slice %arg9[%add3A_290, %dma_wait3A_375] : memref<10240x128xf32, #tpu.memory_space<hbm>> -> memref<32x128xf32, #tpu.memory_space<hbm>>
        %dma_wait3A_377 = arith.constant 0 : i32
        %dma_wait3A_378 = tpu.memref_slice %arg9[%add3A_290, %dma_wait3A_377] : memref<10240x128xf32, #tpu.memory_space<hbm>> -> memref<32x128xf32, #tpu.memory_space<hbm>>
        tpu.wait_dma2 semaphore(%run_scoped3A : memref<!tpu.dma_semaphore, #tpu.memory_space<semaphore_mem>>) src(%arg18 : memref<32x128xf32, #tpu.memory_space<vmem>>) dst(%dma_wait3A_378 : memref<32x128xf32, #tpu.memory_space<hbm>>)
        tpu.yield
      }) : () -> ()
      %mul3A_299 = arith.constant 640 : i32
      %mul3A_300 = arith.muli %arg1, %mul3A_299 : i32
      %add3A_301 = arith.constant 448 : i32
      %add3A_302 = arith.addi %mul3A_300, %add3A_301 : i32
      %dma_start3A_303 = arith.constant 0 : i32
      %dma_start3A_304 = tpu.memref_slice %arg19[%add3A_302, %dma_start3A_303] : memref<10240x128xf32, #tpu.memory_space<vmem_shared>> -> memref<32x128xf32, #tpu.memory_space<vmem_shared>>
      %dma_start3A_305 = arith.constant 0 : i32
      %dma_start3A_306 = tpu.memref_slice %arg19[%add3A_302, %dma_start3A_305] : memref<10240x128xf32, #tpu.memory_space<vmem_shared>> -> memref<32x128xf32, #tpu.memory_space<vmem_shared>>
      tpu.enqueue_dma source(%dma_start3A_306 : memref<32x128xf32, #tpu.memory_space<vmem_shared>>) target(%arg18 : memref<32x128xf32, #tpu.memory_space<vmem>>) target_semaphore(%arg20 : memref<!tpu.dma_semaphore, #tpu.memory_space<semaphore_mem>>)
      %dma_wait3A_307 = arith.constant 0 : i32
      %dma_wait3A_308 = tpu.memref_slice %arg19[%add3A_302, %dma_wait3A_307] : memref<10240x128xf32, #tpu.memory_space<vmem_shared>> -> memref<32x128xf32, #tpu.memory_space<vmem_shared>>
      %dma_wait3A_309 = arith.constant 0 : i32
      %dma_wait3A_310 = tpu.memref_slice %arg19[%add3A_302, %dma_wait3A_309] : memref<10240x128xf32, #tpu.memory_space<vmem_shared>> -> memref<32x128xf32, #tpu.memory_space<vmem_shared>>
      tpu.wait_dma2 semaphore(%arg20 : memref<!tpu.dma_semaphore, #tpu.memory_space<semaphore_mem>>) src(%dma_wait3A_310 : memref<32x128xf32, #tpu.memory_space<vmem_shared>>) dst(%arg18 : memref<32x128xf32, #tpu.memory_space<vmem>>)
      "tpu.region"() ({
        %run_scoped3A = tpu.sem_alloc : memref<!tpu.dma_semaphore, #tpu.memory_space<semaphore_mem>>
        %dma_start3A_371 = arith.constant 0 : i32
        %dma_start3A_372 = tpu.memref_slice %arg9[%add3A_302, %dma_start3A_371] : memref<10240x128xf32, #tpu.memory_space<hbm>> -> memref<32x128xf32, #tpu.memory_space<hbm>>
        %dma_start3A_373 = arith.constant 0 : i32
        %dma_start3A_374 = tpu.memref_slice %arg9[%add3A_302, %dma_start3A_373] : memref<10240x128xf32, #tpu.memory_space<hbm>> -> memref<32x128xf32, #tpu.memory_space<hbm>>
        tpu.enqueue_dma source(%arg18 : memref<32x128xf32, #tpu.memory_space<vmem>>) target(%dma_start3A_374 : memref<32x128xf32, #tpu.memory_space<hbm>>) target_semaphore(%run_scoped3A : memref<!tpu.dma_semaphore, #tpu.memory_space<semaphore_mem>>)
        %dma_wait3A_375 = arith.constant 0 : i32
        %dma_wait3A_376 = tpu.memref_slice %arg9[%add3A_302, %dma_wait3A_375] : memref<10240x128xf32, #tpu.memory_space<hbm>> -> memref<32x128xf32, #tpu.memory_space<hbm>>
        %dma_wait3A_377 = arith.constant 0 : i32
        %dma_wait3A_378 = tpu.memref_slice %arg9[%add3A_302, %dma_wait3A_377] : memref<10240x128xf32, #tpu.memory_space<hbm>> -> memref<32x128xf32, #tpu.memory_space<hbm>>
        tpu.wait_dma2 semaphore(%run_scoped3A : memref<!tpu.dma_semaphore, #tpu.memory_space<semaphore_mem>>) src(%arg18 : memref<32x128xf32, #tpu.memory_space<vmem>>) dst(%dma_wait3A_378 : memref<32x128xf32, #tpu.memory_space<hbm>>)
        tpu.yield
      }) : () -> ()
      %mul3A_311 = arith.constant 640 : i32
      %mul3A_312 = arith.muli %arg1, %mul3A_311 : i32
      %add3A_313 = arith.constant 480 : i32
      %add3A_314 = arith.addi %mul3A_312, %add3A_313 : i32
      %dma_start3A_315 = arith.constant 0 : i32
      %dma_start3A_316 = tpu.memref_slice %arg19[%add3A_314, %dma_start3A_315] : memref<10240x128xf32, #tpu.memory_space<vmem_shared>> -> memref<32x128xf32, #tpu.memory_space<vmem_shared>>
      %dma_start3A_317 = arith.constant 0 : i32
      %dma_start3A_318 = tpu.memref_slice %arg19[%add3A_314, %dma_start3A_317] : memref<10240x128xf32, #tpu.memory_space<vmem_shared>> -> memref<32x128xf32, #tpu.memory_space<vmem_shared>>
      tpu.enqueue_dma source(%dma_start3A_318 : memref<32x128xf32, #tpu.memory_space<vmem_shared>>) target(%arg18 : memref<32x128xf32, #tpu.memory_space<vmem>>) target_semaphore(%arg20 : memref<!tpu.dma_semaphore, #tpu.memory_space<semaphore_mem>>)
      %dma_wait3A_319 = arith.constant 0 : i32
      %dma_wait3A_320 = tpu.memref_slice %arg19[%add3A_314, %dma_wait3A_319] : memref<10240x128xf32, #tpu.memory_space<vmem_shared>> -> memref<32x128xf32, #tpu.memory_space<vmem_shared>>
      %dma_wait3A_321 = arith.constant 0 : i32
      %dma_wait3A_322 = tpu.memref_slice %arg19[%add3A_314, %dma_wait3A_321] : memref<10240x128xf32, #tpu.memory_space<vmem_shared>> -> memref<32x128xf32, #tpu.memory_space<vmem_shared>>
      tpu.wait_dma2 semaphore(%arg20 : memref<!tpu.dma_semaphore, #tpu.memory_space<semaphore_mem>>) src(%dma_wait3A_322 : memref<32x128xf32, #tpu.memory_space<vmem_shared>>) dst(%arg18 : memref<32x128xf32, #tpu.memory_space<vmem>>)
      "tpu.region"() ({
        %run_scoped3A = tpu.sem_alloc : memref<!tpu.dma_semaphore, #tpu.memory_space<semaphore_mem>>
        %dma_start3A_371 = arith.constant 0 : i32
        %dma_start3A_372 = tpu.memref_slice %arg9[%add3A_314, %dma_start3A_371] : memref<10240x128xf32, #tpu.memory_space<hbm>> -> memref<32x128xf32, #tpu.memory_space<hbm>>
        %dma_start3A_373 = arith.constant 0 : i32
        %dma_start3A_374 = tpu.memref_slice %arg9[%add3A_314, %dma_start3A_373] : memref<10240x128xf32, #tpu.memory_space<hbm>> -> memref<32x128xf32, #tpu.memory_space<hbm>>
        tpu.enqueue_dma source(%arg18 : memref<32x128xf32, #tpu.memory_space<vmem>>) target(%dma_start3A_374 : memref<32x128xf32, #tpu.memory_space<hbm>>) target_semaphore(%run_scoped3A : memref<!tpu.dma_semaphore, #tpu.memory_space<semaphore_mem>>)
        %dma_wait3A_375 = arith.constant 0 : i32
        %dma_wait3A_376 = tpu.memref_slice %arg9[%add3A_314, %dma_wait3A_375] : memref<10240x128xf32, #tpu.memory_space<hbm>> -> memref<32x128xf32, #tpu.memory_space<hbm>>
        %dma_wait3A_377 = arith.constant 0 : i32
        %dma_wait3A_378 = tpu.memref_slice %arg9[%add3A_314, %dma_wait3A_377] : memref<10240x128xf32, #tpu.memory_space<hbm>> -> memref<32x128xf32, #tpu.memory_space<hbm>>
        tpu.wait_dma2 semaphore(%run_scoped3A : memref<!tpu.dma_semaphore, #tpu.memory_space<semaphore_mem>>) src(%arg18 : memref<32x128xf32, #tpu.memory_space<vmem>>) dst(%dma_wait3A_378 : memref<32x128xf32, #tpu.memory_space<hbm>>)
        tpu.yield
      }) : () -> ()
      %mul3A_323 = arith.constant 640 : i32
      %mul3A_324 = arith.muli %arg1, %mul3A_323 : i32
      %add3A_325 = arith.constant 512 : i32
      %add3A_326 = arith.addi %mul3A_324, %add3A_325 : i32
      %dma_start3A_327 = arith.constant 0 : i32
      %dma_start3A_328 = tpu.memref_slice %arg19[%add3A_326, %dma_start3A_327] : memref<10240x128xf32, #tpu.memory_space<vmem_shared>> -> memref<32x128xf32, #tpu.memory_space<vmem_shared>>
      %dma_start3A_329 = arith.constant 0 : i32
      %dma_start3A_330 = tpu.memref_slice %arg19[%add3A_326, %dma_start3A_329] : memref<10240x128xf32, #tpu.memory_space<vmem_shared>> -> memref<32x128xf32, #tpu.memory_space<vmem_shared>>
      tpu.enqueue_dma source(%dma_start3A_330 : memref<32x128xf32, #tpu.memory_space<vmem_shared>>) target(%arg18 : memref<32x128xf32, #tpu.memory_space<vmem>>) target_semaphore(%arg20 : memref<!tpu.dma_semaphore, #tpu.memory_space<semaphore_mem>>)
      %dma_wait3A_331 = arith.constant 0 : i32
      %dma_wait3A_332 = tpu.memref_slice %arg19[%add3A_326, %dma_wait3A_331] : memref<10240x128xf32, #tpu.memory_space<vmem_shared>> -> memref<32x128xf32, #tpu.memory_space<vmem_shared>>
      %dma_wait3A_333 = arith.constant 0 : i32
      %dma_wait3A_334 = tpu.memref_slice %arg19[%add3A_326, %dma_wait3A_333] : memref<10240x128xf32, #tpu.memory_space<vmem_shared>> -> memref<32x128xf32, #tpu.memory_space<vmem_shared>>
      tpu.wait_dma2 semaphore(%arg20 : memref<!tpu.dma_semaphore, #tpu.memory_space<semaphore_mem>>) src(%dma_wait3A_334 : memref<32x128xf32, #tpu.memory_space<vmem_shared>>) dst(%arg18 : memref<32x128xf32, #tpu.memory_space<vmem>>)
      "tpu.region"() ({
        %run_scoped3A = tpu.sem_alloc : memref<!tpu.dma_semaphore, #tpu.memory_space<semaphore_mem>>
        %dma_start3A_371 = arith.constant 0 : i32
        %dma_start3A_372 = tpu.memref_slice %arg9[%add3A_326, %dma_start3A_371] : memref<10240x128xf32, #tpu.memory_space<hbm>> -> memref<32x128xf32, #tpu.memory_space<hbm>>
        %dma_start3A_373 = arith.constant 0 : i32
        %dma_start3A_374 = tpu.memref_slice %arg9[%add3A_326, %dma_start3A_373] : memref<10240x128xf32, #tpu.memory_space<hbm>> -> memref<32x128xf32, #tpu.memory_space<hbm>>
        tpu.enqueue_dma source(%arg18 : memref<32x128xf32, #tpu.memory_space<vmem>>) target(%dma_start3A_374 : memref<32x128xf32, #tpu.memory_space<hbm>>) target_semaphore(%run_scoped3A : memref<!tpu.dma_semaphore, #tpu.memory_space<semaphore_mem>>)
        %dma_wait3A_375 = arith.constant 0 : i32
        %dma_wait3A_376 = tpu.memref_slice %arg9[%add3A_326, %dma_wait3A_375] : memref<10240x128xf32, #tpu.memory_space<hbm>> -> memref<32x128xf32, #tpu.memory_space<hbm>>
        %dma_wait3A_377 = arith.constant 0 : i32
        %dma_wait3A_378 = tpu.memref_slice %arg9[%add3A_326, %dma_wait3A_377] : memref<10240x128xf32, #tpu.memory_space<hbm>> -> memref<32x128xf32, #tpu.memory_space<hbm>>
        tpu.wait_dma2 semaphore(%run_scoped3A : memref<!tpu.dma_semaphore, #tpu.memory_space<semaphore_mem>>) src(%arg18 : memref<32x128xf32, #tpu.memory_space<vmem>>) dst(%dma_wait3A_378 : memref<32x128xf32, #tpu.memory_space<hbm>>)
        tpu.yield
      }) : () -> ()
      %mul3A_335 = arith.constant 640 : i32
      %mul3A_336 = arith.muli %arg1, %mul3A_335 : i32
      %add3A_337 = arith.constant 544 : i32
      %add3A_338 = arith.addi %mul3A_336, %add3A_337 : i32
      %dma_start3A_339 = arith.constant 0 : i32
      %dma_start3A_340 = tpu.memref_slice %arg19[%add3A_338, %dma_start3A_339] : memref<10240x128xf32, #tpu.memory_space<vmem_shared>> -> memref<32x128xf32, #tpu.memory_space<vmem_shared>>
      %dma_start3A_341 = arith.constant 0 : i32
      %dma_start3A_342 = tpu.memref_slice %arg19[%add3A_338, %dma_start3A_341] : memref<10240x128xf32, #tpu.memory_space<vmem_shared>> -> memref<32x128xf32, #tpu.memory_space<vmem_shared>>
      tpu.enqueue_dma source(%dma_start3A_342 : memref<32x128xf32, #tpu.memory_space<vmem_shared>>) target(%arg18 : memref<32x128xf32, #tpu.memory_space<vmem>>) target_semaphore(%arg20 : memref<!tpu.dma_semaphore, #tpu.memory_space<semaphore_mem>>)
      %dma_wait3A_343 = arith.constant 0 : i32
      %dma_wait3A_344 = tpu.memref_slice %arg19[%add3A_338, %dma_wait3A_343] : memref<10240x128xf32, #tpu.memory_space<vmem_shared>> -> memref<32x128xf32, #tpu.memory_space<vmem_shared>>
      %dma_wait3A_345 = arith.constant 0 : i32
      %dma_wait3A_346 = tpu.memref_slice %arg19[%add3A_338, %dma_wait3A_345] : memref<10240x128xf32, #tpu.memory_space<vmem_shared>> -> memref<32x128xf32, #tpu.memory_space<vmem_shared>>
      tpu.wait_dma2 semaphore(%arg20 : memref<!tpu.dma_semaphore, #tpu.memory_space<semaphore_mem>>) src(%dma_wait3A_346 : memref<32x128xf32, #tpu.memory_space<vmem_shared>>) dst(%arg18 : memref<32x128xf32, #tpu.memory_space<vmem>>)
      "tpu.region"() ({
        %run_scoped3A = tpu.sem_alloc : memref<!tpu.dma_semaphore, #tpu.memory_space<semaphore_mem>>
        %dma_start3A_371 = arith.constant 0 : i32
        %dma_start3A_372 = tpu.memref_slice %arg9[%add3A_338, %dma_start3A_371] : memref<10240x128xf32, #tpu.memory_space<hbm>> -> memref<32x128xf32, #tpu.memory_space<hbm>>
        %dma_start3A_373 = arith.constant 0 : i32
        %dma_start3A_374 = tpu.memref_slice %arg9[%add3A_338, %dma_start3A_373] : memref<10240x128xf32, #tpu.memory_space<hbm>> -> memref<32x128xf32, #tpu.memory_space<hbm>>
        tpu.enqueue_dma source(%arg18 : memref<32x128xf32, #tpu.memory_space<vmem>>) target(%dma_start3A_374 : memref<32x128xf32, #tpu.memory_space<hbm>>) target_semaphore(%run_scoped3A : memref<!tpu.dma_semaphore, #tpu.memory_space<semaphore_mem>>)
        %dma_wait3A_375 = arith.constant 0 : i32
        %dma_wait3A_376 = tpu.memref_slice %arg9[%add3A_338, %dma_wait3A_375] : memref<10240x128xf32, #tpu.memory_space<hbm>> -> memref<32x128xf32, #tpu.memory_space<hbm>>
        %dma_wait3A_377 = arith.constant 0 : i32
        %dma_wait3A_378 = tpu.memref_slice %arg9[%add3A_338, %dma_wait3A_377] : memref<10240x128xf32, #tpu.memory_space<hbm>> -> memref<32x128xf32, #tpu.memory_space<hbm>>
        tpu.wait_dma2 semaphore(%run_scoped3A : memref<!tpu.dma_semaphore, #tpu.memory_space<semaphore_mem>>) src(%arg18 : memref<32x128xf32, #tpu.memory_space<vmem>>) dst(%dma_wait3A_378 : memref<32x128xf32, #tpu.memory_space<hbm>>)
        tpu.yield
      }) : () -> ()
      %mul3A_347 = arith.constant 640 : i32
      %mul3A_348 = arith.muli %arg1, %mul3A_347 : i32
      %add3A_349 = arith.constant 576 : i32
      %add3A_350 = arith.addi %mul3A_348, %add3A_349 : i32
      %dma_start3A_351 = arith.constant 0 : i32
      %dma_start3A_352 = tpu.memref_slice %arg19[%add3A_350, %dma_start3A_351] : memref<10240x128xf32, #tpu.memory_space<vmem_shared>> -> memref<32x128xf32, #tpu.memory_space<vmem_shared>>
      %dma_start3A_353 = arith.constant 0 : i32
      %dma_start3A_354 = tpu.memref_slice %arg19[%add3A_350, %dma_start3A_353] : memref<10240x128xf32, #tpu.memory_space<vmem_shared>> -> memref<32x128xf32, #tpu.memory_space<vmem_shared>>
      tpu.enqueue_dma source(%dma_start3A_354 : memref<32x128xf32, #tpu.memory_space<vmem_shared>>) target(%arg18 : memref<32x128xf32, #tpu.memory_space<vmem>>) target_semaphore(%arg20 : memref<!tpu.dma_semaphore, #tpu.memory_space<semaphore_mem>>)
      %dma_wait3A_355 = arith.constant 0 : i32
      %dma_wait3A_356 = tpu.memref_slice %arg19[%add3A_350, %dma_wait3A_355] : memref<10240x128xf32, #tpu.memory_space<vmem_shared>> -> memref<32x128xf32, #tpu.memory_space<vmem_shared>>
      %dma_wait3A_357 = arith.constant 0 : i32
      %dma_wait3A_358 = tpu.memref_slice %arg19[%add3A_350, %dma_wait3A_357] : memref<10240x128xf32, #tpu.memory_space<vmem_shared>> -> memref<32x128xf32, #tpu.memory_space<vmem_shared>>
      tpu.wait_dma2 semaphore(%arg20 : memref<!tpu.dma_semaphore, #tpu.memory_space<semaphore_mem>>) src(%dma_wait3A_358 : memref<32x128xf32, #tpu.memory_space<vmem_shared>>) dst(%arg18 : memref<32x128xf32, #tpu.memory_space<vmem>>)
      "tpu.region"() ({
        %run_scoped3A = tpu.sem_alloc : memref<!tpu.dma_semaphore, #tpu.memory_space<semaphore_mem>>
        %dma_start3A_371 = arith.constant 0 : i32
        %dma_start3A_372 = tpu.memref_slice %arg9[%add3A_350, %dma_start3A_371] : memref<10240x128xf32, #tpu.memory_space<hbm>> -> memref<32x128xf32, #tpu.memory_space<hbm>>
        %dma_start3A_373 = arith.constant 0 : i32
        %dma_start3A_374 = tpu.memref_slice %arg9[%add3A_350, %dma_start3A_373] : memref<10240x128xf32, #tpu.memory_space<hbm>> -> memref<32x128xf32, #tpu.memory_space<hbm>>
        tpu.enqueue_dma source(%arg18 : memref<32x128xf32, #tpu.memory_space<vmem>>) target(%dma_start3A_374 : memref<32x128xf32, #tpu.memory_space<hbm>>) target_semaphore(%run_scoped3A : memref<!tpu.dma_semaphore, #tpu.memory_space<semaphore_mem>>)
        %dma_wait3A_375 = arith.constant 0 : i32
        %dma_wait3A_376 = tpu.memref_slice %arg9[%add3A_350, %dma_wait3A_375] : memref<10240x128xf32, #tpu.memory_space<hbm>> -> memref<32x128xf32, #tpu.memory_space<hbm>>
        %dma_wait3A_377 = arith.constant 0 : i32
        %dma_wait3A_378 = tpu.memref_slice %arg9[%add3A_350, %dma_wait3A_377] : memref<10240x128xf32, #tpu.memory_space<hbm>> -> memref<32x128xf32, #tpu.memory_space<hbm>>
        tpu.wait_dma2 semaphore(%run_scoped3A : memref<!tpu.dma_semaphore, #tpu.memory_space<semaphore_mem>>) src(%arg18 : memref<32x128xf32, #tpu.memory_space<vmem>>) dst(%dma_wait3A_378 : memref<32x128xf32, #tpu.memory_space<hbm>>)
        tpu.yield
      }) : () -> ()
      %mul3A_359 = arith.constant 640 : i32
      %mul3A_360 = arith.muli %arg1, %mul3A_359 : i32
      %add3A_361 = arith.constant 608 : i32
      %add3A_362 = arith.addi %mul3A_360, %add3A_361 : i32
      %dma_start3A_363 = arith.constant 0 : i32
      %dma_start3A_364 = tpu.memref_slice %arg19[%add3A_362, %dma_start3A_363] : memref<10240x128xf32, #tpu.memory_space<vmem_shared>> -> memref<32x128xf32, #tpu.memory_space<vmem_shared>>
      %dma_start3A_365 = arith.constant 0 : i32
      %dma_start3A_366 = tpu.memref_slice %arg19[%add3A_362, %dma_start3A_365] : memref<10240x128xf32, #tpu.memory_space<vmem_shared>> -> memref<32x128xf32, #tpu.memory_space<vmem_shared>>
      tpu.enqueue_dma source(%dma_start3A_366 : memref<32x128xf32, #tpu.memory_space<vmem_shared>>) target(%arg18 : memref<32x128xf32, #tpu.memory_space<vmem>>) target_semaphore(%arg20 : memref<!tpu.dma_semaphore, #tpu.memory_space<semaphore_mem>>)
      %dma_wait3A_367 = arith.constant 0 : i32
      %dma_wait3A_368 = tpu.memref_slice %arg19[%add3A_362, %dma_wait3A_367] : memref<10240x128xf32, #tpu.memory_space<vmem_shared>> -> memref<32x128xf32, #tpu.memory_space<vmem_shared>>
      %dma_wait3A_369 = arith.constant 0 : i32
      %dma_wait3A_370 = tpu.memref_slice %arg19[%add3A_362, %dma_wait3A_369] : memref<10240x128xf32, #tpu.memory_space<vmem_shared>> -> memref<32x128xf32, #tpu.memory_space<vmem_shared>>
      tpu.wait_dma2 semaphore(%arg20 : memref<!tpu.dma_semaphore, #tpu.memory_space<semaphore_mem>>) src(%dma_wait3A_370 : memref<32x128xf32, #tpu.memory_space<vmem_shared>>) dst(%arg18 : memref<32x128xf32, #tpu.memory_space<vmem>>)
      "tpu.region"() ({
        %run_scoped3A = tpu.sem_alloc : memref<!tpu.dma_semaphore, #tpu.memory_space<semaphore_mem>>
        %dma_start3A_371 = arith.constant 0 : i32
        %dma_start3A_372 = tpu.memref_slice %arg9[%add3A_362, %dma_start3A_371] : memref<10240x128xf32, #tpu.memory_space<hbm>> -> memref<32x128xf32, #tpu.memory_space<hbm>>
        %dma_start3A_373 = arith.constant 0 : i32
        %dma_start3A_374 = tpu.memref_slice %arg9[%add3A_362, %dma_start3A_373] : memref<10240x128xf32, #tpu.memory_space<hbm>> -> memref<32x128xf32, #tpu.memory_space<hbm>>
        tpu.enqueue_dma source(%arg18 : memref<32x128xf32, #tpu.memory_space<vmem>>) target(%dma_start3A_374 : memref<32x128xf32, #tpu.memory_space<hbm>>) target_semaphore(%run_scoped3A : memref<!tpu.dma_semaphore, #tpu.memory_space<semaphore_mem>>)
        %dma_wait3A_375 = arith.constant 0 : i32
        %dma_wait3A_376 = tpu.memref_slice %arg9[%add3A_362, %dma_wait3A_375] : memref<10240x128xf32, #tpu.memory_space<hbm>> -> memref<32x128xf32, #tpu.memory_space<hbm>>
        %dma_wait3A_377 = arith.constant 0 : i32
        %dma_wait3A_378 = tpu.memref_slice %arg9[%add3A_362, %dma_wait3A_377] : memref<10240x128xf32, #tpu.memory_space<hbm>> -> memref<32x128xf32, #tpu.memory_space<hbm>>
        tpu.wait_dma2 semaphore(%run_scoped3A : memref<!tpu.dma_semaphore, #tpu.memory_space<semaphore_mem>>) src(%arg18 : memref<32x128xf32, #tpu.memory_space<vmem>>) dst(%dma_wait3A_378 : memref<32x128xf32, #tpu.memory_space<hbm>>)
        tpu.yield
      }) : () -> ()
    } else {
    }
    return
  }
}

module attributes {stable_mosaic.version = 14 : i64} {
  func.func @_lin1_body(%arg0: i32, %arg1: memref<2000x256xf32, #tpu.memory_space<vmem>>, %arg2: memref<256x256xf32, #tpu.memory_space<vmem>>, %arg3: memref<2000x128xf32, #tpu.memory_space<vmem>>, %arg4: memref<2000x128xf32, #tpu.memory_space<vmem>>) attributes {dimension_semantics = [#tpu.dimension_semantics<arbitrary>], iteration_bounds = array<i64: 5>, scalar_prefetch = 0 : i64, scratch_operands = 0 : i64, tpu.core_type = #tpu.core_type<tc>, window_params = [{transform_indices = @transform_0, window_bounds = array<i64: 2000, 256>}, {pipeline_mode = #tpu.pipeline_mode<synchronous>, transform_indices = @transform_1, window_bounds = array<i64: 256, 256>}, {transform_indices = @transform_2, window_bounds = array<i64: 2000, 128>}, {transform_indices = @transform_3, window_bounds = array<i64: 2000, 128>}]} {
    %get3A = arith.constant 0 : index
    %get3A_0 = arith.constant 0 : index
    %get3A_1 = vector.load %arg1[%get3A, %get3A_0] : memref<2000x256xf32, #tpu.memory_space<vmem>>, vector<2000x256xf32>
    %get3A_2 = arith.constant 0 : index
    %get3A_3 = arith.constant 0 : index
    %get3A_4 = vector.load %arg2[%get3A_2, %get3A_3] : memref<256x256xf32, #tpu.memory_space<vmem>>, vector<256x256xf32>
    %dot_general3A = arith.constant dense<0.000000e+00> : vector<2000x256xf32>
    %dot_general3A_5 = tpu.matmul %get3A_1, %get3A_4, %dot_general3A {dimension_numbers = #tpu.dot_dimension_numbers<[1], [0], [0], [1], [0, 0, 1, 1], [], []>, transpose_lhs_hint = false} : vector<2000x256xf32>, vector<256x256xf32>, vector<2000x256xf32> -> vector<2000x256xf32>
    %slice3A = vector.extract_strided_slice %dot_general3A_5 {offsets = [0, 0], sizes = [2000, 128], strides = [1, 1]} : vector<2000x256xf32> to vector<2000x128xf32>
    %swap3A = arith.constant 0 : index
    %swap3A_6 = arith.constant 0 : index
    %swap3A_7 = vector.load %arg3[%swap3A, %swap3A_6] : memref<2000x128xf32, #tpu.memory_space<vmem>>, vector<2000x128xf32>
    tpu.vector_store %arg3[%swap3A, %swap3A_6], %slice3A {strides = array<i32>} : memref<2000x128xf32, #tpu.memory_space<vmem>>, vector<2000x128xf32>,
    %slice3A_8 = vector.extract_strided_slice %dot_general3A_5 {offsets = [0, 128], sizes = [2000, 128], strides = [1, 1]} : vector<2000x256xf32> to vector<2000x128xf32>
    %swap3A_9 = arith.constant 0 : index
    %swap3A_10 = arith.constant 0 : index
    %swap3A_11 = vector.load %arg4[%swap3A_9, %swap3A_10] : memref<2000x128xf32, #tpu.memory_space<vmem>>, vector<2000x128xf32>
    tpu.vector_store %arg4[%swap3A_9, %swap3A_10], %slice3A_8 {strides = array<i32>} : memref<2000x128xf32, #tpu.memory_space<vmem>>, vector<2000x128xf32>,
    return
  }
  func.func @transform_0(%arg0: i32) -> (i32, i32) {
    %c0_i32 = arith.constant 0 : i32
    %c0_i32_0 = arith.constant 0 : i32
    return %arg0, %c0_i32 : i32, i32
  }
  func.func @transform_1(%arg0: i32) -> (i32, i32) {
    %c0_i32 = arith.constant 0 : i32
    %c0_i32_0 = arith.constant 0 : i32
    %c0_i32_1 = arith.constant 0 : i32
    return %c0_i32, %c0_i32_0 : i32, i32
  }
  func.func @transform_2(%arg0: i32) -> (i32, i32) {
    %c0_i32 = arith.constant 0 : i32
    %c0_i32_0 = arith.constant 0 : i32
    return %arg0, %c0_i32 : i32, i32
  }
  func.func @transform_3(%arg0: i32) -> (i32, i32) {
    %c0_i32 = arith.constant 0 : i32
    %c0_i32_0 = arith.constant 0 : i32
    return %arg0, %c0_i32 : i32, i32
  }
}

module attributes {stable_mosaic.version = 14 : i64} {
  func.func @_filters_body(%arg0: i32, %arg1: memref<3200x64xf32, #tpu.memory_space<vmem>>, %arg2: memref<3200x1xf32, #tpu.memory_space<vmem>>, %arg3: memref<3200x1xf32, #tpu.memory_space<vmem>>, %arg4: memref<4x64x256xf32, #tpu.memory_space<vmem>>, %arg5: memref<1x4x256xf32, #tpu.memory_space<vmem>>, %arg6: memref<4x256x256xf32, #tpu.memory_space<vmem>>, %arg7: memref<1x4x256xf32, #tpu.memory_space<vmem>>, %arg8: memref<3200x128xf32, #tpu.memory_space<vmem>>, %arg9: memref<3200x128xf32, #tpu.memory_space<vmem>>) attributes {dimension_semantics = [#tpu.dimension_semantics<arbitrary>], iteration_bounds = array<i64: 50>, scalar_prefetch = 0 : i64, scratch_operands = 0 : i64, tpu.core_type = #tpu.core_type<tc>, window_params = [{transform_indices = @transform_0, window_bounds = array<i64: 3200, 64>}, {transform_indices = @transform_1, window_bounds = array<i64: 3200, 1>}, {transform_indices = @transform_2, window_bounds = array<i64: 3200, 1>}, {pipeline_mode = #tpu.pipeline_mode<synchronous>, transform_indices = @transform_3, window_bounds = array<i64: 4, 64, 256>}, {pipeline_mode = #tpu.pipeline_mode<synchronous>, transform_indices = @transform_4, window_bounds = array<i64: 1, 4, 256>}, {pipeline_mode = #tpu.pipeline_mode<synchronous>, transform_indices = @transform_5, window_bounds = array<i64: 4, 256, 256>}, {pipeline_mode = #tpu.pipeline_mode<synchronous>, transform_indices = @transform_6, window_bounds = array<i64: 1, 4, 256>}, {transform_indices = @transform_7, window_bounds = array<i64: 3200, 128>}, {transform_indices = @transform_8, window_bounds = array<i64: 3200, 128>}]} {
    %get3A = arith.constant 0 : index
    %get3A_0 = arith.constant 0 : index
    %get3A_1 = vector.load %arg1[%get3A, %get3A_0] : memref<3200x64xf32, #tpu.memory_space<vmem>>, vector<3200x64xf32>
    %get3A_2 = arith.constant 0 : index
    %get3A_3 = arith.constant 0 : index
    %get3A_4 = vector.load %arg2[%get3A_2, %get3A_3] : memref<3200x1xf32, #tpu.memory_space<vmem>>, vector<3200x1xf32>
    %get3A_5 = arith.constant 0 : index
    %get3A_6 = arith.constant 0 : index
    %get3A_7 = vector.load %arg3[%get3A_5, %get3A_6] : memref<3200x1xf32, #tpu.memory_space<vmem>>, vector<3200x1xf32>
    %mul3A = arith.constant 0.314159274 : f32
    %mul3A_8 = vector.broadcast %mul3A : f32 to vector<3200x1xf32>
    %mul3A_9 = arith.mulf %get3A_7, %mul3A_8 : vector<3200x1xf32>
    %cos3A = math.cos %mul3A_9 : vector<3200x1xf32>
    %add3A = arith.constant 1.000000e+00 : f32
    %add3A_10 = vector.broadcast %add3A : f32 to vector<3200x1xf32>
    %add3A_11 = arith.addf %cos3A, %add3A_10 : vector<3200x1xf32>
    %mul3A_12 = arith.constant 5.000000e-01 : f32
    %mul3A_13 = vector.broadcast %mul3A_12 : f32 to vector<3200x1xf32>
    %mul3A_14 = arith.mulf %mul3A_13, %add3A_11 : vector<3200x1xf32>
    %broadcast_in_dim3A = arith.constant 0.000000e+00 : f32
    %broadcast_in_dim3A_15 = vector.broadcast %broadcast_in_dim3A : f32 to vector<3200x256xf32>
    %get3A_16 = arith.constant 0 : index
    %get3A_17 = arith.constant 0 : index
    %get3A_18 = arith.constant 0 : index
    %get3A_19 = vector.load %arg4[%get3A_16, %get3A_17, %get3A_18] : memref<4x64x256xf32, #tpu.memory_space<vmem>>, vector<1x64x256xf32>
    %get3A_20 = vector.shape_cast %get3A_19 : vector<1x64x256xf32> to vector<64x256xf32>
    %dot_general3A = arith.constant dense<0.000000e+00> : vector<3200x256xf32>
    %dot_general3A_21 = tpu.matmul %get3A_1, %get3A_20, %dot_general3A {dimension_numbers = #tpu.dot_dimension_numbers<[1], [0], [0], [1], [0, 0, 1, 1], [], []>, transpose_lhs_hint = false} : vector<3200x64xf32>, vector<64x256xf32>, vector<3200x256xf32> -> vector<3200x256xf32>
    %get3A_22 = arith.constant 0 : index
    %get3A_23 = arith.constant 0 : index
    %get3A_24 = arith.constant 0 : index
    %get3A_25 = vector.load %arg5[%get3A_22, %get3A_23, %get3A_24] : memref<1x4x256xf32, #tpu.memory_space<vmem>>, vector<1x1x256xf32>
    %get3A_26 = vector.shape_cast %get3A_25 : vector<1x1x256xf32> to vector<256xf32>
    %broadcast_in_dim3A_27 = vector.shape_cast %get3A_26 : vector<256xf32> to vector<1x256xf32>
    %add3A_28 = vector.broadcast %broadcast_in_dim3A_27 : vector<1x256xf32> to vector<3200x256xf32>
    %add3A_29 = arith.addf %dot_general3A_21, %add3A_28 : vector<3200x256xf32>
    %custom_jvp_call3A = arith.constant 0.000000e+00 : f32
    %max3A = vector.broadcast %custom_jvp_call3A : f32 to vector<3200x256xf32>
    %max3A_30 = arith.maximumf %add3A_29, %max3A : vector<3200x256xf32>
    %sub3A = vector.broadcast %custom_jvp_call3A : f32 to vector<3200x256xf32>
    %sub3A_31 = arith.subf %add3A_29, %sub3A : vector<3200x256xf32>
    %ne3A = arith.cmpf one, %sub3A_31, %sub3A_31 : vector<3200x256xf32>
    %add3A_32 = vector.broadcast %custom_jvp_call3A : f32 to vector<3200x256xf32>
    %add3A_33 = arith.addf %add3A_29, %add3A_32 : vector<3200x256xf32>
    %abs3A = math.absf %sub3A_31 : vector<3200x256xf32>
    %neg3A = arith.constant 0.000000e+00 : f32
    %neg3A_34 = vector.broadcast %neg3A : f32 to vector<3200x256xf32>
    %neg3A_35 = arith.subf %neg3A_34, %abs3A : vector<3200x256xf32>
    %exp3A = math.exp %neg3A_35 : vector<3200x256xf32>
    %log1p3A = math.log1p %exp3A : vector<3200x256xf32>
    %add3A_36 = arith.addf %max3A_30, %log1p3A : vector<3200x256xf32>
    %select_n3A = arith.select %ne3A, %add3A_33, %add3A_36 : vector<3200x256xi1>, vector<3200x256xf32>
    %sub3A_37 = arith.constant 0.693147182 : f32
    %sub3A_38 = vector.broadcast %sub3A_37 : f32 to vector<3200x256xf32>
    %sub3A_39 = arith.subf %select_n3A, %sub3A_38 : vector<3200x256xf32>
    %get3A_40 = arith.constant 0 : index
    %get3A_41 = arith.constant 0 : index
    %get3A_42 = arith.constant 0 : index
    %get3A_43 = vector.load %arg6[%get3A_40, %get3A_41, %get3A_42] : memref<4x256x256xf32, #tpu.memory_space<vmem>>, vector<1x256x256xf32>
    %get3A_44 = vector.shape_cast %get3A_43 : vector<1x256x256xf32> to vector<256x256xf32>
    %dot_general3A_45 = arith.constant dense<0.000000e+00> : vector<3200x256xf32>
    %dot_general3A_46 = tpu.matmul %sub3A_39, %get3A_44, %dot_general3A_45 {dimension_numbers = #tpu.dot_dimension_numbers<[1], [0], [0], [1], [0, 0, 1, 1], [], []>, transpose_lhs_hint = false} : vector<3200x256xf32>, vector<256x256xf32>, vector<3200x256xf32> -> vector<3200x256xf32>
    %get3A_47 = arith.constant 0 : index
    %get3A_48 = arith.constant 0 : index
    %get3A_49 = arith.constant 0 : index
    %get3A_50 = vector.load %arg7[%get3A_47, %get3A_48, %get3A_49] : memref<1x4x256xf32, #tpu.memory_space<vmem>>, vector<1x1x256xf32>
    %get3A_51 = vector.shape_cast %get3A_50 : vector<1x1x256xf32> to vector<256xf32>
    %broadcast_in_dim3A_52 = vector.shape_cast %get3A_51 : vector<256xf32> to vector<1x256xf32>
    %add3A_53 = vector.broadcast %broadcast_in_dim3A_52 : vector<1x256xf32> to vector<3200x256xf32>
    %add3A_54 = arith.addf %dot_general3A_46, %add3A_53 : vector<3200x256xf32>
    %eq3A = arith.constant 0.000000e+00 : f32
    %eq3A_55 = vector.broadcast %eq3A : f32 to vector<3200x1xf32>
    %eq3A_56 = arith.cmpf oeq, %get3A_4, %eq3A_55 : vector<3200x1xf32>
    %broadcast_in_dim3A_57 = vector.shape_cast %eq3A_56 : vector<3200x1xi1> to vector<3200x1xi1>
    %broadcast_in_dim3A_58 = vector.broadcast %broadcast_in_dim3A_57 : vector<3200x1xi1> to vector<3200x256xi1>
    %select_n3A_59 = arith.select %broadcast_in_dim3A_58, %add3A_54, %broadcast_in_dim3A_15 : vector<3200x256xi1>, vector<3200x256xf32>
    %get3A_60 = arith.constant 1 : index
    %get3A_61 = arith.constant 0 : index
    %get3A_62 = arith.constant 0 : index
    %get3A_63 = vector.load %arg4[%get3A_60, %get3A_61, %get3A_62] : memref<4x64x256xf32, #tpu.memory_space<vmem>>, vector<1x64x256xf32>
    %get3A_64 = vector.shape_cast %get3A_63 : vector<1x64x256xf32> to vector<64x256xf32>
    %dot_general3A_65 = arith.constant dense<0.000000e+00> : vector<3200x256xf32>
    %dot_general3A_66 = tpu.matmul %get3A_1, %get3A_64, %dot_general3A_65 {dimension_numbers = #tpu.dot_dimension_numbers<[1], [0], [0], [1], [0, 0, 1, 1], [], []>, transpose_lhs_hint = false} : vector<3200x64xf32>, vector<64x256xf32>, vector<3200x256xf32> -> vector<3200x256xf32>
    %get3A_67 = arith.constant 0 : index
    %get3A_68 = arith.constant 1 : index
    %get3A_69 = arith.constant 0 : index
    %get3A_70 = vector.load %arg5[%get3A_67, %get3A_68, %get3A_69] : memref<1x4x256xf32, #tpu.memory_space<vmem>>, vector<1x1x256xf32>
    %get3A_71 = vector.shape_cast %get3A_70 : vector<1x1x256xf32> to vector<256xf32>
    %broadcast_in_dim3A_72 = vector.shape_cast %get3A_71 : vector<256xf32> to vector<1x256xf32>
    %add3A_73 = vector.broadcast %broadcast_in_dim3A_72 : vector<1x256xf32> to vector<3200x256xf32>
    %add3A_74 = arith.addf %dot_general3A_66, %add3A_73 : vector<3200x256xf32>
    %custom_jvp_call3A_75 = arith.constant 0.000000e+00 : f32
    %max3A_76 = vector.broadcast %custom_jvp_call3A_75 : f32 to vector<3200x256xf32>
    %max3A_77 = arith.maximumf %add3A_74, %max3A_76 : vector<3200x256xf32>
    %sub3A_78 = vector.broadcast %custom_jvp_call3A_75 : f32 to vector<3200x256xf32>
    %sub3A_79 = arith.subf %add3A_74, %sub3A_78 : vector<3200x256xf32>
    %ne3A_80 = arith.cmpf one, %sub3A_79, %sub3A_79 : vector<3200x256xf32>
    %add3A_81 = vector.broadcast %custom_jvp_call3A_75 : f32 to vector<3200x256xf32>
    %add3A_82 = arith.addf %add3A_74, %add3A_81 : vector<3200x256xf32>
    %abs3A_83 = math.absf %sub3A_79 : vector<3200x256xf32>
    %neg3A_84 = arith.constant 0.000000e+00 : f32
    %neg3A_85 = vector.broadcast %neg3A_84 : f32 to vector<3200x256xf32>
    %neg3A_86 = arith.subf %neg3A_85, %abs3A_83 : vector<3200x256xf32>
    %exp3A_87 = math.exp %neg3A_86 : vector<3200x256xf32>
    %log1p3A_88 = math.log1p %exp3A_87 : vector<3200x256xf32>
    %add3A_89 = arith.addf %max3A_77, %log1p3A_88 : vector<3200x256xf32>
    %select_n3A_90 = arith.select %ne3A_80, %add3A_82, %add3A_89 : vector<3200x256xi1>, vector<3200x256xf32>
    %sub3A_91 = arith.constant 0.693147182 : f32
    %sub3A_92 = vector.broadcast %sub3A_91 : f32 to vector<3200x256xf32>
    %sub3A_93 = arith.subf %select_n3A_90, %sub3A_92 : vector<3200x256xf32>
    %get3A_94 = arith.constant 1 : index
    %get3A_95 = arith.constant 0 : index
    %get3A_96 = arith.constant 0 : index
    %get3A_97 = vector.load %arg6[%get3A_94, %get3A_95, %get3A_96] : memref<4x256x256xf32, #tpu.memory_space<vmem>>, vector<1x256x256xf32>
    %get3A_98 = vector.shape_cast %get3A_97 : vector<1x256x256xf32> to vector<256x256xf32>
    %dot_general3A_99 = arith.constant dense<0.000000e+00> : vector<3200x256xf32>
    %dot_general3A_100 = tpu.matmul %sub3A_93, %get3A_98, %dot_general3A_99 {dimension_numbers = #tpu.dot_dimension_numbers<[1], [0], [0], [1], [0, 0, 1, 1], [], []>, transpose_lhs_hint = false} : vector<3200x256xf32>, vector<256x256xf32>, vector<3200x256xf32> -> vector<3200x256xf32>
    %get3A_101 = arith.constant 0 : index
    %get3A_102 = arith.constant 1 : index
    %get3A_103 = arith.constant 0 : index
    %get3A_104 = vector.load %arg7[%get3A_101, %get3A_102, %get3A_103] : memref<1x4x256xf32, #tpu.memory_space<vmem>>, vector<1x1x256xf32>
    %get3A_105 = vector.shape_cast %get3A_104 : vector<1x1x256xf32> to vector<256xf32>
    %broadcast_in_dim3A_106 = vector.shape_cast %get3A_105 : vector<256xf32> to vector<1x256xf32>
    %add3A_107 = vector.broadcast %broadcast_in_dim3A_106 : vector<1x256xf32> to vector<3200x256xf32>
    %add3A_108 = arith.addf %dot_general3A_100, %add3A_107 : vector<3200x256xf32>
    %eq3A_109 = arith.constant 1.000000e+00 : f32
    %eq3A_110 = vector.broadcast %eq3A_109 : f32 to vector<3200x1xf32>
    %eq3A_111 = arith.cmpf oeq, %get3A_4, %eq3A_110 : vector<3200x1xf32>
    %broadcast_in_dim3A_112 = vector.shape_cast %eq3A_111 : vector<3200x1xi1> to vector<3200x1xi1>
    %broadcast_in_dim3A_113 = vector.broadcast %broadcast_in_dim3A_112 : vector<3200x1xi1> to vector<3200x256xi1>
    %select_n3A_114 = arith.select %broadcast_in_dim3A_113, %add3A_108, %select_n3A_59 : vector<3200x256xi1>, vector<3200x256xf32>
    %get3A_115 = arith.constant 2 : index
    %get3A_116 = arith.constant 0 : index
    %get3A_117 = arith.constant 0 : index
    %get3A_118 = vector.load %arg4[%get3A_115, %get3A_116, %get3A_117] : memref<4x64x256xf32, #tpu.memory_space<vmem>>, vector<1x64x256xf32>
    %get3A_119 = vector.shape_cast %get3A_118 : vector<1x64x256xf32> to vector<64x256xf32>
    %dot_general3A_120 = arith.constant dense<0.000000e+00> : vector<3200x256xf32>
    %dot_general3A_121 = tpu.matmul %get3A_1, %get3A_119, %dot_general3A_120 {dimension_numbers = #tpu.dot_dimension_numbers<[1], [0], [0], [1], [0, 0, 1, 1], [], []>, transpose_lhs_hint = false} : vector<3200x64xf32>, vector<64x256xf32>, vector<3200x256xf32> -> vector<3200x256xf32>
    %get3A_122 = arith.constant 0 : index
    %get3A_123 = arith.constant 2 : index
    %get3A_124 = arith.constant 0 : index
    %get3A_125 = vector.load %arg5[%get3A_122, %get3A_123, %get3A_124] : memref<1x4x256xf32, #tpu.memory_space<vmem>>, vector<1x1x256xf32>
    %get3A_126 = vector.shape_cast %get3A_125 : vector<1x1x256xf32> to vector<256xf32>
    %broadcast_in_dim3A_127 = vector.shape_cast %get3A_126 : vector<256xf32> to vector<1x256xf32>
    %add3A_128 = vector.broadcast %broadcast_in_dim3A_127 : vector<1x256xf32> to vector<3200x256xf32>
    %add3A_129 = arith.addf %dot_general3A_121, %add3A_128 : vector<3200x256xf32>
    %custom_jvp_call3A_130 = arith.constant 0.000000e+00 : f32
    %max3A_131 = vector.broadcast %custom_jvp_call3A_130 : f32 to vector<3200x256xf32>
    %max3A_132 = arith.maximumf %add3A_129, %max3A_131 : vector<3200x256xf32>
    %sub3A_133 = vector.broadcast %custom_jvp_call3A_130 : f32 to vector<3200x256xf32>
    %sub3A_134 = arith.subf %add3A_129, %sub3A_133 : vector<3200x256xf32>
    %ne3A_135 = arith.cmpf one, %sub3A_134, %sub3A_134 : vector<3200x256xf32>
    %add3A_136 = vector.broadcast %custom_jvp_call3A_130 : f32 to vector<3200x256xf32>
    %add3A_137 = arith.addf %add3A_129, %add3A_136 : vector<3200x256xf32>
    %abs3A_138 = math.absf %sub3A_134 : vector<3200x256xf32>
    %neg3A_139 = arith.constant 0.000000e+00 : f32
    %neg3A_140 = vector.broadcast %neg3A_139 : f32 to vector<3200x256xf32>
    %neg3A_141 = arith.subf %neg3A_140, %abs3A_138 : vector<3200x256xf32>
    %exp3A_142 = math.exp %neg3A_141 : vector<3200x256xf32>
    %log1p3A_143 = math.log1p %exp3A_142 : vector<3200x256xf32>
    %add3A_144 = arith.addf %max3A_132, %log1p3A_143 : vector<3200x256xf32>
    %select_n3A_145 = arith.select %ne3A_135, %add3A_137, %add3A_144 : vector<3200x256xi1>, vector<3200x256xf32>
    %sub3A_146 = arith.constant 0.693147182 : f32
    %sub3A_147 = vector.broadcast %sub3A_146 : f32 to vector<3200x256xf32>
    %sub3A_148 = arith.subf %select_n3A_145, %sub3A_147 : vector<3200x256xf32>
    %get3A_149 = arith.constant 2 : index
    %get3A_150 = arith.constant 0 : index
    %get3A_151 = arith.constant 0 : index
    %get3A_152 = vector.load %arg6[%get3A_149, %get3A_150, %get3A_151] : memref<4x256x256xf32, #tpu.memory_space<vmem>>, vector<1x256x256xf32>
    %get3A_153 = vector.shape_cast %get3A_152 : vector<1x256x256xf32> to vector<256x256xf32>
    %dot_general3A_154 = arith.constant dense<0.000000e+00> : vector<3200x256xf32>
    %dot_general3A_155 = tpu.matmul %sub3A_148, %get3A_153, %dot_general3A_154 {dimension_numbers = #tpu.dot_dimension_numbers<[1], [0], [0], [1], [0, 0, 1, 1], [], []>, transpose_lhs_hint = false} : vector<3200x256xf32>, vector<256x256xf32>, vector<3200x256xf32> -> vector<3200x256xf32>
    %get3A_156 = arith.constant 0 : index
    %get3A_157 = arith.constant 2 : index
    %get3A_158 = arith.constant 0 : index
    %get3A_159 = vector.load %arg7[%get3A_156, %get3A_157, %get3A_158] : memref<1x4x256xf32, #tpu.memory_space<vmem>>, vector<1x1x256xf32>
    %get3A_160 = vector.shape_cast %get3A_159 : vector<1x1x256xf32> to vector<256xf32>
    %broadcast_in_dim3A_161 = vector.shape_cast %get3A_160 : vector<256xf32> to vector<1x256xf32>
    %add3A_162 = vector.broadcast %broadcast_in_dim3A_161 : vector<1x256xf32> to vector<3200x256xf32>
    %add3A_163 = arith.addf %dot_general3A_155, %add3A_162 : vector<3200x256xf32>
    %eq3A_164 = arith.constant 2.000000e+00 : f32
    %eq3A_165 = vector.broadcast %eq3A_164 : f32 to vector<3200x1xf32>
    %eq3A_166 = arith.cmpf oeq, %get3A_4, %eq3A_165 : vector<3200x1xf32>
    %broadcast_in_dim3A_167 = vector.shape_cast %eq3A_166 : vector<3200x1xi1> to vector<3200x1xi1>
    %broadcast_in_dim3A_168 = vector.broadcast %broadcast_in_dim3A_167 : vector<3200x1xi1> to vector<3200x256xi1>
    %select_n3A_169 = arith.select %broadcast_in_dim3A_168, %add3A_163, %select_n3A_114 : vector<3200x256xi1>, vector<3200x256xf32>
    %get3A_170 = arith.constant 3 : index
    %get3A_171 = arith.constant 0 : index
    %get3A_172 = arith.constant 0 : index
    %get3A_173 = vector.load %arg4[%get3A_170, %get3A_171, %get3A_172] : memref<4x64x256xf32, #tpu.memory_space<vmem>>, vector<1x64x256xf32>
    %get3A_174 = vector.shape_cast %get3A_173 : vector<1x64x256xf32> to vector<64x256xf32>
    %dot_general3A_175 = arith.constant dense<0.000000e+00> : vector<3200x256xf32>
    %dot_general3A_176 = tpu.matmul %get3A_1, %get3A_174, %dot_general3A_175 {dimension_numbers = #tpu.dot_dimension_numbers<[1], [0], [0], [1], [0, 0, 1, 1], [], []>, transpose_lhs_hint = false} : vector<3200x64xf32>, vector<64x256xf32>, vector<3200x256xf32> -> vector<3200x256xf32>
    %get3A_177 = arith.constant 0 : index
    %get3A_178 = arith.constant 3 : index
    %get3A_179 = arith.constant 0 : index
    %get3A_180 = vector.load %arg5[%get3A_177, %get3A_178, %get3A_179] : memref<1x4x256xf32, #tpu.memory_space<vmem>>, vector<1x1x256xf32>
    %get3A_181 = vector.shape_cast %get3A_180 : vector<1x1x256xf32> to vector<256xf32>
    %broadcast_in_dim3A_182 = vector.shape_cast %get3A_181 : vector<256xf32> to vector<1x256xf32>
    %add3A_183 = vector.broadcast %broadcast_in_dim3A_182 : vector<1x256xf32> to vector<3200x256xf32>
    %add3A_184 = arith.addf %dot_general3A_176, %add3A_183 : vector<3200x256xf32>
    %custom_jvp_call3A_185 = arith.constant 0.000000e+00 : f32
    %max3A_186 = vector.broadcast %custom_jvp_call3A_185 : f32 to vector<3200x256xf32>
    %max3A_187 = arith.maximumf %add3A_184, %max3A_186 : vector<3200x256xf32>
    %sub3A_188 = vector.broadcast %custom_jvp_call3A_185 : f32 to vector<3200x256xf32>
    %sub3A_189 = arith.subf %add3A_184, %sub3A_188 : vector<3200x256xf32>
    %ne3A_190 = arith.cmpf one, %sub3A_189, %sub3A_189 : vector<3200x256xf32>
    %add3A_191 = vector.broadcast %custom_jvp_call3A_185 : f32 to vector<3200x256xf32>
    %add3A_192 = arith.addf %add3A_184, %add3A_191 : vector<3200x256xf32>
    %abs3A_193 = math.absf %sub3A_189 : vector<3200x256xf32>
    %neg3A_194 = arith.constant 0.000000e+00 : f32
    %neg3A_195 = vector.broadcast %neg3A_194 : f32 to vector<3200x256xf32>
    %neg3A_196 = arith.subf %neg3A_195, %abs3A_193 : vector<3200x256xf32>
    %exp3A_197 = math.exp %neg3A_196 : vector<3200x256xf32>
    %log1p3A_198 = math.log1p %exp3A_197 : vector<3200x256xf32>
    %add3A_199 = arith.addf %max3A_187, %log1p3A_198 : vector<3200x256xf32>
    %select_n3A_200 = arith.select %ne3A_190, %add3A_192, %add3A_199 : vector<3200x256xi1>, vector<3200x256xf32>
    %sub3A_201 = arith.constant 0.693147182 : f32
    %sub3A_202 = vector.broadcast %sub3A_201 : f32 to vector<3200x256xf32>
    %sub3A_203 = arith.subf %select_n3A_200, %sub3A_202 : vector<3200x256xf32>
    %get3A_204 = arith.constant 3 : index
    %get3A_205 = arith.constant 0 : index
    %get3A_206 = arith.constant 0 : index
    %get3A_207 = vector.load %arg6[%get3A_204, %get3A_205, %get3A_206] : memref<4x256x256xf32, #tpu.memory_space<vmem>>, vector<1x256x256xf32>
    %get3A_208 = vector.shape_cast %get3A_207 : vector<1x256x256xf32> to vector<256x256xf32>
    %dot_general3A_209 = arith.constant dense<0.000000e+00> : vector<3200x256xf32>
    %dot_general3A_210 = tpu.matmul %sub3A_203, %get3A_208, %dot_general3A_209 {dimension_numbers = #tpu.dot_dimension_numbers<[1], [0], [0], [1], [0, 0, 1, 1], [], []>, transpose_lhs_hint = false} : vector<3200x256xf32>, vector<256x256xf32>, vector<3200x256xf32> -> vector<3200x256xf32>
    %get3A_211 = arith.constant 0 : index
    %get3A_212 = arith.constant 3 : index
    %get3A_213 = arith.constant 0 : index
    %get3A_214 = vector.load %arg7[%get3A_211, %get3A_212, %get3A_213] : memref<1x4x256xf32, #tpu.memory_space<vmem>>, vector<1x1x256xf32>
    %get3A_215 = vector.shape_cast %get3A_214 : vector<1x1x256xf32> to vector<256xf32>
    %broadcast_in_dim3A_216 = vector.shape_cast %get3A_215 : vector<256xf32> to vector<1x256xf32>
    %add3A_217 = vector.broadcast %broadcast_in_dim3A_216 : vector<1x256xf32> to vector<3200x256xf32>
    %add3A_218 = arith.addf %dot_general3A_210, %add3A_217 : vector<3200x256xf32>
    %eq3A_219 = arith.constant 3.000000e+00 : f32
    %eq3A_220 = vector.broadcast %eq3A_219 : f32 to vector<3200x1xf32>
    %eq3A_221 = arith.cmpf oeq, %get3A_4, %eq3A_220 : vector<3200x1xf32>
    %broadcast_in_dim3A_222 = vector.shape_cast %eq3A_221 : vector<3200x1xi1> to vector<3200x1xi1>
    %broadcast_in_dim3A_223 = vector.broadcast %broadcast_in_dim3A_222 : vector<3200x1xi1> to vector<3200x256xi1>
    %select_n3A_224 = arith.select %broadcast_in_dim3A_223, %add3A_218, %select_n3A_169 : vector<3200x256xi1>, vector<3200x256xf32>
    %mul3A_225 = vector.broadcast %mul3A_14 : vector<3200x1xf32> to vector<3200x256xf32>
    %mul3A_226 = arith.mulf %select_n3A_224, %mul3A_225 : vector<3200x256xf32>
    %slice3A = vector.extract_strided_slice %mul3A_226 {offsets = [0, 0], sizes = [3200, 128], strides = [1, 1]} : vector<3200x256xf32> to vector<3200x128xf32>
    %swap3A = arith.constant 0 : index
    %swap3A_227 = arith.constant 0 : index
    %swap3A_228 = vector.load %arg8[%swap3A, %swap3A_227] : memref<3200x128xf32, #tpu.memory_space<vmem>>, vector<3200x128xf32>
    tpu.vector_store %arg8[%swap3A, %swap3A_227], %slice3A {strides = array<i32>} : memref<3200x128xf32, #tpu.memory_space<vmem>>, vector<3200x128xf32>,
    %slice3A_229 = vector.extract_strided_slice %mul3A_226 {offsets = [0, 128], sizes = [3200, 128], strides = [1, 1]} : vector<3200x256xf32> to vector<3200x128xf32>
    %swap3A_230 = arith.constant 0 : index
    %swap3A_231 = arith.constant 0 : index
    %swap3A_232 = vector.load %arg9[%swap3A_230, %swap3A_231] : memref<3200x128xf32, #tpu.memory_space<vmem>>, vector<3200x128xf32>
    tpu.vector_store %arg9[%swap3A_230, %swap3A_231], %slice3A_229 {strides = array<i32>} : memref<3200x128xf32, #tpu.memory_space<vmem>>, vector<3200x128xf32>,
    return
  }
  func.func @transform_0(%arg0: i32) -> (i32, i32) {
    %c0_i32 = arith.constant 0 : i32
    %c0_i32_0 = arith.constant 0 : i32
    return %arg0, %c0_i32 : i32, i32
  }
  func.func @transform_1(%arg0: i32) -> (i32, i32) {
    %c0_i32 = arith.constant 0 : i32
    %c0_i32_0 = arith.constant 0 : i32
    return %arg0, %c0_i32 : i32, i32
  }
  func.func @transform_2(%arg0: i32) -> (i32, i32) {
    %c0_i32 = arith.constant 0 : i32
    %c0_i32_0 = arith.constant 0 : i32
    return %arg0, %c0_i32 : i32, i32
  }
  func.func @transform_3(%arg0: i32) -> (i32, i32, i32) {
    %c0_i32 = arith.constant 0 : i32
    %c0_i32_0 = arith.constant 0 : i32
    %c0_i32_1 = arith.constant 0 : i32
    %c0_i32_2 = arith.constant 0 : i32
    return %c0_i32, %c0_i32_0, %c0_i32_1 : i32, i32, i32
  }
  func.func @transform_4(%arg0: i32) -> (i32, i32, i32) {
    %c0_i32 = arith.constant 0 : i32
    %c0_i32_0 = arith.constant 0 : i32
    %c0_i32_1 = arith.constant 0 : i32
    %c0_i32_2 = arith.constant 0 : i32
    return %c0_i32, %c0_i32_0, %c0_i32_1 : i32, i32, i32
  }
  func.func @transform_5(%arg0: i32) -> (i32, i32, i32) {
    %c0_i32 = arith.constant 0 : i32
    %c0_i32_0 = arith.constant 0 : i32
    %c0_i32_1 = arith.constant 0 : i32
    %c0_i32_2 = arith.constant 0 : i32
    return %c0_i32, %c0_i32_0, %c0_i32_1 : i32, i32, i32
  }
  func.func @transform_6(%arg0: i32) -> (i32, i32, i32) {
    %c0_i32 = arith.constant 0 : i32
    %c0_i32_0 = arith.constant 0 : i32
    %c0_i32_1 = arith.constant 0 : i32
    %c0_i32_2 = arith.constant 0 : i32
    return %c0_i32, %c0_i32_0, %c0_i32_1 : i32, i32, i32
  }
  func.func @transform_7(%arg0: i32) -> (i32, i32) {
    %c0_i32 = arith.constant 0 : i32
    %c0_i32_0 = arith.constant 0 : i32
    return %arg0, %c0_i32 : i32, i32
  }
  func.func @transform_8(%arg0: i32) -> (i32, i32) {
    %c0_i32 = arith.constant 0 : i32
    %c0_i32_0 = arith.constant 0 : i32
    return %arg0, %c0_i32 : i32, i32
  }
}

module attributes {stable_mosaic.version = 14 : i64} {
  func.func @_tail_body(%arg0: i32, %arg1: memref<2000x128xf32, #tpu.memory_space<vmem>>, %arg2: memref<2000x128xf32, #tpu.memory_space<vmem>>, %arg3: memref<128x256xf32, #tpu.memory_space<vmem>>, %arg4: memref<128x256xf32, #tpu.memory_space<vmem>>, %arg5: memref<1x256xf32, #tpu.memory_space<vmem>>, %arg6: memref<256x256xf32, #tpu.memory_space<vmem>>, %arg7: memref<1x256xf32, #tpu.memory_space<vmem>>, %arg8: memref<2000x256xf32, #tpu.memory_space<vmem>>) attributes {dimension_semantics = [#tpu.dimension_semantics<arbitrary>], iteration_bounds = array<i64: 5>, scalar_prefetch = 0 : i64, scratch_operands = 0 : i64, tpu.core_type = #tpu.core_type<tc>, window_params = [{transform_indices = @transform_0, window_bounds = array<i64: 2000, 128>}, {transform_indices = @transform_1, window_bounds = array<i64: 2000, 128>}, {pipeline_mode = #tpu.pipeline_mode<synchronous>, transform_indices = @transform_2, window_bounds = array<i64: 128, 256>}, {pipeline_mode = #tpu.pipeline_mode<synchronous>, transform_indices = @transform_3, window_bounds = array<i64: 128, 256>}, {pipeline_mode = #tpu.pipeline_mode<synchronous>, transform_indices = @transform_4, window_bounds = array<i64: 1, 256>}, {pipeline_mode = #tpu.pipeline_mode<synchronous>, transform_indices = @transform_5, window_bounds = array<i64: 256, 256>}, {pipeline_mode = #tpu.pipeline_mode<synchronous>, transform_indices = @transform_6, window_bounds = array<i64: 1, 256>}, {transform_indices = @transform_7, window_bounds = array<i64: 2000, 256>}]} {
    %get3A = arith.constant 0 : index
    %get3A_0 = arith.constant 0 : index
    %get3A_1 = vector.load %arg1[%get3A, %get3A_0] : memref<2000x128xf32, #tpu.memory_space<vmem>>, vector<2000x128xf32>
    %get3A_2 = arith.constant 0 : index
    %get3A_3 = arith.constant 0 : index
    %get3A_4 = vector.load %arg3[%get3A_2, %get3A_3] : memref<128x256xf32, #tpu.memory_space<vmem>>, vector<128x256xf32>
    %dot_general3A = arith.constant dense<0.000000e+00> : vector<2000x256xf32>
    %dot_general3A_5 = tpu.matmul %get3A_1, %get3A_4, %dot_general3A {dimension_numbers = #tpu.dot_dimension_numbers<[1], [0], [0], [1], [0, 0, 1, 1], [], []>, transpose_lhs_hint = false} : vector<2000x128xf32>, vector<128x256xf32>, vector<2000x256xf32> -> vector<2000x256xf32>
    %get3A_6 = arith.constant 0 : index
    %get3A_7 = arith.constant 0 : index
    %get3A_8 = vector.load %arg2[%get3A_6, %get3A_7] : memref<2000x128xf32, #tpu.memory_space<vmem>>, vector<2000x128xf32>
    %get3A_9 = arith.constant 0 : index
    %get3A_10 = arith.constant 0 : index
    %get3A_11 = vector.load %arg4[%get3A_9, %get3A_10] : memref<128x256xf32, #tpu.memory_space<vmem>>, vector<128x256xf32>
    %dot_general3A_12 = arith.constant dense<0.000000e+00> : vector<2000x256xf32>
    %dot_general3A_13 = tpu.matmul %get3A_8, %get3A_11, %dot_general3A_12 {dimension_numbers = #tpu.dot_dimension_numbers<[1], [0], [0], [1], [0, 0, 1, 1], [], []>, transpose_lhs_hint = false} : vector<2000x128xf32>, vector<128x256xf32>, vector<2000x256xf32> -> vector<2000x256xf32>
    %add3A = arith.addf %dot_general3A_5, %dot_general3A_13 : vector<2000x256xf32>
    %get3A_14 = arith.constant 0 : index
    %get3A_15 = arith.constant 0 : index
    %get3A_16 = vector.load %arg5[%get3A_14, %get3A_15] : memref<1x256xf32, #tpu.memory_space<vmem>>, vector<1x256xf32>
    %add3A_17 = vector.broadcast %get3A_16 : vector<1x256xf32> to vector<2000x256xf32>
    %add3A_18 = arith.addf %add3A, %add3A_17 : vector<2000x256xf32>
    %custom_jvp_call3A = arith.constant 0.000000e+00 : f32
    %max3A = vector.broadcast %custom_jvp_call3A : f32 to vector<2000x256xf32>
    %max3A_19 = arith.maximumf %add3A_18, %max3A : vector<2000x256xf32>
    %sub3A = vector.broadcast %custom_jvp_call3A : f32 to vector<2000x256xf32>
    %sub3A_20 = arith.subf %add3A_18, %sub3A : vector<2000x256xf32>
    %ne3A = arith.cmpf one, %sub3A_20, %sub3A_20 : vector<2000x256xf32>
    %add3A_21 = vector.broadcast %custom_jvp_call3A : f32 to vector<2000x256xf32>
    %add3A_22 = arith.addf %add3A_18, %add3A_21 : vector<2000x256xf32>
    %abs3A = math.absf %sub3A_20 : vector<2000x256xf32>
    %neg3A = arith.constant 0.000000e+00 : f32
    %neg3A_23 = vector.broadcast %neg3A : f32 to vector<2000x256xf32>
    %neg3A_24 = arith.subf %neg3A_23, %abs3A : vector<2000x256xf32>
    %exp3A = math.exp %neg3A_24 : vector<2000x256xf32>
    %log1p3A = math.log1p %exp3A : vector<2000x256xf32>
    %add3A_25 = arith.addf %max3A_19, %log1p3A : vector<2000x256xf32>
    %select_n3A = arith.select %ne3A, %add3A_22, %add3A_25 : vector<2000x256xi1>, vector<2000x256xf32>
    %sub3A_26 = arith.constant 0.693147182 : f32
    %sub3A_27 = vector.broadcast %sub3A_26 : f32 to vector<2000x256xf32>
    %sub3A_28 = arith.subf %select_n3A, %sub3A_27 : vector<2000x256xf32>
    %get3A_29 = arith.constant 0 : index
    %get3A_30 = arith.constant 0 : index
    %get3A_31 = vector.load %arg6[%get3A_29, %get3A_30] : memref<256x256xf32, #tpu.memory_space<vmem>>, vector<256x256xf32>
    %dot_general3A_32 = arith.constant dense<0.000000e+00> : vector<2000x256xf32>
    %dot_general3A_33 = tpu.matmul %sub3A_28, %get3A_31, %dot_general3A_32 {dimension_numbers = #tpu.dot_dimension_numbers<[1], [0], [0], [1], [0, 0, 1, 1], [], []>, transpose_lhs_hint = false} : vector<2000x256xf32>, vector<256x256xf32>, vector<2000x256xf32> -> vector<2000x256xf32>
    %get3A_34 = arith.constant 0 : index
    %get3A_35 = arith.constant 0 : index
    %get3A_36 = vector.load %arg7[%get3A_34, %get3A_35] : memref<1x256xf32, #tpu.memory_space<vmem>>, vector<1x256xf32>
    %add3A_37 = vector.broadcast %get3A_36 : vector<1x256xf32> to vector<2000x256xf32>
    %add3A_38 = arith.addf %dot_general3A_33, %add3A_37 : vector<2000x256xf32>
    %swap3A = arith.constant 0 : index
    %swap3A_39 = arith.constant 0 : index
    %swap3A_40 = vector.load %arg8[%swap3A, %swap3A_39] : memref<2000x256xf32, #tpu.memory_space<vmem>>, vector<2000x256xf32>
    tpu.vector_store %arg8[%swap3A, %swap3A_39], %add3A_38 {strides = array<i32>} : memref<2000x256xf32, #tpu.memory_space<vmem>>, vector<2000x256xf32>,
    return
  }
  func.func @transform_0(%arg0: i32) -> (i32, i32) {
    %c0_i32 = arith.constant 0 : i32
    %c0_i32_0 = arith.constant 0 : i32
    return %arg0, %c0_i32 : i32, i32
  }
  func.func @transform_1(%arg0: i32) -> (i32, i32) {
    %c0_i32 = arith.constant 0 : i32
    %c0_i32_0 = arith.constant 0 : i32
    return %arg0, %c0_i32 : i32, i32
  }
  func.func @transform_2(%arg0: i32) -> (i32, i32) {
    %c0_i32 = arith.constant 0 : i32
    %c0_i32_0 = arith.constant 0 : i32
    %c0_i32_1 = arith.constant 0 : i32
    return %c0_i32, %c0_i32_0 : i32, i32
  }
  func.func @transform_3(%arg0: i32) -> (i32, i32) {
    %c0_i32 = arith.constant 0 : i32
    %c0_i32_0 = arith.constant 0 : i32
    %c0_i32_1 = arith.constant 0 : i32
    return %c0_i32, %c0_i32_0 : i32, i32
  }
  func.func @transform_4(%arg0: i32) -> (i32, i32) {
    %c0_i32 = arith.constant 0 : i32
    %c0_i32_0 = arith.constant 0 : i32
    %c0_i32_1 = arith.constant 0 : i32
    return %c0_i32, %c0_i32_0 : i32, i32
  }
  func.func @transform_5(%arg0: i32) -> (i32, i32) {
    %c0_i32 = arith.constant 0 : i32
    %c0_i32_0 = arith.constant 0 : i32
    %c0_i32_1 = arith.constant 0 : i32
    return %c0_i32, %c0_i32_0 : i32, i32
  }
  func.func @transform_6(%arg0: i32) -> (i32, i32) {
    %c0_i32 = arith.constant 0 : i32
    %c0_i32_0 = arith.constant 0 : i32
    %c0_i32_1 = arith.constant 0 : i32
    return %c0_i32, %c0_i32_0 : i32, i32
  }
  func.func @transform_7(%arg0: i32) -> (i32, i32) {
    %c0_i32 = arith.constant 0 : i32
    %c0_i32_0 = arith.constant 0 : i32
    return %arg0, %c0_i32 : i32, i32
  }
}

</mosaic_0001>

<sc_bundles>
// kernel: kernel.6.cloned.1.call-start
scs
__scs_entry_jumppad:
0x0: {  	(pc) =	sbr.rel $0x88, $3  }
0x1: {  	(tag) =	ssettag $0x0;
	lr =	simm.s32 $0x1  }
0x2: {  	[smem:$0x3F93] =	sst lr;
	_ =	strace $0xD0000000  }
0x3: {  	_ = 	snop  }
0x4: {  	_ = 	snop  }
0x5: {  	_ = 	snop  }
0x6: {  	_ = 	snop  }
0x7: {  	_ = 	snop  }
__scs_overlays_trampoline_lowered:
0x8: {  	[smem:$0x3FA2] =	sst s0  }
0x9: {  	[smem:$0x3FA3] =	sst s1  }
0xa: {  	[smem:$0x3FA4] =	sst s2  }
0xb: {  	[smem:$0x3FA5] =	sst s3  }
0xc: {  	[smem:$0x3FA6] =	sst s4  }
0xd: {  	[smem:$0x3FA7] =	sst s5  }
0xe: {  	[smem:$0x3FA8] =	sst s6  }
0xf: {  	[smem:$0x3FA9] =	sst s7  }
0x10: {  	[smem:$0x3FAA] =	sst s8  }
0x11: {  	[smem:$0x3FAB] =	sst s9;
	s0 =	simm.s32 @!p0 $0x0  }
0x12: {  	s1 =	sld [smem:$0x3F91];
	s0 =	simm.s32 @p0 $0x1  }
0x13: {  	[smem:$0x3FAC] =	sst s0;
	s0 =	simm.s32 @!p1 $0x0  }
0x14: {  	s2 =	sld [smem:$0x3F90];
	s0 =	simm.s32 @p1 $0x1  }
0x15: {  	[smem:$0x3FAD] =	sst s0;
	s0 =	simm.s32 @!p2 $0x0  }
0x16: {  	s3 =	sld [smem:$0x3FDB];
	s0 =	simm.s32 @p2 $0x1  }
0x17: {  	s4 =	simm.s32 $0x1BF5;
	[smem:$0x3FAF] =	sst s0  }
0x18: {  	s0 =	sld [smem:$0x3F92];
	_ =	swait.ge [sflag:s4], $0x0  }
0x19: {  	s7 =	sld [smem:$0x3F93]  }
0x1a: {  	s8 =	sadd.s32 $0xFFFFE003, lr  }
0x1b: {  	s9 =	sadd.s32 $0xFFFFFEF7, lr;
	s5 =	simm.s32 $0xFFFFFFFF;
	p2 =	slt.u32 s8, $0xFFFFF086  }
0x1c: {  	p1 =	slt.u32 s9, $0xF7A;
	s5 =	simm.s32 @!p2 $0x0  }
0x1d: {  	s5 =	simm.s32 @p1 $0x1;
	p0 =	seq.s32 s7, s2  }
0x1e: {  	s7 =	smul.u32 @!p0 $0xF7A, s2;
	p2 =	seq.s32 @!p0 s5, $0x0  }
0x1f: {  	s9 =	smul.u32 $0xF7A, s1;
	s8 =	simm.s32 @!p0 $0x1BF5;
	p2 =	por !p2, p0  }
0x20: {  	[sflag:s8] =	ssyncset.s32 @!p0 $0xFFFFF086;
	s6 =	sadd.s32 @!p0 s3, s7;
	s7 =	simm.s32 @!p0 $0x108  }
0x21: {  	s3 =	sadd.s32 s3, s9;
	s6 =	sadd.s32 @!p0 $0x88, s6;
	s7 =	simm.s32 @p2 $0x1082  }
0x22: {  	[simem:s7], [sflag:s8] =	dma.local @!p0 [hbm:s6], $0xF7A  }
0x23: {  	s9 =	sor.u32 $0xD0000000, s2;
	s6 =	simm.s32 $0x108;
	_ =	swait.ge @!p0 [sflag:s8], $0x0  }
0x24: {  	s3 =	sadd.s32 $0x88, s3;
	s6 =	simm.s32 @!p1 $0x1082;
	[sflag:s4] =	ssyncset.s32 $0xFFFFF086  }
0x25: {  	[simem:s6], [sflag:s4] =	dma.local [hbm:s3], $0xF7A  }
0x26: {  	[smem:$0x3F93] =	sst s1;
	(tag) =	ssettag s2;
	_ =	strace s9  }
0x27: {  	s1 =	sld [smem:$0x3FA3]  }
0x28: {  	s2 =	sld [smem:$0x3FA4]  }
0x29: {  	s4 =	sld [smem:$0x3FA6]  }
0x2a: {  	p0 =	seq.s32 s5, $0x0;
	s5 =	sld [smem:$0x3FA7]  }
0x2b: {  	s6 =	sld [smem:$0x3FA8]  }
0x2c: {  	s7 =	sld [smem:$0x3FA9]  }
0x2d: {  	s3 =	simm.s32 $0x108;
	s8 =	sld [smem:$0x3FAA]  }
0x2e: {  	s3 =	simm.s32 @!p0 $0x1082;
	s9 =	sld [smem:$0x3FAB]  }
0x2f: {  	lr =	sadd.s32 s0, s3;
	s0 =	sld [smem:$0x3FA2]  }
0x30: {  	s3 =	sld [smem:$0x3FA5]  }
0x31: {  	[smem:$0x3FAE] =	sst s10  }
0x32: {  	s10 =	sld [smem:$0x3FAC];
	_ =	sdelay $0x3  }
0x33: {  	p0 =	seq.s32 s10, $0x1;
	s10 =	sld [smem:$0x3FAE];
	_ =	sdelay $0x3  }
0x34: {  	[smem:$0x3FAE] =	sst s10  }
0x35: {  	s10 =	sld [smem:$0x3FAD];
	_ =	sdelay $0x3  }
0x36: {  	p1 =	seq.s32 s10, $0x1;
	s10 =	sld [smem:$0x3FAE];
	_ =	sdelay $0x3  }
0x37: {  	[smem:$0x3FAE] =	sst s10  }
0x38: {  	s10 =	sld [smem:$0x3FAF]  }
0x39: {  	_ = 	snop;
	(pc) =	sbr.ind lr, $3  }
0x3a: {  	_ = 	snop  }
0x3b: {  	_ = 	snop  }
0x3c: {  	p2 =	seq.s32 s10, $0x1;
	s10 =	sld [smem:$0x3FAE]  }
0x3d: {  	_ =	shalt  }
0x3e: {  	_ =	shalt  }
0x3f: {  	_ =	shalt  }
0x40: {  	_ =	shalt  }
0x41: {  	_ =	shalt  }
0x42: {  	_ =	shalt  }
0x43: {  	_ =	shalt  }
0x44: {  	_ =	shalt  }
0x45: {  	_ =	shalt  }
0x46: {  	_ =	shalt  }
0x47: {  	_ =	shalt  }
0x48: {  	_ =	shalt  }
0x49: {  	_ =	shalt  }
0x4a: {  	_ =	shalt  }
0x4b: {  	_ =	shalt  }
0x4c: {  	_ =	shalt  }
0x4d: {  	_ =	shalt  }
0x4e: {  	_ =	shalt  }
0x4f: {  	_ =	shalt  }
0x50: {  	_ =	shalt  }
0x51: {  	_ =	shalt  }
0x52: {  	_ =	shalt  }
0x53: {  	_ =	shalt  }
0x54: {  	_ =	shalt  }
0x55: {  	_ =	shalt  }
0x56: {  	_ =	shalt  }
0x57: {  	_ =	shalt  }
0x58: {  	_ =	shalt  }
0x59: {  	_ =	shalt  }
0x5a: {  	_ =	shalt  }
0x5b: {  	_ =	shalt  }
0x5c: {  	_ =	shalt  }
0x5d: {  	_ =	shalt  }
0x5e: {  	_ =	shalt  }
0x5f: {  	_ =	shalt  }
0x60: {  	_ =	shalt  }
0x61: {  	_ =	shalt  }
0x62: {  	_ =	shalt  }
0x63: {  	_ =	shalt  }
0x64: {  	_ =	shalt  }
0x65: {  	_ =	shalt  }
0x66: {  	_ =	shalt  }
0x67: {  	_ =	shalt  }
0x68: {  	_ =	shalt  }
0x69: {  	_ =	shalt  }
0x6a: {  	_ =	shalt  }
0x6b: {  	_ =	shalt  }
0x6c: {  	_ =	shalt  }
0x6d: {  	_ =	shalt  }
0x6e: {  	_ =	shalt  }
0x6f: {  	_ =	shalt  }
0x70: {  	_ =	shalt  }
0x71: {  	_ =	shalt  }
0x72: {  	_ =	shalt  }
0x73: {  	_ =	shalt  }
0x74: {  	_ =	shalt  }
0x75: {  	_ =	shalt  }
0x76: {  	_ =	shalt  }
0x77: {  	_ =	shalt  }
0x78: {  	_ =	shalt  }
0x79: {  	_ =	shalt  }
0x7a: {  	_ =	shalt  }
0x7b: {  	_ =	shalt  }
0x7c: {  	_ =	shalt  }
0x7d: {  	_ =	shalt  }
0x7e: {  	_ =	shalt  }
0x7f: {  	_ =	shalt  }
0x80: {  	_ =	shalt  }
0x81: {  	_ =	shalt  }
0x82: {  	_ =	shalt  }
0x83: {  	_ =	shalt  }
0x84: {  	_ =	shalt  }
0x85: {  	_ =	shalt  }
0x86: {  	_ =	shalt  }
0x87: {  	_ =	shalt  }
.Lfunc_end0:
.L_simem_size_0:
called_computation_lowered:
.L_overlay_start_0:
0x88: {  	s2 =	sld [smem:$0x3FD9]  }
0x89: {  	s3 =	sld [smem:$0x3FFE];
	_ =	sdelay $0x1  }
0x8a: {  	s1 =	srdreg.scid  }
0x8b: {  	s0 =	sand.u32 $0x1, s1  }
0x8c: {  	s17 =	sshll.u32 s0, $0xA;
	s2 =	sadd.s32 s3, s2  }
0x8d: {  	s2 =	sadd.s32 s2, s17  }
0x8e: {  	[smem:$0x3FBA] =	sst s2  }
0x8f: {  	_ = 	snop  }
0x90: {  	s2 =	sld [smem:$0x3FD0];
	(tm) =	ssettm $0x1  }
0x91: {  	s18 =	sld [smem:$0x3FFB];
	_ =	sdelay $0x3  }
0x92: {  	_ =	strace s18  }
0x93: {  	s3 =	sld [smem:$0x3FFC];
	_ =	sdelay $0x3  }
0x94: {  	_ =	strace s3  }
0x95: {  	s3 =	sld [smem:$0x3FFD];
	_ =	sdelay $0x3  }
0x96: {  	_ =	strace s3  }
0x97: {  	_ =	strace $0x8FFFFFFF  }
0x98: {  	s19 =	sld [smem:$0x3FDB];
	_ =	sdelay $0x1  }
0x99: {  	s4 =	simm.s32 $_scs_section_size  }
0x9a: {  	s5 =	simm.s32 $_size__tile_overlayer_lowered;
	s6 =	simm.s32 $_tile_overlayer_lowered  }
0x9b: {  	s22 =	simm.s32 $0x1BFF;
	s21 =	sshll.u32 s6, $0x1;
	s3 =	sadd.s32 s4, s19  }
0x9c: {  	s7 =	simm.s32 $0x0;
	s20 =	sshll.u32 s5, $0x1;
	s5 =	sadd.s32 s21, s3  }
0x9d: {  	[timem:s7], [sflag:s22] =	dma.local [hbm:s5], s20  }
0x9e: {  	_ =	swait.ge [sflag:s22], s20  }
0x9f: {  	s4 =	ssub.s32 $0x0, s20;
	[sflag:s22] =	ssyncset.done $0x0  }
0xa0: {  	[sflag:s22] =	ssyncadd.s32 s4;
	_ =	sdelay $0x1  }
0xa1: {  	s23 =	simm.s32 $0x1B8B  }
0xa2: {  	_ =	swait.ge [sflag:s23], $0x1  }
0xa3: {  	[sflag:s23] =	ssyncset.done $0x0  }
0xa4: {  	s25 =	simm.s32 $0x1B8E;
	s24 =	sld [smem:$0x3FFE];
	[sflag:s23] =	ssyncadd.s32 $0xFFFFFFFF  }
0xa5: {  	s26 =	simm.s32 $execute0_lowered;
	[smem:$0x3FD2] =	sst s25  }
0xa6: {  	s5 =	sshll.u32 s26, $0x1;
	_ =	strace $0x80000046;
	[dreg:$0x1] =	wrdreg $0xFFFFFFFF  }
0xa7: {  	s28 =	simm.s32 $_size_execute0_lowered;
	s3 =	sadd.s32 s3, s5;
	[dreg:$0x0] =	wrdreg $0x0  }
0xa8: {  	s5 =	sshll.u32 s28, $0x1;
	[dreg:$0x2] =	wrdreg s3  }
0xa9: {  	[dreg:$0x3] =	wrdreg s5  }
0xaa: {  	[dreg:$0x4] =	wrdreg $0xC0  }
0xab: {  	_ =	task [dreg:s7], $0x5FFFF  }
0xac: {  	[dreg:$0x1] =	wrdreg $0xFFFFFFFF  }
0xad: {  	[dreg:$0x0] =	wrdreg $0x60  }
0xae: {  	[dreg:$0x2] =	wrdreg s24  }
0xaf: {  	[dreg:$0x3] =	wrdreg s2  }
0xb0: {  	[dreg:$0x4] =	wrdreg $0xB2000  }
0xb1: {  	[dreg:$0x5] =	wrdreg $0x9  }
0xb2: {  	_ =	task.clear_ibuf [dreg:s7], $0x6FFFF;
	_ =	strace $0x90000046  }
0xb3: {  	s29 =	simm.s32 $0x9;
	_ =	strace $0x80000048  }
0xb4: {  	_ =	swait.ge [sflag:s29], $0x1  }
0xb5: {  	[sflag:s29] =	ssyncadd.s32 $0xFFFFFFFF  }
0xb6: {  	_ =	strace $0x90000048  }
0xb7: {  	_ =	sfence  }
0xb8: {  	s30 =	sld [smem:$0x0];
	_ =	sdelay $0x2  }
0xb9: {  	s31 =	sshll.u32 s1, $0xD;
	s1 =	sshrl.u32 s1, $0x2  }
0xba: {  	s3 =	sand.u32 $0x4000, s31;
	s1 =	sadd.s32 s1, s30  }
0xbb: {  	s0 =	sor.u32 s3, s0;
	s1 =	sshll.u32 s1, $0x11  }
0xbc: {  	s0 =	sor.u32 s1, s0  }
0xbd: {  	s0 =	sadd.s32 $0x8F2B, s0  }
0xbe: {  	[sflag:s0] =	ssyncadd.remote.s32 $0x1  }
0xbf: {  	_ =	sfence.sel $0xFFFF  }
0xc0: {  	[dreg:$0x0] =	wrdreg $0xFFFFFFFF;
	(pc) =	sbr.abs _section_cstart, $3  }
0xc1: {  	[dreg:$0x1] =	wrdreg $0xFFFFFFFF  }
0xc2: {  	_ =	task.clear_ibuf [dreg:s7], $0x2FFFF;
	_ =	strace $0x9FFFFFFF  }
0xc3: {  	(tm) =	ssettm $0x7FFFFFFF  }
tec
execute0_lowered:
.L_overlay_start_1:
0x0: {  	(tag) =	ssettag $0x1  }
0x1: {  	s0 =	rddreg [dreg:$0x0]  }
0x2: {  	s2 =	rddreg [dreg:$0x2];
	s1 =	srdreg.scid  }
0x3: {  	s3 =	simm.s32 $0x0;
	s13 =	stileid.u32;
	s31 =	stileid.u32  }
0x4: {  	[smem:$0x7FF] =	sst s3;
	s4 =	sadd.s32 $0xD200, s0;
	s7 =	sadd.s32 $0x9C7200, s0  }
0x5: {  	s6 =	sadd.s32 $0x34400, s0;
	s8 =	sadd.s32 $0xC38200, s0;
	s11 =	smul.u32 $0x280, s13  }
0x6: {  	s1 =	sand.u32 $0x1, s1;
	s9 =	sadd.s32 $0x8200, s0;
	s13 =	smul.u32 $0x50000, s13  }
0x7: {  	s10 =	sadd.s32 $0x3200, s0;
	s0 =	sadd.s32 $0x5B600, s0;
	s31 =	smul.u32 $0x2710, s31  }
0x8: {  	_ =	strace $0x80000047;
	s5 =	ssub.s32 $0x2, s1;
	[dreg:$0x4] =	wrdreg s0  }
0x9: {  	p0 =	seq.s32 s1, $0x1;
	s12 =	sshrl.u32 s5, $0x1;
	s28 =	sor.u32 $0x20, s11  }
0xa: {  	s29 =	sshrl.u32 s13, $0x2;
	s13 =	sor.u32 $0x40, s11;
	s15 =	sadd.s32 $0x80, s11  }
0xb: {  	s16 =	sadd.s32 $0xA0, s11;
	s26 =	ssub.s32 s5, s12;
	[smem:$0x7E6] =	sst s28  }
0xc: {  	s14 =	sshll.u32 s28, $0x7;
	s0 =	sadd.s32 s29, s2;
	[smem:$0x7FB] =	sst s26  }
0xd: {  	s5 =	sshll.u32 s13, $0x7;
	s13 =	sshll.u32 s13, $0x4;
	[dreg:$0x5] =	wrdreg s0  }
0xe: {  	s17 =	sshll.u32 s15, $0x7;
	s15 =	sshll.u32 s15, $0x4;
	[dreg:$0x1e] =	wrdreg s13  }
0xf: {  	s19 =	sshll.u32 s16, $0x7;
	s16 =	sshll.u32 s16, $0x4;
	[smem:$0x7E7] =	sst s15  }
0x10: {  	s30 =	sadd.s32 s14, s2;
	s0 =	sadd.s32 s5, s2;
	[smem:$0x7E8] =	sst s16  }
0x11: {  	s14 =	sor.u32 $0x60, s11;
	s18 =	sadd.s32 s17, s2;
	[dreg:$0x6] =	wrdreg s30  }
0x12: {  	s17 =	sadd.s32 $0xC0, s11;
	[dreg:$0x7] =	wrdreg s0;
	s12 =	sshll.u32 s14, $0x7  }
0x13: {  	[dreg:$0x9] =	wrdreg s18;
	s18 =	sadd.s32 $0xE0, s11;
	s14 =	sshll.u32 s14, $0x4  }
0x14: {  	s20 =	sshll.u32 s17, $0x7;
	s17 =	sshll.u32 s17, $0x4;
	[dreg:$0x1f] =	wrdreg s14  }
0x15: {  	s0 =	sadd.s32 s12, s2;
	s21 =	sshll.u32 s18, $0x7;
	[smem:$0x7E9] =	sst s17  }
0x16: {  	[dreg:$0x8] =	wrdreg s0;
	s0 =	sadd.s32 s19, s2;
	s22 =	sadd.s32 s21, s2  }
0x17: {  	s19 =	sadd.s32 $0x100, s11;
	s21 =	sadd.s32 $0x140, s11;
	[dreg:$0xa] =	wrdreg s0  }
0x18: {  	s0 =	sadd.s32 s20, s2;
	[dreg:$0xc] =	wrdreg s22;
	s23 =	sshll.u32 s19, $0x7  }
0x19: {  	s20 =	sadd.s32 $0x120, s11;
	s25 =	sshll.u32 s21, $0x7;
	s22 =	sadd.s32 $0x160, s11  }
0x1a: {  	s13 =	sshll.u32 s19, $0x4;
	s15 =	sshll.u32 s21, $0x4;
	[dreg:$0xb] =	wrdreg s0  }
0x1b: {  	s0 =	sadd.s32 s23, s2;
	s24 =	sshll.u32 s20, $0x7;
	[smem:$0x7EB] =	sst s13  }
0x1c: {  	s26 =	sadd.s32 s25, s2;
	s28 =	sshll.u32 s22, $0x7;
	[smem:$0x7ED] =	sst s15  }
0x1d: {  	s23 =	sadd.s32 $0x180, s11;
	s25 =	sadd.s32 $0x1C0, s11;
	[dreg:$0xd] =	wrdreg s0  }
0x1e: {  	s14 =	sshll.u32 s20, $0x4;
	s16 =	sshll.u32 s22, $0x4;
	[dreg:$0xf] =	wrdreg s26  }
0x1f: {  	s22 =	stileid.u32;
	s13 =	simm.s32 $0x100;
	[smem:$0x7EC] =	sst s14  }
0x20: {  	s15 =	simm.s32 $0x200;
	s0 =	sadd.s32 s24, s2;
	[smem:$0x7EE] =	sst s16  }
0x21: {  	s24 =	sadd.s32 $0x1A0, s11;
	s17 =	sshll.u32 s23, $0x4;
	[dreg:$0xe] =	wrdreg s0  }
0x22: {  	s29 =	sshll.u32 s23, $0x7;
	s19 =	sshll.u32 s25, $0x4;
	[smem:$0x7EF] =	sst s17  }
0x23: {  	s26 =	sadd.s32 $0x1E0, s11;
	s0 =	sadd.s32 s28, s2;
	[smem:$0x7F1] =	sst s19  }
0x24: {  	s23 =	smul.u32 $0x27100, s22;
	s20 =	sshll.u32 s26, $0x4;
	[dreg:$0x10] =	wrdreg s0  }
0x25: {  	s30 =	sshll.u32 s24, $0x7;
	s0 =	sadd.s32 s29, s2;
	[smem:$0x7F2] =	sst s20  }
0x26: {  	s28 =	sadd.s32 $0x200, s11;
	s5 =	sadd.s32 s30, s2;
	[dreg:$0x11] =	wrdreg s0  }
0x27: {  	s12 =	sshll.u32 s25, $0x7;
	s21 =	sshll.u32 s28, $0x4;
	[dreg:$0x12] =	wrdreg s5  }
0x28: {  	s29 =	sshll.u32 s26, $0x7;
	s26 =	sadd.s32 s7, s23;
	[smem:$0x7F3] =	sst s21  }
0x29: {  	s30 =	sshll.u32 s28, $0x7;
	s28 =	sadd.s32 s8, s23;
	[smem:$0x7F7] =	sst s26  }
0x2a: {  	s0 =	sadd.s32 s12, s2;
	s5 =	sadd.s32 s30, s2;
	[smem:$0x7F8] =	sst s28  }
0x2b: {  	s30 =	sadd.s32 $0x240, s11;
	[dreg:$0x13] =	wrdreg s0;
	s0 =	sadd.s32 s29, s2  }
0x2c: {  	[dreg:$0x15] =	wrdreg s5;
	s29 =	sadd.s32 $0x220, s11;
	s1 =	sshll.u32 s30, $0x7  }
0x2d: {  	s25 =	sshll.u32 s30, $0x4;
	s30 =	sld [smem:$0x7FB];
	s12 =	sshll.u32 s29, $0x7  }
0x2e: {  	s5 =	sadd.s32 $0x260, s11;
	[dreg:$0x14] =	wrdreg s0;
	s0 =	sadd.s32 s12, s2  }
0x2f: {  	s11 =	sshll.u32 s5, $0x7;
	[dreg:$0x16] =	wrdreg s0;
	s0 =	sadd.s32 s1, s2  }
0x30: {  	[dreg:$0x17] =	wrdreg s0;
	s0 =	sadd.s32 s11, s2;
	s11 =	sshrl.u32 s31, $0x3  }
0x31: {  	s1 =	sadd.s32 $0x50, s31;
	[dreg:$0x18] =	wrdreg s0;
	s12 =	sadd.s32 s9, s11  }
0x32: {  	s0 =	sshrl.u32 s1, $0x3;
	s11 =	sadd.s32 s10, s11;
	[dreg:$0x19] =	wrdreg s12  }
0x33: {  	[dreg:$0x1a] =	wrdreg s11;
	s12 =	sadd.s32 s9, s0;
	s0 =	sadd.s32 s10, s0  }
0x34: {  	s14 =	simm.s32 $0x50;
	s11 =	sadd.s32 $0xF0, s31;
	[dreg:$0x1c] =	wrdreg s0  }
0x35: {  	s0 =	sshll.u32 s1, $0x4;
	s1 =	sadd.s32 $0xA0, s31;
	s31 =	sld [smem:$0x7E6]  }
0x36: {  	s16 =	simm.s32 $0x5200;
	[smem:$0x7F5] =	sst s25;
	s5 =	sshll.u32 s5, $0x4  }
0x37: {  	s17 =	simm.s32 $0x80;
	s19 =	simm.s32 $0x2A00;
	[smem:$0x7F6] =	sst s5  }
0x38: {  	s20 =	simm.s32 $0x7A00;
	[dreg:$0x1b] =	wrdreg s12;
	s12 =	sshll.u32 s31, $0x4  }
0x39: {  	s23 =	simm.s32 $0x2;
	s31 =	sshll.u32 s18, $0x4;
	[dreg:$0x1d] =	wrdreg s12  }
0x3a: {  	s21 =	simm.s32 $0x1;
	s18 =	sshll.u32 s24, $0x4;
	[smem:$0x7EA] =	sst s31  }
0x3b: {  	s25 =	simm.s32 $0x0;
	s24 =	sshll.u32 s29, $0x4;
	[smem:$0x7F0] =	sst s18  }
.Ltmp0:
0x3c: {  	s29 =	sadd.s32 s7, s0;
	[smem:$0x7F4] =	sst s24;
	(pc) =	sbr.rel .LBB2_1-.Ltmp0, $4  }
0x3d: {  	s5 =	simm.s32 $0xA200;
	s0 =	sadd.s32 s8, s0;
	[smem:$0x7F9] =	sst s29  }
0x3e: {  	[smem:$0x7FA] =	sst s0;
	s0 =	smax.u32 s30, $0x1;
	s31 =	smul.u32 $0x2800, s22  }
0x3f: {  	s12 =	simm.s32 $0x5;
	s18 =	simm.s32 $0x180;
	[smem:$0x7FC] =	sst s0  }
0x40: {  	v0 =	vimm.f32 $0.0e+00;
	s22 =	simm.s32 $0x3;
	s24 =	simm.s32 $0x4;
	[smem:$0x7FD] =	sst s31  }
.LBB2_24:
0x41: {  	[spmem:s2] =	stream.indirect.scatter.add.f32 [tilespmem:s16], [sflag:$0x5], $0x80, s13, s14, $0xb8;
	[tilespmem:$0x1F200] =	vst v63  }
0x42: {  	_ =	swait.ge [sflag:s12], $0x2800  }
0x43: {  	[sflag:s12] =	ssyncset.done $0x0  }
0x44: {  	[sflag:s12] =	ssyncadd.s32 $0xFFFFD800  }
0x45: {  	[bflag:$0x0] =	sbarrier.arrive $0xFFFF  }
0x46: {  	s0 =	rddreg [dreg:$0x5]  }
0x47: {  	[tilespmem:s5], [sflag:$0x1] =	stream.linear.gather [spmem:s0], $0x1000, $0x38;
	[tilespmem:$0x1F200] =	vst v63  }
0x48: {  	_ =	swait.ge [sflag:s21], $0x1000  }
0x49: {  	s28 =	sld [smem:$0x7FD];
	_ =	sdelay $0x1  }
0x4a: {  	[sflag:s21] =	ssyncset.done $0x0  }
0x4b: {  	[sflag:s21] =	ssyncadd.s32 $0xFFFFF000;
	s0 =	sadd.s32 s26, s28  }
0x4c: {  	[hbm4b:s0+s3] =	stream.linear.scatter [tilespmem:s5], [sflag:$0x5], $0x1000, $0x38;
	[tilespmem:$0x1F200] =	vst v63  }
0x4d: {  	_ =	swait.ge [sflag:s12], $0x1000  }
0x4e: {  	[sflag:s12] =	ssyncset.done $0x0  }
0x4f: {  	s29 =	rddreg [dreg:$0x6];
	[sflag:s12] =	ssyncadd.s32 $0xFFFFF000  }
0x50: {  	[tilespmem:s5], [sflag:$0x1] =	stream.linear.gather [spmem:s29], $0x1000, $0x38;
	[tilespmem:$0x1F200] =	vst v63  }
0x51: {  	_ =	swait.ge [sflag:s21], $0x1000  }
0x52: {  	[sflag:s21] =	ssyncset.done $0x0;
	s30 =	rddreg [dreg:$0x1d]  }
0x53: {  	s0 =	sadd.s32 s26, s30;
	[sflag:s21] =	ssyncadd.s32 $0xFFFFF000  }
0x54: {  	[hbm4b:s0+s3] =	stream.linear.scatter [tilespmem:s5], [sflag:$0x5], $0x1000, $0x38;
	[tilespmem:$0x1F200] =	vst v63  }
0x55: {  	_ =	swait.ge [sflag:s12], $0x1000  }
0x56: {  	[sflag:s12] =	ssyncset.done $0x0  }
0x57: {  	s31 =	rddreg [dreg:$0x7];
	[sflag:s12] =	ssyncadd.s32 $0xFFFFF000  }
0x58: {  	[tilespmem:s5], [sflag:$0x1] =	stream.linear.gather [spmem:s31], $0x1000, $0x38;
	[tilespmem:$0x1F200] =	vst v63  }
0x59: {  	_ =	swait.ge [sflag:s21], $0x1000  }
0x5a: {  	[sflag:s21] =	ssyncset.done $0x0;
	s28 =	rddreg [dreg:$0x1e]  }
0x5b: {  	s0 =	sadd.s32 s26, s28;
	[sflag:s21] =	ssyncadd.s32 $0xFFFFF000  }
0x5c: {  	[hbm4b:s0+s3] =	stream.linear.scatter [tilespmem:s5], [sflag:$0x5], $0x1000, $0x38;
	[tilespmem:$0x1F200] =	vst v63  }
0x5d: {  	_ =	swait.ge [sflag:s12], $0x1000  }
0x5e: {  	[sflag:s12] =	ssyncset.done $0x0  }
0x5f: {  	s29 =	rddreg [dreg:$0x8];
	[sflag:s12] =	ssyncadd.s32 $0xFFFFF000  }
0x60: {  	[tilespmem:s5], [sflag:$0x1] =	stream.linear.gather [spmem:s29], $0x1000, $0x38;
	[tilespmem:$0x1F200] =	vst v63  }
0x61: {  	_ =	swait.ge [sflag:s21], $0x1000  }
0x62: {  	[sflag:s21] =	ssyncset.done $0x0;
	s30 =	rddreg [dreg:$0x1f]  }
0x63: {  	s0 =	sadd.s32 s26, s30;
	[sflag:s21] =	ssyncadd.s32 $0xFFFFF000  }
0x64: {  	[hbm4b:s0+s3] =	stream.linear.scatter [tilespmem:s5], [sflag:$0x5], $0x1000, $0x38;
	[tilespmem:$0x1F200] =	vst v63  }
0x65: {  	_ =	swait.ge [sflag:s12], $0x1000  }
0x66: {  	[sflag:s12] =	ssyncset.done $0x0  }
0x67: {  	s31 =	rddreg [dreg:$0x9];
	[sflag:s12] =	ssyncadd.s32 $0xFFFFF000  }
0x68: {  	[tilespmem:s5], [sflag:$0x1] =	stream.linear.gather [spmem:s31], $0x1000, $0x38;
	[tilespmem:$0x1F200] =	vst v63  }
0x69: {  	_ =	swait.ge [sflag:s21], $0x1000  }
0x6a: {  	s28 =	sld [smem:$0x7E7];
	_ =	sdelay $0x1  }
0x6b: {  	[sflag:s21] =	ssyncset.done $0x0  }
0x6c: {  	[sflag:s21] =	ssyncadd.s32 $0xFFFFF000;
	s0 =	sadd.s32 s26, s28  }
0x6d: {  	[hbm4b:s0+s3] =	stream.linear.scatter [tilespmem:s5], [sflag:$0x5], $0x1000, $0x38;
	[tilespmem:$0x1F200] =	vst v63  }
0x6e: {  	_ =	swait.ge [sflag:s12], $0x1000  }
0x6f: {  	[sflag:s12] =	ssyncset.done $0x0  }
0x70: {  	s29 =	rddreg [dreg:$0xa];
	[sflag:s12] =	ssyncadd.s32 $0xFFFFF000  }
0x71: {  	[tilespmem:s5], [sflag:$0x1] =	stream.linear.gather [spmem:s29], $0x1000, $0x38;
	[tilespmem:$0x1F200] =	vst v63  }
0x72: {  	_ =	swait.ge [sflag:s21], $0x1000  }
0x73: {  	s30 =	sld [smem:$0x7E8];
	_ =	sdelay $0x1  }
0x74: {  	[sflag:s21] =	ssyncset.done $0x0  }
0x75: {  	[sflag:s21] =	ssyncadd.s32 $0xFFFFF000;
	s0 =	sadd.s32 s26, s30  }
0x76: {  	[hbm4b:s0+s3] =	stream.linear.scatter [tilespmem:s5], [sflag:$0x5], $0x1000, $0x38;
	[tilespmem:$0x1F200] =	vst v63  }
0x77: {  	_ =	swait.ge [sflag:s12], $0x1000  }
0x78: {  	[sflag:s12] =	ssyncset.done $0x0  }
0x79: {  	s31 =	rddreg [dreg:$0xb];
	[sflag:s12] =	ssyncadd.s32 $0xFFFFF000  }
0x7a: {  	[tilespmem:s5], [sflag:$0x1] =	stream.linear.gather [spmem:s31], $0x1000, $0x38;
	[tilespmem:$0x1F200] =	vst v63  }
0x7b: {  	_ =	swait.ge [sflag:s21], $0x1000  }
0x7c: {  	s28 =	sld [smem:$0x7E9];
	_ =	sdelay $0x1  }
0x7d: {  	[sflag:s21] =	ssyncset.done $0x0  }
0x7e: {  	[sflag:s21] =	ssyncadd.s32 $0xFFFFF000;
	s0 =	sadd.s32 s26, s28  }
0x7f: {  	[hbm4b:s0+s3] =	stream.linear.scatter [tilespmem:s5], [sflag:$0x5], $0x1000, $0x38;
	[tilespmem:$0x1F200] =	vst v63  }
0x80: {  	_ =	swait.ge [sflag:s12], $0x1000  }
0x81: {  	[sflag:s12] =	ssyncset.done $0x0  }
0x82: {  	s29 =	rddreg [dreg:$0xc];
	[sflag:s12] =	ssyncadd.s32 $0xFFFFF000  }
0x83: {  	[tilespmem:s5], [sflag:$0x1] =	stream.linear.gather [spmem:s29], $0x1000, $0x38;
	[tilespmem:$0x1F200] =	vst v63  }
0x84: {  	_ =	swait.ge [sflag:s21], $0x1000  }
0x85: {  	s30 =	sld [smem:$0x7EA];
	_ =	sdelay $0x1  }
0x86: {  	[sflag:s21] =	ssyncset.done $0x0  }
0x87: {  	[sflag:s21] =	ssyncadd.s32 $0xFFFFF000;
	s0 =	sadd.s32 s26, s30  }
0x88: {  	[hbm4b:s0+s3] =	stream.linear.scatter [tilespmem:s5], [sflag:$0x5], $0x1000, $0x38;
	[tilespmem:$0x1F200] =	vst v63  }
0x89: {  	_ =	swait.ge [sflag:s12], $0x1000  }
0x8a: {  	[sflag:s12] =	ssyncset.done $0x0  }
0x8b: {  	s31 =	rddreg [dreg:$0xd];
	[sflag:s12] =	ssyncadd.s32 $0xFFFFF000  }
0x8c: {  	[tilespmem:s5], [sflag:$0x1] =	stream.linear.gather [spmem:s31], $0x1000, $0x38;
	[tilespmem:$0x1F200] =	vst v63  }
0x8d: {  	_ =	swait.ge [sflag:s21], $0x1000  }
0x8e: {  	s28 =	sld [smem:$0x7EB];
	_ =	sdelay $0x1  }
0x8f: {  	[sflag:s21] =	ssyncset.done $0x0  }
0x90: {  	[sflag:s21] =	ssyncadd.s32 $0xFFFFF000;
	s0 =	sadd.s32 s26, s28  }
0x91: {  	[hbm4b:s0+s3] =	stream.linear.scatter [tilespmem:s5], [sflag:$0x5], $0x1000, $0x38;
	[tilespmem:$0x1F200] =	vst v63  }
0x92: {  	_ =	swait.ge [sflag:s12], $0x1000  }
0x93: {  	[sflag:s12] =	ssyncset.done $0x0  }
0x94: {  	s29 =	rddreg [dreg:$0xe];
	[sflag:s12] =	ssyncadd.s32 $0xFFFFF000  }
0x95: {  	[tilespmem:s5], [sflag:$0x1] =	stream.linear.gather [spmem:s29], $0x1000, $0x38;
	[tilespmem:$0x1F200] =	vst v63  }
0x96: {  	_ =	swait.ge [sflag:s21], $0x1000  }
0x97: {  	s30 =	sld [smem:$0x7EC];
	_ =	sdelay $0x1  }
0x98: {  	[sflag:s21] =	ssyncset.done $0x0  }
0x99: {  	[sflag:s21] =	ssyncadd.s32 $0xFFFFF000;
	s0 =	sadd.s32 s26, s30  }
0x9a: {  	[hbm4b:s0+s3] =	stream.linear.scatter [tilespmem:s5], [sflag:$0x5], $0x1000, $0x38;
	[tilespmem:$0x1F200] =	vst v63  }
0x9b: {  	_ =	swait.ge [sflag:s12], $0x1000  }
0x9c: {  	[sflag:s12] =	ssyncset.done $0x0  }
0x9d: {  	s31 =	rddreg [dreg:$0xf];
	[sflag:s12] =	ssyncadd.s32 $0xFFFFF000  }
0x9e: {  	[tilespmem:s5], [sflag:$0x1] =	stream.linear.gather [spmem:s31], $0x1000, $0x38;
	[tilespmem:$0x1F200] =	vst v63  }
0x9f: {  	_ =	swait.ge [sflag:s21], $0x1000  }
0xa0: {  	s28 =	sld [smem:$0x7ED];
	_ =	sdelay $0x1  }
0xa1: {  	[sflag:s21] =	ssyncset.done $0x0  }
0xa2: {  	[sflag:s21] =	ssyncadd.s32 $0xFFFFF000;
	s0 =	sadd.s32 s26, s28  }
0xa3: {  	[hbm4b:s0+s3] =	stream.linear.scatter [tilespmem:s5], [sflag:$0x5], $0x1000, $0x38;
	[tilespmem:$0x1F200] =	vst v63  }
0xa4: {  	_ =	swait.ge [sflag:s12], $0x1000  }
0xa5: {  	[sflag:s12] =	ssyncset.done $0x0  }
0xa6: {  	s29 =	rddreg [dreg:$0x10];
	[sflag:s12] =	ssyncadd.s32 $0xFFFFF000  }
0xa7: {  	[tilespmem:s5], [sflag:$0x1] =	stream.linear.gather [spmem:s29], $0x1000, $0x38;
	[tilespmem:$0x1F200] =	vst v63  }
0xa8: {  	_ =	swait.ge [sflag:s21], $0x1000  }
0xa9: {  	s30 =	sld [smem:$0x7EE];
	_ =	sdelay $0x1  }
0xaa: {  	[sflag:s21] =	ssyncset.done $0x0  }
0xab: {  	[sflag:s21] =	ssyncadd.s32 $0xFFFFF000;
	s0 =	sadd.s32 s26, s30  }
0xac: {  	[hbm4b:s0+s3] =	stream.linear.scatter [tilespmem:s5], [sflag:$0x5], $0x1000, $0x38;
	[tilespmem:$0x1F200] =	vst v63  }
0xad: {  	_ =	swait.ge [sflag:s12], $0x1000  }
0xae: {  	[sflag:s12] =	ssyncset.done $0x0  }
0xaf: {  	s31 =	rddreg [dreg:$0x11];
	[sflag:s12] =	ssyncadd.s32 $0xFFFFF000  }
0xb0: {  	[tilespmem:s5], [sflag:$0x1] =	stream.linear.gather [spmem:s31], $0x1000, $0x38;
	[tilespmem:$0x1F200] =	vst v63  }
0xb1: {  	_ =	swait.ge [sflag:s21], $0x1000  }
0xb2: {  	s28 =	sld [smem:$0x7EF];
	_ =	sdelay $0x1  }
0xb3: {  	[sflag:s21] =	ssyncset.done $0x0  }
0xb4: {  	[sflag:s21] =	ssyncadd.s32 $0xFFFFF000;
	s0 =	sadd.s32 s26, s28  }
0xb5: {  	[hbm4b:s0+s3] =	stream.linear.scatter [tilespmem:s5], [sflag:$0x5], $0x1000, $0x38;
	[tilespmem:$0x1F200] =	vst v63  }
0xb6: {  	_ =	swait.ge [sflag:s12], $0x1000  }
0xb7: {  	[sflag:s12] =	ssyncset.done $0x0  }
0xb8: {  	s29 =	rddreg [dreg:$0x12];
	[sflag:s12] =	ssyncadd.s32 $0xFFFFF000  }
0xb9: {  	[tilespmem:s5], [sflag:$0x1] =	stream.linear.gather [spmem:s29], $0x1000, $0x38;
	[tilespmem:$0x1F200] =	vst v63  }
0xba: {  	_ =	swait.ge [sflag:s21], $0x1000  }
0xbb: {  	s30 =	sld [smem:$0x7F0];
	_ =	sdelay $0x1  }
0xbc: {  	[sflag:s21] =	ssyncset.done $0x0  }
0xbd: {  	[sflag:s21] =	ssyncadd.s32 $0xFFFFF000;
	s0 =	sadd.s32 s26, s30  }
0xbe: {  	[hbm4b:s0+s3] =	stream.linear.scatter [tilespmem:s5], [sflag:$0x5], $0x1000, $0x38;
	[tilespmem:$0x1F200] =	vst v63  }
0xbf: {  	_ =	swait.ge [sflag:s12], $0x1000  }
0xc0: {  	[sflag:s12] =	ssyncset.done $0x0  }
0xc1: {  	s31 =	rddreg [dreg:$0x13];
	[sflag:s12] =	ssyncadd.s32 $0xFFFFF000  }
0xc2: {  	[tilespmem:s5], [sflag:$0x1] =	stream.linear.gather [spmem:s31], $0x1000, $0x38;
	[tilespmem:$0x1F200] =	vst v63  }
0xc3: {  	_ =	swait.ge [sflag:s21], $0x1000  }
0xc4: {  	s28 =	sld [smem:$0x7F1];
	_ =	sdelay $0x1  }
0xc5: {  	[sflag:s21] =	ssyncset.done $0x0  }
0xc6: {  	[sflag:s21] =	ssyncadd.s32 $0xFFFFF000;
	s0 =	sadd.s32 s26, s28  }
0xc7: {  	[hbm4b:s0+s3] =	stream.linear.scatter [tilespmem:s5], [sflag:$0x5], $0x1000, $0x38;
	[tilespmem:$0x1F200] =	vst v63  }
0xc8: {  	_ =	swait.ge [sflag:s12], $0x1000  }
0xc9: {  	[sflag:s12] =	ssyncset.done $0x0  }
0xca: {  	s29 =	rddreg [dreg:$0x14];
	[sflag:s12] =	ssyncadd.s32 $0xFFFFF000  }
0xcb: {  	[tilespmem:s5], [sflag:$0x1] =	stream.linear.gather [spmem:s29], $0x1000, $0x38;
	[tilespmem:$0x1F200] =	vst v63  }
0xcc: {  	_ =	swait.ge [sflag:s21], $0x1000  }
0xcd: {  	s30 =	sld [smem:$0x7F2];
	_ =	sdelay $0x1  }
0xce: {  	[sflag:s21] =	ssyncset.done $0x0  }
0xcf: {  	[sflag:s21] =	ssyncadd.s32 $0xFFFFF000;
	s0 =	sadd.s32 s26, s30  }
0xd0: {  	[hbm4b:s0+s3] =	stream.linear.scatter [tilespmem:s5], [sflag:$0x5], $0x1000, $0x38;
	[tilespmem:$0x1F200] =	vst v63  }
0xd1: {  	_ =	swait.ge [sflag:s12], $0x1000  }
0xd2: {  	[sflag:s12] =	ssyncset.done $0x0  }
0xd3: {  	s31 =	rddreg [dreg:$0x15];
	[sflag:s12] =	ssyncadd.s32 $0xFFFFF000  }
0xd4: {  	[tilespmem:s5], [sflag:$0x1] =	stream.linear.gather [spmem:s31], $0x1000, $0x38;
	[tilespmem:$0x1F200] =	vst v63  }
0xd5: {  	_ =	swait.ge [sflag:s21], $0x1000  }
0xd6: {  	s28 =	sld [smem:$0x7F3];
	_ =	sdelay $0x1  }
0xd7: {  	[sflag:s21] =	ssyncset.done $0x0  }
0xd8: {  	[sflag:s21] =	ssyncadd.s32 $0xFFFFF000;
	s0 =	sadd.s32 s26, s28  }
0xd9: {  	[hbm4b:s0+s3] =	stream.linear.scatter [tilespmem:s5], [sflag:$0x5], $0x1000, $0x38;
	[tilespmem:$0x1F200] =	vst v63  }
0xda: {  	_ =	swait.ge [sflag:s12], $0x1000  }
0xdb: {  	[sflag:s12] =	ssyncset.done $0x0  }
0xdc: {  	s29 =	rddreg [dreg:$0x16];
	[sflag:s12] =	ssyncadd.s32 $0xFFFFF000  }
0xdd: {  	[tilespmem:s5], [sflag:$0x1] =	stream.linear.gather [spmem:s29], $0x1000, $0x38;
	[tilespmem:$0x1F200] =	vst v63  }
0xde: {  	_ =	swait.ge [sflag:s21], $0x1000  }
0xdf: {  	s30 =	sld [smem:$0x7F4];
	_ =	sdelay $0x1  }
0xe0: {  	[sflag:s21] =	ssyncset.done $0x0  }
0xe1: {  	[sflag:s21] =	ssyncadd.s32 $0xFFFFF000;
	s0 =	sadd.s32 s26, s30  }
0xe2: {  	[hbm4b:s0+s3] =	stream.linear.scatter [tilespmem:s5], [sflag:$0x5], $0x1000, $0x38;
	[tilespmem:$0x1F200] =	vst v63  }
0xe3: {  	_ =	swait.ge [sflag:s12], $0x1000  }
0xe4: {  	[sflag:s12] =	ssyncset.done $0x0  }
0xe5: {  	s31 =	rddreg [dreg:$0x17];
	[sflag:s12] =	ssyncadd.s32 $0xFFFFF000  }
0xe6: {  	[tilespmem:s5], [sflag:$0x1] =	stream.linear.gather [spmem:s31], $0x1000, $0x38;
	[tilespmem:$0x1F200] =	vst v63  }
0xe7: {  	_ =	swait.ge [sflag:s21], $0x1000  }
0xe8: {  	s28 =	sld [smem:$0x7F5];
	_ =	sdelay $0x1  }
0xe9: {  	[sflag:s21] =	ssyncset.done $0x0  }
0xea: {  	[sflag:s21] =	ssyncadd.s32 $0xFFFFF000;
	s0 =	sadd.s32 s26, s28  }
0xeb: {  	[hbm4b:s0+s3] =	stream.linear.scatter [tilespmem:s5], [sflag:$0x5], $0x1000, $0x38;
	[tilespmem:$0x1F200] =	vst v63  }
0xec: {  	_ =	swait.ge [sflag:s12], $0x1000  }
0xed: {  	[sflag:s12] =	ssyncset.done $0x0  }
0xee: {  	s29 =	rddreg [dreg:$0x18];
	[sflag:s12] =	ssyncadd.s32 $0xFFFFF000  }
0xef: {  	[tilespmem:s5], [sflag:$0x1] =	stream.linear.gather [spmem:s29], $0x1000, $0x38;
	[tilespmem:$0x1F200] =	vst v63  }
0xf0: {  	_ =	swait.ge [sflag:s21], $0x1000  }
0xf1: {  	s30 =	sld [smem:$0x7F6];
	_ =	sdelay $0x1  }
0xf2: {  	[sflag:s21] =	ssyncset.done $0x0  }
0xf3: {  	[sflag:s21] =	ssyncadd.s32 $0xFFFFF000;
	s0 =	sadd.s32 s26, s30  }
0xf4: {  	[hbm4b:s0+s3] =	stream.linear.scatter [tilespmem:s5], [sflag:$0x5], $0x1000, $0x38;
	[tilespmem:$0x1F200] =	vst v63  }
0xf5: {  	_ =	swait.ge [sflag:s12], $0x1000  }
0xf6: {  	s31 =	sld [smem:$0x7FC];
	_ =	sdelay $0x1  }
0xf7: {  	s25 =	sadd.s32 $0x1, s25  }
0xf8: {  	p1 =	sne.s32 s25, s31  }
.Ltmp1:
0xf9: {  	_ = 	snop;
	(pc) =	sbr.rel @!p1 .LBB2_25-.Ltmp1, $3  }
0xfa: {  	_ =	sdelay $0x1  }
0xfb: {  	[sflag:s12] =	ssyncset.done $0x0  }
0xfc: {  	[sflag:s12] =	ssyncadd.s32 $0xFFFFF000  }
.LBB2_1:
0xfd: {  	s26 =	simm.s32 $0x0;
	s28 =	simm.s32 $0x200  }
.LBB2_2:
0xfe: {  	p1 =	sne.s32 s28, $0x3E00;
	[tilespmem:s26+$0xA270] =	vst v0  }
0xff: {  	[tilespmem:s26+$0xA200] =	vst v0  }
0x100: {  	[tilespmem:s26+$0xA210] =	vst v0  }
.Ltmp2:
0x101: {  	[tilespmem:s26+$0xA220] =	vst v0;
	(pc) =	sbr.rel @p1 .LBB2_2-.Ltmp2, $4  }
0x102: {  	[tilespmem:s26+$0xA230] =	vst v0  }
0x103: {  	[tilespmem:s26+$0xA240] =	vst v0  }
0x104: {  	[tilespmem:s26+$0xA250] =	vst v0  }
0x105: {  	[tilespmem:s26+$0xA260] =	vst v0;
	s26 =	sshra.s32 s28, $0x2;
	s28 =	sadd.s32 $0x200, s28  }
0x106: {  	[tilespmem:s26+$0xA270] =	vst v0  }
0x107: {  	[tilespmem:s26+$0xA200] =	vst v0  }
0x108: {  	[tilespmem:s26+$0xA210] =	vst v0  }
0x109: {  	[tilespmem:s26+$0xA220] =	vst v0  }
0x10a: {  	[tilespmem:s26+$0xA230] =	vst v0  }
0x10b: {  	[tilespmem:s26+$0xA240] =	vst v0  }
0x10c: {  	[tilespmem:s26+$0xA250] =	vst v0  }
0x10d: {  	[tilespmem:s26+$0xA260] =	vst v0;
	s0 =	rddreg [dreg:$0x5]  }
0x10e: {  	[spmem:s0] =	stream.linear.scatter [tilespmem:s5], [sflag:$0x5], $0x1000, $0x38;
	[tilespmem:$0x1F200] =	vst v63  }
0x10f: {  	_ =	swait.ge [sflag:s12], $0x1000  }
0x110: {  	[sflag:s12] =	ssyncset.done $0x0  }
0x111: {  	s31 =	rddreg [dreg:$0x6];
	[sflag:s12] =	ssyncadd.s32 $0xFFFFF000  }
0x112: {  	[spmem:s31] =	stream.linear.scatter [tilespmem:s5], [sflag:$0x5], $0x1000, $0x38;
	[tilespmem:$0x1F200] =	vst v63  }
0x113: {  	_ =	swait.ge [sflag:s12], $0x1000  }
0x114: {  	[sflag:s12] =	ssyncset.done $0x0  }
0x115: {  	s26 =	rddreg [dreg:$0x7];
	[sflag:s12] =	ssyncadd.s32 $0xFFFFF000  }
0x116: {  	[spmem:s26] =	stream.linear.scatter [tilespmem:s5], [sflag:$0x5], $0x1000, $0x38;
	[tilespmem:$0x1F200] =	vst v63  }
0x117: {  	_ =	swait.ge [sflag:s12], $0x1000  }
0x118: {  	[sflag:s12] =	ssyncset.done $0x0  }
0x119: {  	s28 =	rddreg [dreg:$0x8];
	[sflag:s12] =	ssyncadd.s32 $0xFFFFF000  }
0x11a: {  	[spmem:s28] =	stream.linear.scatter [tilespmem:s5], [sflag:$0x5], $0x1000, $0x38;
	[tilespmem:$0x1F200] =	vst v63  }
0x11b: {  	_ =	swait.ge [sflag:s12], $0x1000  }
0x11c: {  	[sflag:s12] =	ssyncset.done $0x0  }
0x11d: {  	s29 =	rddreg [dreg:$0x9];
	[sflag:s12] =	ssyncadd.s32 $0xFFFFF000  }
0x11e: {  	[spmem:s29] =	stream.linear.scatter [tilespmem:s5], [sflag:$0x5], $0x1000, $0x38;
	[tilespmem:$0x1F200] =	vst v63  }
0x11f: {  	_ =	swait.ge [sflag:s12], $0x1000  }
0x120: {  	[sflag:s12] =	ssyncset.done $0x0  }
0x121: {  	s30 =	rddreg [dreg:$0xa];
	[sflag:s12] =	ssyncadd.s32 $0xFFFFF000  }
0x122: {  	[spmem:s30] =	stream.linear.scatter [tilespmem:s5], [sflag:$0x5], $0x1000, $0x38;
	[tilespmem:$0x1F200] =	vst v63  }
0x123: {  	_ =	swait.ge [sflag:s12], $0x1000  }
0x124: {  	[sflag:s12] =	ssyncset.done $0x0  }
0x125: {  	s31 =	rddreg [dreg:$0xb];
	[sflag:s12] =	ssyncadd.s32 $0xFFFFF000  }
0x126: {  	[spmem:s31] =	stream.linear.scatter [tilespmem:s5], [sflag:$0x5], $0x1000, $0x38;
	[tilespmem:$0x1F200] =	vst v63  }
0x127: {  	_ =	swait.ge [sflag:s12], $0x1000  }
0x128: {  	[sflag:s12] =	ssyncset.done $0x0  }
0x129: {  	s26 =	rddreg [dreg:$0xc];
	[sflag:s12] =	ssyncadd.s32 $0xFFFFF000  }
0x12a: {  	[spmem:s26] =	stream.linear.scatter [tilespmem:s5], [sflag:$0x5], $0x1000, $0x38;
	[tilespmem:$0x1F200] =	vst v63  }
0x12b: {  	_ =	swait.ge [sflag:s12], $0x1000  }
0x12c: {  	[sflag:s12] =	ssyncset.done $0x0  }
0x12d: {  	s28 =	rddreg [dreg:$0xd];
	[sflag:s12] =	ssyncadd.s32 $0xFFFFF000  }
0x12e: {  	[spmem:s28] =	stream.linear.scatter [tilespmem:s5], [sflag:$0x5], $0x1000, $0x38;
	[tilespmem:$0x1F200] =	vst v63  }
0x12f: {  	_ =	swait.ge [sflag:s12], $0x1000  }
0x130: {  	[sflag:s12] =	ssyncset.done $0x0  }
0x131: {  	s29 =	rddreg [dreg:$0xe];
	[sflag:s12] =	ssyncadd.s32 $0xFFFFF000  }
0x132: {  	[spmem:s29] =	stream.linear.scatter [tilespmem:s5], [sflag:$0x5], $0x1000, $0x38;
	[tilespmem:$0x1F200] =	vst v63  }
0x133: {  	_ =	swait.ge [sflag:s12], $0x1000  }
0x134: {  	[sflag:s12] =	ssyncset.done $0x0  }
0x135: {  	s30 =	rddreg [dreg:$0xf];
	[sflag:s12] =	ssyncadd.s32 $0xFFFFF000  }
0x136: {  	[spmem:s30] =	stream.linear.scatter [tilespmem:s5], [sflag:$0x5], $0x1000, $0x38;
	[tilespmem:$0x1F200] =	vst v63  }
0x137: {  	_ =	swait.ge [sflag:s12], $0x1000  }
0x138: {  	[sflag:s12] =	ssyncset.done $0x0  }
0x139: {  	s31 =	rddreg [dreg:$0x10];
	[sflag:s12] =	ssyncadd.s32 $0xFFFFF000  }
0x13a: {  	[spmem:s31] =	stream.linear.scatter [tilespmem:s5], [sflag:$0x5], $0x1000, $0x38;
	[tilespmem:$0x1F200] =	vst v63  }
0x13b: {  	_ =	swait.ge [sflag:s12], $0x1000  }
0x13c: {  	[sflag:s12] =	ssyncset.done $0x0  }
0x13d: {  	s26 =	rddreg [dreg:$0x11];
	[sflag:s12] =	ssyncadd.s32 $0xFFFFF000  }
0x13e: {  	[spmem:s26] =	stream.linear.scatter [tilespmem:s5], [sflag:$0x5], $0x1000, $0x38;
	[tilespmem:$0x1F200] =	vst v63  }
0x13f: {  	_ =	swait.ge [sflag:s12], $0x1000  }
0x140: {  	[sflag:s12] =	ssyncset.done $0x0  }
0x141: {  	s28 =	rddreg [dreg:$0x12];
	[sflag:s12] =	ssyncadd.s32 $0xFFFFF000  }
0x142: {  	[spmem:s28] =	stream.linear.scatter [tilespmem:s5], [sflag:$0x5], $0x1000, $0x38;
	[tilespmem:$0x1F200] =	vst v63  }
0x143: {  	_ =	swait.ge [sflag:s12], $0x1000  }
0x144: {  	[sflag:s12] =	ssyncset.done $0x0  }
0x145: {  	s29 =	rddreg [dreg:$0x13];
	[sflag:s12] =	ssyncadd.s32 $0xFFFFF000  }
0x146: {  	[spmem:s29] =	stream.linear.scatter [tilespmem:s5], [sflag:$0x5], $0x1000, $0x38;
	[tilespmem:$0x1F200] =	vst v63  }
0x147: {  	_ =	swait.ge [sflag:s12], $0x1000  }
0x148: {  	[sflag:s12] =	ssyncset.done $0x0  }
0x149: {  	s30 =	rddreg [dreg:$0x14];
	[sflag:s12] =	ssyncadd.s32 $0xFFFFF000  }
0x14a: {  	[spmem:s30] =	stream.linear.scatter [tilespmem:s5], [sflag:$0x5], $0x1000, $0x38;
	[tilespmem:$0x1F200] =	vst v63  }
0x14b: {  	_ =	swait.ge [sflag:s12], $0x1000  }
0x14c: {  	[sflag:s12] =	ssyncset.done $0x0  }
0x14d: {  	s31 =	rddreg [dreg:$0x15];
	[sflag:s12] =	ssyncadd.s32 $0xFFFFF000  }
0x14e: {  	[spmem:s31] =	stream.linear.scatter [tilespmem:s5], [sflag:$0x5], $0x1000, $0x38;
	[tilespmem:$0x1F200] =	vst v63  }
0x14f: {  	_ =	swait.ge [sflag:s12], $0x1000  }
0x150: {  	[sflag:s12] =	ssyncset.done $0x0  }
0x151: {  	s26 =	rddreg [dreg:$0x16];
	[sflag:s12] =	ssyncadd.s32 $0xFFFFF000  }
0x152: {  	[spmem:s26] =	stream.linear.scatter [tilespmem:s5], [sflag:$0x5], $0x1000, $0x38;
	[tilespmem:$0x1F200] =	vst v63  }
0x153: {  	_ =	swait.ge [sflag:s12], $0x1000  }
0x154: {  	[sflag:s12] =	ssyncset.done $0x0  }
0x155: {  	s28 =	rddreg [dreg:$0x17];
	[sflag:s12] =	ssyncadd.s32 $0xFFFFF000  }
0x156: {  	[spmem:s28] =	stream.linear.scatter [tilespmem:s5], [sflag:$0x5], $0x1000, $0x38;
	[tilespmem:$0x1F200] =	vst v63  }
0x157: {  	_ =	swait.ge [sflag:s12], $0x1000  }
0x158: {  	[sflag:s12] =	ssyncset.done $0x0  }
0x159: {  	s29 =	rddreg [dreg:$0x18];
	[sflag:s12] =	ssyncadd.s32 $0xFFFFF000  }
0x15a: {  	[spmem:s29] =	stream.linear.scatter [tilespmem:s5], [sflag:$0x5], $0x1000, $0x38;
	[tilespmem:$0x1F200] =	vst v63  }
0x15b: {  	_ =	swait.ge [sflag:s12], $0x1000  }
0x15c: {  	[sflag:s12] =	ssyncset.done $0x0  }
0x15d: {  	[sflag:s12] =	ssyncadd.s32 $0xFFFFF000  }
0x15e: {  	[bflag:$0x0] =	sbarrier.arrive $0xFFFF  }
0x15f: {  	s30 =	rddreg [dreg:$0x19]  }
0x160: {  	[tilespmem:s3], [sflag:$0x5] =	stream.linear.gather [hbm4b:s30+s3], $0x50, $0x38;
	[tilespmem:$0x1F200] =	vst v63  }
0x161: {  	_ =	swait.ge [sflag:s12], $0x50  }
0x162: {  	[sflag:s12] =	ssyncset.done $0x0  }
.Ltmp3:
0x163: {  	s31 =	rddreg [dreg:$0x1a];
	[sflag:s12] =	ssyncadd.s32 $0xFFFFFFB0;
	(pc) =	sbr.rel @!p0 .LBB2_4-.Ltmp3, $4  }
0x164: {  	[tilespmem:s13], [sflag:$0x5] =	stream.linear.gather [hbm4b:s31+s3], $0x50, $0x38;
	[tilespmem:$0x1F200] =	vst v63  }
0x165: {  	_ =	swait.ge [sflag:s12], $0x50  }
0x166: {  	[sflag:s12] =	ssyncset.done $0x0  }
0x167: {  	s26 =	simm.s32 $0x0;
	[sflag:s12] =	ssyncadd.s32 $0xFFFFFFB0  }
0x168: {  	s0 =	sld [smem:$0x7F8]  }
0x169: {  	[tilespmem:s15], [sflag:$0x1] =	stream.indirect.gather [hbm4b:s6+s14], $0x80, s26, s14, $0xb8;
	[tilespmem:$0x1F200] =	vst v63  }
0x16a: {  	_ = 	snop  }
0x16b: {  	[tilespmem:s16], [sflag:$0x3] =	stream.linear.gather [hbm4b:s0+s26], $0x2800, $0x38;
	[tilespmem:$0x1F200] =	vst v63  }
0x16c: {  	s29 =	rddreg [dreg:$0x1b]  }
0x16d: {  	[tilespmem:s17], [sflag:$0x5] =	stream.linear.gather [hbm4b:s29+s26], $0x50, $0x38;
	[tilespmem:$0x1F200] =	vst v63  }
0x16e: {  	_ =	swait.ge [sflag:s12], $0x50  }
0x16f: {  	[sflag:s12] =	ssyncset.done $0x0  }
0x170: {  	s30 =	rddreg [dreg:$0x1c];
	[sflag:s12] =	ssyncadd.s32 $0xFFFFFFB0  }
0x171: {  	[tilespmem:s18], [sflag:$0x5] =	stream.linear.gather [hbm4b:s30+s26], $0x50, $0x38;
	[tilespmem:$0x1F200] =	vst v63  }
0x172: {  	_ =	swait.ge [sflag:s12], $0x50  }
0x173: {  	[sflag:s12] =	ssyncset.done $0x0  }
0x174: {  	s31 =	sld [smem:$0x7FA];
	[sflag:s12] =	ssyncadd.s32 $0xFFFFFFB0  }
0x175: {  	[tilespmem:s19], [sflag:$0x2] =	stream.indirect.gather [hbm4b:s6+s14], $0x80, s17, s14, $0xb8;
	[tilespmem:$0x1F200] =	vst v63  }
0x176: {  	_ = 	snop  }
0x177: {  	[tilespmem:s20], [sflag:$0x4] =	stream.linear.gather [hbm4b:s31+s26], $0x2800, $0x38;
	[tilespmem:$0x1F200] =	vst v63  }
.LBB2_15:
0x178: {  	_ =	swait.ge [sflag:s21], $0x2800  }
0x179: {  	[sflag:s21] =	ssyncset.done $0x0  }
0x17a: {  	[sflag:s21] =	ssyncadd.s32 $0xFFFFD800  }
0x17b: {  	_ =	swait.ge [sflag:s22], $0x2800  }
0x17c: {  	[sflag:s22] =	ssyncset.done $0x0  }
0x17d: {  	s28 =	simm.s32 $0x0;
	[sflag:s22] =	ssyncadd.s32 $0xFFFFD800  }
0x17e: {  	v8 =	vld [tilespmem:s28+$0x200]  }
0x17f: {  	v12 =	vld [tilespmem:s28+$0x210]  }
0x180: {  	v6 =	vld [tilespmem:s28+$0x220]  }
0x181: {  	v5 =	vld [tilespmem:s28+$0x230]  }
0x182: {  	v4 =	vld [tilespmem:s28+$0x240]  }
0x183: {  	v3 =	vld [tilespmem:s28+$0x250]  }
0x184: {  	v2 =	vld [tilespmem:s28+$0x260]  }
0x185: {  	v1 =	vld [tilespmem:s28+$0x270]  }
0x186: {  	v13 =	vld [tilespmem:s28+$0x5200]  }
0x187: {  	v14 =	vld [tilespmem:s28+$0x5210]  }
0x188: {  	v11 =	vld [tilespmem:s28+$0x5220]  }
0x189: {  	v10 =	vld [tilespmem:s28+$0x5230]  }
0x18a: {  	v9 =	vld [tilespmem:s28+$0x5240]  }
0x18b: {  	v7 =	vld [tilespmem:s28+$0x5250];
	v13 =	vmul.f32 v8, v13  }
0x18c: {  	s29 =	simm.s32 $0x200;
	v12 =	vmul.f32 v12, v14;
	v8 =	vld [tilespmem:s28+$0x5260]  }
.LBB2_16:
0x18d: {  	s0 =	sshra.s32 s29, $0x2;
	p1 =	sne.s32 s29, $0x9E00;
	[tilespmem:s28+$0x5200] =	vst v13;
	v6 =	vmul.f32 v6, v11;
	v11 =	vld [tilespmem:s28+$0x5270]  }
0x18e: {  	v13 =	vld [tilespmem:s0+$0x200];
	[tilespmem:s28+$0x5210] =	vst v12;
	v5 =	vmul.f32 v5, v10  }
0x18f: {  	v12 =	vld [tilespmem:s0+$0x210];
	[tilespmem:s28+$0x5220] =	vst v6;
	v4 =	vmul.f32 v4, v9  }
0x190: {  	v6 =	vld [tilespmem:s0+$0x220];
	[tilespmem:s28+$0x5230] =	vst v5;
	v3 =	vmul.f32 v3, v7  }
0x191: {  	v5 =	vld [tilespmem:s0+$0x230];
	[tilespmem:s28+$0x5240] =	vst v4;
	v2 =	vmul.f32 v2, v8  }
0x192: {  	v4 =	vld [tilespmem:s0+$0x240];
	[tilespmem:s28+$0x5250] =	vst v3;
	v1 =	vmul.f32 v1, v11  }
0x193: {  	v3 =	vld [tilespmem:s0+$0x250];
	[tilespmem:s28+$0x5260] =	vst v2  }
0x194: {  	v2 =	vld [tilespmem:s0+$0x260];
	[tilespmem:s28+$0x5270] =	vst v1;
	s28 =	smov.u32 s0  }
0x195: {  	v1 =	vld [tilespmem:s28+$0x270]  }
0x196: {  	v7 =	vld [tilespmem:s28+$0x5200]  }
0x197: {  	v8 =	vld [tilespmem:s28+$0x5210]  }
.Ltmp4:
0x198: {  	v11 =	vld [tilespmem:s28+$0x5220];
	(pc) =	sbr.rel @p1 .LBB2_16-.Ltmp4, $4  }
0x199: {  	v10 =	vld [tilespmem:s28+$0x5230]  }
0x19a: {  	v9 =	vld [tilespmem:s28+$0x5240]  }
0x19b: {  	v13 =	vmul.f32 v13, v7;
	v7 =	vld [tilespmem:s28+$0x5250]  }
0x19c: {  	s29 =	sadd.s32 $0x200, s29;
	v12 =	vmul.f32 v12, v8;
	v8 =	vld [tilespmem:s28+$0x5260]  }
0x19d: {  	[tilespmem:s28+$0x5200] =	vst v13;
	v6 =	vmul.f32 v6, v11;
	v11 =	vld [tilespmem:s28+$0x5270]  }
0x19e: {  	[tilespmem:s28+$0x5210] =	vst v12;
	v5 =	vmul.f32 v5, v10  }
0x19f: {  	[tilespmem:s28+$0x5220] =	vst v6;
	v4 =	vmul.f32 v4, v9  }
0x1a0: {  	[tilespmem:s28+$0x5230] =	vst v5;
	v3 =	vmul.f32 v3, v7  }
0x1a1: {  	[tilespmem:s28+$0x5240] =	vst v4;
	v2 =	vmul.f32 v2, v8  }
0x1a2: {  	[tilespmem:s28+$0x5250] =	vst v3;
	v1 =	vmul.f32 v1, v11  }
0x1a3: {  	[tilespmem:s28+$0x5260] =	vst v2  }
0x1a4: {  	[tilespmem:s28+$0x5270] =	vst v1;
	s28 =	smul.u32 $0xA0, s26  }
0x1a5: {  	[spmem:s2] =	stream.indirect.scatter.add.f32 [tilespmem:s16], [sflag:$0x5], $0x80, s13, s14, $0xb8;
	[tilespmem:$0x1F200] =	vst v63  }
0x1a6: {  	_ =	swait.ge [sflag:s12], $0x2800;
	s0 =	sadd.s32 s28, s1  }
0x1a7: {  	[sflag:s12] =	ssyncset.done $0x0;
	s29 =	sshrl.u32 s0, $0x3  }
0x1a8: {  	s31 =	simm.s32 $0x0;
	[sflag:s12] =	ssyncadd.s32 $0xFFFFD800;
	s30 =	sadd.s32 s9, s29  }
0x1a9: {  	[tilespmem:s31], [sflag:$0x5] =	stream.linear.gather [hbm4b:s30+s31], $0x50, $0x38;
	[tilespmem:$0x1F200] =	vst v63  }
0x1aa: {  	_ =	swait.ge [sflag:s12], $0x50  }
0x1ab: {  	[sflag:s12] =	ssyncset.done $0x0  }
0x1ac: {  	s29 =	sadd.s32 s10, s29;
	[sflag:s12] =	ssyncadd.s32 $0xFFFFFFB0  }
0x1ad: {  	[tilespmem:s13], [sflag:$0x5] =	stream.linear.gather [hbm4b:s29+s31], $0x50, $0x38;
	[tilespmem:$0x1F200] =	vst v63  }
0x1ae: {  	_ =	swait.ge [sflag:s12], $0x50  }
0x1af: {  	[sflag:s12] =	ssyncset.done $0x0  }
0x1b0: {  	s0 =	sshll.u32 s0, $0x4;
	[sflag:s12] =	ssyncadd.s32 $0xFFFFFFB0  }
0x1b1: {  	[tilespmem:s15], [sflag:$0x1] =	stream.indirect.gather [hbm4b:s6+s14], $0x80, s31, s14, $0xb8;
	[tilespmem:$0x1F200] =	vst v63  }
0x1b2: {  	s0 =	sadd.s32 s8, s0  }
0x1b3: {  	[tilespmem:s16], [sflag:$0x3] =	stream.linear.gather [hbm4b:s0+s31], $0x2800, $0x38;
	[tilespmem:$0x1F200] =	vst v63  }
0x1b4: {  	_ =	swait.ge [sflag:s23], $0x2800  }
0x1b5: {  	[sflag:s23] =	ssyncset.done $0x0  }
0x1b6: {  	[sflag:s23] =	ssyncadd.s32 $0xFFFFD800  }
0x1b7: {  	_ =	swait.ge [sflag:s24], $0x2800  }
0x1b8: {  	[sflag:s24] =	ssyncset.done $0x0  }
0x1b9: {  	s29 =	simm.s32 $0x0;
	[sflag:s24] =	ssyncadd.s32 $0xFFFFD800  }
0x1ba: {  	v8 =	vld [tilespmem:s29+$0x2A00]  }
0x1bb: {  	v12 =	vld [tilespmem:s29+$0x2A10]  }
0x1bc: {  	v6 =	vld [tilespmem:s29+$0x2A20]  }
0x1bd: {  	v5 =	vld [tilespmem:s29+$0x2A30]  }
0x1be: {  	v4 =	vld [tilespmem:s29+$0x2A40]  }
0x1bf: {  	v3 =	vld [tilespmem:s29+$0x2A50]  }
0x1c0: {  	v2 =	vld [tilespmem:s29+$0x2A60]  }
0x1c1: {  	v1 =	vld [tilespmem:s29+$0x2A70]  }
0x1c2: {  	v13 =	vld [tilespmem:s29+$0x7A00]  }
0x1c3: {  	v14 =	vld [tilespmem:s29+$0x7A10]  }
0x1c4: {  	v11 =	vld [tilespmem:s29+$0x7A20]  }
0x1c5: {  	v10 =	vld [tilespmem:s29+$0x7A30]  }
0x1c6: {  	v9 =	vld [tilespmem:s29+$0x7A40]  }
0x1c7: {  	v7 =	vld [tilespmem:s29+$0x7A50];
	v13 =	vmul.f32 v8, v13  }
0x1c8: {  	s30 =	simm.s32 $0x200;
	v12 =	vmul.f32 v12, v14;
	v8 =	vld [tilespmem:s29+$0x7A60]  }
.LBB2_18:
0x1c9: {  	s0 =	sshra.s32 s30, $0x2;
	p1 =	sne.s32 s30, $0x9E00;
	[tilespmem:s29+$0x7A00] =	vst v13;
	v6 =	vmul.f32 v6, v11;
	v11 =	vld [tilespmem:s29+$0x7A70]  }
0x1ca: {  	v13 =	vld [tilespmem:s0+$0x2A00];
	[tilespmem:s29+$0x7A10] =	vst v12;
	v5 =	vmul.f32 v5, v10  }
0x1cb: {  	v12 =	vld [tilespmem:s0+$0x2A10];
	[tilespmem:s29+$0x7A20] =	vst v6;
	v4 =	vmul.f32 v4, v9  }
0x1cc: {  	v6 =	vld [tilespmem:s0+$0x2A20];
	[tilespmem:s29+$0x7A30] =	vst v5;
	v3 =	vmul.f32 v3, v7  }
0x1cd: {  	v5 =	vld [tilespmem:s0+$0x2A30];
	[tilespmem:s29+$0x7A40] =	vst v4;
	v2 =	vmul.f32 v2, v8  }
0x1ce: {  	v4 =	vld [tilespmem:s0+$0x2A40];
	[tilespmem:s29+$0x7A50] =	vst v3;
	v1 =	vmul.f32 v1, v11  }
0x1cf: {  	v3 =	vld [tilespmem:s0+$0x2A50];
	[tilespmem:s29+$0x7A60] =	vst v2  }
0x1d0: {  	v2 =	vld [tilespmem:s0+$0x2A60];
	[tilespmem:s29+$0x7A70] =	vst v1;
	s29 =	smov.u32 s0  }
0x1d1: {  	v1 =	vld [tilespmem:s29+$0x2A70]  }
0x1d2: {  	v7 =	vld [tilespmem:s29+$0x7A00]  }
0x1d3: {  	v8 =	vld [tilespmem:s29+$0x7A10]  }
.Ltmp5:
0x1d4: {  	v11 =	vld [tilespmem:s29+$0x7A20];
	(pc) =	sbr.rel @p1 .LBB2_18-.Ltmp5, $4  }
0x1d5: {  	v10 =	vld [tilespmem:s29+$0x7A30]  }
0x1d6: {  	v9 =	vld [tilespmem:s29+$0x7A40]  }
0x1d7: {  	v13 =	vmul.f32 v13, v7;
	v7 =	vld [tilespmem:s29+$0x7A50]  }
0x1d8: {  	s30 =	sadd.s32 $0x200, s30;
	v12 =	vmul.f32 v12, v8;
	v8 =	vld [tilespmem:s29+$0x7A60]  }
0x1d9: {  	[tilespmem:s29+$0x7A00] =	vst v13;
	v6 =	vmul.f32 v6, v11;
	v63 =	vld [tilespmem:s29+$0x7A70]  }
0x1da: {  	[tilespmem:s29+$0x7A10] =	vst v12;
	v5 =	vmul.f32 v5, v10  }
0x1db: {  	[tilespmem:s29+$0x7A20] =	vst v6;
	v4 =	vmul.f32 v4, v9  }
0x1dc: {  	[tilespmem:s29+$0x7A30] =	vst v5;
	v3 =	vmul.f32 v3, v7  }
0x1dd: {  	[tilespmem:s29+$0x7A40] =	vst v4;
	v2 =	vmul.f32 v2, v8  }
0x1de: {  	[tilespmem:s29+$0x7A50] =	vst v3;
	v1 =	vmul.f32 v1, v63  }
0x1df: {  	p1 =	seq.s32 s26, $0x3D;
	[tilespmem:s29+$0x7A60] =	vst v2  }
.Ltmp6:
0x1e0: {  	[tilespmem:s29+$0x7A70] =	vst v1;
	(pc) =	sbr.rel @p1 .LBB2_21-.Ltmp6, $4  }
0x1e1: {  	[spmem:s2] =	stream.indirect.scatter.add.f32 [tilespmem:s20], [sflag:$0x5], $0x80, s18, s14, $0xb8;
	[tilespmem:$0x1F200] =	vst v63  }
0x1e2: {  	_ =	swait.ge [sflag:s12], $0x2800  }
0x1e3: {  	[sflag:s12] =	ssyncset.done $0x0  }
0x1e4: {  	[sflag:s12] =	ssyncadd.s32 $0xFFFFD800  }
0x1e5: {  	s0 =	sadd.s32 s28, s11  }
0x1e6: {  	s28 =	sshrl.u32 s0, $0x3  }
0x1e7: {  	s29 =	sadd.s32 s9, s28  }
0x1e8: {  	[tilespmem:s17], [sflag:$0x5] =	stream.linear.gather [hbm4b:s29+s3], $0x50, $0x38;
	[tilespmem:$0x1F200] =	vst v63  }
0x1e9: {  	_ =	swait.ge [sflag:s12], $0x50  }
0x1ea: {  	[sflag:s12] =	ssyncset.done $0x0  }
0x1eb: {  	s28 =	sadd.s32 s10, s28;
	[sflag:s12] =	ssyncadd.s32 $0xFFFFFFB0  }
0x1ec: {  	[tilespmem:s18], [sflag:$0x5] =	stream.linear.gather [hbm4b:s28+s3], $0x50, $0x38;
	[tilespmem:$0x1F200] =	vst v63  }
0x1ed: {  	_ =	swait.ge [sflag:s12], $0x50  }
.Ltmp7:
0x1ee: {  	[sflag:s12] =	ssyncset.done $0x0;
	(pc) =	sbr.rel .LBB2_15-.Ltmp7, $4  }
0x1ef: {  	s0 =	sshll.u32 s0, $0x4;
	[sflag:s12] =	ssyncadd.s32 $0xFFFFFFB0  }
0x1f0: {  	[tilespmem:s19], [sflag:$0x2] =	stream.indirect.gather [hbm4b:s6+s14], $0x80, s17, s14, $0xb8;
	[tilespmem:$0x1F200] =	vst v63  }
0x1f1: {  	s26 =	sadd.s32 $0x1, s26;
	s0 =	sadd.s32 s8, s0  }
0x1f2: {  	[tilespmem:s20], [sflag:$0x4] =	stream.linear.gather [hbm4b:s0+s3], $0x2800, $0x38;
	[tilespmem:$0x1F200] =	vst v63  }
.LBB2_4:
0x1f3: {  	s0 =	sld [smem:$0x7F7]  }
0x1f4: {  	[tilespmem:s15], [sflag:$0x1] =	stream.indirect.gather [hbm4b:s4+s14], $0x80, s26, s14, $0xb8;
	[tilespmem:$0x1F200] =	vst v63  }
0x1f5: {  	_ = 	snop  }
0x1f6: {  	[tilespmem:s16], [sflag:$0x3] =	stream.linear.gather [hbm4b:s0+s26], $0x2800, $0x38;
	[tilespmem:$0x1F200] =	vst v63  }
0x1f7: {  	s29 =	rddreg [dreg:$0x1b]  }
0x1f8: {  	[tilespmem:s17], [sflag:$0x5] =	stream.linear.gather [hbm4b:s29+s26], $0x50, $0x38;
	[tilespmem:$0x1F200] =	vst v63  }
0x1f9: {  	_ =	swait.ge [sflag:s12], $0x50  }
0x1fa: {  	[sflag:s12] =	ssyncset.done $0x0  }
0x1fb: {  	s30 =	rddreg [dreg:$0x1c];
	[sflag:s12] =	ssyncadd.s32 $0xFFFFFFB0  }
0x1fc: {  	[tilespmem:s18], [sflag:$0x5] =	stream.linear.gather [hbm4b:s30+s26], $0x50, $0x38;
	[tilespmem:$0x1F200] =	vst v63  }
0x1fd: {  	_ =	swait.ge [sflag:s12], $0x50  }
0x1fe: {  	[sflag:s12] =	ssyncset.done $0x0  }
0x1ff: {  	s31 =	sld [smem:$0x7F9];
	[sflag:s12] =	ssyncadd.s32 $0xFFFFFFB0  }
0x200: {  	[tilespmem:s19], [sflag:$0x2] =	stream.indirect.gather [hbm4b:s4+s14], $0x80, s17, s14, $0xb8;
	[tilespmem:$0x1F200] =	vst v63  }
0x201: {  	_ = 	snop  }
0x202: {  	[tilespmem:s20], [sflag:$0x4] =	stream.linear.gather [hbm4b:s31+s26], $0x2800, $0x38;
	[tilespmem:$0x1F200] =	vst v63  }
.LBB2_5:
0x203: {  	_ =	swait.ge [sflag:s21], $0x2800  }
0x204: {  	[sflag:s21] =	ssyncset.done $0x0  }
0x205: {  	[sflag:s21] =	ssyncadd.s32 $0xFFFFD800  }
0x206: {  	_ =	swait.ge [sflag:s22], $0x2800  }
0x207: {  	[sflag:s22] =	ssyncset.done $0x0  }
0x208: {  	s28 =	simm.s32 $0x0;
	[sflag:s22] =	ssyncadd.s32 $0xFFFFD800  }
0x209: {  	v8 =	vld [tilespmem:s28+$0x200]  }
0x20a: {  	v12 =	vld [tilespmem:s28+$0x210]  }
0x20b: {  	v6 =	vld [tilespmem:s28+$0x220]  }
0x20c: {  	v5 =	vld [tilespmem:s28+$0x230]  }
0x20d: {  	v4 =	vld [tilespmem:s28+$0x240]  }
0x20e: {  	v3 =	vld [tilespmem:s28+$0x250]  }
0x20f: {  	v2 =	vld [tilespmem:s28+$0x260]  }
0x210: {  	v1 =	vld [tilespmem:s28+$0x270]  }
0x211: {  	v13 =	vld [tilespmem:s28+$0x5200]  }
0x212: {  	v14 =	vld [tilespmem:s28+$0x5210]  }
0x213: {  	v11 =	vld [tilespmem:s28+$0x5220]  }
0x214: {  	v10 =	vld [tilespmem:s28+$0x5230]  }
0x215: {  	v9 =	vld [tilespmem:s28+$0x5240]  }
0x216: {  	v7 =	vld [tilespmem:s28+$0x5250];
	v13 =	vmul.f32 v8, v13  }
0x217: {  	s29 =	simm.s32 $0x200;
	v12 =	vmul.f32 v12, v14;
	v8 =	vld [tilespmem:s28+$0x5260]  }
.LBB2_6:
0x218: {  	s0 =	sshra.s32 s29, $0x2;
	p1 =	sne.s32 s29, $0x9E00;
	[tilespmem:s28+$0x5200] =	vst v13;
	v6 =	vmul.f32 v6, v11;
	v11 =	vld [tilespmem:s28+$0x5270]  }
0x219: {  	v13 =	vld [tilespmem:s0+$0x200];
	[tilespmem:s28+$0x5210] =	vst v12;
	v5 =	vmul.f32 v5, v10  }
0x21a: {  	v12 =	vld [tilespmem:s0+$0x210];
	[tilespmem:s28+$0x5220] =	vst v6;
	v4 =	vmul.f32 v4, v9  }
0x21b: {  	v6 =	vld [tilespmem:s0+$0x220];
	[tilespmem:s28+$0x5230] =	vst v5;
	v3 =	vmul.f32 v3, v7  }
0x21c: {  	v5 =	vld [tilespmem:s0+$0x230];
	[tilespmem:s28+$0x5240] =	vst v4;
	v2 =	vmul.f32 v2, v8  }
0x21d: {  	v4 =	vld [tilespmem:s0+$0x240];
	[tilespmem:s28+$0x5250] =	vst v3;
	v1 =	vmul.f32 v1, v11  }
0x21e: {  	v3 =	vld [tilespmem:s0+$0x250];
	[tilespmem:s28+$0x5260] =	vst v2  }
0x21f: {  	v2 =	vld [tilespmem:s0+$0x260];
	[tilespmem:s28+$0x5270] =	vst v1;
	s28 =	smov.u32 s0  }
0x220: {  	v1 =	vld [tilespmem:s28+$0x270]  }
0x221: {  	v7 =	vld [tilespmem:s28+$0x5200]  }
0x222: {  	v8 =	vld [tilespmem:s28+$0x5210]  }
.Ltmp8:
0x223: {  	v11 =	vld [tilespmem:s28+$0x5220];
	(pc) =	sbr.rel @p1 .LBB2_6-.Ltmp8, $4  }
0x224: {  	v10 =	vld [tilespmem:s28+$0x5230]  }
0x225: {  	v9 =	vld [tilespmem:s28+$0x5240]  }
0x226: {  	v13 =	vmul.f32 v13, v7;
	v7 =	vld [tilespmem:s28+$0x5250]  }
0x227: {  	s29 =	sadd.s32 $0x200, s29;
	v12 =	vmul.f32 v12, v8;
	v8 =	vld [tilespmem:s28+$0x5260]  }
0x228: {  	[tilespmem:s28+$0x5200] =	vst v13;
	v6 =	vmul.f32 v6, v11;
	v11 =	vld [tilespmem:s28+$0x5270]  }
0x229: {  	[tilespmem:s28+$0x5210] =	vst v12;
	v5 =	vmul.f32 v5, v10  }
0x22a: {  	[tilespmem:s28+$0x5220] =	vst v6;
	v4 =	vmul.f32 v4, v9  }
0x22b: {  	[tilespmem:s28+$0x5230] =	vst v5;
	v3 =	vmul.f32 v3, v7  }
0x22c: {  	[tilespmem:s28+$0x5240] =	vst v4;
	v2 =	vmul.f32 v2, v8  }
0x22d: {  	[tilespmem:s28+$0x5250] =	vst v3;
	v1 =	vmul.f32 v1, v11  }
0x22e: {  	[tilespmem:s28+$0x5260] =	vst v2  }
0x22f: {  	[tilespmem:s28+$0x5270] =	vst v1;
	s28 =	smul.u32 $0xA0, s26  }
0x230: {  	[spmem:s2] =	stream.indirect.scatter.add.f32 [tilespmem:s16], [sflag:$0x5], $0x80, s13, s14, $0xb8;
	[tilespmem:$0x1F200] =	vst v63  }
0x231: {  	_ =	swait.ge [sflag:s12], $0x2800;
	s0 =	sadd.s32 s28, s1  }
0x232: {  	[sflag:s12] =	ssyncset.done $0x0;
	s29 =	sshrl.u32 s0, $0x3  }
0x233: {  	s31 =	simm.s32 $0x0;
	[sflag:s12] =	ssyncadd.s32 $0xFFFFD800;
	s30 =	sadd.s32 s9, s29  }
0x234: {  	[tilespmem:s31], [sflag:$0x5] =	stream.linear.gather [hbm4b:s30+s31], $0x50, $0x38;
	[tilespmem:$0x1F200] =	vst v63  }
0x235: {  	_ =	swait.ge [sflag:s12], $0x50  }
0x236: {  	[sflag:s12] =	ssyncset.done $0x0  }
0x237: {  	s29 =	sadd.s32 s10, s29;
	[sflag:s12] =	ssyncadd.s32 $0xFFFFFFB0  }
0x238: {  	[tilespmem:s13], [sflag:$0x5] =	stream.linear.gather [hbm4b:s29+s31], $0x50, $0x38;
	[tilespmem:$0x1F200] =	vst v63  }
0x239: {  	_ =	swait.ge [sflag:s12], $0x50  }
0x23a: {  	[sflag:s12] =	ssyncset.done $0x0  }
0x23b: {  	s0 =	sshll.u32 s0, $0x4;
	[sflag:s12] =	ssyncadd.s32 $0xFFFFFFB0  }
0x23c: {  	[tilespmem:s15], [sflag:$0x1] =	stream.indirect.gather [hbm4b:s4+s14], $0x80, s31, s14, $0xb8;
	[tilespmem:$0x1F200] =	vst v63  }
0x23d: {  	s0 =	sadd.s32 s7, s0  }
0x23e: {  	[tilespmem:s16], [sflag:$0x3] =	stream.linear.gather [hbm4b:s0+s31], $0x2800, $0x38;
	[tilespmem:$0x1F200] =	vst v63  }
0x23f: {  	_ =	swait.ge [sflag:s23], $0x2800  }
0x240: {  	[sflag:s23] =	ssyncset.done $0x0  }
0x241: {  	[sflag:s23] =	ssyncadd.s32 $0xFFFFD800  }
0x242: {  	_ =	swait.ge [sflag:s24], $0x2800  }
0x243: {  	[sflag:s24] =	ssyncset.done $0x0  }
0x244: {  	s29 =	simm.s32 $0x0;
	[sflag:s24] =	ssyncadd.s32 $0xFFFFD800  }
0x245: {  	v8 =	vld [tilespmem:s29+$0x2A00]  }
0x246: {  	v12 =	vld [tilespmem:s29+$0x2A10]  }
0x247: {  	v6 =	vld [tilespmem:s29+$0x2A20]  }
0x248: {  	v5 =	vld [tilespmem:s29+$0x2A30]  }
0x249: {  	v4 =	vld [tilespmem:s29+$0x2A40]  }
0x24a: {  	v3 =	vld [tilespmem:s29+$0x2A50]  }
0x24b: {  	v2 =	vld [tilespmem:s29+$0x2A60]  }
0x24c: {  	v1 =	vld [tilespmem:s29+$0x2A70]  }
0x24d: {  	v13 =	vld [tilespmem:s29+$0x7A00]  }
0x24e: {  	v14 =	vld [tilespmem:s29+$0x7A10]  }
0x24f: {  	v11 =	vld [tilespmem:s29+$0x7A20]  }
0x250: {  	v10 =	vld [tilespmem:s29+$0x7A30]  }
0x251: {  	v9 =	vld [tilespmem:s29+$0x7A40]  }
0x252: {  	v7 =	vld [tilespmem:s29+$0x7A50];
	v13 =	vmul.f32 v8, v13  }
0x253: {  	s30 =	simm.s32 $0x200;
	v12 =	vmul.f32 v12, v14;
	v8 =	vld [tilespmem:s29+$0x7A60]  }
.LBB2_8:
0x254: {  	s0 =	sshra.s32 s30, $0x2;
	p1 =	sne.s32 s30, $0x9E00;
	[tilespmem:s29+$0x7A00] =	vst v13;
	v6 =	vmul.f32 v6, v11;
	v11 =	vld [tilespmem:s29+$0x7A70]  }
0x255: {  	v13 =	vld [tilespmem:s0+$0x2A00];
	[tilespmem:s29+$0x7A10] =	vst v12;
	v5 =	vmul.f32 v5, v10  }
0x256: {  	v12 =	vld [tilespmem:s0+$0x2A10];
	[tilespmem:s29+$0x7A20] =	vst v6;
	v4 =	vmul.f32 v4, v9  }
0x257: {  	v6 =	vld [tilespmem:s0+$0x2A20];
	[tilespmem:s29+$0x7A30] =	vst v5;
	v3 =	vmul.f32 v3, v7  }
0x258: {  	v5 =	vld [tilespmem:s0+$0x2A30];
	[tilespmem:s29+$0x7A40] =	vst v4;
	v2 =	vmul.f32 v2, v8  }
0x259: {  	v4 =	vld [tilespmem:s0+$0x2A40];
	[tilespmem:s29+$0x7A50] =	vst v3;
	v1 =	vmul.f32 v1, v11  }
0x25a: {  	v3 =	vld [tilespmem:s0+$0x2A50];
	[tilespmem:s29+$0x7A60] =	vst v2  }
0x25b: {  	v2 =	vld [tilespmem:s0+$0x2A60];
	[tilespmem:s29+$0x7A70] =	vst v1;
	s29 =	smov.u32 s0  }
0x25c: {  	v1 =	vld [tilespmem:s29+$0x2A70]  }
0x25d: {  	v7 =	vld [tilespmem:s29+$0x7A00]  }
0x25e: {  	v8 =	vld [tilespmem:s29+$0x7A10]  }
.Ltmp9:
0x25f: {  	v11 =	vld [tilespmem:s29+$0x7A20];
	(pc) =	sbr.rel @p1 .LBB2_8-.Ltmp9, $4  }
0x260: {  	v10 =	vld [tilespmem:s29+$0x7A30]  }
0x261: {  	v9 =	vld [tilespmem:s29+$0x7A40]  }
0x262: {  	v13 =	vmul.f32 v13, v7;
	v7 =	vld [tilespmem:s29+$0x7A50]  }
0x263: {  	s30 =	sadd.s32 $0x200, s30;
	v12 =	vmul.f32 v12, v8;
	v8 =	vld [tilespmem:s29+$0x7A60]  }
0x264: {  	[tilespmem:s29+$0x7A00] =	vst v13;
	v6 =	vmul.f32 v6, v11;
	v63 =	vld [tilespmem:s29+$0x7A70]  }
0x265: {  	[tilespmem:s29+$0x7A10] =	vst v12;
	v5 =	vmul.f32 v5, v10  }
0x266: {  	[tilespmem:s29+$0x7A20] =	vst v6;
	v4 =	vmul.f32 v4, v9  }
0x267: {  	[tilespmem:s29+$0x7A30] =	vst v5;
	v3 =	vmul.f32 v3, v7  }
0x268: {  	[tilespmem:s29+$0x7A40] =	vst v4;
	v2 =	vmul.f32 v2, v8  }
0x269: {  	[tilespmem:s29+$0x7A50] =	vst v3;
	v1 =	vmul.f32 v1, v63  }
0x26a: {  	p1 =	seq.s32 s26, $0x3D;
	[tilespmem:s29+$0x7A60] =	vst v2  }
.Ltmp10:
0x26b: {  	[tilespmem:s29+$0x7A70] =	vst v1;
	(pc) =	sbr.rel @p1 .LBB2_11-.Ltmp10, $4  }
0x26c: {  	[spmem:s2] =	stream.indirect.scatter.add.f32 [tilespmem:s20], [sflag:$0x5], $0x80, s18, s14, $0xb8;
	[tilespmem:$0x1F200] =	vst v63  }
0x26d: {  	_ =	swait.ge [sflag:s12], $0x2800  }
0x26e: {  	[sflag:s12] =	ssyncset.done $0x0  }
0x26f: {  	[sflag:s12] =	ssyncadd.s32 $0xFFFFD800  }
0x270: {  	s0 =	sadd.s32 s28, s11  }
0x271: {  	s28 =	sshrl.u32 s0, $0x3  }
0x272: {  	s29 =	sadd.s32 s9, s28  }
0x273: {  	[tilespmem:s17], [sflag:$0x5] =	stream.linear.gather [hbm4b:s29+s3], $0x50, $0x38;
	[tilespmem:$0x1F200] =	vst v63  }
0x274: {  	_ =	swait.ge [sflag:s12], $0x50  }
0x275: {  	[sflag:s12] =	ssyncset.done $0x0  }
0x276: {  	s28 =	sadd.s32 s10, s28;
	[sflag:s12] =	ssyncadd.s32 $0xFFFFFFB0  }
0x277: {  	[tilespmem:s18], [sflag:$0x5] =	stream.linear.gather [hbm4b:s28+s3], $0x50, $0x38;
	[tilespmem:$0x1F200] =	vst v63  }
0x278: {  	_ =	swait.ge [sflag:s12], $0x50  }
.Ltmp11:
0x279: {  	[sflag:s12] =	ssyncset.done $0x0;
	(pc) =	sbr.rel .LBB2_5-.Ltmp11, $4  }
0x27a: {  	s0 =	sshll.u32 s0, $0x4;
	[sflag:s12] =	ssyncadd.s32 $0xFFFFFFB0  }
0x27b: {  	[tilespmem:s19], [sflag:$0x2] =	stream.indirect.gather [hbm4b:s4+s14], $0x80, s17, s14, $0xb8;
	[tilespmem:$0x1F200] =	vst v63  }
0x27c: {  	s26 =	sadd.s32 $0x1, s26;
	s0 =	sadd.s32 s7, s0  }
0x27d: {  	[tilespmem:s20], [sflag:$0x4] =	stream.linear.gather [hbm4b:s0+s3], $0x2800, $0x38;
	[tilespmem:$0x1F200] =	vst v63  }
.LBB2_21:
0x27e: {  	_ =	swait.ge [sflag:s21], $0x2800  }
0x27f: {  	[sflag:s21] =	ssyncset.done $0x0  }
0x280: {  	[sflag:s21] =	ssyncadd.s32 $0xFFFFD800  }
0x281: {  	_ =	swait.ge [sflag:s22], $0x2800  }
0x282: {  	[sflag:s22] =	ssyncset.done $0x0  }
0x283: {  	s26 =	simm.s32 $0x0;
	[sflag:s22] =	ssyncadd.s32 $0xFFFFD800  }
0x284: {  	v8 =	vld [tilespmem:s26+$0x200]  }
0x285: {  	v12 =	vld [tilespmem:s26+$0x210]  }
0x286: {  	v6 =	vld [tilespmem:s26+$0x220]  }
0x287: {  	v5 =	vld [tilespmem:s26+$0x230]  }
0x288: {  	v4 =	vld [tilespmem:s26+$0x240]  }
0x289: {  	v3 =	vld [tilespmem:s26+$0x250]  }
0x28a: {  	v2 =	vld [tilespmem:s26+$0x260]  }
0x28b: {  	v1 =	vld [tilespmem:s26+$0x270]  }
0x28c: {  	v13 =	vld [tilespmem:s26+$0x5200]  }
0x28d: {  	v14 =	vld [tilespmem:s26+$0x5210]  }
0x28e: {  	v11 =	vld [tilespmem:s26+$0x5220]  }
0x28f: {  	v10 =	vld [tilespmem:s26+$0x5230]  }
0x290: {  	v9 =	vld [tilespmem:s26+$0x5240]  }
0x291: {  	v7 =	vld [tilespmem:s26+$0x5250];
	v13 =	vmul.f32 v8, v13  }
0x292: {  	s28 =	simm.s32 $0x200;
	v12 =	vmul.f32 v12, v14;
	v8 =	vld [tilespmem:s26+$0x5260]  }
.LBB2_22:
0x293: {  	s0 =	sshra.s32 s28, $0x2;
	p1 =	sne.s32 s28, $0x9E00;
	[tilespmem:s26+$0x5200] =	vst v13;
	v6 =	vmul.f32 v6, v11;
	v11 =	vld [tilespmem:s26+$0x5270]  }
0x294: {  	v13 =	vld [tilespmem:s0+$0x200];
	[tilespmem:s26+$0x5210] =	vst v12;
	v5 =	vmul.f32 v5, v10  }
0x295: {  	v12 =	vld [tilespmem:s0+$0x210];
	[tilespmem:s26+$0x5220] =	vst v6;
	v4 =	vmul.f32 v4, v9  }
0x296: {  	v6 =	vld [tilespmem:s0+$0x220];
	[tilespmem:s26+$0x5230] =	vst v5;
	v3 =	vmul.f32 v3, v7  }
0x297: {  	v5 =	vld [tilespmem:s0+$0x230];
	[tilespmem:s26+$0x5240] =	vst v4;
	v2 =	vmul.f32 v2, v8  }
0x298: {  	v4 =	vld [tilespmem:s0+$0x240];
	[tilespmem:s26+$0x5250] =	vst v3;
	v1 =	vmul.f32 v1, v11  }
0x299: {  	v3 =	vld [tilespmem:s0+$0x250];
	[tilespmem:s26+$0x5260] =	vst v2  }
0x29a: {  	v2 =	vld [tilespmem:s0+$0x260];
	[tilespmem:s26+$0x5270] =	vst v1;
	s26 =	smov.u32 s0  }
0x29b: {  	v1 =	vld [tilespmem:s26+$0x270]  }
0x29c: {  	v7 =	vld [tilespmem:s26+$0x5200]  }
0x29d: {  	v8 =	vld [tilespmem:s26+$0x5210]  }
.Ltmp12:
0x29e: {  	v11 =	vld [tilespmem:s26+$0x5220];
	(pc) =	sbr.rel @p1 .LBB2_22-.Ltmp12, $4  }
0x29f: {  	v10 =	vld [tilespmem:s26+$0x5230]  }
0x2a0: {  	v9 =	vld [tilespmem:s26+$0x5240]  }
0x2a1: {  	v13 =	vmul.f32 v13, v7;
	v7 =	vld [tilespmem:s26+$0x5250]  }
0x2a2: {  	s28 =	sadd.s32 $0x200, s28;
	v12 =	vmul.f32 v12, v8;
	v8 =	vld [tilespmem:s26+$0x5260]  }
0x2a3: {  	[tilespmem:s26+$0x5200] =	vst v13;
	v6 =	vmul.f32 v6, v11;
	v63 =	vld [tilespmem:s26+$0x5270]  }
0x2a4: {  	[tilespmem:s26+$0x5210] =	vst v12;
	v5 =	vmul.f32 v5, v10  }
0x2a5: {  	[tilespmem:s26+$0x5220] =	vst v6;
	v4 =	vmul.f32 v4, v9  }
.Ltmp13:
0x2a6: {  	[tilespmem:s26+$0x5230] =	vst v5;
	v3 =	vmul.f32 v3, v7;
	(pc) =	sbr.rel .LBB2_24-.Ltmp13, $4  }
0x2a7: {  	[tilespmem:s26+$0x5240] =	vst v4;
	v2 =	vmul.f32 v2, v8  }
0x2a8: {  	[tilespmem:s26+$0x5250] =	vst v3;
	v1 =	vmul.f32 v1, v63  }
0x2a9: {  	[tilespmem:s26+$0x5260] =	vst v2  }
0x2aa: {  	[tilespmem:s26+$0x5270] =	vst v1;
	s26 =	rddreg [dreg:$0x4]  }
.LBB2_11:
0x2ab: {  	_ =	swait.ge [sflag:s21], $0x2800  }
0x2ac: {  	[sflag:s21] =	ssyncset.done $0x0  }
0x2ad: {  	[sflag:s21] =	ssyncadd.s32 $0xFFFFD800  }
0x2ae: {  	_ =	swait.ge [sflag:s22], $0x2800  }
0x2af: {  	[sflag:s22] =	ssyncset.done $0x0  }
0x2b0: {  	s26 =	simm.s32 $0x0;
	[sflag:s22] =	ssyncadd.s32 $0xFFFFD800  }
0x2b1: {  	v8 =	vld [tilespmem:s26+$0x200]  }
0x2b2: {  	v12 =	vld [tilespmem:s26+$0x210]  }
0x2b3: {  	v6 =	vld [tilespmem:s26+$0x220]  }
0x2b4: {  	v5 =	vld [tilespmem:s26+$0x230]  }
0x2b5: {  	v4 =	vld [tilespmem:s26+$0x240]  }
0x2b6: {  	v3 =	vld [tilespmem:s26+$0x250]  }
0x2b7: {  	v2 =	vld [tilespmem:s26+$0x260]  }
0x2b8: {  	v1 =	vld [tilespmem:s26+$0x270]  }
0x2b9: {  	v13 =	vld [tilespmem:s26+$0x5200]  }
0x2ba: {  	v14 =	vld [tilespmem:s26+$0x5210]  }
0x2bb: {  	v11 =	vld [tilespmem:s26+$0x5220]  }
0x2bc: {  	v10 =	vld [tilespmem:s26+$0x5230]  }
0x2bd: {  	v9 =	vld [tilespmem:s26+$0x5240]  }
0x2be: {  	v7 =	vld [tilespmem:s26+$0x5250];
	v13 =	vmul.f32 v8, v13  }
0x2bf: {  	s28 =	simm.s32 $0x200;
	v12 =	vmul.f32 v12, v14;
	v8 =	vld [tilespmem:s26+$0x5260]  }
.LBB2_12:
0x2c0: {  	s0 =	sshra.s32 s28, $0x2;
	p1 =	seq.s32 s28, $0x9E00;
	[tilespmem:s26+$0x5200] =	vst v13;
	v6 =	vmul.f32 v6, v11;
	v11 =	vld [tilespmem:s26+$0x5270]  }
0x2c1: {  	v13 =	vld [tilespmem:s0+$0x200];
	[tilespmem:s26+$0x5210] =	vst v12;
	v5 =	vmul.f32 v5, v10  }
0x2c2: {  	v12 =	vld [tilespmem:s0+$0x210];
	[tilespmem:s26+$0x5220] =	vst v6;
	v4 =	vmul.f32 v4, v9  }
0x2c3: {  	v6 =	vld [tilespmem:s0+$0x220];
	[tilespmem:s26+$0x5230] =	vst v5;
	v3 =	vmul.f32 v3, v7  }
0x2c4: {  	v5 =	vld [tilespmem:s0+$0x230];
	[tilespmem:s26+$0x5240] =	vst v4;
	v2 =	vmul.f32 v2, v8  }
0x2c5: {  	v4 =	vld [tilespmem:s0+$0x240];
	[tilespmem:s26+$0x5250] =	vst v3;
	v1 =	vmul.f32 v1, v11  }
0x2c6: {  	v3 =	vld [tilespmem:s0+$0x250];
	[tilespmem:s26+$0x5260] =	vst v2  }
0x2c7: {  	v2 =	vld [tilespmem:s0+$0x260];
	[tilespmem:s26+$0x5270] =	vst v1;
	s26 =	smov.u32 s0  }
0x2c8: {  	v1 =	vld [tilespmem:s26+$0x270]  }
0x2c9: {  	v7 =	vld [tilespmem:s26+$0x5200]  }
0x2ca: {  	v8 =	vld [tilespmem:s26+$0x5210]  }
.Ltmp14:
0x2cb: {  	v11 =	vld [tilespmem:s26+$0x5220];
	(pc) =	sbr.rel @!p1 .LBB2_12-.Ltmp14, $4  }
0x2cc: {  	v10 =	vld [tilespmem:s26+$0x5230]  }
0x2cd: {  	v9 =	vld [tilespmem:s26+$0x5240]  }
0x2ce: {  	v13 =	vmul.f32 v13, v7;
	v7 =	vld [tilespmem:s26+$0x5250]  }
0x2cf: {  	s28 =	sadd.s32 $0x200, s28;
	v12 =	vmul.f32 v12, v8;
	v8 =	vld [tilespmem:s26+$0x5260]  }
0x2d0: {  	[tilespmem:s26+$0x5200] =	vst v13;
	v6 =	vmul.f32 v6, v11;
	v63 =	vld [tilespmem:s26+$0x5270]  }
0x2d1: {  	[tilespmem:s26+$0x5210] =	vst v12;
	v5 =	vmul.f32 v5, v10  }
0x2d2: {  	[tilespmem:s26+$0x5220] =	vst v6;
	v4 =	vmul.f32 v4, v9  }
.Ltmp15:
0x2d3: {  	[tilespmem:s26+$0x5230] =	vst v5;
	v3 =	vmul.f32 v3, v7;
	(pc) =	sbr.rel .LBB2_24-.Ltmp15, $4  }
0x2d4: {  	[tilespmem:s26+$0x5240] =	vst v4;
	v2 =	vmul.f32 v2, v8  }
0x2d5: {  	[tilespmem:s26+$0x5250] =	vst v3;
	v1 =	vmul.f32 v1, v63  }
0x2d6: {  	[tilespmem:s26+$0x5260] =	vst v2  }
0x2d7: {  	[tilespmem:s26+$0x5270] =	vst v1;
	s26 =	rddreg [dreg:$0x1]  }
.LBB2_25:
0x2d8: {  	_ =	sfence.sel $0x180000  }
0x2d9: {  	[bflag:$0x0] =	sbarrier.arrive $0xFFFF  }
0x2da: {  	_ =	strace $0x90000047  }
0x2db: {  	s0 =	stileid.u32;
	[bflag:$0x2] =	sbarrier.arrive $0xFFFF  }
0x2dc: {  	p0 =	sne.s32 s0, $0x0;
	s0 =	rddreg [dreg:$0x3]  }
0x2dd: {  	s0 =	sadd.s32 @!p0 $0x100000, s0  }
0x2de: {  	[sflag:s0] =	ssyncadd.tile.s32 @!p0 $0x1;
	_ =	shalt  }
.Lfunc_end2:
_tile_overlayer_lowered:
.L_overlay_start_2:
0x2df: {  	(tag) =	ssettag $0x2  }
0x2e0: {  	s0 =	rddreg [dreg:$0x0];
	s2 =	stileid.u32  }
0x2e1: {  	s1 =	rddreg [dreg:$0x1];
	p0 =	sne.s32 s2, $0x0  }
0x2e2: {  	s3 =	rddreg [dreg:$0x2];
	[bflag:$0x3] =	sbarrier.arrive $0xFFFF;
	s2 =	simm.s32 @!p0 $0x1C05  }
0x2e3: {  	[timem:s3], [sflag:s2] =	dma.local @!p0 [hbm:s0], s1  }
0x2e4: {  	s0 =	simm.s32 @!p0 $0x5  }
0x2e5: {  	_ =	swait.ge @!p0 [sflag:s0], s1  }
0x2e6: {  	s1 =	ssub.s32 @!p0 $0x0, s1;
	[sflag:s0] =	ssyncset.done @!p0 $0x0  }
0x2e7: {  	[sflag:s0] =	ssyncadd.s32 @!p0 s1  }
0x2e8: {  	[bflag:$0x3] =	sbarrier.arrive $0xFFFF  }
0x2e9: {  	_ =	shalt  }

</sc_bundles>
